<compile_context>
chip_gen: v7x
topology: tpu7x:2x2x1
jax: 0.10.2.dev20260603
libtpu: 0.0.44.dev20260713+nightly
codegen_flags: <defaults>
</compile_context>

<pallas_src>
import jax
import jax.numpy as jnp
from jax import lax
from jax.experimental import pallas as pl
from jax.experimental.pallas import tpu as pltpu
from jax.experimental.pallas import tpu_sc as plsc

_NC = 2
_NS = 16
_NW = _NC * _NS

_PIECE = 32768
_CHUNK = 2048
_LANES = 16
_SUB = 512


def kernel(fixed_values, refinable_params, refinable_idx):
    n = fixed_values.shape[0]
    r = refinable_params.shape[0]
    n_pieces = n // _PIECE
    pieces_per_w = n_pieces // _NW
    n_sub = r // _SUB

    sub = refinable_idx[::_SUB]

    mesh = plsc.VectorSubcoreMesh(
        core_axis_name="c", subcore_axis_name="s",
        num_cores=_NC, num_subcores=_NS,
    )

    @pl.kernel(
        mesh=mesh,
        out_type=jax.ShapeDtypeStruct((n,), jnp.float32),
        compiler_params=pltpu.CompilerParams(needs_layout_passes=False),
        scratch_types=[
            pltpu.VMEM((_PIECE,), jnp.float32),
            pltpu.VMEM((_PIECE,), jnp.float32),
            pltpu.VMEM((_PIECE,), jnp.float32),
            pltpu.VMEM((_CHUNK,), jnp.int32),
            pltpu.VMEM((_CHUNK,), jnp.float32),
            pltpu.VMEM((n_sub,), jnp.int32),
            pltpu.VMEM((2 * pieces_per_w, _SUB), jnp.int32),
            pltpu.SemaphoreType.DMA,
            pltpu.SemaphoreType.DMA,
            pltpu.SemaphoreType.DMA,
            pltpu.SemaphoreType.DMA,
            pltpu.SemaphoreType.DMA,
            pltpu.SemaphoreType.DMA,
            pltpu.SemaphoreType.DMA,
        ],
    )
    def sc_merge(fixed_hbm, idx_hbm, prm_hbm, sub_hbm, out_hbm,
                 buf0, buf1, buf2, idx_v, prm_v, sub_v, win_v, sem,
                 sem_in0, sem_in1, sem_in2, sem_out0, sem_out1, sem_out2):
        wid = lax.axis_index("s") * _NC + lax.axis_index("c")
        pltpu.sync_copy(sub_hbm, sub_v)

        n_b = 2 * pieces_per_w
        bvals = []
        for k in range(pieces_per_w):
            p = wid + k * _NW
            bvals.append(p * _PIECE)
            bvals.append((p + 1) * _PIECE)

        def cnt_sub(i, carry):
            v = sub_v[pl.ds(i * _LANES, _LANES)]
            return tuple(
                carry[j] + plsc.all_reduce_population_count(v < bvals[j])[0]
                for j in range(n_b)
            )

        zero = jnp.int32(0)
        c1 = lax.fori_loop(0, n_sub // _LANES, cnt_sub, (zero,) * n_b)
        offs = [lax.max(c1[j] - 1, zero) * _SUB for j in range(n_b)]

        for j in range(n_b):
            pltpu.async_copy(
                idx_hbm.at[pl.ds(pl.multiple_of(offs[j], 8), _SUB)],
                win_v.at[j], sem)
        for j in range(n_b):
            pltpu.make_async_copy(
                idx_hbm.at[pl.ds(0, _SUB)], win_v.at[0], sem).wait()

        bounds = []
        for j in range(n_b):
            def cnt_win(i, carry, j=j):
                v = win_v[j, pl.ds(i * _LANES, _LANES)]
                return carry + plsc.all_reduce_population_count(
                    v < bvals[j])[0]
            bounds.append(
                offs[j] + lax.fori_loop(0, _SUB // _LANES, cnt_win, zero))

        sem_outs = [sem_out0, sem_out1, sem_out2]
        sem_ins = [sem_in0, sem_in1, sem_in2]
        ring = [buf0, buf1, buf2]
        _R = len(ring)

        def drain_out(slot):
            pltpu.make_async_copy(ring[slot], out_hbm.at[pl.ds(0, _PIECE)],
                                  sem_outs[slot]).wait()

        def piece_args(k):
            p = wid + k * _NW
            plo = p * _PIECE
            a = bounds[2 * k]
            b = bounds[2 * k + 1]
            cnt = b - a
            is_full = (cnt == _PIECE) & ((a & 7) == 0)
            return plo, a, b, cnt, is_full

        def fire_in(k):
            plo, a, b, cnt, is_full = piece_args(k)
            buf, s = ring[k % _R], sem_ins[k % _R]

            @pl.when(is_full)
            def _():
                pltpu.async_copy(
                    prm_hbm.at[pl.ds(pl.multiple_of(a, 8), _PIECE)], buf, s)

            @pl.when(jnp.logical_not(is_full))
            def _():
                pltpu.async_copy(fixed_hbm.at[pl.ds(plo, _PIECE)], buf, s)

        fire_in(0)
        for k in range(pieces_per_w):
            plo, a, b, cnt, is_full = piece_args(k)
            phi = plo + _PIECE
            buf = ring[k % _R]

            if k + 1 < pieces_per_w:
                if k + 1 >= _R:
                    drain_out((k + 1) % _R)
                fire_in(k + 1)

            pltpu.make_async_copy(fixed_hbm.at[pl.ds(0, _PIECE)], buf,
                                  sem_ins[k % _R]).wait()

            @pl.when((cnt > 0) & jnp.logical_not(is_full))
            def _():
                a_r = a & ~7
                n_chunks = (b - a_r + _CHUNK - 1) // _CHUNK

                def do_chunk(c, carry2):
                    base = pl.multiple_of(
                        lax.min(a_r + c * _CHUNK, r - _CHUNK), 8)
                    pltpu.sync_copy(idx_hbm.at[pl.ds(base, _CHUNK)], idx_v)
                    pltpu.sync_copy(prm_hbm.at[pl.ds(base, _CHUNK)], prm_v)
                    rem = b - base
                    n_vec = lax.min((rem + _LANES - 1) // _LANES,
                                    _CHUNK // _LANES)

                    def do_vec(v, carry3):
                        iv = idx_v[pl.ds(v * _LANES, _LANES)]
                        pv = prm_v[pl.ds(v * _LANES, _LANES)]
                        mask = (iv >= plo) & (iv < phi)
                        plsc.store_scatter(buf, [iv - plo], pv, mask=mask)
                        return carry3

                    lax.fori_loop(0, n_vec, do_vec, 0)
                    return carry2

                lax.fori_loop(0, n_chunks, do_chunk, 0)

            pltpu.async_copy(buf, out_hbm.at[pl.ds(plo, _PIECE)],
                             sem_outs[k % _R])

        for k in range(max(0, pieces_per_w - _R), pieces_per_w):
            drain_out(k % _R)

    return sc_merge(fixed_values, refinable_idx, refinable_params, sub)

# --- scband reference (transcript-rebuilt; emitter-appended) ---
"""Pipeline reference for scband-occupancy-tensor-47261820125689 (READ-ONLY COPY).

The authoritative reference and input builder live on the scoring server;
editing this copy changes nothing except your own understanding.
"""

import jax, jax.numpy as jnp
import numpy as np

N = 8388608
R = 524288

def setup_inputs(seed: int = 0) -> dict:
    key = jax.random.key(seed)
    k1, k2 = jax.random.split(key)
    fixed_values = jax.random.normal(k1, (N,), dtype=jnp.float32)
    refinable_params = jax.random.normal(k2, (R,), dtype=jnp.float32)
    # arange -> sorted, unique, in-range indices: the refinable positions of the mask
    refinable_idx = jnp.arange(R, dtype=jnp.int32)
    return {
        "fixed_values": fixed_values,
        "refinable_params": refinable_params,
        "refinable_idx": refinable_idx,
    }

def reference(fixed_values, refinable_params, refinable_idx):
    # MixedTensor.forward():
    #   result = fixed_values.clone()
    #   result[refinable_mask] = refinable_params
    # Boolean-mask overwrite == scatter-overwrite at the sorted True positions.
    result = fixed_values.at[refinable_idx].set(refinable_params)
    return result

if __name__ == "__main__":
    import jax
    _d = setup_inputs()
    print(jax.jit(kernel)(*tuple(_d.values())))

</pallas_src>

<mosaic_0001>
#map = affine_map<(d0, d1) -> (0)>
module attributes {stable_mosaic.version = 14 : i64} {
  func.func @sc_merge(%arg0: i32, %arg1: i32, %arg2: memref<8388608xf32, #tpu.memory_space<hbm>>, %arg3: memref<524288xi32, #tpu.memory_space<hbm>>, %arg4: memref<524288xf32, #tpu.memory_space<hbm>>, %arg5: memref<1024xi32, #tpu.memory_space<hbm>>, %arg6: memref<8388608xf32, #tpu.memory_space<hbm>>, %arg7: memref<32768xf32, #tpu.memory_space<vmem>>, %arg8: memref<32768xf32, #tpu.memory_space<vmem>>, %arg9: memref<32768xf32, #tpu.memory_space<vmem>>, %arg10: memref<2048xi32, #tpu.memory_space<vmem>>, %arg11: memref<2048xf32, #tpu.memory_space<vmem>>, %arg12: memref<1024xi32, #tpu.memory_space<vmem>>, %arg13: memref<16x512xi32, #tpu.memory_space<vmem>>, %arg14: memref<!tpu.dma_semaphore, #tpu.memory_space<semaphore_mem>>, %arg15: memref<!tpu.dma_semaphore, #tpu.memory_space<semaphore_mem>>, %arg16: memref<!tpu.dma_semaphore, #tpu.memory_space<semaphore_mem>>, %arg17: memref<!tpu.dma_semaphore, #tpu.memory_space<semaphore_mem>>, %arg18: memref<!tpu.dma_semaphore, #tpu.memory_space<semaphore_mem>>, %arg19: memref<!tpu.dma_semaphore, #tpu.memory_space<semaphore_mem>>, %arg20: memref<!tpu.dma_semaphore, #tpu.memory_space<semaphore_mem>>) attributes {dimension_semantics = [#tpu.dimension_semantics<core_parallel>, #tpu.dimension_semantics<subcore_parallel>], iteration_bounds = array<i64: 2, 16>, scalar_prefetch = 0 : i64, scratch_operands = 14 : i64, tpu.core_type = #tpu.core_type<sc_vector_subcore>, window_params = [{transform_indices = #map}, {transform_indices = #map}, {transform_indices = #map}, {transform_indices = #map}, {transform_indices = #map}]} {
    %mul3A = arith.constant 2 : i32
    %mul3A_0 = arith.muli %arg1, %mul3A : i32
    %add3A = arith.addi %mul3A_0, %arg0 : i32
    "tpu.region"() ({
      %run_scoped3A = tpu.sem_alloc : memref<!tpu.dma_semaphore, #tpu.memory_space<semaphore_mem>>
      tpu.enqueue_dma source(%arg5 : memref<1024xi32, #tpu.memory_space<hbm>>) target(%arg12 : memref<1024xi32, #tpu.memory_space<vmem>>) target_semaphore(%run_scoped3A : memref<!tpu.dma_semaphore, #tpu.memory_space<semaphore_mem>>)
      tpu.wait_dma2 semaphore(%run_scoped3A : memref<!tpu.dma_semaphore, #tpu.memory_space<semaphore_mem>>) src(%arg5 : memref<1024xi32, #tpu.memory_space<hbm>>) dst(%arg12 : memref<1024xi32, #tpu.memory_space<vmem>>)
      tpu.yield
    }) : () -> ()
    %add3A_1 = arith.constant 0 : i32
    %add3A_2 = arith.addi %add3A, %add3A_1 : i32
    %mul3A_3 = arith.constant 32768 : i32
    %mul3A_4 = arith.muli %add3A_2, %mul3A_3 : i32
    %add3A_5 = arith.constant 1 : i32
    %add3A_6 = arith.addi %add3A_2, %add3A_5 : i32
    %mul3A_7 = arith.constant 32768 : i32
    %mul3A_8 = arith.muli %add3A_6, %mul3A_7 : i32
    %add3A_9 = arith.constant 32 : i32
    %add3A_10 = arith.addi %add3A, %add3A_9 : i32
    %mul3A_11 = arith.constant 32768 : i32
    %mul3A_12 = arith.muli %add3A_10, %mul3A_11 : i32
    %add3A_13 = arith.constant 1 : i32
    %add3A_14 = arith.addi %add3A_10, %add3A_13 : i32
    %mul3A_15 = arith.constant 32768 : i32
    %mul3A_16 = arith.muli %add3A_14, %mul3A_15 : i32
    %add3A_17 = arith.constant 64 : i32
    %add3A_18 = arith.addi %add3A, %add3A_17 : i32
    %mul3A_19 = arith.constant 32768 : i32
    %mul3A_20 = arith.muli %add3A_18, %mul3A_19 : i32
    %add3A_21 = arith.constant 1 : i32
    %add3A_22 = arith.addi %add3A_18, %add3A_21 : i32
    %mul3A_23 = arith.constant 32768 : i32
    %mul3A_24 = arith.muli %add3A_22, %mul3A_23 : i32
    %add3A_25 = arith.constant 96 : i32
    %add3A_26 = arith.addi %add3A, %add3A_25 : i32
    %mul3A_27 = arith.constant 32768 : i32
    %mul3A_28 = arith.muli %add3A_26, %mul3A_27 : i32
    %add3A_29 = arith.constant 1 : i32
    %add3A_30 = arith.addi %add3A_26, %add3A_29 : i32
    %mul3A_31 = arith.constant 32768 : i32
    %mul3A_32 = arith.muli %add3A_30, %mul3A_31 : i32
    %add3A_33 = arith.constant 128 : i32
    %add3A_34 = arith.addi %add3A, %add3A_33 : i32
    %mul3A_35 = arith.constant 32768 : i32
    %mul3A_36 = arith.muli %add3A_34, %mul3A_35 : i32
    %add3A_37 = arith.constant 1 : i32
    %add3A_38 = arith.addi %add3A_34, %add3A_37 : i32
    %mul3A_39 = arith.constant 32768 : i32
    %mul3A_40 = arith.muli %add3A_38, %mul3A_39 : i32
    %add3A_41 = arith.constant 160 : i32
    %add3A_42 = arith.addi %add3A, %add3A_41 : i32
    %mul3A_43 = arith.constant 32768 : i32
    %mul3A_44 = arith.muli %add3A_42, %mul3A_43 : i32
    %add3A_45 = arith.constant 1 : i32
    %add3A_46 = arith.addi %add3A_42, %add3A_45 : i32
    %mul3A_47 = arith.constant 32768 : i32
    %mul3A_48 = arith.muli %add3A_46, %mul3A_47 : i32
    %add3A_49 = arith.constant 192 : i32
    %add3A_50 = arith.addi %add3A, %add3A_49 : i32
    %mul3A_51 = arith.constant 32768 : i32
    %mul3A_52 = arith.muli %add3A_50, %mul3A_51 : i32
    %add3A_53 = arith.constant 1 : i32
    %add3A_54 = arith.addi %add3A_50, %add3A_53 : i32
    %mul3A_55 = arith.constant 32768 : i32
    %mul3A_56 = arith.muli %add3A_54, %mul3A_55 : i32
    %add3A_57 = arith.constant 224 : i32
    %add3A_58 = arith.addi %add3A, %add3A_57 : i32
    %mul3A_59 = arith.constant 32768 : i32
    %mul3A_60 = arith.muli %add3A_58, %mul3A_59 : i32
    %add3A_61 = arith.constant 1 : i32
    %add3A_62 = arith.addi %add3A_58, %add3A_61 : i32
    %mul3A_63 = arith.constant 32768 : i32
    %mul3A_64 = arith.muli %add3A_62, %mul3A_63 : i32
    %scan3A = arith.constant 0 : i32
    %scan3A_65 = arith.constant 0 : i32
    %scan3A_66 = arith.constant 0 : i32
    %scan3A_67 = arith.constant 0 : i32
    %scan3A_68 = arith.constant 0 : i32
    %scan3A_69 = arith.constant 0 : i32
    %scan3A_70 = arith.constant 0 : i32
    %scan3A_71 = arith.constant 0 : i32
    %scan3A_72 = arith.constant 0 : i32
    %scan3A_73 = arith.constant 0 : i32
    %scan3A_74 = arith.constant 0 : i32
    %scan3A_75 = arith.constant 0 : i32
    %scan3A_76 = arith.constant 0 : i32
    %scan3A_77 = arith.constant 0 : i32
    %scan3A_78 = arith.constant 0 : i32
    %scan3A_79 = arith.constant 0 : i32
    %scan3A_80 = arith.constant 0 : i32
    %scan3A_81 = arith.constant 64 : i32
    %scan3A_82 = arith.addi %scan3A_80, %scan3A_81 : i32
    %scan3A_83 = arith.constant 1 : i32
    %scan3A_84:16 = scf.for %scan3A_1051 = %scan3A_80 to %scan3A_82 step %scan3A_83 iter_args(%scan3A_1052 = %scan3A, %scan3A_1053 = %scan3A_65, %scan3A_1054 = %scan3A_66, %scan3A_1055 = %scan3A_67, %scan3A_1056 = %scan3A_68, %scan3A_1057 = %scan3A_69, %scan3A_1058 = %scan3A_70, %scan3A_1059 = %scan3A_71, %scan3A_1060 = %scan3A_72, %scan3A_1061 = %scan3A_73, %scan3A_1062 = %scan3A_74, %scan3A_1063 = %scan3A_75, %scan3A_1064 = %scan3A_76, %scan3A_1065 = %scan3A_77, %scan3A_1066 = %scan3A_78, %scan3A_1067 = %scan3A_79) -> (i32, i32, i32, i32, i32, i32, i32, i32, i32, i32, i32, i32, i32, i32, i32, i32)  : i32 {
      %mul3A_1068 = arith.constant 16 : i32
      %mul3A_1069 = arith.muli %scan3A_1051, %mul3A_1068 : i32
      %get3A = arith.index_cast %mul3A_1069 : i32 to index
      %get3A_1070 = tpu.vector_load %arg12[%get3A] {strides = array<i32>} : memref<1024xi32, #tpu.memory_space<vmem>>, vector<16xi32>,
      %lt3A = vector.broadcast %mul3A_4 : i32 to vector<16xi32>
      %lt3A_1071 = arith.cmpi slt, %get3A_1070, %lt3A : vector<16xi32>
      %all_reduce_population_count3A = tpu.all_reduce %lt3A_1071 {dim = 0 : i64, kind = #tpu.reduction_kind<sum>} : vector<16xi1> -> vector<16xi32>
      %slice3A = vector.extract_strided_slice %all_reduce_population_count3A {offsets = [0], sizes = [1], strides = [1]} : vector<16xi32> to vector<1xi32>
      %squeeze3A = vector.extract %slice3A[0] : i32 from vector<1xi32>
      %add3A_1072 = arith.addi %scan3A_1052, %squeeze3A : i32
      %lt3A_1073 = vector.broadcast %mul3A_8 : i32 to vector<16xi32>
      %lt3A_1074 = arith.cmpi slt, %get3A_1070, %lt3A_1073 : vector<16xi32>
      %all_reduce_population_count3A_1075 = tpu.all_reduce %lt3A_1074 {dim = 0 : i64, kind = #tpu.reduction_kind<sum>} : vector<16xi1> -> vector<16xi32>
      %slice3A_1076 = vector.extract_strided_slice %all_reduce_population_count3A_1075 {offsets = [0], sizes = [1], strides = [1]} : vector<16xi32> to vector<1xi32>
      %squeeze3A_1077 = vector.extract %slice3A_1076[0] : i32 from vector<1xi32>
      %add3A_1078 = arith.addi %scan3A_1053, %squeeze3A_1077 : i32
      %lt3A_1079 = vector.broadcast %mul3A_12 : i32 to vector<16xi32>
      %lt3A_1080 = arith.cmpi slt, %get3A_1070, %lt3A_1079 : vector<16xi32>
      %all_reduce_population_count3A_1081 = tpu.all_reduce %lt3A_1080 {dim = 0 : i64, kind = #tpu.reduction_kind<sum>} : vector<16xi1> -> vector<16xi32>
      %slice3A_1082 = vector.extract_strided_slice %all_reduce_population_count3A_1081 {offsets = [0], sizes = [1], strides = [1]} : vector<16xi32> to vector<1xi32>
      %squeeze3A_1083 = vector.extract %slice3A_1082[0] : i32 from vector<1xi32>
      %add3A_1084 = arith.addi %scan3A_1054, %squeeze3A_1083 : i32
      %lt3A_1085 = vector.broadcast %mul3A_16 : i32 to vector<16xi32>
      %lt3A_1086 = arith.cmpi slt, %get3A_1070, %lt3A_1085 : vector<16xi32>
      %all_reduce_population_count3A_1087 = tpu.all_reduce %lt3A_1086 {dim = 0 : i64, kind = #tpu.reduction_kind<sum>} : vector<16xi1> -> vector<16xi32>
      %slice3A_1088 = vector.extract_strided_slice %all_reduce_population_count3A_1087 {offsets = [0], sizes = [1], strides = [1]} : vector<16xi32> to vector<1xi32>
      %squeeze3A_1089 = vector.extract %slice3A_1088[0] : i32 from vector<1xi32>
      %add3A_1090 = arith.addi %scan3A_1055, %squeeze3A_1089 : i32
      %lt3A_1091 = vector.broadcast %mul3A_20 : i32 to vector<16xi32>
      %lt3A_1092 = arith.cmpi slt, %get3A_1070, %lt3A_1091 : vector<16xi32>
      %all_reduce_population_count3A_1093 = tpu.all_reduce %lt3A_1092 {dim = 0 : i64, kind = #tpu.reduction_kind<sum>} : vector<16xi1> -> vector<16xi32>
      %slice3A_1094 = vector.extract_strided_slice %all_reduce_population_count3A_1093 {offsets = [0], sizes = [1], strides = [1]} : vector<16xi32> to vector<1xi32>
      %squeeze3A_1095 = vector.extract %slice3A_1094[0] : i32 from vector<1xi32>
      %add3A_1096 = arith.addi %scan3A_1056, %squeeze3A_1095 : i32
      %lt3A_1097 = vector.broadcast %mul3A_24 : i32 to vector<16xi32>
      %lt3A_1098 = arith.cmpi slt, %get3A_1070, %lt3A_1097 : vector<16xi32>
      %all_reduce_population_count3A_1099 = tpu.all_reduce %lt3A_1098 {dim = 0 : i64, kind = #tpu.reduction_kind<sum>} : vector<16xi1> -> vector<16xi32>
      %slice3A_1100 = vector.extract_strided_slice %all_reduce_population_count3A_1099 {offsets = [0], sizes = [1], strides = [1]} : vector<16xi32> to vector<1xi32>
      %squeeze3A_1101 = vector.extract %slice3A_1100[0] : i32 from vector<1xi32>
      %add3A_1102 = arith.addi %scan3A_1057, %squeeze3A_1101 : i32
      %lt3A_1103 = vector.broadcast %mul3A_28 : i32 to vector<16xi32>
      %lt3A_1104 = arith.cmpi slt, %get3A_1070, %lt3A_1103 : vector<16xi32>
      %all_reduce_population_count3A_1105 = tpu.all_reduce %lt3A_1104 {dim = 0 : i64, kind = #tpu.reduction_kind<sum>} : vector<16xi1> -> vector<16xi32>
      %slice3A_1106 = vector.extract_strided_slice %all_reduce_population_count3A_1105 {offsets = [0], sizes = [1], strides = [1]} : vector<16xi32> to vector<1xi32>
      %squeeze3A_1107 = vector.extract %slice3A_1106[0] : i32 from vector<1xi32>
      %add3A_1108 = arith.addi %scan3A_1058, %squeeze3A_1107 : i32
      %lt3A_1109 = vector.broadcast %mul3A_32 : i32 to vector<16xi32>
      %lt3A_1110 = arith.cmpi slt, %get3A_1070, %lt3A_1109 : vector<16xi32>
      %all_reduce_population_count3A_1111 = tpu.all_reduce %lt3A_1110 {dim = 0 : i64, kind = #tpu.reduction_kind<sum>} : vector<16xi1> -> vector<16xi32>
      %slice3A_1112 = vector.extract_strided_slice %all_reduce_population_count3A_1111 {offsets = [0], sizes = [1], strides = [1]} : vector<16xi32> to vector<1xi32>
      %squeeze3A_1113 = vector.extract %slice3A_1112[0] : i32 from vector<1xi32>
      %add3A_1114 = arith.addi %scan3A_1059, %squeeze3A_1113 : i32
      %lt3A_1115 = vector.broadcast %mul3A_36 : i32 to vector<16xi32>
      %lt3A_1116 = arith.cmpi slt, %get3A_1070, %lt3A_1115 : vector<16xi32>
      %all_reduce_population_count3A_1117 = tpu.all_reduce %lt3A_1116 {dim = 0 : i64, kind = #tpu.reduction_kind<sum>} : vector<16xi1> -> vector<16xi32>
      %slice3A_1118 = vector.extract_strided_slice %all_reduce_population_count3A_1117 {offsets = [0], sizes = [1], strides = [1]} : vector<16xi32> to vector<1xi32>
      %squeeze3A_1119 = vector.extract %slice3A_1118[0] : i32 from vector<1xi32>
      %add3A_1120 = arith.addi %scan3A_1060, %squeeze3A_1119 : i32
      %lt3A_1121 = vector.broadcast %mul3A_40 : i32 to vector<16xi32>
      %lt3A_1122 = arith.cmpi slt, %get3A_1070, %lt3A_1121 : vector<16xi32>
      %all_reduce_population_count3A_1123 = tpu.all_reduce %lt3A_1122 {dim = 0 : i64, kind = #tpu.reduction_kind<sum>} : vector<16xi1> -> vector<16xi32>
      %slice3A_1124 = vector.extract_strided_slice %all_reduce_population_count3A_1123 {offsets = [0], sizes = [1], strides = [1]} : vector<16xi32> to vector<1xi32>
      %squeeze3A_1125 = vector.extract %slice3A_1124[0] : i32 from vector<1xi32>
      %add3A_1126 = arith.addi %scan3A_1061, %squeeze3A_1125 : i32
      %lt3A_1127 = vector.broadcast %mul3A_44 : i32 to vector<16xi32>
      %lt3A_1128 = arith.cmpi slt, %get3A_1070, %lt3A_1127 : vector<16xi32>
      %all_reduce_population_count3A_1129 = tpu.all_reduce %lt3A_1128 {dim = 0 : i64, kind = #tpu.reduction_kind<sum>} : vector<16xi1> -> vector<16xi32>
      %slice3A_1130 = vector.extract_strided_slice %all_reduce_population_count3A_1129 {offsets = [0], sizes = [1], strides = [1]} : vector<16xi32> to vector<1xi32>
      %squeeze3A_1131 = vector.extract %slice3A_1130[0] : i32 from vector<1xi32>
      %add3A_1132 = arith.addi %scan3A_1062, %squeeze3A_1131 : i32
      %lt3A_1133 = vector.broadcast %mul3A_48 : i32 to vector<16xi32>
      %lt3A_1134 = arith.cmpi slt, %get3A_1070, %lt3A_1133 : vector<16xi32>
      %all_reduce_population_count3A_1135 = tpu.all_reduce %lt3A_1134 {dim = 0 : i64, kind = #tpu.reduction_kind<sum>} : vector<16xi1> -> vector<16xi32>
      %slice3A_1136 = vector.extract_strided_slice %all_reduce_population_count3A_1135 {offsets = [0], sizes = [1], strides = [1]} : vector<16xi32> to vector<1xi32>
      %squeeze3A_1137 = vector.extract %slice3A_1136[0] : i32 from vector<1xi32>
      %add3A_1138 = arith.addi %scan3A_1063, %squeeze3A_1137 : i32
      %lt3A_1139 = vector.broadcast %mul3A_52 : i32 to vector<16xi32>
      %lt3A_1140 = arith.cmpi slt, %get3A_1070, %lt3A_1139 : vector<16xi32>
      %all_reduce_population_count3A_1141 = tpu.all_reduce %lt3A_1140 {dim = 0 : i64, kind = #tpu.reduction_kind<sum>} : vector<16xi1> -> vector<16xi32>
      %slice3A_1142 = vector.extract_strided_slice %all_reduce_population_count3A_1141 {offsets = [0], sizes = [1], strides = [1]} : vector<16xi32> to vector<1xi32>
      %squeeze3A_1143 = vector.extract %slice3A_1142[0] : i32 from vector<1xi32>
      %add3A_1144 = arith.addi %scan3A_1064, %squeeze3A_1143 : i32
      %lt3A_1145 = vector.broadcast %mul3A_56 : i32 to vector<16xi32>
      %lt3A_1146 = arith.cmpi slt, %get3A_1070, %lt3A_1145 : vector<16xi32>
      %all_reduce_population_count3A_1147 = tpu.all_reduce %lt3A_1146 {dim = 0 : i64, kind = #tpu.reduction_kind<sum>} : vector<16xi1> -> vector<16xi32>
      %slice3A_1148 = vector.extract_strided_slice %all_reduce_population_count3A_1147 {offsets = [0], sizes = [1], strides = [1]} : vector<16xi32> to vector<1xi32>
      %squeeze3A_1149 = vector.extract %slice3A_1148[0] : i32 from vector<1xi32>
      %add3A_1150 = arith.addi %scan3A_1065, %squeeze3A_1149 : i32
      %lt3A_1151 = vector.broadcast %mul3A_60 : i32 to vector<16xi32>
      %lt3A_1152 = arith.cmpi slt, %get3A_1070, %lt3A_1151 : vector<16xi32>
      %all_reduce_population_count3A_1153 = tpu.all_reduce %lt3A_1152 {dim = 0 : i64, kind = #tpu.reduction_kind<sum>} : vector<16xi1> -> vector<16xi32>
      %slice3A_1154 = vector.extract_strided_slice %all_reduce_population_count3A_1153 {offsets = [0], sizes = [1], strides = [1]} : vector<16xi32> to vector<1xi32>
      %squeeze3A_1155 = vector.extract %slice3A_1154[0] : i32 from vector<1xi32>
      %add3A_1156 = arith.addi %scan3A_1066, %squeeze3A_1155 : i32
      %lt3A_1157 = vector.broadcast %mul3A_64 : i32 to vector<16xi32>
      %lt3A_1158 = arith.cmpi slt, %get3A_1070, %lt3A_1157 : vector<16xi32>
      %all_reduce_population_count3A_1159 = tpu.all_reduce %lt3A_1158 {dim = 0 : i64, kind = #tpu.reduction_kind<sum>} : vector<16xi1> -> vector<16xi32>
      %slice3A_1160 = vector.extract_strided_slice %all_reduce_population_count3A_1159 {offsets = [0], sizes = [1], strides = [1]} : vector<16xi32> to vector<1xi32>
      %squeeze3A_1161 = vector.extract %slice3A_1160[0] : i32 from vector<1xi32>
      %add3A_1162 = arith.addi %scan3A_1067, %squeeze3A_1161 : i32
      scf.yield %add3A_1072, %add3A_1078, %add3A_1084, %add3A_1090, %add3A_1096, %add3A_1102, %add3A_1108, %add3A_1114, %add3A_1120, %add3A_1126, %add3A_1132, %add3A_1138, %add3A_1144, %add3A_1150, %add3A_1156, %add3A_1162 : i32, i32, i32, i32, i32, i32, i32, i32, i32, i32, i32, i32, i32, i32, i32, i32
    }
    %scan3A_85 = arith.constant 64 : i32
    %sub3A = arith.constant 1 : i32
    %sub3A_86 = arith.subi %scan3A_84#0, %sub3A : i32
    %max3A = arith.constant 0 : i32
    %max3A_87 = arith.maxsi %sub3A_86, %max3A : i32
    %mul3A_88 = arith.constant 512 : i32
    %mul3A_89 = arith.muli %max3A_87, %mul3A_88 : i32
    %sub3A_90 = arith.constant 1 : i32
    %sub3A_91 = arith.subi %scan3A_84#1, %sub3A_90 : i32
    %max3A_92 = arith.constant 0 : i32
    %max3A_93 = arith.maxsi %sub3A_91, %max3A_92 : i32
    %mul3A_94 = arith.constant 512 : i32
    %mul3A_95 = arith.muli %max3A_93, %mul3A_94 : i32
    %sub3A_96 = arith.constant 1 : i32
    %sub3A_97 = arith.subi %scan3A_84#2, %sub3A_96 : i32
    %max3A_98 = arith.constant 0 : i32
    %max3A_99 = arith.maxsi %sub3A_97, %max3A_98 : i32
    %mul3A_100 = arith.constant 512 : i32
    %mul3A_101 = arith.muli %max3A_99, %mul3A_100 : i32
    %sub3A_102 = arith.constant 1 : i32
    %sub3A_103 = arith.subi %scan3A_84#3, %sub3A_102 : i32
    %max3A_104 = arith.constant 0 : i32
    %max3A_105 = arith.maxsi %sub3A_103, %max3A_104 : i32
    %mul3A_106 = arith.constant 512 : i32
    %mul3A_107 = arith.muli %max3A_105, %mul3A_106 : i32
    %sub3A_108 = arith.constant 1 : i32
    %sub3A_109 = arith.subi %scan3A_84#4, %sub3A_108 : i32
    %max3A_110 = arith.constant 0 : i32
    %max3A_111 = arith.maxsi %sub3A_109, %max3A_110 : i32
    %mul3A_112 = arith.constant 512 : i32
    %mul3A_113 = arith.muli %max3A_111, %mul3A_112 : i32
    %sub3A_114 = arith.constant 1 : i32
    %sub3A_115 = arith.subi %scan3A_84#5, %sub3A_114 : i32
    %max3A_116 = arith.constant 0 : i32
    %max3A_117 = arith.maxsi %sub3A_115, %max3A_116 : i32
    %mul3A_118 = arith.constant 512 : i32
    %mul3A_119 = arith.muli %max3A_117, %mul3A_118 : i32
    %sub3A_120 = arith.constant 1 : i32
    %sub3A_121 = arith.subi %scan3A_84#6, %sub3A_120 : i32
    %max3A_122 = arith.constant 0 : i32
    %max3A_123 = arith.maxsi %sub3A_121, %max3A_122 : i32
    %mul3A_124 = arith.constant 512 : i32
    %mul3A_125 = arith.muli %max3A_123, %mul3A_124 : i32
    %sub3A_126 = arith.constant 1 : i32
    %sub3A_127 = arith.subi %scan3A_84#7, %sub3A_126 : i32
    %max3A_128 = arith.constant 0 : i32
    %max3A_129 = arith.maxsi %sub3A_127, %max3A_128 : i32
    %mul3A_130 = arith.constant 512 : i32
    %mul3A_131 = arith.muli %max3A_129, %mul3A_130 : i32
    %sub3A_132 = arith.constant 1 : i32
    %sub3A_133 = arith.subi %scan3A_84#8, %sub3A_132 : i32
    %max3A_134 = arith.constant 0 : i32
    %max3A_135 = arith.maxsi %sub3A_133, %max3A_134 : i32
    %mul3A_136 = arith.constant 512 : i32
    %mul3A_137 = arith.muli %max3A_135, %mul3A_136 : i32
    %sub3A_138 = arith.constant 1 : i32
    %sub3A_139 = arith.subi %scan3A_84#9, %sub3A_138 : i32
    %max3A_140 = arith.constant 0 : i32
    %max3A_141 = arith.maxsi %sub3A_139, %max3A_140 : i32
    %mul3A_142 = arith.constant 512 : i32
    %mul3A_143 = arith.muli %max3A_141, %mul3A_142 : i32
    %sub3A_144 = arith.constant 1 : i32
    %sub3A_145 = arith.subi %scan3A_84#10, %sub3A_144 : i32
    %max3A_146 = arith.constant 0 : i32
    %max3A_147 = arith.maxsi %sub3A_145, %max3A_146 : i32
    %mul3A_148 = arith.constant 512 : i32
    %mul3A_149 = arith.muli %max3A_147, %mul3A_148 : i32
    %sub3A_150 = arith.constant 1 : i32
    %sub3A_151 = arith.subi %scan3A_84#11, %sub3A_150 : i32
    %max3A_152 = arith.constant 0 : i32
    %max3A_153 = arith.maxsi %sub3A_151, %max3A_152 : i32
    %mul3A_154 = arith.constant 512 : i32
    %mul3A_155 = arith.muli %max3A_153, %mul3A_154 : i32
    %sub3A_156 = arith.constant 1 : i32
    %sub3A_157 = arith.subi %scan3A_84#12, %sub3A_156 : i32
    %max3A_158 = arith.constant 0 : i32
    %max3A_159 = arith.maxsi %sub3A_157, %max3A_158 : i32
    %mul3A_160 = arith.constant 512 : i32
    %mul3A_161 = arith.muli %max3A_159, %mul3A_160 : i32
    %sub3A_162 = arith.constant 1 : i32
    %sub3A_163 = arith.subi %scan3A_84#13, %sub3A_162 : i32
    %max3A_164 = arith.constant 0 : i32
    %max3A_165 = arith.maxsi %sub3A_163, %max3A_164 : i32
    %mul3A_166 = arith.constant 512 : i32
    %mul3A_167 = arith.muli %max3A_165, %mul3A_166 : i32
    %sub3A_168 = arith.constant 1 : i32
    %sub3A_169 = arith.subi %scan3A_84#14, %sub3A_168 : i32
    %max3A_170 = arith.constant 0 : i32
    %max3A_171 = arith.maxsi %sub3A_169, %max3A_170 : i32
    %mul3A_172 = arith.constant 512 : i32
    %mul3A_173 = arith.muli %max3A_171, %mul3A_172 : i32
    %sub3A_174 = arith.constant 1 : i32
    %sub3A_175 = arith.subi %scan3A_84#15, %sub3A_174 : i32
    %max3A_176 = arith.constant 0 : i32
    %max3A_177 = arith.maxsi %sub3A_175, %max3A_176 : i32
    %mul3A_178 = arith.constant 512 : i32
    %mul3A_179 = arith.muli %max3A_177, %mul3A_178 : i32
    %multiple_of3A = tpu.assume_multiple %mul3A_89, 8 : i32
    %dma_start3A = arith.constant 0 : i32
    %dma_start3A_180 = arith.constant 0 : i32
    %dma_start3A_181 = tpu.memref_slice %arg13[%dma_start3A, %dma_start3A_180] : memref<16x512xi32, #tpu.memory_space<vmem>> -> memref<1x512xi32, #tpu.memory_space<vmem>>
    %dma_start3A_182 = tpu.memref_squeeze %dma_start3A_181 : memref<1x512xi32, #tpu.memory_space<vmem>> -> memref<512xi32, #tpu.memory_space<vmem>>
    %dma_start3A_183 = tpu.memref_slice %arg3[%multiple_of3A] : memref<524288xi32, #tpu.memory_space<hbm>> -> memref<512xi32, #tpu.memory_space<hbm>>
    %dma_start3A_184 = arith.constant 0 : i32
    %dma_start3A_185 = tpu.memref_slice %arg13[%dma_start3A, %dma_start3A_184] : memref<16x512xi32, #tpu.memory_space<vmem>> -> memref<1x512xi32, #tpu.memory_space<vmem>>
    %dma_start3A_186 = tpu.memref_squeeze %dma_start3A_185 : memref<1x512xi32, #tpu.memory_space<vmem>> -> memref<512xi32, #tpu.memory_space<vmem>>
    %dma_start3A_187 = tpu.memref_slice %arg3[%multiple_of3A] : memref<524288xi32, #tpu.memory_space<hbm>> -> memref<512xi32, #tpu.memory_space<hbm>>
    tpu.enqueue_dma source(%dma_start3A_187 : memref<512xi32, #tpu.memory_space<hbm>>) target(%dma_start3A_186 : memref<512xi32, #tpu.memory_space<vmem>>) target_semaphore(%arg14 : memref<!tpu.dma_semaphore, #tpu.memory_space<semaphore_mem>>)
    %multiple_of3A_188 = tpu.assume_multiple %mul3A_95, 8 : i32
    %dma_start3A_189 = arith.constant 1 : i32
    %dma_start3A_190 = arith.constant 0 : i32
    %dma_start3A_191 = tpu.memref_slice %arg13[%dma_start3A_189, %dma_start3A_190] : memref<16x512xi32, #tpu.memory_space<vmem>> -> memref<1x512xi32, #tpu.memory_space<vmem>>
    %dma_start3A_192 = tpu.memref_squeeze %dma_start3A_191 : memref<1x512xi32, #tpu.memory_space<vmem>> -> memref<512xi32, #tpu.memory_space<vmem>>
    %dma_start3A_193 = tpu.memref_slice %arg3[%multiple_of3A_188] : memref<524288xi32, #tpu.memory_space<hbm>> -> memref<512xi32, #tpu.memory_space<hbm>>
    %dma_start3A_194 = arith.constant 0 : i32
    %dma_start3A_195 = tpu.memref_slice %arg13[%dma_start3A_189, %dma_start3A_194] : memref<16x512xi32, #tpu.memory_space<vmem>> -> memref<1x512xi32, #tpu.memory_space<vmem>>
    %dma_start3A_196 = tpu.memref_squeeze %dma_start3A_195 : memref<1x512xi32, #tpu.memory_space<vmem>> -> memref<512xi32, #tpu.memory_space<vmem>>
    %dma_start3A_197 = tpu.memref_slice %arg3[%multiple_of3A_188] : memref<524288xi32, #tpu.memory_space<hbm>> -> memref<512xi32, #tpu.memory_space<hbm>>
    tpu.enqueue_dma source(%dma_start3A_197 : memref<512xi32, #tpu.memory_space<hbm>>) target(%dma_start3A_196 : memref<512xi32, #tpu.memory_space<vmem>>) target_semaphore(%arg14 : memref<!tpu.dma_semaphore, #tpu.memory_space<semaphore_mem>>)
    %multiple_of3A_198 = tpu.assume_multiple %mul3A_101, 8 : i32
    %dma_start3A_199 = arith.constant 2 : i32
    %dma_start3A_200 = arith.constant 0 : i32
    %dma_start3A_201 = tpu.memref_slice %arg13[%dma_start3A_199, %dma_start3A_200] : memref<16x512xi32, #tpu.memory_space<vmem>> -> memref<1x512xi32, #tpu.memory_space<vmem>>
    %dma_start3A_202 = tpu.memref_squeeze %dma_start3A_201 : memref<1x512xi32, #tpu.memory_space<vmem>> -> memref<512xi32, #tpu.memory_space<vmem>>
    %dma_start3A_203 = tpu.memref_slice %arg3[%multiple_of3A_198] : memref<524288xi32, #tpu.memory_space<hbm>> -> memref<512xi32, #tpu.memory_space<hbm>>
    %dma_start3A_204 = arith.constant 0 : i32
    %dma_start3A_205 = tpu.memref_slice %arg13[%dma_start3A_199, %dma_start3A_204] : memref<16x512xi32, #tpu.memory_space<vmem>> -> memref<1x512xi32, #tpu.memory_space<vmem>>
    %dma_start3A_206 = tpu.memref_squeeze %dma_start3A_205 : memref<1x512xi32, #tpu.memory_space<vmem>> -> memref<512xi32, #tpu.memory_space<vmem>>
    %dma_start3A_207 = tpu.memref_slice %arg3[%multiple_of3A_198] : memref<524288xi32, #tpu.memory_space<hbm>> -> memref<512xi32, #tpu.memory_space<hbm>>
    tpu.enqueue_dma source(%dma_start3A_207 : memref<512xi32, #tpu.memory_space<hbm>>) target(%dma_start3A_206 : memref<512xi32, #tpu.memory_space<vmem>>) target_semaphore(%arg14 : memref<!tpu.dma_semaphore, #tpu.memory_space<semaphore_mem>>)
    %multiple_of3A_208 = tpu.assume_multiple %mul3A_107, 8 : i32
    %dma_start3A_209 = arith.constant 3 : i32
    %dma_start3A_210 = arith.constant 0 : i32
    %dma_start3A_211 = tpu.memref_slice %arg13[%dma_start3A_209, %dma_start3A_210] : memref<16x512xi32, #tpu.memory_space<vmem>> -> memref<1x512xi32, #tpu.memory_space<vmem>>
    %dma_start3A_212 = tpu.memref_squeeze %dma_start3A_211 : memref<1x512xi32, #tpu.memory_space<vmem>> -> memref<512xi32, #tpu.memory_space<vmem>>
    %dma_start3A_213 = tpu.memref_slice %arg3[%multiple_of3A_208] : memref<524288xi32, #tpu.memory_space<hbm>> -> memref<512xi32, #tpu.memory_space<hbm>>
    %dma_start3A_214 = arith.constant 0 : i32
    %dma_start3A_215 = tpu.memref_slice %arg13[%dma_start3A_209, %dma_start3A_214] : memref<16x512xi32, #tpu.memory_space<vmem>> -> memref<1x512xi32, #tpu.memory_space<vmem>>
    %dma_start3A_216 = tpu.memref_squeeze %dma_start3A_215 : memref<1x512xi32, #tpu.memory_space<vmem>> -> memref<512xi32, #tpu.memory_space<vmem>>
    %dma_start3A_217 = tpu.memref_slice %arg3[%multiple_of3A_208] : memref<524288xi32, #tpu.memory_space<hbm>> -> memref<512xi32, #tpu.memory_space<hbm>>
    tpu.enqueue_dma source(%dma_start3A_217 : memref<512xi32, #tpu.memory_space<hbm>>) target(%dma_start3A_216 : memref<512xi32, #tpu.memory_space<vmem>>) target_semaphore(%arg14 : memref<!tpu.dma_semaphore, #tpu.memory_space<semaphore_mem>>)
    %multiple_of3A_218 = tpu.assume_multiple %mul3A_113, 8 : i32
    %dma_start3A_219 = arith.constant 4 : i32
    %dma_start3A_220 = arith.constant 0 : i32
    %dma_start3A_221 = tpu.memref_slice %arg13[%dma_start3A_219, %dma_start3A_220] : memref<16x512xi32, #tpu.memory_space<vmem>> -> memref<1x512xi32, #tpu.memory_space<vmem>>
    %dma_start3A_222 = tpu.memref_squeeze %dma_start3A_221 : memref<1x512xi32, #tpu.memory_space<vmem>> -> memref<512xi32, #tpu.memory_space<vmem>>
    %dma_start3A_223 = tpu.memref_slice %arg3[%multiple_of3A_218] : memref<524288xi32, #tpu.memory_space<hbm>> -> memref<512xi32, #tpu.memory_space<hbm>>
    %dma_start3A_224 = arith.constant 0 : i32
    %dma_start3A_225 = tpu.memref_slice %arg13[%dma_start3A_219, %dma_start3A_224] : memref<16x512xi32, #tpu.memory_space<vmem>> -> memref<1x512xi32, #tpu.memory_space<vmem>>
    %dma_start3A_226 = tpu.memref_squeeze %dma_start3A_225 : memref<1x512xi32, #tpu.memory_space<vmem>> -> memref<512xi32, #tpu.memory_space<vmem>>
    %dma_start3A_227 = tpu.memref_slice %arg3[%multiple_of3A_218] : memref<524288xi32, #tpu.memory_space<hbm>> -> memref<512xi32, #tpu.memory_space<hbm>>
    tpu.enqueue_dma source(%dma_start3A_227 : memref<512xi32, #tpu.memory_space<hbm>>) target(%dma_start3A_226 : memref<512xi32, #tpu.memory_space<vmem>>) target_semaphore(%arg14 : memref<!tpu.dma_semaphore, #tpu.memory_space<semaphore_mem>>)
    %multiple_of3A_228 = tpu.assume_multiple %mul3A_119, 8 : i32
    %dma_start3A_229 = arith.constant 5 : i32
    %dma_start3A_230 = arith.constant 0 : i32
    %dma_start3A_231 = tpu.memref_slice %arg13[%dma_start3A_229, %dma_start3A_230] : memref<16x512xi32, #tpu.memory_space<vmem>> -> memref<1x512xi32, #tpu.memory_space<vmem>>
    %dma_start3A_232 = tpu.memref_squeeze %dma_start3A_231 : memref<1x512xi32, #tpu.memory_space<vmem>> -> memref<512xi32, #tpu.memory_space<vmem>>
    %dma_start3A_233 = tpu.memref_slice %arg3[%multiple_of3A_228] : memref<524288xi32, #tpu.memory_space<hbm>> -> memref<512xi32, #tpu.memory_space<hbm>>
    %dma_start3A_234 = arith.constant 0 : i32
    %dma_start3A_235 = tpu.memref_slice %arg13[%dma_start3A_229, %dma_start3A_234] : memref<16x512xi32, #tpu.memory_space<vmem>> -> memref<1x512xi32, #tpu.memory_space<vmem>>
    %dma_start3A_236 = tpu.memref_squeeze %dma_start3A_235 : memref<1x512xi32, #tpu.memory_space<vmem>> -> memref<512xi32, #tpu.memory_space<vmem>>
    %dma_start3A_237 = tpu.memref_slice %arg3[%multiple_of3A_228] : memref<524288xi32, #tpu.memory_space<hbm>> -> memref<512xi32, #tpu.memory_space<hbm>>
    tpu.enqueue_dma source(%dma_start3A_237 : memref<512xi32, #tpu.memory_space<hbm>>) target(%dma_start3A_236 : memref<512xi32, #tpu.memory_space<vmem>>) target_semaphore(%arg14 : memref<!tpu.dma_semaphore, #tpu.memory_space<semaphore_mem>>)
    %multiple_of3A_238 = tpu.assume_multiple %mul3A_125, 8 : i32
    %dma_start3A_239 = arith.constant 6 : i32
    %dma_start3A_240 = arith.constant 0 : i32
    %dma_start3A_241 = tpu.memref_slice %arg13[%dma_start3A_239, %dma_start3A_240] : memref<16x512xi32, #tpu.memory_space<vmem>> -> memref<1x512xi32, #tpu.memory_space<vmem>>
    %dma_start3A_242 = tpu.memref_squeeze %dma_start3A_241 : memref<1x512xi32, #tpu.memory_space<vmem>> -> memref<512xi32, #tpu.memory_space<vmem>>
    %dma_start3A_243 = tpu.memref_slice %arg3[%multiple_of3A_238] : memref<524288xi32, #tpu.memory_space<hbm>> -> memref<512xi32, #tpu.memory_space<hbm>>
    %dma_start3A_244 = arith.constant 0 : i32
    %dma_start3A_245 = tpu.memref_slice %arg13[%dma_start3A_239, %dma_start3A_244] : memref<16x512xi32, #tpu.memory_space<vmem>> -> memref<1x512xi32, #tpu.memory_space<vmem>>
    %dma_start3A_246 = tpu.memref_squeeze %dma_start3A_245 : memref<1x512xi32, #tpu.memory_space<vmem>> -> memref<512xi32, #tpu.memory_space<vmem>>
    %dma_start3A_247 = tpu.memref_slice %arg3[%multiple_of3A_238] : memref<524288xi32, #tpu.memory_space<hbm>> -> memref<512xi32, #tpu.memory_space<hbm>>
    tpu.enqueue_dma source(%dma_start3A_247 : memref<512xi32, #tpu.memory_space<hbm>>) target(%dma_start3A_246 : memref<512xi32, #tpu.memory_space<vmem>>) target_semaphore(%arg14 : memref<!tpu.dma_semaphore, #tpu.memory_space<semaphore_mem>>)
    %multiple_of3A_248 = tpu.assume_multiple %mul3A_131, 8 : i32
    %dma_start3A_249 = arith.constant 7 : i32
    %dma_start3A_250 = arith.constant 0 : i32
    %dma_start3A_251 = tpu.memref_slice %arg13[%dma_start3A_249, %dma_start3A_250] : memref<16x512xi32, #tpu.memory_space<vmem>> -> memref<1x512xi32, #tpu.memory_space<vmem>>
    %dma_start3A_252 = tpu.memref_squeeze %dma_start3A_251 : memref<1x512xi32, #tpu.memory_space<vmem>> -> memref<512xi32, #tpu.memory_space<vmem>>
    %dma_start3A_253 = tpu.memref_slice %arg3[%multiple_of3A_248] : memref<524288xi32, #tpu.memory_space<hbm>> -> memref<512xi32, #tpu.memory_space<hbm>>
    %dma_start3A_254 = arith.constant 0 : i32
    %dma_start3A_255 = tpu.memref_slice %arg13[%dma_start3A_249, %dma_start3A_254] : memref<16x512xi32, #tpu.memory_space<vmem>> -> memref<1x512xi32, #tpu.memory_space<vmem>>
    %dma_start3A_256 = tpu.memref_squeeze %dma_start3A_255 : memref<1x512xi32, #tpu.memory_space<vmem>> -> memref<512xi32, #tpu.memory_space<vmem>>
    %dma_start3A_257 = tpu.memref_slice %arg3[%multiple_of3A_248] : memref<524288xi32, #tpu.memory_space<hbm>> -> memref<512xi32, #tpu.memory_space<hbm>>
    tpu.enqueue_dma source(%dma_start3A_257 : memref<512xi32, #tpu.memory_space<hbm>>) target(%dma_start3A_256 : memref<512xi32, #tpu.memory_space<vmem>>) target_semaphore(%arg14 : memref<!tpu.dma_semaphore, #tpu.memory_space<semaphore_mem>>)
    %multiple_of3A_258 = tpu.assume_multiple %mul3A_137, 8 : i32
    %dma_start3A_259 = arith.constant 8 : i32
    %dma_start3A_260 = arith.constant 0 : i32
    %dma_start3A_261 = tpu.memref_slice %arg13[%dma_start3A_259, %dma_start3A_260] : memref<16x512xi32, #tpu.memory_space<vmem>> -> memref<1x512xi32, #tpu.memory_space<vmem>>
    %dma_start3A_262 = tpu.memref_squeeze %dma_start3A_261 : memref<1x512xi32, #tpu.memory_space<vmem>> -> memref<512xi32, #tpu.memory_space<vmem>>
    %dma_start3A_263 = tpu.memref_slice %arg3[%multiple_of3A_258] : memref<524288xi32, #tpu.memory_space<hbm>> -> memref<512xi32, #tpu.memory_space<hbm>>
    %dma_start3A_264 = arith.constant 0 : i32
    %dma_start3A_265 = tpu.memref_slice %arg13[%dma_start3A_259, %dma_start3A_264] : memref<16x512xi32, #tpu.memory_space<vmem>> -> memref<1x512xi32, #tpu.memory_space<vmem>>
    %dma_start3A_266 = tpu.memref_squeeze %dma_start3A_265 : memref<1x512xi32, #tpu.memory_space<vmem>> -> memref<512xi32, #tpu.memory_space<vmem>>
    %dma_start3A_267 = tpu.memref_slice %arg3[%multiple_of3A_258] : memref<524288xi32, #tpu.memory_space<hbm>> -> memref<512xi32, #tpu.memory_space<hbm>>
    tpu.enqueue_dma source(%dma_start3A_267 : memref<512xi32, #tpu.memory_space<hbm>>) target(%dma_start3A_266 : memref<512xi32, #tpu.memory_space<vmem>>) target_semaphore(%arg14 : memref<!tpu.dma_semaphore, #tpu.memory_space<semaphore_mem>>)
    %multiple_of3A_268 = tpu.assume_multiple %mul3A_143, 8 : i32
    %dma_start3A_269 = arith.constant 9 : i32
    %dma_start3A_270 = arith.constant 0 : i32
    %dma_start3A_271 = tpu.memref_slice %arg13[%dma_start3A_269, %dma_start3A_270] : memref<16x512xi32, #tpu.memory_space<vmem>> -> memref<1x512xi32, #tpu.memory_space<vmem>>
    %dma_start3A_272 = tpu.memref_squeeze %dma_start3A_271 : memref<1x512xi32, #tpu.memory_space<vmem>> -> memref<512xi32, #tpu.memory_space<vmem>>
    %dma_start3A_273 = tpu.memref_slice %arg3[%multiple_of3A_268] : memref<524288xi32, #tpu.memory_space<hbm>> -> memref<512xi32, #tpu.memory_space<hbm>>
    %dma_start3A_274 = arith.constant 0 : i32
    %dma_start3A_275 = tpu.memref_slice %arg13[%dma_start3A_269, %dma_start3A_274] : memref<16x512xi32, #tpu.memory_space<vmem>> -> memref<1x512xi32, #tpu.memory_space<vmem>>
    %dma_start3A_276 = tpu.memref_squeeze %dma_start3A_275 : memref<1x512xi32, #tpu.memory_space<vmem>> -> memref<512xi32, #tpu.memory_space<vmem>>
    %dma_start3A_277 = tpu.memref_slice %arg3[%multiple_of3A_268] : memref<524288xi32, #tpu.memory_space<hbm>> -> memref<512xi32, #tpu.memory_space<hbm>>
    tpu.enqueue_dma source(%dma_start3A_277 : memref<512xi32, #tpu.memory_space<hbm>>) target(%dma_start3A_276 : memref<512xi32, #tpu.memory_space<vmem>>) target_semaphore(%arg14 : memref<!tpu.dma_semaphore, #tpu.memory_space<semaphore_mem>>)
    %multiple_of3A_278 = tpu.assume_multiple %mul3A_149, 8 : i32
    %dma_start3A_279 = arith.constant 10 : i32
    %dma_start3A_280 = arith.constant 0 : i32
    %dma_start3A_281 = tpu.memref_slice %arg13[%dma_start3A_279, %dma_start3A_280] : memref<16x512xi32, #tpu.memory_space<vmem>> -> memref<1x512xi32, #tpu.memory_space<vmem>>
    %dma_start3A_282 = tpu.memref_squeeze %dma_start3A_281 : memref<1x512xi32, #tpu.memory_space<vmem>> -> memref<512xi32, #tpu.memory_space<vmem>>
    %dma_start3A_283 = tpu.memref_slice %arg3[%multiple_of3A_278] : memref<524288xi32, #tpu.memory_space<hbm>> -> memref<512xi32, #tpu.memory_space<hbm>>
    %dma_start3A_284 = arith.constant 0 : i32
    %dma_start3A_285 = tpu.memref_slice %arg13[%dma_start3A_279, %dma_start3A_284] : memref<16x512xi32, #tpu.memory_space<vmem>> -> memref<1x512xi32, #tpu.memory_space<vmem>>
    %dma_start3A_286 = tpu.memref_squeeze %dma_start3A_285 : memref<1x512xi32, #tpu.memory_space<vmem>> -> memref<512xi32, #tpu.memory_space<vmem>>
    %dma_start3A_287 = tpu.memref_slice %arg3[%multiple_of3A_278] : memref<524288xi32, #tpu.memory_space<hbm>> -> memref<512xi32, #tpu.memory_space<hbm>>
    tpu.enqueue_dma source(%dma_start3A_287 : memref<512xi32, #tpu.memory_space<hbm>>) target(%dma_start3A_286 : memref<512xi32, #tpu.memory_space<vmem>>) target_semaphore(%arg14 : memref<!tpu.dma_semaphore, #tpu.memory_space<semaphore_mem>>)
    %multiple_of3A_288 = tpu.assume_multiple %mul3A_155, 8 : i32
    %dma_start3A_289 = arith.constant 11 : i32
    %dma_start3A_290 = arith.constant 0 : i32
    %dma_start3A_291 = tpu.memref_slice %arg13[%dma_start3A_289, %dma_start3A_290] : memref<16x512xi32, #tpu.memory_space<vmem>> -> memref<1x512xi32, #tpu.memory_space<vmem>>
    %dma_start3A_292 = tpu.memref_squeeze %dma_start3A_291 : memref<1x512xi32, #tpu.memory_space<vmem>> -> memref<512xi32, #tpu.memory_space<vmem>>
    %dma_start3A_293 = tpu.memref_slice %arg3[%multiple_of3A_288] : memref<524288xi32, #tpu.memory_space<hbm>> -> memref<512xi32, #tpu.memory_space<hbm>>
    %dma_start3A_294 = arith.constant 0 : i32
    %dma_start3A_295 = tpu.memref_slice %arg13[%dma_start3A_289, %dma_start3A_294] : memref<16x512xi32, #tpu.memory_space<vmem>> -> memref<1x512xi32, #tpu.memory_space<vmem>>
    %dma_start3A_296 = tpu.memref_squeeze %dma_start3A_295 : memref<1x512xi32, #tpu.memory_space<vmem>> -> memref<512xi32, #tpu.memory_space<vmem>>
    %dma_start3A_297 = tpu.memref_slice %arg3[%multiple_of3A_288] : memref<524288xi32, #tpu.memory_space<hbm>> -> memref<512xi32, #tpu.memory_space<hbm>>
    tpu.enqueue_dma source(%dma_start3A_297 : memref<512xi32, #tpu.memory_space<hbm>>) target(%dma_start3A_296 : memref<512xi32, #tpu.memory_space<vmem>>) target_semaphore(%arg14 : memref<!tpu.dma_semaphore, #tpu.memory_space<semaphore_mem>>)
    %multiple_of3A_298 = tpu.assume_multiple %mul3A_161, 8 : i32
    %dma_start3A_299 = arith.constant 12 : i32
    %dma_start3A_300 = arith.constant 0 : i32
    %dma_start3A_301 = tpu.memref_slice %arg13[%dma_start3A_299, %dma_start3A_300] : memref<16x512xi32, #tpu.memory_space<vmem>> -> memref<1x512xi32, #tpu.memory_space<vmem>>
    %dma_start3A_302 = tpu.memref_squeeze %dma_start3A_301 : memref<1x512xi32, #tpu.memory_space<vmem>> -> memref<512xi32, #tpu.memory_space<vmem>>
    %dma_start3A_303 = tpu.memref_slice %arg3[%multiple_of3A_298] : memref<524288xi32, #tpu.memory_space<hbm>> -> memref<512xi32, #tpu.memory_space<hbm>>
    %dma_start3A_304 = arith.constant 0 : i32
    %dma_start3A_305 = tpu.memref_slice %arg13[%dma_start3A_299, %dma_start3A_304] : memref<16x512xi32, #tpu.memory_space<vmem>> -> memref<1x512xi32, #tpu.memory_space<vmem>>
    %dma_start3A_306 = tpu.memref_squeeze %dma_start3A_305 : memref<1x512xi32, #tpu.memory_space<vmem>> -> memref<512xi32, #tpu.memory_space<vmem>>
    %dma_start3A_307 = tpu.memref_slice %arg3[%multiple_of3A_298] : memref<524288xi32, #tpu.memory_space<hbm>> -> memref<512xi32, #tpu.memory_space<hbm>>
    tpu.enqueue_dma source(%dma_start3A_307 : memref<512xi32, #tpu.memory_space<hbm>>) target(%dma_start3A_306 : memref<512xi32, #tpu.memory_space<vmem>>) target_semaphore(%arg14 : memref<!tpu.dma_semaphore, #tpu.memory_space<semaphore_mem>>)
    %multiple_of3A_308 = tpu.assume_multiple %mul3A_167, 8 : i32
    %dma_start3A_309 = arith.constant 13 : i32
    %dma_start3A_310 = arith.constant 0 : i32
    %dma_start3A_311 = tpu.memref_slice %arg13[%dma_start3A_309, %dma_start3A_310] : memref<16x512xi32, #tpu.memory_space<vmem>> -> memref<1x512xi32, #tpu.memory_space<vmem>>
    %dma_start3A_312 = tpu.memref_squeeze %dma_start3A_311 : memref<1x512xi32, #tpu.memory_space<vmem>> -> memref<512xi32, #tpu.memory_space<vmem>>
    %dma_start3A_313 = tpu.memref_slice %arg3[%multiple_of3A_308] : memref<524288xi32, #tpu.memory_space<hbm>> -> memref<512xi32, #tpu.memory_space<hbm>>
    %dma_start3A_314 = arith.constant 0 : i32
    %dma_start3A_315 = tpu.memref_slice %arg13[%dma_start3A_309, %dma_start3A_314] : memref<16x512xi32, #tpu.memory_space<vmem>> -> memref<1x512xi32, #tpu.memory_space<vmem>>
    %dma_start3A_316 = tpu.memref_squeeze %dma_start3A_315 : memref<1x512xi32, #tpu.memory_space<vmem>> -> memref<512xi32, #tpu.memory_space<vmem>>
    %dma_start3A_317 = tpu.memref_slice %arg3[%multiple_of3A_308] : memref<524288xi32, #tpu.memory_space<hbm>> -> memref<512xi32, #tpu.memory_space<hbm>>
    tpu.enqueue_dma source(%dma_start3A_317 : memref<512xi32, #tpu.memory_space<hbm>>) target(%dma_start3A_316 : memref<512xi32, #tpu.memory_space<vmem>>) target_semaphore(%arg14 : memref<!tpu.dma_semaphore, #tpu.memory_space<semaphore_mem>>)
    %multiple_of3A_318 = tpu.assume_multiple %mul3A_173, 8 : i32
    %dma_start3A_319 = arith.constant 14 : i32
    %dma_start3A_320 = arith.constant 0 : i32
    %dma_start3A_321 = tpu.memref_slice %arg13[%dma_start3A_319, %dma_start3A_320] : memref<16x512xi32, #tpu.memory_space<vmem>> -> memref<1x512xi32, #tpu.memory_space<vmem>>
    %dma_start3A_322 = tpu.memref_squeeze %dma_start3A_321 : memref<1x512xi32, #tpu.memory_space<vmem>> -> memref<512xi32, #tpu.memory_space<vmem>>
    %dma_start3A_323 = tpu.memref_slice %arg3[%multiple_of3A_318] : memref<524288xi32, #tpu.memory_space<hbm>> -> memref<512xi32, #tpu.memory_space<hbm>>
    %dma_start3A_324 = arith.constant 0 : i32
    %dma_start3A_325 = tpu.memref_slice %arg13[%dma_start3A_319, %dma_start3A_324] : memref<16x512xi32, #tpu.memory_space<vmem>> -> memref<1x512xi32, #tpu.memory_space<vmem>>
    %dma_start3A_326 = tpu.memref_squeeze %dma_start3A_325 : memref<1x512xi32, #tpu.memory_space<vmem>> -> memref<512xi32, #tpu.memory_space<vmem>>
    %dma_start3A_327 = tpu.memref_slice %arg3[%multiple_of3A_318] : memref<524288xi32, #tpu.memory_space<hbm>> -> memref<512xi32, #tpu.memory_space<hbm>>
    tpu.enqueue_dma source(%dma_start3A_327 : memref<512xi32, #tpu.memory_space<hbm>>) target(%dma_start3A_326 : memref<512xi32, #tpu.memory_space<vmem>>) target_semaphore(%arg14 : memref<!tpu.dma_semaphore, #tpu.memory_space<semaphore_mem>>)
    %multiple_of3A_328 = tpu.assume_multiple %mul3A_179, 8 : i32
    %dma_start3A_329 = arith.constant 15 : i32
    %dma_start3A_330 = arith.constant 0 : i32
    %dma_start3A_331 = tpu.memref_slice %arg13[%dma_start3A_329, %dma_start3A_330] : memref<16x512xi32, #tpu.memory_space<vmem>> -> memref<1x512xi32, #tpu.memory_space<vmem>>
    %dma_start3A_332 = tpu.memref_squeeze %dma_start3A_331 : memref<1x512xi32, #tpu.memory_space<vmem>> -> memref<512xi32, #tpu.memory_space<vmem>>
    %dma_start3A_333 = tpu.memref_slice %arg3[%multiple_of3A_328] : memref<524288xi32, #tpu.memory_space<hbm>> -> memref<512xi32, #tpu.memory_space<hbm>>
    %dma_start3A_334 = arith.constant 0 : i32
    %dma_start3A_335 = tpu.memref_slice %arg13[%dma_start3A_329, %dma_start3A_334] : memref<16x512xi32, #tpu.memory_space<vmem>> -> memref<1x512xi32, #tpu.memory_space<vmem>>
    %dma_start3A_336 = tpu.memref_squeeze %dma_start3A_335 : memref<1x512xi32, #tpu.memory_space<vmem>> -> memref<512xi32, #tpu.memory_space<vmem>>
    %dma_start3A_337 = tpu.memref_slice %arg3[%multiple_of3A_328] : memref<524288xi32, #tpu.memory_space<hbm>> -> memref<512xi32, #tpu.memory_space<hbm>>
    tpu.enqueue_dma source(%dma_start3A_337 : memref<512xi32, #tpu.memory_space<hbm>>) target(%dma_start3A_336 : memref<512xi32, #tpu.memory_space<vmem>>) target_semaphore(%arg14 : memref<!tpu.dma_semaphore, #tpu.memory_space<semaphore_mem>>)
    %dma_wait3A = arith.constant 0 : i32
    %dma_wait3A_338 = arith.constant 0 : i32
    %dma_wait3A_339 = tpu.memref_slice %arg13[%dma_wait3A, %dma_wait3A_338] : memref<16x512xi32, #tpu.memory_space<vmem>> -> memref<1x512xi32, #tpu.memory_space<vmem>>
    %dma_wait3A_340 = tpu.memref_squeeze %dma_wait3A_339 : memref<1x512xi32, #tpu.memory_space<vmem>> -> memref<512xi32, #tpu.memory_space<vmem>>
    %dma_wait3A_341 = arith.constant 0 : i32
    %dma_wait3A_342 = tpu.memref_slice %arg3[%dma_wait3A_341] : memref<524288xi32, #tpu.memory_space<hbm>> -> memref<512xi32, #tpu.memory_space<hbm>>
    %dma_wait3A_343 = arith.constant 0 : i32
    %dma_wait3A_344 = tpu.memref_slice %arg13[%dma_wait3A, %dma_wait3A_343] : memref<16x512xi32, #tpu.memory_space<vmem>> -> memref<1x512xi32, #tpu.memory_space<vmem>>
    %dma_wait3A_345 = tpu.memref_squeeze %dma_wait3A_344 : memref<1x512xi32, #tpu.memory_space<vmem>> -> memref<512xi32, #tpu.memory_space<vmem>>
    %dma_wait3A_346 = arith.constant 0 : i32
    %dma_wait3A_347 = tpu.memref_slice %arg3[%dma_wait3A_346] : memref<524288xi32, #tpu.memory_space<hbm>> -> memref<512xi32, #tpu.memory_space<hbm>>
    tpu.wait_dma2 semaphore(%arg14 : memref<!tpu.dma_semaphore, #tpu.memory_space<semaphore_mem>>) src(%dma_wait3A_347 : memref<512xi32, #tpu.memory_space<hbm>>) dst(%dma_wait3A_345 : memref<512xi32, #tpu.memory_space<vmem>>)
    %dma_wait3A_348 = arith.constant 0 : i32
    %dma_wait3A_349 = arith.constant 0 : i32
    %dma_wait3A_350 = tpu.memref_slice %arg13[%dma_wait3A_348, %dma_wait3A_349] : memref<16x512xi32, #tpu.memory_space<vmem>> -> memref<1x512xi32, #tpu.memory_space<vmem>>
    %dma_wait3A_351 = tpu.memref_squeeze %dma_wait3A_350 : memref<1x512xi32, #tpu.memory_space<vmem>> -> memref<512xi32, #tpu.memory_space<vmem>>
    %dma_wait3A_352 = arith.constant 0 : i32
    %dma_wait3A_353 = tpu.memref_slice %arg3[%dma_wait3A_352] : memref<524288xi32, #tpu.memory_space<hbm>> -> memref<512xi32, #tpu.memory_space<hbm>>
    %dma_wait3A_354 = arith.constant 0 : i32
    %dma_wait3A_355 = tpu.memref_slice %arg13[%dma_wait3A_348, %dma_wait3A_354] : memref<16x512xi32, #tpu.memory_space<vmem>> -> memref<1x512xi32, #tpu.memory_space<vmem>>
    %dma_wait3A_356 = tpu.memref_squeeze %dma_wait3A_355 : memref<1x512xi32, #tpu.memory_space<vmem>> -> memref<512xi32, #tpu.memory_space<vmem>>
    %dma_wait3A_357 = arith.constant 0 : i32
    %dma_wait3A_358 = tpu.memref_slice %arg3[%dma_wait3A_357] : memref<524288xi32, #tpu.memory_space<hbm>> -> memref<512xi32, #tpu.memory_space<hbm>>
    tpu.wait_dma2 semaphore(%arg14 : memref<!tpu.dma_semaphore, #tpu.memory_space<semaphore_mem>>) src(%dma_wait3A_358 : memref<512xi32, #tpu.memory_space<hbm>>) dst(%dma_wait3A_356 : memref<512xi32, #tpu.memory_space<vmem>>)
    %dma_wait3A_359 = arith.constant 0 : i32
    %dma_wait3A_360 = arith.constant 0 : i32
    %dma_wait3A_361 = tpu.memref_slice %arg13[%dma_wait3A_359, %dma_wait3A_360] : memref<16x512xi32, #tpu.memory_space<vmem>> -> memref<1x512xi32, #tpu.memory_space<vmem>>
    %dma_wait3A_362 = tpu.memref_squeeze %dma_wait3A_361 : memref<1x512xi32, #tpu.memory_space<vmem>> -> memref<512xi32, #tpu.memory_space<vmem>>
    %dma_wait3A_363 = arith.constant 0 : i32
    %dma_wait3A_364 = tpu.memref_slice %arg3[%dma_wait3A_363] : memref<524288xi32, #tpu.memory_space<hbm>> -> memref<512xi32, #tpu.memory_space<hbm>>
    %dma_wait3A_365 = arith.constant 0 : i32
    %dma_wait3A_366 = tpu.memref_slice %arg13[%dma_wait3A_359, %dma_wait3A_365] : memref<16x512xi32, #tpu.memory_space<vmem>> -> memref<1x512xi32, #tpu.memory_space<vmem>>
    %dma_wait3A_367 = tpu.memref_squeeze %dma_wait3A_366 : memref<1x512xi32, #tpu.memory_space<vmem>> -> memref<512xi32, #tpu.memory_space<vmem>>
    %dma_wait3A_368 = arith.constant 0 : i32
    %dma_wait3A_369 = tpu.memref_slice %arg3[%dma_wait3A_368] : memref<524288xi32, #tpu.memory_space<hbm>> -> memref<512xi32, #tpu.memory_space<hbm>>
    tpu.wait_dma2 semaphore(%arg14 : memref<!tpu.dma_semaphore, #tpu.memory_space<semaphore_mem>>) src(%dma_wait3A_369 : memref<512xi32, #tpu.memory_space<hbm>>) dst(%dma_wait3A_367 : memref<512xi32, #tpu.memory_space<vmem>>)
    %dma_wait3A_370 = arith.constant 0 : i32
    %dma_wait3A_371 = arith.constant 0 : i32
    %dma_wait3A_372 = tpu.memref_slice %arg13[%dma_wait3A_370, %dma_wait3A_371] : memref<16x512xi32, #tpu.memory_space<vmem>> -> memref<1x512xi32, #tpu.memory_space<vmem>>
    %dma_wait3A_373 = tpu.memref_squeeze %dma_wait3A_372 : memref<1x512xi32, #tpu.memory_space<vmem>> -> memref<512xi32, #tpu.memory_space<vmem>>
    %dma_wait3A_374 = arith.constant 0 : i32
    %dma_wait3A_375 = tpu.memref_slice %arg3[%dma_wait3A_374] : memref<524288xi32, #tpu.memory_space<hbm>> -> memref<512xi32, #tpu.memory_space<hbm>>
    %dma_wait3A_376 = arith.constant 0 : i32
    %dma_wait3A_377 = tpu.memref_slice %arg13[%dma_wait3A_370, %dma_wait3A_376] : memref<16x512xi32, #tpu.memory_space<vmem>> -> memref<1x512xi32, #tpu.memory_space<vmem>>
    %dma_wait3A_378 = tpu.memref_squeeze %dma_wait3A_377 : memref<1x512xi32, #tpu.memory_space<vmem>> -> memref<512xi32, #tpu.memory_space<vmem>>
    %dma_wait3A_379 = arith.constant 0 : i32
    %dma_wait3A_380 = tpu.memref_slice %arg3[%dma_wait3A_379] : memref<524288xi32, #tpu.memory_space<hbm>> -> memref<512xi32, #tpu.memory_space<hbm>>
    tpu.wait_dma2 semaphore(%arg14 : memref<!tpu.dma_semaphore, #tpu.memory_space<semaphore_mem>>) src(%dma_wait3A_380 : memref<512xi32, #tpu.memory_space<hbm>>) dst(%dma_wait3A_378 : memref<512xi32, #tpu.memory_space<vmem>>)
    %dma_wait3A_381 = arith.constant 0 : i32
    %dma_wait3A_382 = arith.constant 0 : i32
    %dma_wait3A_383 = tpu.memref_slice %arg13[%dma_wait3A_381, %dma_wait3A_382] : memref<16x512xi32, #tpu.memory_space<vmem>> -> memref<1x512xi32, #tpu.memory_space<vmem>>
    %dma_wait3A_384 = tpu.memref_squeeze %dma_wait3A_383 : memref<1x512xi32, #tpu.memory_space<vmem>> -> memref<512xi32, #tpu.memory_space<vmem>>
    %dma_wait3A_385 = arith.constant 0 : i32
    %dma_wait3A_386 = tpu.memref_slice %arg3[%dma_wait3A_385] : memref<524288xi32, #tpu.memory_space<hbm>> -> memref<512xi32, #tpu.memory_space<hbm>>
    %dma_wait3A_387 = arith.constant 0 : i32
    %dma_wait3A_388 = tpu.memref_slice %arg13[%dma_wait3A_381, %dma_wait3A_387] : memref<16x512xi32, #tpu.memory_space<vmem>> -> memref<1x512xi32, #tpu.memory_space<vmem>>
    %dma_wait3A_389 = tpu.memref_squeeze %dma_wait3A_388 : memref<1x512xi32, #tpu.memory_space<vmem>> -> memref<512xi32, #tpu.memory_space<vmem>>
    %dma_wait3A_390 = arith.constant 0 : i32
    %dma_wait3A_391 = tpu.memref_slice %arg3[%dma_wait3A_390] : memref<524288xi32, #tpu.memory_space<hbm>> -> memref<512xi32, #tpu.memory_space<hbm>>
    tpu.wait_dma2 semaphore(%arg14 : memref<!tpu.dma_semaphore, #tpu.memory_space<semaphore_mem>>) src(%dma_wait3A_391 : memref<512xi32, #tpu.memory_space<hbm>>) dst(%dma_wait3A_389 : memref<512xi32, #tpu.memory_space<vmem>>)
    %dma_wait3A_392 = arith.constant 0 : i32
    %dma_wait3A_393 = arith.constant 0 : i32
    %dma_wait3A_394 = tpu.memref_slice %arg13[%dma_wait3A_392, %dma_wait3A_393] : memref<16x512xi32, #tpu.memory_space<vmem>> -> memref<1x512xi32, #tpu.memory_space<vmem>>
    %dma_wait3A_395 = tpu.memref_squeeze %dma_wait3A_394 : memref<1x512xi32, #tpu.memory_space<vmem>> -> memref<512xi32, #tpu.memory_space<vmem>>
    %dma_wait3A_396 = arith.constant 0 : i32
    %dma_wait3A_397 = tpu.memref_slice %arg3[%dma_wait3A_396] : memref<524288xi32, #tpu.memory_space<hbm>> -> memref<512xi32, #tpu.memory_space<hbm>>
    %dma_wait3A_398 = arith.constant 0 : i32
    %dma_wait3A_399 = tpu.memref_slice %arg13[%dma_wait3A_392, %dma_wait3A_398] : memref<16x512xi32, #tpu.memory_space<vmem>> -> memref<1x512xi32, #tpu.memory_space<vmem>>
    %dma_wait3A_400 = tpu.memref_squeeze %dma_wait3A_399 : memref<1x512xi32, #tpu.memory_space<vmem>> -> memref<512xi32, #tpu.memory_space<vmem>>
    %dma_wait3A_401 = arith.constant 0 : i32
    %dma_wait3A_402 = tpu.memref_slice %arg3[%dma_wait3A_401] : memref<524288xi32, #tpu.memory_space<hbm>> -> memref<512xi32, #tpu.memory_space<hbm>>
    tpu.wait_dma2 semaphore(%arg14 : memref<!tpu.dma_semaphore, #tpu.memory_space<semaphore_mem>>) src(%dma_wait3A_402 : memref<512xi32, #tpu.memory_space<hbm>>) dst(%dma_wait3A_400 : memref<512xi32, #tpu.memory_space<vmem>>)
    %dma_wait3A_403 = arith.constant 0 : i32
    %dma_wait3A_404 = arith.constant 0 : i32
    %dma_wait3A_405 = tpu.memref_slice %arg13[%dma_wait3A_403, %dma_wait3A_404] : memref<16x512xi32, #tpu.memory_space<vmem>> -> memref<1x512xi32, #tpu.memory_space<vmem>>
    %dma_wait3A_406 = tpu.memref_squeeze %dma_wait3A_405 : memref<1x512xi32, #tpu.memory_space<vmem>> -> memref<512xi32, #tpu.memory_space<vmem>>
    %dma_wait3A_407 = arith.constant 0 : i32
    %dma_wait3A_408 = tpu.memref_slice %arg3[%dma_wait3A_407] : memref<524288xi32, #tpu.memory_space<hbm>> -> memref<512xi32, #tpu.memory_space<hbm>>
    %dma_wait3A_409 = arith.constant 0 : i32
    %dma_wait3A_410 = tpu.memref_slice %arg13[%dma_wait3A_403, %dma_wait3A_409] : memref<16x512xi32, #tpu.memory_space<vmem>> -> memref<1x512xi32, #tpu.memory_space<vmem>>
    %dma_wait3A_411 = tpu.memref_squeeze %dma_wait3A_410 : memref<1x512xi32, #tpu.memory_space<vmem>> -> memref<512xi32, #tpu.memory_space<vmem>>
    %dma_wait3A_412 = arith.constant 0 : i32
    %dma_wait3A_413 = tpu.memref_slice %arg3[%dma_wait3A_412] : memref<524288xi32, #tpu.memory_space<hbm>> -> memref<512xi32, #tpu.memory_space<hbm>>
    tpu.wait_dma2 semaphore(%arg14 : memref<!tpu.dma_semaphore, #tpu.memory_space<semaphore_mem>>) src(%dma_wait3A_413 : memref<512xi32, #tpu.memory_space<hbm>>) dst(%dma_wait3A_411 : memref<512xi32, #tpu.memory_space<vmem>>)
    %dma_wait3A_414 = arith.constant 0 : i32
    %dma_wait3A_415 = arith.constant 0 : i32
    %dma_wait3A_416 = tpu.memref_slice %arg13[%dma_wait3A_414, %dma_wait3A_415] : memref<16x512xi32, #tpu.memory_space<vmem>> -> memref<1x512xi32, #tpu.memory_space<vmem>>
    %dma_wait3A_417 = tpu.memref_squeeze %dma_wait3A_416 : memref<1x512xi32, #tpu.memory_space<vmem>> -> memref<512xi32, #tpu.memory_space<vmem>>
    %dma_wait3A_418 = arith.constant 0 : i32
    %dma_wait3A_419 = tpu.memref_slice %arg3[%dma_wait3A_418] : memref<524288xi32, #tpu.memory_space<hbm>> -> memref<512xi32, #tpu.memory_space<hbm>>
    %dma_wait3A_420 = arith.constant 0 : i32
    %dma_wait3A_421 = tpu.memref_slice %arg13[%dma_wait3A_414, %dma_wait3A_420] : memref<16x512xi32, #tpu.memory_space<vmem>> -> memref<1x512xi32, #tpu.memory_space<vmem>>
    %dma_wait3A_422 = tpu.memref_squeeze %dma_wait3A_421 : memref<1x512xi32, #tpu.memory_space<vmem>> -> memref<512xi32, #tpu.memory_space<vmem>>
    %dma_wait3A_423 = arith.constant 0 : i32
    %dma_wait3A_424 = tpu.memref_slice %arg3[%dma_wait3A_423] : memref<524288xi32, #tpu.memory_space<hbm>> -> memref<512xi32, #tpu.memory_space<hbm>>
    tpu.wait_dma2 semaphore(%arg14 : memref<!tpu.dma_semaphore, #tpu.memory_space<semaphore_mem>>) src(%dma_wait3A_424 : memref<512xi32, #tpu.memory_space<hbm>>) dst(%dma_wait3A_422 : memref<512xi32, #tpu.memory_space<vmem>>)
    %dma_wait3A_425 = arith.constant 0 : i32
    %dma_wait3A_426 = arith.constant 0 : i32
    %dma_wait3A_427 = tpu.memref_slice %arg13[%dma_wait3A_425, %dma_wait3A_426] : memref<16x512xi32, #tpu.memory_space<vmem>> -> memref<1x512xi32, #tpu.memory_space<vmem>>
    %dma_wait3A_428 = tpu.memref_squeeze %dma_wait3A_427 : memref<1x512xi32, #tpu.memory_space<vmem>> -> memref<512xi32, #tpu.memory_space<vmem>>
    %dma_wait3A_429 = arith.constant 0 : i32
    %dma_wait3A_430 = tpu.memref_slice %arg3[%dma_wait3A_429] : memref<524288xi32, #tpu.memory_space<hbm>> -> memref<512xi32, #tpu.memory_space<hbm>>
    %dma_wait3A_431 = arith.constant 0 : i32
    %dma_wait3A_432 = tpu.memref_slice %arg13[%dma_wait3A_425, %dma_wait3A_431] : memref<16x512xi32, #tpu.memory_space<vmem>> -> memref<1x512xi32, #tpu.memory_space<vmem>>
    %dma_wait3A_433 = tpu.memref_squeeze %dma_wait3A_432 : memref<1x512xi32, #tpu.memory_space<vmem>> -> memref<512xi32, #tpu.memory_space<vmem>>
    %dma_wait3A_434 = arith.constant 0 : i32
    %dma_wait3A_435 = tpu.memref_slice %arg3[%dma_wait3A_434] : memref<524288xi32, #tpu.memory_space<hbm>> -> memref<512xi32, #tpu.memory_space<hbm>>
    tpu.wait_dma2 semaphore(%arg14 : memref<!tpu.dma_semaphore, #tpu.memory_space<semaphore_mem>>) src(%dma_wait3A_435 : memref<512xi32, #tpu.memory_space<hbm>>) dst(%dma_wait3A_433 : memref<512xi32, #tpu.memory_space<vmem>>)
    %dma_wait3A_436 = arith.constant 0 : i32
    %dma_wait3A_437 = arith.constant 0 : i32
    %dma_wait3A_438 = tpu.memref_slice %arg13[%dma_wait3A_436, %dma_wait3A_437] : memref<16x512xi32, #tpu.memory_space<vmem>> -> memref<1x512xi32, #tpu.memory_space<vmem>>
    %dma_wait3A_439 = tpu.memref_squeeze %dma_wait3A_438 : memref<1x512xi32, #tpu.memory_space<vmem>> -> memref<512xi32, #tpu.memory_space<vmem>>
    %dma_wait3A_440 = arith.constant 0 : i32
    %dma_wait3A_441 = tpu.memref_slice %arg3[%dma_wait3A_440] : memref<524288xi32, #tpu.memory_space<hbm>> -> memref<512xi32, #tpu.memory_space<hbm>>
    %dma_wait3A_442 = arith.constant 0 : i32
    %dma_wait3A_443 = tpu.memref_slice %arg13[%dma_wait3A_436, %dma_wait3A_442] : memref<16x512xi32, #tpu.memory_space<vmem>> -> memref<1x512xi32, #tpu.memory_space<vmem>>
    %dma_wait3A_444 = tpu.memref_squeeze %dma_wait3A_443 : memref<1x512xi32, #tpu.memory_space<vmem>> -> memref<512xi32, #tpu.memory_space<vmem>>
    %dma_wait3A_445 = arith.constant 0 : i32
    %dma_wait3A_446 = tpu.memref_slice %arg3[%dma_wait3A_445] : memref<524288xi32, #tpu.memory_space<hbm>> -> memref<512xi32, #tpu.memory_space<hbm>>
    tpu.wait_dma2 semaphore(%arg14 : memref<!tpu.dma_semaphore, #tpu.memory_space<semaphore_mem>>) src(%dma_wait3A_446 : memref<512xi32, #tpu.memory_space<hbm>>) dst(%dma_wait3A_444 : memref<512xi32, #tpu.memory_space<vmem>>)
    %dma_wait3A_447 = arith.constant 0 : i32
    %dma_wait3A_448 = arith.constant 0 : i32
    %dma_wait3A_449 = tpu.memref_slice %arg13[%dma_wait3A_447, %dma_wait3A_448] : memref<16x512xi32, #tpu.memory_space<vmem>> -> memref<1x512xi32, #tpu.memory_space<vmem>>
    %dma_wait3A_450 = tpu.memref_squeeze %dma_wait3A_449 : memref<1x512xi32, #tpu.memory_space<vmem>> -> memref<512xi32, #tpu.memory_space<vmem>>
    %dma_wait3A_451 = arith.constant 0 : i32
    %dma_wait3A_452 = tpu.memref_slice %arg3[%dma_wait3A_451] : memref<524288xi32, #tpu.memory_space<hbm>> -> memref<512xi32, #tpu.memory_space<hbm>>
    %dma_wait3A_453 = arith.constant 0 : i32
    %dma_wait3A_454 = tpu.memref_slice %arg13[%dma_wait3A_447, %dma_wait3A_453] : memref<16x512xi32, #tpu.memory_space<vmem>> -> memref<1x512xi32, #tpu.memory_space<vmem>>
    %dma_wait3A_455 = tpu.memref_squeeze %dma_wait3A_454 : memref<1x512xi32, #tpu.memory_space<vmem>> -> memref<512xi32, #tpu.memory_space<vmem>>
    %dma_wait3A_456 = arith.constant 0 : i32
    %dma_wait3A_457 = tpu.memref_slice %arg3[%dma_wait3A_456] : memref<524288xi32, #tpu.memory_space<hbm>> -> memref<512xi32, #tpu.memory_space<hbm>>
    tpu.wait_dma2 semaphore(%arg14 : memref<!tpu.dma_semaphore, #tpu.memory_space<semaphore_mem>>) src(%dma_wait3A_457 : memref<512xi32, #tpu.memory_space<hbm>>) dst(%dma_wait3A_455 : memref<512xi32, #tpu.memory_space<vmem>>)
    %dma_wait3A_458 = arith.constant 0 : i32
    %dma_wait3A_459 = arith.constant 0 : i32
    %dma_wait3A_460 = tpu.memref_slice %arg13[%dma_wait3A_458, %dma_wait3A_459] : memref<16x512xi32, #tpu.memory_space<vmem>> -> memref<1x512xi32, #tpu.memory_space<vmem>>
    %dma_wait3A_461 = tpu.memref_squeeze %dma_wait3A_460 : memref<1x512xi32, #tpu.memory_space<vmem>> -> memref<512xi32, #tpu.memory_space<vmem>>
    %dma_wait3A_462 = arith.constant 0 : i32
    %dma_wait3A_463 = tpu.memref_slice %arg3[%dma_wait3A_462] : memref<524288xi32, #tpu.memory_space<hbm>> -> memref<512xi32, #tpu.memory_space<hbm>>
    %dma_wait3A_464 = arith.constant 0 : i32
    %dma_wait3A_465 = tpu.memref_slice %arg13[%dma_wait3A_458, %dma_wait3A_464] : memref<16x512xi32, #tpu.memory_space<vmem>> -> memref<1x512xi32, #tpu.memory_space<vmem>>
    %dma_wait3A_466 = tpu.memref_squeeze %dma_wait3A_465 : memref<1x512xi32, #tpu.memory_space<vmem>> -> memref<512xi32, #tpu.memory_space<vmem>>
    %dma_wait3A_467 = arith.constant 0 : i32
    %dma_wait3A_468 = tpu.memref_slice %arg3[%dma_wait3A_467] : memref<524288xi32, #tpu.memory_space<hbm>> -> memref<512xi32, #tpu.memory_space<hbm>>
    tpu.wait_dma2 semaphore(%arg14 : memref<!tpu.dma_semaphore, #tpu.memory_space<semaphore_mem>>) src(%dma_wait3A_468 : memref<512xi32, #tpu.memory_space<hbm>>) dst(%dma_wait3A_466 : memref<512xi32, #tpu.memory_space<vmem>>)
    %dma_wait3A_469 = arith.constant 0 : i32
    %dma_wait3A_470 = arith.constant 0 : i32
    %dma_wait3A_471 = tpu.memref_slice %arg13[%dma_wait3A_469, %dma_wait3A_470] : memref<16x512xi32, #tpu.memory_space<vmem>> -> memref<1x512xi32, #tpu.memory_space<vmem>>
    %dma_wait3A_472 = tpu.memref_squeeze %dma_wait3A_471 : memref<1x512xi32, #tpu.memory_space<vmem>> -> memref<512xi32, #tpu.memory_space<vmem>>
    %dma_wait3A_473 = arith.constant 0 : i32
    %dma_wait3A_474 = tpu.memref_slice %arg3[%dma_wait3A_473] : memref<524288xi32, #tpu.memory_space<hbm>> -> memref<512xi32, #tpu.memory_space<hbm>>
    %dma_wait3A_475 = arith.constant 0 : i32
    %dma_wait3A_476 = tpu.memref_slice %arg13[%dma_wait3A_469, %dma_wait3A_475] : memref<16x512xi32, #tpu.memory_space<vmem>> -> memref<1x512xi32, #tpu.memory_space<vmem>>
    %dma_wait3A_477 = tpu.memref_squeeze %dma_wait3A_476 : memref<1x512xi32, #tpu.memory_space<vmem>> -> memref<512xi32, #tpu.memory_space<vmem>>
    %dma_wait3A_478 = arith.constant 0 : i32
    %dma_wait3A_479 = tpu.memref_slice %arg3[%dma_wait3A_478] : memref<524288xi32, #tpu.memory_space<hbm>> -> memref<512xi32, #tpu.memory_space<hbm>>
    tpu.wait_dma2 semaphore(%arg14 : memref<!tpu.dma_semaphore, #tpu.memory_space<semaphore_mem>>) src(%dma_wait3A_479 : memref<512xi32, #tpu.memory_space<hbm>>) dst(%dma_wait3A_477 : memref<512xi32, #tpu.memory_space<vmem>>)
    %dma_wait3A_480 = arith.constant 0 : i32
    %dma_wait3A_481 = arith.constant 0 : i32
    %dma_wait3A_482 = tpu.memref_slice %arg13[%dma_wait3A_480, %dma_wait3A_481] : memref<16x512xi32, #tpu.memory_space<vmem>> -> memref<1x512xi32, #tpu.memory_space<vmem>>
    %dma_wait3A_483 = tpu.memref_squeeze %dma_wait3A_482 : memref<1x512xi32, #tpu.memory_space<vmem>> -> memref<512xi32, #tpu.memory_space<vmem>>
    %dma_wait3A_484 = arith.constant 0 : i32
    %dma_wait3A_485 = tpu.memref_slice %arg3[%dma_wait3A_484] : memref<524288xi32, #tpu.memory_space<hbm>> -> memref<512xi32, #tpu.memory_space<hbm>>
    %dma_wait3A_486 = arith.constant 0 : i32
    %dma_wait3A_487 = tpu.memref_slice %arg13[%dma_wait3A_480, %dma_wait3A_486] : memref<16x512xi32, #tpu.memory_space<vmem>> -> memref<1x512xi32, #tpu.memory_space<vmem>>
    %dma_wait3A_488 = tpu.memref_squeeze %dma_wait3A_487 : memref<1x512xi32, #tpu.memory_space<vmem>> -> memref<512xi32, #tpu.memory_space<vmem>>
    %dma_wait3A_489 = arith.constant 0 : i32
    %dma_wait3A_490 = tpu.memref_slice %arg3[%dma_wait3A_489] : memref<524288xi32, #tpu.memory_space<hbm>> -> memref<512xi32, #tpu.memory_space<hbm>>
    tpu.wait_dma2 semaphore(%arg14 : memref<!tpu.dma_semaphore, #tpu.memory_space<semaphore_mem>>) src(%dma_wait3A_490 : memref<512xi32, #tpu.memory_space<hbm>>) dst(%dma_wait3A_488 : memref<512xi32, #tpu.memory_space<vmem>>)
    %dma_wait3A_491 = arith.constant 0 : i32
    %dma_wait3A_492 = arith.constant 0 : i32
    %dma_wait3A_493 = tpu.memref_slice %arg13[%dma_wait3A_491, %dma_wait3A_492] : memref<16x512xi32, #tpu.memory_space<vmem>> -> memref<1x512xi32, #tpu.memory_space<vmem>>
    %dma_wait3A_494 = tpu.memref_squeeze %dma_wait3A_493 : memref<1x512xi32, #tpu.memory_space<vmem>> -> memref<512xi32, #tpu.memory_space<vmem>>
    %dma_wait3A_495 = arith.constant 0 : i32
    %dma_wait3A_496 = tpu.memref_slice %arg3[%dma_wait3A_495] : memref<524288xi32, #tpu.memory_space<hbm>> -> memref<512xi32, #tpu.memory_space<hbm>>
    %dma_wait3A_497 = arith.constant 0 : i32
    %dma_wait3A_498 = tpu.memref_slice %arg13[%dma_wait3A_491, %dma_wait3A_497] : memref<16x512xi32, #tpu.memory_space<vmem>> -> memref<1x512xi32, #tpu.memory_space<vmem>>
    %dma_wait3A_499 = tpu.memref_squeeze %dma_wait3A_498 : memref<1x512xi32, #tpu.memory_space<vmem>> -> memref<512xi32, #tpu.memory_space<vmem>>
    %dma_wait3A_500 = arith.constant 0 : i32
    %dma_wait3A_501 = tpu.memref_slice %arg3[%dma_wait3A_500] : memref<524288xi32, #tpu.memory_space<hbm>> -> memref<512xi32, #tpu.memory_space<hbm>>
    tpu.wait_dma2 semaphore(%arg14 : memref<!tpu.dma_semaphore, #tpu.memory_space<semaphore_mem>>) src(%dma_wait3A_501 : memref<512xi32, #tpu.memory_space<hbm>>) dst(%dma_wait3A_499 : memref<512xi32, #tpu.memory_space<vmem>>)
    %dma_wait3A_502 = arith.constant 0 : i32
    %dma_wait3A_503 = arith.constant 0 : i32
    %dma_wait3A_504 = tpu.memref_slice %arg13[%dma_wait3A_502, %dma_wait3A_503] : memref<16x512xi32, #tpu.memory_space<vmem>> -> memref<1x512xi32, #tpu.memory_space<vmem>>
    %dma_wait3A_505 = tpu.memref_squeeze %dma_wait3A_504 : memref<1x512xi32, #tpu.memory_space<vmem>> -> memref<512xi32, #tpu.memory_space<vmem>>
    %dma_wait3A_506 = arith.constant 0 : i32
    %dma_wait3A_507 = tpu.memref_slice %arg3[%dma_wait3A_506] : memref<524288xi32, #tpu.memory_space<hbm>> -> memref<512xi32, #tpu.memory_space<hbm>>
    %dma_wait3A_508 = arith.constant 0 : i32
    %dma_wait3A_509 = tpu.memref_slice %arg13[%dma_wait3A_502, %dma_wait3A_508] : memref<16x512xi32, #tpu.memory_space<vmem>> -> memref<1x512xi32, #tpu.memory_space<vmem>>
    %dma_wait3A_510 = tpu.memref_squeeze %dma_wait3A_509 : memref<1x512xi32, #tpu.memory_space<vmem>> -> memref<512xi32, #tpu.memory_space<vmem>>
    %dma_wait3A_511 = arith.constant 0 : i32
    %dma_wait3A_512 = tpu.memref_slice %arg3[%dma_wait3A_511] : memref<524288xi32, #tpu.memory_space<hbm>> -> memref<512xi32, #tpu.memory_space<hbm>>
    tpu.wait_dma2 semaphore(%arg14 : memref<!tpu.dma_semaphore, #tpu.memory_space<semaphore_mem>>) src(%dma_wait3A_512 : memref<512xi32, #tpu.memory_space<hbm>>) dst(%dma_wait3A_510 : memref<512xi32, #tpu.memory_space<vmem>>)
    %scan3A_513 = arith.constant 0 : i32
    %scan3A_514 = arith.constant 0 : i32
    %scan3A_515 = arith.constant 32 : i32
    %scan3A_516 = arith.addi %scan3A_514, %scan3A_515 : i32
    %scan3A_517 = arith.constant 1 : i32
    %scan3A_518 = scf.for %scan3A_1051 = %scan3A_514 to %scan3A_516 step %scan3A_517 iter_args(%scan3A_1052 = %scan3A_513) -> (i32)  : i32 {
      %mul3A_1053 = arith.constant 16 : i32
      %mul3A_1054 = arith.muli %scan3A_1051, %mul3A_1053 : i32
      %get3A = arith.constant 0 : i32
      %get3A_1055 = arith.index_cast %get3A : i32 to index
      %get3A_1056 = arith.index_cast %mul3A_1054 : i32 to index
      %get3A_1057 = tpu.vector_load %arg13[%get3A_1055, %get3A_1056] {strides = array<i32>} : memref<16x512xi32, #tpu.memory_space<vmem>>, vector<16xi32>,
      %lt3A = vector.broadcast %mul3A_4 : i32 to vector<16xi32>
      %lt3A_1058 = arith.cmpi slt, %get3A_1057, %lt3A : vector<16xi32>
      %all_reduce_population_count3A = tpu.all_reduce %lt3A_1058 {dim = 0 : i64, kind = #tpu.reduction_kind<sum>} : vector<16xi1> -> vector<16xi32>
      %slice3A = vector.extract_strided_slice %all_reduce_population_count3A {offsets = [0], sizes = [1], strides = [1]} : vector<16xi32> to vector<1xi32>
      %squeeze3A = vector.extract %slice3A[0] : i32 from vector<1xi32>
      %add3A_1059 = arith.addi %scan3A_1052, %squeeze3A : i32
      scf.yield %add3A_1059 : i32
    }
    %scan3A_519 = arith.constant 32 : i32
    %add3A_520 = arith.addi %mul3A_89, %scan3A_518 : i32
    %scan3A_521 = arith.constant 0 : i32
    %scan3A_522 = arith.constant 0 : i32
    %scan3A_523 = arith.constant 32 : i32
    %scan3A_524 = arith.addi %scan3A_522, %scan3A_523 : i32
    %scan3A_525 = arith.constant 1 : i32
    %scan3A_526 = scf.for %scan3A_1051 = %scan3A_522 to %scan3A_524 step %scan3A_525 iter_args(%scan3A_1052 = %scan3A_521) -> (i32)  : i32 {
      %mul3A_1053 = arith.constant 16 : i32
      %mul3A_1054 = arith.muli %scan3A_1051, %mul3A_1053 : i32
      %get3A = arith.constant 1 : i32
      %get3A_1055 = arith.index_cast %get3A : i32 to index
      %get3A_1056 = arith.index_cast %mul3A_1054 : i32 to index
      %get3A_1057 = tpu.vector_load %arg13[%get3A_1055, %get3A_1056] {strides = array<i32>} : memref<16x512xi32, #tpu.memory_space<vmem>>, vector<16xi32>,
      %lt3A = vector.broadcast %mul3A_8 : i32 to vector<16xi32>
      %lt3A_1058 = arith.cmpi slt, %get3A_1057, %lt3A : vector<16xi32>
      %all_reduce_population_count3A = tpu.all_reduce %lt3A_1058 {dim = 0 : i64, kind = #tpu.reduction_kind<sum>} : vector<16xi1> -> vector<16xi32>
      %slice3A = vector.extract_strided_slice %all_reduce_population_count3A {offsets = [0], sizes = [1], strides = [1]} : vector<16xi32> to vector<1xi32>
      %squeeze3A = vector.extract %slice3A[0] : i32 from vector<1xi32>
      %add3A_1059 = arith.addi %scan3A_1052, %squeeze3A : i32
      scf.yield %add3A_1059 : i32
    }
    %scan3A_527 = arith.constant 32 : i32
    %add3A_528 = arith.addi %mul3A_95, %scan3A_526 : i32
    %scan3A_529 = arith.constant 0 : i32
    %scan3A_530 = arith.constant 0 : i32
    %scan3A_531 = arith.constant 32 : i32
    %scan3A_532 = arith.addi %scan3A_530, %scan3A_531 : i32
    %scan3A_533 = arith.constant 1 : i32
    %scan3A_534 = scf.for %scan3A_1051 = %scan3A_530 to %scan3A_532 step %scan3A_533 iter_args(%scan3A_1052 = %scan3A_529) -> (i32)  : i32 {
      %mul3A_1053 = arith.constant 16 : i32
      %mul3A_1054 = arith.muli %scan3A_1051, %mul3A_1053 : i32
      %get3A = arith.constant 2 : i32
      %get3A_1055 = arith.index_cast %get3A : i32 to index
      %get3A_1056 = arith.index_cast %mul3A_1054 : i32 to index
      %get3A_1057 = tpu.vector_load %arg13[%get3A_1055, %get3A_1056] {strides = array<i32>} : memref<16x512xi32, #tpu.memory_space<vmem>>, vector<16xi32>,
      %lt3A = vector.broadcast %mul3A_12 : i32 to vector<16xi32>
      %lt3A_1058 = arith.cmpi slt, %get3A_1057, %lt3A : vector<16xi32>
      %all_reduce_population_count3A = tpu.all_reduce %lt3A_1058 {dim = 0 : i64, kind = #tpu.reduction_kind<sum>} : vector<16xi1> -> vector<16xi32>
      %slice3A = vector.extract_strided_slice %all_reduce_population_count3A {offsets = [0], sizes = [1], strides = [1]} : vector<16xi32> to vector<1xi32>
      %squeeze3A = vector.extract %slice3A[0] : i32 from vector<1xi32>
      %add3A_1059 = arith.addi %scan3A_1052, %squeeze3A : i32
      scf.yield %add3A_1059 : i32
    }
    %scan3A_535 = arith.constant 32 : i32
    %add3A_536 = arith.addi %mul3A_101, %scan3A_534 : i32
    %scan3A_537 = arith.constant 0 : i32
    %scan3A_538 = arith.constant 0 : i32
    %scan3A_539 = arith.constant 32 : i32
    %scan3A_540 = arith.addi %scan3A_538, %scan3A_539 : i32
    %scan3A_541 = arith.constant 1 : i32
    %scan3A_542 = scf.for %scan3A_1051 = %scan3A_538 to %scan3A_540 step %scan3A_541 iter_args(%scan3A_1052 = %scan3A_537) -> (i32)  : i32 {
      %mul3A_1053 = arith.constant 16 : i32
      %mul3A_1054 = arith.muli %scan3A_1051, %mul3A_1053 : i32
      %get3A = arith.constant 3 : i32
      %get3A_1055 = arith.index_cast %get3A : i32 to index
      %get3A_1056 = arith.index_cast %mul3A_1054 : i32 to index
      %get3A_1057 = tpu.vector_load %arg13[%get3A_1055, %get3A_1056] {strides = array<i32>} : memref<16x512xi32, #tpu.memory_space<vmem>>, vector<16xi32>,
      %lt3A = vector.broadcast %mul3A_16 : i32 to vector<16xi32>
      %lt3A_1058 = arith.cmpi slt, %get3A_1057, %lt3A : vector<16xi32>
      %all_reduce_population_count3A = tpu.all_reduce %lt3A_1058 {dim = 0 : i64, kind = #tpu.reduction_kind<sum>} : vector<16xi1> -> vector<16xi32>
      %slice3A = vector.extract_strided_slice %all_reduce_population_count3A {offsets = [0], sizes = [1], strides = [1]} : vector<16xi32> to vector<1xi32>
      %squeeze3A = vector.extract %slice3A[0] : i32 from vector<1xi32>
      %add3A_1059 = arith.addi %scan3A_1052, %squeeze3A : i32
      scf.yield %add3A_1059 : i32
    }
    %scan3A_543 = arith.constant 32 : i32
    %add3A_544 = arith.addi %mul3A_107, %scan3A_542 : i32
    %scan3A_545 = arith.constant 0 : i32
    %scan3A_546 = arith.constant 0 : i32
    %scan3A_547 = arith.constant 32 : i32
    %scan3A_548 = arith.addi %scan3A_546, %scan3A_547 : i32
    %scan3A_549 = arith.constant 1 : i32
    %scan3A_550 = scf.for %scan3A_1051 = %scan3A_546 to %scan3A_548 step %scan3A_549 iter_args(%scan3A_1052 = %scan3A_545) -> (i32)  : i32 {
      %mul3A_1053 = arith.constant 16 : i32
      %mul3A_1054 = arith.muli %scan3A_1051, %mul3A_1053 : i32
      %get3A = arith.constant 4 : i32
      %get3A_1055 = arith.index_cast %get3A : i32 to index
      %get3A_1056 = arith.index_cast %mul3A_1054 : i32 to index
      %get3A_1057 = tpu.vector_load %arg13[%get3A_1055, %get3A_1056] {strides = array<i32>} : memref<16x512xi32, #tpu.memory_space<vmem>>, vector<16xi32>,
      %lt3A = vector.broadcast %mul3A_20 : i32 to vector<16xi32>
      %lt3A_1058 = arith.cmpi slt, %get3A_1057, %lt3A : vector<16xi32>
      %all_reduce_population_count3A = tpu.all_reduce %lt3A_1058 {dim = 0 : i64, kind = #tpu.reduction_kind<sum>} : vector<16xi1> -> vector<16xi32>
      %slice3A = vector.extract_strided_slice %all_reduce_population_count3A {offsets = [0], sizes = [1], strides = [1]} : vector<16xi32> to vector<1xi32>
      %squeeze3A = vector.extract %slice3A[0] : i32 from vector<1xi32>
      %add3A_1059 = arith.addi %scan3A_1052, %squeeze3A : i32
      scf.yield %add3A_1059 : i32
    }
    %scan3A_551 = arith.constant 32 : i32
    %add3A_552 = arith.addi %mul3A_113, %scan3A_550 : i32
    %scan3A_553 = arith.constant 0 : i32
    %scan3A_554 = arith.constant 0 : i32
    %scan3A_555 = arith.constant 32 : i32
    %scan3A_556 = arith.addi %scan3A_554, %scan3A_555 : i32
    %scan3A_557 = arith.constant 1 : i32
    %scan3A_558 = scf.for %scan3A_1051 = %scan3A_554 to %scan3A_556 step %scan3A_557 iter_args(%scan3A_1052 = %scan3A_553) -> (i32)  : i32 {
      %mul3A_1053 = arith.constant 16 : i32
      %mul3A_1054 = arith.muli %scan3A_1051, %mul3A_1053 : i32
      %get3A = arith.constant 5 : i32
      %get3A_1055 = arith.index_cast %get3A : i32 to index
      %get3A_1056 = arith.index_cast %mul3A_1054 : i32 to index
      %get3A_1057 = tpu.vector_load %arg13[%get3A_1055, %get3A_1056] {strides = array<i32>} : memref<16x512xi32, #tpu.memory_space<vmem>>, vector<16xi32>,
      %lt3A = vector.broadcast %mul3A_24 : i32 to vector<16xi32>
      %lt3A_1058 = arith.cmpi slt, %get3A_1057, %lt3A : vector<16xi32>
      %all_reduce_population_count3A = tpu.all_reduce %lt3A_1058 {dim = 0 : i64, kind = #tpu.reduction_kind<sum>} : vector<16xi1> -> vector<16xi32>
      %slice3A = vector.extract_strided_slice %all_reduce_population_count3A {offsets = [0], sizes = [1], strides = [1]} : vector<16xi32> to vector<1xi32>
      %squeeze3A = vector.extract %slice3A[0] : i32 from vector<1xi32>
      %add3A_1059 = arith.addi %scan3A_1052, %squeeze3A : i32
      scf.yield %add3A_1059 : i32
    }
    %scan3A_559 = arith.constant 32 : i32
    %add3A_560 = arith.addi %mul3A_119, %scan3A_558 : i32
    %scan3A_561 = arith.constant 0 : i32
    %scan3A_562 = arith.constant 0 : i32
    %scan3A_563 = arith.constant 32 : i32
    %scan3A_564 = arith.addi %scan3A_562, %scan3A_563 : i32
    %scan3A_565 = arith.constant 1 : i32
    %scan3A_566 = scf.for %scan3A_1051 = %scan3A_562 to %scan3A_564 step %scan3A_565 iter_args(%scan3A_1052 = %scan3A_561) -> (i32)  : i32 {
      %mul3A_1053 = arith.constant 16 : i32
      %mul3A_1054 = arith.muli %scan3A_1051, %mul3A_1053 : i32
      %get3A = arith.constant 6 : i32
      %get3A_1055 = arith.index_cast %get3A : i32 to index
      %get3A_1056 = arith.index_cast %mul3A_1054 : i32 to index
      %get3A_1057 = tpu.vector_load %arg13[%get3A_1055, %get3A_1056] {strides = array<i32>} : memref<16x512xi32, #tpu.memory_space<vmem>>, vector<16xi32>,
      %lt3A = vector.broadcast %mul3A_28 : i32 to vector<16xi32>
      %lt3A_1058 = arith.cmpi slt, %get3A_1057, %lt3A : vector<16xi32>
      %all_reduce_population_count3A = tpu.all_reduce %lt3A_1058 {dim = 0 : i64, kind = #tpu.reduction_kind<sum>} : vector<16xi1> -> vector<16xi32>
      %slice3A = vector.extract_strided_slice %all_reduce_population_count3A {offsets = [0], sizes = [1], strides = [1]} : vector<16xi32> to vector<1xi32>
      %squeeze3A = vector.extract %slice3A[0] : i32 from vector<1xi32>
      %add3A_1059 = arith.addi %scan3A_1052, %squeeze3A : i32
      scf.yield %add3A_1059 : i32
    }
    %scan3A_567 = arith.constant 32 : i32
    %add3A_568 = arith.addi %mul3A_125, %scan3A_566 : i32
    %scan3A_569 = arith.constant 0 : i32
    %scan3A_570 = arith.constant 0 : i32
    %scan3A_571 = arith.constant 32 : i32
    %scan3A_572 = arith.addi %scan3A_570, %scan3A_571 : i32
    %scan3A_573 = arith.constant 1 : i32
    %scan3A_574 = scf.for %scan3A_1051 = %scan3A_570 to %scan3A_572 step %scan3A_573 iter_args(%scan3A_1052 = %scan3A_569) -> (i32)  : i32 {
      %mul3A_1053 = arith.constant 16 : i32
      %mul3A_1054 = arith.muli %scan3A_1051, %mul3A_1053 : i32
      %get3A = arith.constant 7 : i32
      %get3A_1055 = arith.index_cast %get3A : i32 to index
      %get3A_1056 = arith.index_cast %mul3A_1054 : i32 to index
      %get3A_1057 = tpu.vector_load %arg13[%get3A_1055, %get3A_1056] {strides = array<i32>} : memref<16x512xi32, #tpu.memory_space<vmem>>, vector<16xi32>,
      %lt3A = vector.broadcast %mul3A_32 : i32 to vector<16xi32>
      %lt3A_1058 = arith.cmpi slt, %get3A_1057, %lt3A : vector<16xi32>
      %all_reduce_population_count3A = tpu.all_reduce %lt3A_1058 {dim = 0 : i64, kind = #tpu.reduction_kind<sum>} : vector<16xi1> -> vector<16xi32>
      %slice3A = vector.extract_strided_slice %all_reduce_population_count3A {offsets = [0], sizes = [1], strides = [1]} : vector<16xi32> to vector<1xi32>
      %squeeze3A = vector.extract %slice3A[0] : i32 from vector<1xi32>
      %add3A_1059 = arith.addi %scan3A_1052, %squeeze3A : i32
      scf.yield %add3A_1059 : i32
    }
    %scan3A_575 = arith.constant 32 : i32
    %add3A_576 = arith.addi %mul3A_131, %scan3A_574 : i32
    %scan3A_577 = arith.constant 0 : i32
    %scan3A_578 = arith.constant 0 : i32
    %scan3A_579 = arith.constant 32 : i32
    %scan3A_580 = arith.addi %scan3A_578, %scan3A_579 : i32
    %scan3A_581 = arith.constant 1 : i32
    %scan3A_582 = scf.for %scan3A_1051 = %scan3A_578 to %scan3A_580 step %scan3A_581 iter_args(%scan3A_1052 = %scan3A_577) -> (i32)  : i32 {
      %mul3A_1053 = arith.constant 16 : i32
      %mul3A_1054 = arith.muli %scan3A_1051, %mul3A_1053 : i32
      %get3A = arith.constant 8 : i32
      %get3A_1055 = arith.index_cast %get3A : i32 to index
      %get3A_1056 = arith.index_cast %mul3A_1054 : i32 to index
      %get3A_1057 = tpu.vector_load %arg13[%get3A_1055, %get3A_1056] {strides = array<i32>} : memref<16x512xi32, #tpu.memory_space<vmem>>, vector<16xi32>,
      %lt3A = vector.broadcast %mul3A_36 : i32 to vector<16xi32>
      %lt3A_1058 = arith.cmpi slt, %get3A_1057, %lt3A : vector<16xi32>
      %all_reduce_population_count3A = tpu.all_reduce %lt3A_1058 {dim = 0 : i64, kind = #tpu.reduction_kind<sum>} : vector<16xi1> -> vector<16xi32>
      %slice3A = vector.extract_strided_slice %all_reduce_population_count3A {offsets = [0], sizes = [1], strides = [1]} : vector<16xi32> to vector<1xi32>
      %squeeze3A = vector.extract %slice3A[0] : i32 from vector<1xi32>
      %add3A_1059 = arith.addi %scan3A_1052, %squeeze3A : i32
      scf.yield %add3A_1059 : i32
    }
    %scan3A_583 = arith.constant 32 : i32
    %add3A_584 = arith.addi %mul3A_137, %scan3A_582 : i32
    %scan3A_585 = arith.constant 0 : i32
    %scan3A_586 = arith.constant 0 : i32
    %scan3A_587 = arith.constant 32 : i32
    %scan3A_588 = arith.addi %scan3A_586, %scan3A_587 : i32
    %scan3A_589 = arith.constant 1 : i32
    %scan3A_590 = scf.for %scan3A_1051 = %scan3A_586 to %scan3A_588 step %scan3A_589 iter_args(%scan3A_1052 = %scan3A_585) -> (i32)  : i32 {
      %mul3A_1053 = arith.constant 16 : i32
      %mul3A_1054 = arith.muli %scan3A_1051, %mul3A_1053 : i32
      %get3A = arith.constant 9 : i32
      %get3A_1055 = arith.index_cast %get3A : i32 to index
      %get3A_1056 = arith.index_cast %mul3A_1054 : i32 to index
      %get3A_1057 = tpu.vector_load %arg13[%get3A_1055, %get3A_1056] {strides = array<i32>} : memref<16x512xi32, #tpu.memory_space<vmem>>, vector<16xi32>,
      %lt3A = vector.broadcast %mul3A_40 : i32 to vector<16xi32>
      %lt3A_1058 = arith.cmpi slt, %get3A_1057, %lt3A : vector<16xi32>
      %all_reduce_population_count3A = tpu.all_reduce %lt3A_1058 {dim = 0 : i64, kind = #tpu.reduction_kind<sum>} : vector<16xi1> -> vector<16xi32>
      %slice3A = vector.extract_strided_slice %all_reduce_population_count3A {offsets = [0], sizes = [1], strides = [1]} : vector<16xi32> to vector<1xi32>
      %squeeze3A = vector.extract %slice3A[0] : i32 from vector<1xi32>
      %add3A_1059 = arith.addi %scan3A_1052, %squeeze3A : i32
      scf.yield %add3A_1059 : i32
    }
    %scan3A_591 = arith.constant 32 : i32
    %add3A_592 = arith.addi %mul3A_143, %scan3A_590 : i32
    %scan3A_593 = arith.constant 0 : i32
    %scan3A_594 = arith.constant 0 : i32
    %scan3A_595 = arith.constant 32 : i32
    %scan3A_596 = arith.addi %scan3A_594, %scan3A_595 : i32
    %scan3A_597 = arith.constant 1 : i32
    %scan3A_598 = scf.for %scan3A_1051 = %scan3A_594 to %scan3A_596 step %scan3A_597 iter_args(%scan3A_1052 = %scan3A_593) -> (i32)  : i32 {
      %mul3A_1053 = arith.constant 16 : i32
      %mul3A_1054 = arith.muli %scan3A_1051, %mul3A_1053 : i32
      %get3A = arith.constant 10 : i32
      %get3A_1055 = arith.index_cast %get3A : i32 to index
      %get3A_1056 = arith.index_cast %mul3A_1054 : i32 to index
      %get3A_1057 = tpu.vector_load %arg13[%get3A_1055, %get3A_1056] {strides = array<i32>} : memref<16x512xi32, #tpu.memory_space<vmem>>, vector<16xi32>,
      %lt3A = vector.broadcast %mul3A_44 : i32 to vector<16xi32>
      %lt3A_1058 = arith.cmpi slt, %get3A_1057, %lt3A : vector<16xi32>
      %all_reduce_population_count3A = tpu.all_reduce %lt3A_1058 {dim = 0 : i64, kind = #tpu.reduction_kind<sum>} : vector<16xi1> -> vector<16xi32>
      %slice3A = vector.extract_strided_slice %all_reduce_population_count3A {offsets = [0], sizes = [1], strides = [1]} : vector<16xi32> to vector<1xi32>
      %squeeze3A = vector.extract %slice3A[0] : i32 from vector<1xi32>
      %add3A_1059 = arith.addi %scan3A_1052, %squeeze3A : i32
      scf.yield %add3A_1059 : i32
    }
    %scan3A_599 = arith.constant 32 : i32
    %add3A_600 = arith.addi %mul3A_149, %scan3A_598 : i32
    %scan3A_601 = arith.constant 0 : i32
    %scan3A_602 = arith.constant 0 : i32
    %scan3A_603 = arith.constant 32 : i32
    %scan3A_604 = arith.addi %scan3A_602, %scan3A_603 : i32
    %scan3A_605 = arith.constant 1 : i32
    %scan3A_606 = scf.for %scan3A_1051 = %scan3A_602 to %scan3A_604 step %scan3A_605 iter_args(%scan3A_1052 = %scan3A_601) -> (i32)  : i32 {
      %mul3A_1053 = arith.constant 16 : i32
      %mul3A_1054 = arith.muli %scan3A_1051, %mul3A_1053 : i32
      %get3A = arith.constant 11 : i32
      %get3A_1055 = arith.index_cast %get3A : i32 to index
      %get3A_1056 = arith.index_cast %mul3A_1054 : i32 to index
      %get3A_1057 = tpu.vector_load %arg13[%get3A_1055, %get3A_1056] {strides = array<i32>} : memref<16x512xi32, #tpu.memory_space<vmem>>, vector<16xi32>,
      %lt3A = vector.broadcast %mul3A_48 : i32 to vector<16xi32>
      %lt3A_1058 = arith.cmpi slt, %get3A_1057, %lt3A : vector<16xi32>
      %all_reduce_population_count3A = tpu.all_reduce %lt3A_1058 {dim = 0 : i64, kind = #tpu.reduction_kind<sum>} : vector<16xi1> -> vector<16xi32>
      %slice3A = vector.extract_strided_slice %all_reduce_population_count3A {offsets = [0], sizes = [1], strides = [1]} : vector<16xi32> to vector<1xi32>
      %squeeze3A = vector.extract %slice3A[0] : i32 from vector<1xi32>
      %add3A_1059 = arith.addi %scan3A_1052, %squeeze3A : i32
      scf.yield %add3A_1059 : i32
    }
    %scan3A_607 = arith.constant 32 : i32
    %add3A_608 = arith.addi %mul3A_155, %scan3A_606 : i32
    %scan3A_609 = arith.constant 0 : i32
    %scan3A_610 = arith.constant 0 : i32
    %scan3A_611 = arith.constant 32 : i32
    %scan3A_612 = arith.addi %scan3A_610, %scan3A_611 : i32
    %scan3A_613 = arith.constant 1 : i32
    %scan3A_614 = scf.for %scan3A_1051 = %scan3A_610 to %scan3A_612 step %scan3A_613 iter_args(%scan3A_1052 = %scan3A_609) -> (i32)  : i32 {
      %mul3A_1053 = arith.constant 16 : i32
      %mul3A_1054 = arith.muli %scan3A_1051, %mul3A_1053 : i32
      %get3A = arith.constant 12 : i32
      %get3A_1055 = arith.index_cast %get3A : i32 to index
      %get3A_1056 = arith.index_cast %mul3A_1054 : i32 to index
      %get3A_1057 = tpu.vector_load %arg13[%get3A_1055, %get3A_1056] {strides = array<i32>} : memref<16x512xi32, #tpu.memory_space<vmem>>, vector<16xi32>,
      %lt3A = vector.broadcast %mul3A_52 : i32 to vector<16xi32>
      %lt3A_1058 = arith.cmpi slt, %get3A_1057, %lt3A : vector<16xi32>
      %all_reduce_population_count3A = tpu.all_reduce %lt3A_1058 {dim = 0 : i64, kind = #tpu.reduction_kind<sum>} : vector<16xi1> -> vector<16xi32>
      %slice3A = vector.extract_strided_slice %all_reduce_population_count3A {offsets = [0], sizes = [1], strides = [1]} : vector<16xi32> to vector<1xi32>
      %squeeze3A = vector.extract %slice3A[0] : i32 from vector<1xi32>
      %add3A_1059 = arith.addi %scan3A_1052, %squeeze3A : i32
      scf.yield %add3A_1059 : i32
    }
    %scan3A_615 = arith.constant 32 : i32
    %add3A_616 = arith.addi %mul3A_161, %scan3A_614 : i32
    %scan3A_617 = arith.constant 0 : i32
    %scan3A_618 = arith.constant 0 : i32
    %scan3A_619 = arith.constant 32 : i32
    %scan3A_620 = arith.addi %scan3A_618, %scan3A_619 : i32
    %scan3A_621 = arith.constant 1 : i32
    %scan3A_622 = scf.for %scan3A_1051 = %scan3A_618 to %scan3A_620 step %scan3A_621 iter_args(%scan3A_1052 = %scan3A_617) -> (i32)  : i32 {
      %mul3A_1053 = arith.constant 16 : i32
      %mul3A_1054 = arith.muli %scan3A_1051, %mul3A_1053 : i32
      %get3A = arith.constant 13 : i32
      %get3A_1055 = arith.index_cast %get3A : i32 to index
      %get3A_1056 = arith.index_cast %mul3A_1054 : i32 to index
      %get3A_1057 = tpu.vector_load %arg13[%get3A_1055, %get3A_1056] {strides = array<i32>} : memref<16x512xi32, #tpu.memory_space<vmem>>, vector<16xi32>,
      %lt3A = vector.broadcast %mul3A_56 : i32 to vector<16xi32>
      %lt3A_1058 = arith.cmpi slt, %get3A_1057, %lt3A : vector<16xi32>
      %all_reduce_population_count3A = tpu.all_reduce %lt3A_1058 {dim = 0 : i64, kind = #tpu.reduction_kind<sum>} : vector<16xi1> -> vector<16xi32>
      %slice3A = vector.extract_strided_slice %all_reduce_population_count3A {offsets = [0], sizes = [1], strides = [1]} : vector<16xi32> to vector<1xi32>
      %squeeze3A = vector.extract %slice3A[0] : i32 from vector<1xi32>
      %add3A_1059 = arith.addi %scan3A_1052, %squeeze3A : i32
      scf.yield %add3A_1059 : i32
    }
    %scan3A_623 = arith.constant 32 : i32
    %add3A_624 = arith.addi %mul3A_167, %scan3A_622 : i32
    %scan3A_625 = arith.constant 0 : i32
    %scan3A_626 = arith.constant 0 : i32
    %scan3A_627 = arith.constant 32 : i32
    %scan3A_628 = arith.addi %scan3A_626, %scan3A_627 : i32
    %scan3A_629 = arith.constant 1 : i32
    %scan3A_630 = scf.for %scan3A_1051 = %scan3A_626 to %scan3A_628 step %scan3A_629 iter_args(%scan3A_1052 = %scan3A_625) -> (i32)  : i32 {
      %mul3A_1053 = arith.constant 16 : i32
      %mul3A_1054 = arith.muli %scan3A_1051, %mul3A_1053 : i32
      %get3A = arith.constant 14 : i32
      %get3A_1055 = arith.index_cast %get3A : i32 to index
      %get3A_1056 = arith.index_cast %mul3A_1054 : i32 to index
      %get3A_1057 = tpu.vector_load %arg13[%get3A_1055, %get3A_1056] {strides = array<i32>} : memref<16x512xi32, #tpu.memory_space<vmem>>, vector<16xi32>,
      %lt3A = vector.broadcast %mul3A_60 : i32 to vector<16xi32>
      %lt3A_1058 = arith.cmpi slt, %get3A_1057, %lt3A : vector<16xi32>
      %all_reduce_population_count3A = tpu.all_reduce %lt3A_1058 {dim = 0 : i64, kind = #tpu.reduction_kind<sum>} : vector<16xi1> -> vector<16xi32>
      %slice3A = vector.extract_strided_slice %all_reduce_population_count3A {offsets = [0], sizes = [1], strides = [1]} : vector<16xi32> to vector<1xi32>
      %squeeze3A = vector.extract %slice3A[0] : i32 from vector<1xi32>
      %add3A_1059 = arith.addi %scan3A_1052, %squeeze3A : i32
      scf.yield %add3A_1059 : i32
    }
    %scan3A_631 = arith.constant 32 : i32
    %add3A_632 = arith.addi %mul3A_173, %scan3A_630 : i32
    %scan3A_633 = arith.constant 0 : i32
    %scan3A_634 = arith.constant 0 : i32
    %scan3A_635 = arith.constant 32 : i32
    %scan3A_636 = arith.addi %scan3A_634, %scan3A_635 : i32
    %scan3A_637 = arith.constant 1 : i32
    %scan3A_638 = scf.for %scan3A_1051 = %scan3A_634 to %scan3A_636 step %scan3A_637 iter_args(%scan3A_1052 = %scan3A_633) -> (i32)  : i32 {
      %mul3A_1053 = arith.constant 16 : i32
      %mul3A_1054 = arith.muli %scan3A_1051, %mul3A_1053 : i32
      %get3A = arith.constant 15 : i32
      %get3A_1055 = arith.index_cast %get3A : i32 to index
      %get3A_1056 = arith.index_cast %mul3A_1054 : i32 to index
      %get3A_1057 = tpu.vector_load %arg13[%get3A_1055, %get3A_1056] {strides = array<i32>} : memref<16x512xi32, #tpu.memory_space<vmem>>, vector<16xi32>,
      %lt3A = vector.broadcast %mul3A_64 : i32 to vector<16xi32>
      %lt3A_1058 = arith.cmpi slt, %get3A_1057, %lt3A : vector<16xi32>
      %all_reduce_population_count3A = tpu.all_reduce %lt3A_1058 {dim = 0 : i64, kind = #tpu.reduction_kind<sum>} : vector<16xi1> -> vector<16xi32>
      %slice3A = vector.extract_strided_slice %all_reduce_population_count3A {offsets = [0], sizes = [1], strides = [1]} : vector<16xi32> to vector<1xi32>
      %squeeze3A = vector.extract %slice3A[0] : i32 from vector<1xi32>
      %add3A_1059 = arith.addi %scan3A_1052, %squeeze3A : i32
      scf.yield %add3A_1059 : i32
    }
    %scan3A_639 = arith.constant 32 : i32
    %add3A_640 = arith.addi %mul3A_179, %scan3A_638 : i32
    %add3A_641 = arith.constant 0 : i32
    %add3A_642 = arith.addi %add3A, %add3A_641 : i32
    %mul3A_643 = arith.constant 32768 : i32
    %mul3A_644 = arith.muli %add3A_642, %mul3A_643 : i32
    %sub3A_645 = arith.subi %add3A_528, %add3A_520 : i32
    %eq3A = arith.constant 32768 : i32
    %eq3A_646 = arith.cmpi eq, %sub3A_645, %eq3A : i32
    %and3A = arith.constant 7 : i32
    %and3A_647 = arith.andi %add3A_520, %and3A : i32
    %eq3A_648 = arith.constant 0 : i32
    %eq3A_649 = arith.cmpi eq, %and3A_647, %eq3A_648 : i32
    %and3A_650 = arith.andi %eq3A_646, %eq3A_649 : i1
    %convert_element_type3A = arith.extui %and3A_650 : i1 to i32
    %cond3A = arith.constant 0 : i32
    %cond3A_651 = arith.cmpi ne, %convert_element_type3A, %cond3A : i32
    scf.if %cond3A_651 {
      %multiple_of3A_1051 = tpu.assume_multiple %add3A_520, 8 : i32
      %dma_start3A_1052 = tpu.memref_slice %arg4[%multiple_of3A_1051] : memref<524288xf32, #tpu.memory_space<hbm>> -> memref<32768xf32, #tpu.memory_space<hbm>>
      %dma_start3A_1053 = tpu.memref_slice %arg4[%multiple_of3A_1051] : memref<524288xf32, #tpu.memory_space<hbm>> -> memref<32768xf32, #tpu.memory_space<hbm>>
      tpu.enqueue_dma source(%dma_start3A_1053 : memref<32768xf32, #tpu.memory_space<hbm>>) target(%arg7 : memref<32768xf32, #tpu.memory_space<vmem>>) target_semaphore(%arg15 : memref<!tpu.dma_semaphore, #tpu.memory_space<semaphore_mem>>)
    } else {
    }
    %not3A = arith.constant true
    %not3A_652 = arith.xori %and3A_650, %not3A : i1
    %convert_element_type3A_653 = arith.extui %not3A_652 : i1 to i32
    %cond3A_654 = arith.constant 0 : i32
    %cond3A_655 = arith.cmpi ne, %convert_element_type3A_653, %cond3A_654 : i32
    scf.if %cond3A_655 {
      %dma_start3A_1051 = tpu.memref_slice %arg2[%mul3A_644] : memref<8388608xf32, #tpu.memory_space<hbm>> -> memref<32768xf32, #tpu.memory_space<hbm>>
      %dma_start3A_1052 = tpu.memref_slice %arg2[%mul3A_644] : memref<8388608xf32, #tpu.memory_space<hbm>> -> memref<32768xf32, #tpu.memory_space<hbm>>
      tpu.enqueue_dma source(%dma_start3A_1052 : memref<32768xf32, #tpu.memory_space<hbm>>) target(%arg7 : memref<32768xf32, #tpu.memory_space<vmem>>) target_semaphore(%arg15 : memref<!tpu.dma_semaphore, #tpu.memory_space<semaphore_mem>>)
    } else {
    }
    %add3A_656 = arith.constant 0 : i32
    %add3A_657 = arith.addi %add3A, %add3A_656 : i32
    %mul3A_658 = arith.constant 32768 : i32
    %mul3A_659 = arith.muli %add3A_657, %mul3A_658 : i32
    %sub3A_660 = arith.subi %add3A_528, %add3A_520 : i32
    %eq3A_661 = arith.constant 32768 : i32
    %eq3A_662 = arith.cmpi eq, %sub3A_660, %eq3A_661 : i32
    %and3A_663 = arith.constant 7 : i32
    %and3A_664 = arith.andi %add3A_520, %and3A_663 : i32
    %eq3A_665 = arith.constant 0 : i32
    %eq3A_666 = arith.cmpi eq, %and3A_664, %eq3A_665 : i32
    %and3A_667 = arith.andi %eq3A_662, %eq3A_666 : i1
    %add3A_668 = arith.constant 32768 : i32
    %add3A_669 = arith.addi %mul3A_659, %add3A_668 : i32
    %add3A_670 = arith.constant 32 : i32
    %add3A_671 = arith.addi %add3A, %add3A_670 : i32
    %mul3A_672 = arith.constant 32768 : i32
    %mul3A_673 = arith.muli %add3A_671, %mul3A_672 : i32
    %sub3A_674 = arith.subi %add3A_544, %add3A_536 : i32
    %eq3A_675 = arith.constant 32768 : i32
    %eq3A_676 = arith.cmpi eq, %sub3A_674, %eq3A_675 : i32
    %and3A_677 = arith.constant 7 : i32
    %and3A_678 = arith.andi %add3A_536, %and3A_677 : i32
    %eq3A_679 = arith.constant 0 : i32
    %eq3A_680 = arith.cmpi eq, %and3A_678, %eq3A_679 : i32
    %and3A_681 = arith.andi %eq3A_676, %eq3A_680 : i1
    %convert_element_type3A_682 = arith.extui %and3A_681 : i1 to i32
    %cond3A_683 = arith.constant 0 : i32
    %cond3A_684 = arith.cmpi ne, %convert_element_type3A_682, %cond3A_683 : i32
    scf.if %cond3A_684 {
      %multiple_of3A_1051 = tpu.assume_multiple %add3A_536, 8 : i32
      %dma_start3A_1052 = tpu.memref_slice %arg4[%multiple_of3A_1051] : memref<524288xf32, #tpu.memory_space<hbm>> -> memref<32768xf32, #tpu.memory_space<hbm>>
      %dma_start3A_1053 = tpu.memref_slice %arg4[%multiple_of3A_1051] : memref<524288xf32, #tpu.memory_space<hbm>> -> memref<32768xf32, #tpu.memory_space<hbm>>
      tpu.enqueue_dma source(%dma_start3A_1053 : memref<32768xf32, #tpu.memory_space<hbm>>) target(%arg8 : memref<32768xf32, #tpu.memory_space<vmem>>) target_semaphore(%arg16 : memref<!tpu.dma_semaphore, #tpu.memory_space<semaphore_mem>>)
    } else {
    }
    %not3A_685 = arith.constant true
    %not3A_686 = arith.xori %and3A_681, %not3A_685 : i1
    %convert_element_type3A_687 = arith.extui %not3A_686 : i1 to i32
    %cond3A_688 = arith.constant 0 : i32
    %cond3A_689 = arith.cmpi ne, %convert_element_type3A_687, %cond3A_688 : i32
    scf.if %cond3A_689 {
      %dma_start3A_1051 = tpu.memref_slice %arg2[%mul3A_673] : memref<8388608xf32, #tpu.memory_space<hbm>> -> memref<32768xf32, #tpu.memory_space<hbm>>
      %dma_start3A_1052 = tpu.memref_slice %arg2[%mul3A_673] : memref<8388608xf32, #tpu.memory_space<hbm>> -> memref<32768xf32, #tpu.memory_space<hbm>>
      tpu.enqueue_dma source(%dma_start3A_1052 : memref<32768xf32, #tpu.memory_space<hbm>>) target(%arg8 : memref<32768xf32, #tpu.memory_space<vmem>>) target_semaphore(%arg16 : memref<!tpu.dma_semaphore, #tpu.memory_space<semaphore_mem>>)
    } else {
    }
    %dma_wait3A_690 = arith.constant 0 : i32
    %dma_wait3A_691 = tpu.memref_slice %arg2[%dma_wait3A_690] : memref<8388608xf32, #tpu.memory_space<hbm>> -> memref<32768xf32, #tpu.memory_space<hbm>>
    %dma_wait3A_692 = arith.constant 0 : i32
    %dma_wait3A_693 = tpu.memref_slice %arg2[%dma_wait3A_692] : memref<8388608xf32, #tpu.memory_space<hbm>> -> memref<32768xf32, #tpu.memory_space<hbm>>
    tpu.wait_dma2 semaphore(%arg15 : memref<!tpu.dma_semaphore, #tpu.memory_space<semaphore_mem>>) src(%dma_wait3A_693 : memref<32768xf32, #tpu.memory_space<hbm>>) dst(%arg7 : memref<32768xf32, #tpu.memory_space<vmem>>)
    %gt3A = arith.constant 0 : i32
    %gt3A_694 = arith.cmpi sgt, %sub3A_660, %gt3A : i32
    %not3A_695 = arith.constant true
    %not3A_696 = arith.xori %and3A_667, %not3A_695 : i1
    %and3A_697 = arith.andi %gt3A_694, %not3A_696 : i1
    %convert_element_type3A_698 = arith.extui %and3A_697 : i1 to i32
    %cond3A_699 = arith.constant 0 : i32
    %cond3A_700 = arith.cmpi ne, %convert_element_type3A_698, %cond3A_699 : i32
    scf.if %cond3A_700 {
      %and3A_1051 = arith.constant -8 : i32
      %and3A_1052 = arith.andi %add3A_520, %and3A_1051 : i32
      %sub3A_1053 = arith.subi %add3A_528, %and3A_1052 : i32
      %add3A_1054 = arith.constant 2048 : i32
      %add3A_1055 = arith.addi %sub3A_1053, %add3A_1054 : i32
      %sub3A_1056 = arith.constant 1 : i32
      %sub3A_1057 = arith.subi %add3A_1055, %sub3A_1056 : i32
      %jit3A = arith.constant 2048 : i32
      %div3A = arith.divsi %sub3A_1057, %jit3A : i32
      %sign3A = arith.constant 0 : i32
      %sign3A_1058 = arith.cmpi sgt, %sub3A_1057, %sign3A : i32
      %sign3A_1059 = arith.extui %sign3A_1058 : i1 to i32
      %sign3A_1060 = arith.constant 0 : i32
      %sign3A_1061 = arith.cmpi slt, %sub3A_1057, %sign3A_1060 : i32
      %sign3A_1062 = arith.extui %sign3A_1061 : i1 to i32
      %sign3A_1063 = arith.subi %sign3A_1059, %sign3A_1062 : i32
      %sign3A_1064 = arith.constant 0 : i32
      %sign3A_1065 = arith.cmpi sgt, %jit3A, %sign3A_1064 : i32
      %sign3A_1066 = arith.extui %sign3A_1065 : i1 to i32
      %sign3A_1067 = arith.constant 0 : i32
      %sign3A_1068 = arith.cmpi slt, %jit3A, %sign3A_1067 : i32
      %sign3A_1069 = arith.extui %sign3A_1068 : i1 to i32
      %sign3A_1070 = arith.subi %sign3A_1066, %sign3A_1069 : i32
      %ne3A = arith.cmpi ne, %sign3A_1063, %sign3A_1070 : i32
      %rem3A = arith.remsi %sub3A_1057, %jit3A : i32
      %ne3A_1071 = arith.constant 0 : i32
      %ne3A_1072 = arith.cmpi ne, %rem3A, %ne3A_1071 : i32
      %and3A_1073 = arith.andi %ne3A, %ne3A_1072 : i1
      %sub3A_1074 = arith.constant 1 : i32
      %sub3A_1075 = arith.subi %div3A, %sub3A_1074 : i32
      %select_n3A = arith.select %and3A_1073, %sub3A_1075, %div3A : i32
      %while3A = arith.constant 0 : i32
      %while3A_1076 = arith.constant 0 : i32
      %while3A_1077 = arith.subi %select_n3A, %while3A_1076 : i32
      %while3A_1078 = arith.addi %while3A_1076, %while3A_1077 : i32
      %while3A_1079 = arith.constant 1 : i32
      %while3A_1080 = arith.divsi %while3A_1077, %while3A_1079 : i32
      %while3A_1081 = arith.muli %while3A_1080, %while3A_1079 : i32
      %while3A_1082 = arith.addi %while3A_1076, %while3A_1081 : i32
      %while3A_1083 = arith.constant 1 : i32
      scf.for %while3A_1085 = %while3A_1076 to %while3A_1082 step %while3A_1083  : i32 {
        %mul3A_1086 = arith.constant 2048 : i32
        %mul3A_1087 = arith.muli %while3A_1085, %mul3A_1086 : i32
        %add3A_1088 = arith.addi %and3A_1052, %mul3A_1087 : i32
        %min3A = arith.constant 522240 : i32
        %min3A_1089 = arith.minsi %add3A_1088, %min3A : i32
        %multiple_of3A_1090 = tpu.assume_multiple %min3A_1089, 8 : i32
        "tpu.region"() ({
          %run_scoped3A = tpu.sem_alloc : memref<!tpu.dma_semaphore, #tpu.memory_space<semaphore_mem>>
          %dma_start3A_1132 = tpu.memref_slice %arg3[%multiple_of3A_1090] : memref<524288xi32, #tpu.memory_space<hbm>> -> memref<2048xi32, #tpu.memory_space<hbm>>
          %dma_start3A_1133 = tpu.memref_slice %arg3[%multiple_of3A_1090] : memref<524288xi32, #tpu.memory_space<hbm>> -> memref<2048xi32, #tpu.memory_space<hbm>>
          tpu.enqueue_dma source(%dma_start3A_1133 : memref<2048xi32, #tpu.memory_space<hbm>>) target(%arg10 : memref<2048xi32, #tpu.memory_space<vmem>>) target_semaphore(%run_scoped3A : memref<!tpu.dma_semaphore, #tpu.memory_space<semaphore_mem>>)
          %dma_wait3A_1134 = tpu.memref_slice %arg3[%multiple_of3A_1090] : memref<524288xi32, #tpu.memory_space<hbm>> -> memref<2048xi32, #tpu.memory_space<hbm>>
          %dma_wait3A_1135 = tpu.memref_slice %arg3[%multiple_of3A_1090] : memref<524288xi32, #tpu.memory_space<hbm>> -> memref<2048xi32, #tpu.memory_space<hbm>>
          tpu.wait_dma2 semaphore(%run_scoped3A : memref<!tpu.dma_semaphore, #tpu.memory_space<semaphore_mem>>) src(%dma_wait3A_1135 : memref<2048xi32, #tpu.memory_space<hbm>>) dst(%arg10 : memref<2048xi32, #tpu.memory_space<vmem>>)
          tpu.yield
        }) : () -> ()
        "tpu.region"() ({
          %run_scoped3A = tpu.sem_alloc : memref<!tpu.dma_semaphore, #tpu.memory_space<semaphore_mem>>
          %dma_start3A_1132 = tpu.memref_slice %arg4[%multiple_of3A_1090] : memref<524288xf32, #tpu.memory_space<hbm>> -> memref<2048xf32, #tpu.memory_space<hbm>>
          %dma_start3A_1133 = tpu.memref_slice %arg4[%multiple_of3A_1090] : memref<524288xf32, #tpu.memory_space<hbm>> -> memref<2048xf32, #tpu.memory_space<hbm>>
          tpu.enqueue_dma source(%dma_start3A_1133 : memref<2048xf32, #tpu.memory_space<hbm>>) target(%arg11 : memref<2048xf32, #tpu.memory_space<vmem>>) target_semaphore(%run_scoped3A : memref<!tpu.dma_semaphore, #tpu.memory_space<semaphore_mem>>)
          %dma_wait3A_1134 = tpu.memref_slice %arg4[%multiple_of3A_1090] : memref<524288xf32, #tpu.memory_space<hbm>> -> memref<2048xf32, #tpu.memory_space<hbm>>
          %dma_wait3A_1135 = tpu.memref_slice %arg4[%multiple_of3A_1090] : memref<524288xf32, #tpu.memory_space<hbm>> -> memref<2048xf32, #tpu.memory_space<hbm>>
          tpu.wait_dma2 semaphore(%run_scoped3A : memref<!tpu.dma_semaphore, #tpu.memory_space<semaphore_mem>>) src(%dma_wait3A_1135 : memref<2048xf32, #tpu.memory_space<hbm>>) dst(%arg11 : memref<2048xf32, #tpu.memory_space<vmem>>)
          tpu.yield
        }) : () -> ()
        %sub3A_1091 = arith.subi %add3A_528, %multiple_of3A_1090 : i32
        %add3A_1092 = arith.constant 16 : i32
        %add3A_1093 = arith.addi %sub3A_1091, %add3A_1092 : i32
        %sub3A_1094 = arith.constant 1 : i32
        %sub3A_1095 = arith.subi %add3A_1093, %sub3A_1094 : i32
        %jit3A_1096 = arith.constant 16 : i32
        %div3A_1097 = arith.divsi %sub3A_1095, %jit3A_1096 : i32
        %sign3A_1098 = arith.constant 0 : i32
        %sign3A_1099 = arith.cmpi sgt, %sub3A_1095, %sign3A_1098 : i32
        %sign3A_1100 = arith.extui %sign3A_1099 : i1 to i32
        %sign3A_1101 = arith.constant 0 : i32
        %sign3A_1102 = arith.cmpi slt, %sub3A_1095, %sign3A_1101 : i32
        %sign3A_1103 = arith.extui %sign3A_1102 : i1 to i32
        %sign3A_1104 = arith.subi %sign3A_1100, %sign3A_1103 : i32
        %sign3A_1105 = arith.constant 0 : i32
        %sign3A_1106 = arith.cmpi sgt, %jit3A_1096, %sign3A_1105 : i32
        %sign3A_1107 = arith.extui %sign3A_1106 : i1 to i32
        %sign3A_1108 = arith.constant 0 : i32
        %sign3A_1109 = arith.cmpi slt, %jit3A_1096, %sign3A_1108 : i32
        %sign3A_1110 = arith.extui %sign3A_1109 : i1 to i32
        %sign3A_1111 = arith.subi %sign3A_1107, %sign3A_1110 : i32
        %ne3A_1112 = arith.cmpi ne, %sign3A_1104, %sign3A_1111 : i32
        %rem3A_1113 = arith.remsi %sub3A_1095, %jit3A_1096 : i32
        %ne3A_1114 = arith.constant 0 : i32
        %ne3A_1115 = arith.cmpi ne, %rem3A_1113, %ne3A_1114 : i32
        %and3A_1116 = arith.andi %ne3A_1112, %ne3A_1115 : i1
        %sub3A_1117 = arith.constant 1 : i32
        %sub3A_1118 = arith.subi %div3A_1097, %sub3A_1117 : i32
        %select_n3A_1119 = arith.select %and3A_1116, %sub3A_1118, %div3A_1097 : i32
        %min3A_1120 = arith.constant 128 : i32
        %min3A_1121 = arith.minsi %select_n3A_1119, %min3A_1120 : i32
        %while3A_1122 = arith.constant 0 : i32
        %while3A_1123 = arith.constant 0 : i32
        %while3A_1124 = arith.subi %min3A_1121, %while3A_1123 : i32
        %while3A_1125 = arith.addi %while3A_1123, %while3A_1124 : i32
        %while3A_1126 = arith.constant 1 : i32
        %while3A_1127 = arith.divsi %while3A_1124, %while3A_1126 : i32
        %while3A_1128 = arith.muli %while3A_1127, %while3A_1126 : i32
        %while3A_1129 = arith.addi %while3A_1123, %while3A_1128 : i32
        %while3A_1130 = arith.constant 1 : i32
        scf.for %while3A_1132 = %while3A_1123 to %while3A_1129 step %while3A_1130  : i32 {
          %mul3A_1133 = arith.constant 16 : i32
          %mul3A_1134 = arith.muli %while3A_1132, %mul3A_1133 : i32
          %get3A = arith.index_cast %mul3A_1134 : i32 to index
          %get3A_1135 = tpu.vector_load %arg10[%get3A] {strides = array<i32>} : memref<2048xi32, #tpu.memory_space<vmem>>, vector<16xi32>,
          %mul3A_1136 = arith.constant 16 : i32
          %mul3A_1137 = arith.muli %while3A_1132, %mul3A_1136 : i32
          %get3A_1138 = arith.index_cast %mul3A_1137 : i32 to index
          %get3A_1139 = tpu.vector_load %arg11[%get3A_1138] {strides = array<i32>} : memref<2048xf32, #tpu.memory_space<vmem>>, vector<16xf32>,
          %ge3A = vector.broadcast %mul3A_659 : i32 to vector<16xi32>
          %ge3A_1140 = arith.cmpi sge, %get3A_1135, %ge3A : vector<16xi32>
          %lt3A = vector.broadcast %add3A_669 : i32 to vector<16xi32>
          %lt3A_1141 = arith.cmpi slt, %get3A_1135, %lt3A : vector<16xi32>
          %and3A_1142 = arith.andi %ge3A_1140, %lt3A_1141 : vector<16xi1>
          %sub3A_1143 = vector.broadcast %mul3A_659 : i32 to vector<16xi32>
          %sub3A_1144 = arith.subi %get3A_1135, %sub3A_1143 : vector<16xi32>
          tpu.vector_store_idx %arg7[%sub3A_1144], %get3A_1139 masked %and3A_1142 : memref<32768xf32, #tpu.memory_space<vmem>>[vector<16xi32>], vector<16xf32>, vector<16xi1>
        }
        %while3A_1131 = arith.constant 1 : i32
        scf.for %while3A_1132 = %while3A_1129 to %while3A_1125 step %while3A_1131  : i32 {
          %mul3A_1133 = arith.constant 16 : i32
          %mul3A_1134 = arith.muli %while3A_1132, %mul3A_1133 : i32
          %get3A = arith.index_cast %mul3A_1134 : i32 to index
          %get3A_1135 = tpu.vector_load %arg10[%get3A] {strides = array<i32>} : memref<2048xi32, #tpu.memory_space<vmem>>, vector<16xi32>,
          %mul3A_1136 = arith.constant 16 : i32
          %mul3A_1137 = arith.muli %while3A_1132, %mul3A_1136 : i32
          %get3A_1138 = arith.index_cast %mul3A_1137 : i32 to index
          %get3A_1139 = tpu.vector_load %arg11[%get3A_1138] {strides = array<i32>} : memref<2048xf32, #tpu.memory_space<vmem>>, vector<16xf32>,
          %ge3A = vector.broadcast %mul3A_659 : i32 to vector<16xi32>
          %ge3A_1140 = arith.cmpi sge, %get3A_1135, %ge3A : vector<16xi32>
          %lt3A = vector.broadcast %add3A_669 : i32 to vector<16xi32>
          %lt3A_1141 = arith.cmpi slt, %get3A_1135, %lt3A : vector<16xi32>
          %and3A_1142 = arith.andi %ge3A_1140, %lt3A_1141 : vector<16xi1>
          %sub3A_1143 = vector.broadcast %mul3A_659 : i32 to vector<16xi32>
          %sub3A_1144 = arith.subi %get3A_1135, %sub3A_1143 : vector<16xi32>
          tpu.vector_store_idx %arg7[%sub3A_1144], %get3A_1139 masked %and3A_1142 : memref<32768xf32, #tpu.memory_space<vmem>>[vector<16xi32>], vector<16xf32>, vector<16xi1>
        }
      }
      %while3A_1084 = arith.constant 1 : i32
      scf.for %while3A_1085 = %while3A_1082 to %while3A_1078 step %while3A_1084  : i32 {
        %mul3A_1086 = arith.constant 2048 : i32
        %mul3A_1087 = arith.muli %while3A_1085, %mul3A_1086 : i32
        %add3A_1088 = arith.addi %and3A_1052, %mul3A_1087 : i32
        %min3A = arith.constant 522240 : i32
        %min3A_1089 = arith.minsi %add3A_1088, %min3A : i32
        %multiple_of3A_1090 = tpu.assume_multiple %min3A_1089, 8 : i32
        "tpu.region"() ({
          %run_scoped3A = tpu.sem_alloc : memref<!tpu.dma_semaphore, #tpu.memory_space<semaphore_mem>>
          %dma_start3A_1132 = tpu.memref_slice %arg3[%multiple_of3A_1090] : memref<524288xi32, #tpu.memory_space<hbm>> -> memref<2048xi32, #tpu.memory_space<hbm>>
          %dma_start3A_1133 = tpu.memref_slice %arg3[%multiple_of3A_1090] : memref<524288xi32, #tpu.memory_space<hbm>> -> memref<2048xi32, #tpu.memory_space<hbm>>
          tpu.enqueue_dma source(%dma_start3A_1133 : memref<2048xi32, #tpu.memory_space<hbm>>) target(%arg10 : memref<2048xi32, #tpu.memory_space<vmem>>) target_semaphore(%run_scoped3A : memref<!tpu.dma_semaphore, #tpu.memory_space<semaphore_mem>>)
          %dma_wait3A_1134 = tpu.memref_slice %arg3[%multiple_of3A_1090] : memref<524288xi32, #tpu.memory_space<hbm>> -> memref<2048xi32, #tpu.memory_space<hbm>>
          %dma_wait3A_1135 = tpu.memref_slice %arg3[%multiple_of3A_1090] : memref<524288xi32, #tpu.memory_space<hbm>> -> memref<2048xi32, #tpu.memory_space<hbm>>
          tpu.wait_dma2 semaphore(%run_scoped3A : memref<!tpu.dma_semaphore, #tpu.memory_space<semaphore_mem>>) src(%dma_wait3A_1135 : memref<2048xi32, #tpu.memory_space<hbm>>) dst(%arg10 : memref<2048xi32, #tpu.memory_space<vmem>>)
          tpu.yield
        }) : () -> ()
        "tpu.region"() ({
          %run_scoped3A = tpu.sem_alloc : memref<!tpu.dma_semaphore, #tpu.memory_space<semaphore_mem>>
          %dma_start3A_1132 = tpu.memref_slice %arg4[%multiple_of3A_1090] : memref<524288xf32, #tpu.memory_space<hbm>> -> memref<2048xf32, #tpu.memory_space<hbm>>
          %dma_start3A_1133 = tpu.memref_slice %arg4[%multiple_of3A_1090] : memref<524288xf32, #tpu.memory_space<hbm>> -> memref<2048xf32, #tpu.memory_space<hbm>>
          tpu.enqueue_dma source(%dma_start3A_1133 : memref<2048xf32, #tpu.memory_space<hbm>>) target(%arg11 : memref<2048xf32, #tpu.memory_space<vmem>>) target_semaphore(%run_scoped3A : memref<!tpu.dma_semaphore, #tpu.memory_space<semaphore_mem>>)
          %dma_wait3A_1134 = tpu.memref_slice %arg4[%multiple_of3A_1090] : memref<524288xf32, #tpu.memory_space<hbm>> -> memref<2048xf32, #tpu.memory_space<hbm>>
          %dma_wait3A_1135 = tpu.memref_slice %arg4[%multiple_of3A_1090] : memref<524288xf32, #tpu.memory_space<hbm>> -> memref<2048xf32, #tpu.memory_space<hbm>>
          tpu.wait_dma2 semaphore(%run_scoped3A : memref<!tpu.dma_semaphore, #tpu.memory_space<semaphore_mem>>) src(%dma_wait3A_1135 : memref<2048xf32, #tpu.memory_space<hbm>>) dst(%arg11 : memref<2048xf32, #tpu.memory_space<vmem>>)
          tpu.yield
        }) : () -> ()
        %sub3A_1091 = arith.subi %add3A_528, %multiple_of3A_1090 : i32
        %add3A_1092 = arith.constant 16 : i32
        %add3A_1093 = arith.addi %sub3A_1091, %add3A_1092 : i32
        %sub3A_1094 = arith.constant 1 : i32
        %sub3A_1095 = arith.subi %add3A_1093, %sub3A_1094 : i32
        %jit3A_1096 = arith.constant 16 : i32
        %div3A_1097 = arith.divsi %sub3A_1095, %jit3A_1096 : i32
        %sign3A_1098 = arith.constant 0 : i32
        %sign3A_1099 = arith.cmpi sgt, %sub3A_1095, %sign3A_1098 : i32
        %sign3A_1100 = arith.extui %sign3A_1099 : i1 to i32
        %sign3A_1101 = arith.constant 0 : i32
        %sign3A_1102 = arith.cmpi slt, %sub3A_1095, %sign3A_1101 : i32
        %sign3A_1103 = arith.extui %sign3A_1102 : i1 to i32
        %sign3A_1104 = arith.subi %sign3A_1100, %sign3A_1103 : i32
        %sign3A_1105 = arith.constant 0 : i32
        %sign3A_1106 = arith.cmpi sgt, %jit3A_1096, %sign3A_1105 : i32
        %sign3A_1107 = arith.extui %sign3A_1106 : i1 to i32
        %sign3A_1108 = arith.constant 0 : i32
        %sign3A_1109 = arith.cmpi slt, %jit3A_1096, %sign3A_1108 : i32
        %sign3A_1110 = arith.extui %sign3A_1109 : i1 to i32
        %sign3A_1111 = arith.subi %sign3A_1107, %sign3A_1110 : i32
        %ne3A_1112 = arith.cmpi ne, %sign3A_1104, %sign3A_1111 : i32
        %rem3A_1113 = arith.remsi %sub3A_1095, %jit3A_1096 : i32
        %ne3A_1114 = arith.constant 0 : i32
        %ne3A_1115 = arith.cmpi ne, %rem3A_1113, %ne3A_1114 : i32
        %and3A_1116 = arith.andi %ne3A_1112, %ne3A_1115 : i1
        %sub3A_1117 = arith.constant 1 : i32
        %sub3A_1118 = arith.subi %div3A_1097, %sub3A_1117 : i32
        %select_n3A_1119 = arith.select %and3A_1116, %sub3A_1118, %div3A_1097 : i32
        %min3A_1120 = arith.constant 128 : i32
        %min3A_1121 = arith.minsi %select_n3A_1119, %min3A_1120 : i32
        %while3A_1122 = arith.constant 0 : i32
        %while3A_1123 = arith.constant 0 : i32
        %while3A_1124 = arith.subi %min3A_1121, %while3A_1123 : i32
        %while3A_1125 = arith.addi %while3A_1123, %while3A_1124 : i32
        %while3A_1126 = arith.constant 1 : i32
        %while3A_1127 = arith.divsi %while3A_1124, %while3A_1126 : i32
        %while3A_1128 = arith.muli %while3A_1127, %while3A_1126 : i32
        %while3A_1129 = arith.addi %while3A_1123, %while3A_1128 : i32
        %while3A_1130 = arith.constant 1 : i32
        scf.for %while3A_1132 = %while3A_1123 to %while3A_1129 step %while3A_1130  : i32 {
          %mul3A_1133 = arith.constant 16 : i32
          %mul3A_1134 = arith.muli %while3A_1132, %mul3A_1133 : i32
          %get3A = arith.index_cast %mul3A_1134 : i32 to index
          %get3A_1135 = tpu.vector_load %arg10[%get3A] {strides = array<i32>} : memref<2048xi32, #tpu.memory_space<vmem>>, vector<16xi32>,
          %mul3A_1136 = arith.constant 16 : i32
          %mul3A_1137 = arith.muli %while3A_1132, %mul3A_1136 : i32
          %get3A_1138 = arith.index_cast %mul3A_1137 : i32 to index
          %get3A_1139 = tpu.vector_load %arg11[%get3A_1138] {strides = array<i32>} : memref<2048xf32, #tpu.memory_space<vmem>>, vector<16xf32>,
          %ge3A = vector.broadcast %mul3A_659 : i32 to vector<16xi32>
          %ge3A_1140 = arith.cmpi sge, %get3A_1135, %ge3A : vector<16xi32>
          %lt3A = vector.broadcast %add3A_669 : i32 to vector<16xi32>
          %lt3A_1141 = arith.cmpi slt, %get3A_1135, %lt3A : vector<16xi32>
          %and3A_1142 = arith.andi %ge3A_1140, %lt3A_1141 : vector<16xi1>
          %sub3A_1143 = vector.broadcast %mul3A_659 : i32 to vector<16xi32>
          %sub3A_1144 = arith.subi %get3A_1135, %sub3A_1143 : vector<16xi32>
          tpu.vector_store_idx %arg7[%sub3A_1144], %get3A_1139 masked %and3A_1142 : memref<32768xf32, #tpu.memory_space<vmem>>[vector<16xi32>], vector<16xf32>, vector<16xi1>
        }
        %while3A_1131 = arith.constant 1 : i32
        scf.for %while3A_1132 = %while3A_1129 to %while3A_1125 step %while3A_1131  : i32 {
          %mul3A_1133 = arith.constant 16 : i32
          %mul3A_1134 = arith.muli %while3A_1132, %mul3A_1133 : i32
          %get3A = arith.index_cast %mul3A_1134 : i32 to index
          %get3A_1135 = tpu.vector_load %arg10[%get3A] {strides = array<i32>} : memref<2048xi32, #tpu.memory_space<vmem>>, vector<16xi32>,
          %mul3A_1136 = arith.constant 16 : i32
          %mul3A_1137 = arith.muli %while3A_1132, %mul3A_1136 : i32
          %get3A_1138 = arith.index_cast %mul3A_1137 : i32 to index
          %get3A_1139 = tpu.vector_load %arg11[%get3A_1138] {strides = array<i32>} : memref<2048xf32, #tpu.memory_space<vmem>>, vector<16xf32>,
          %ge3A = vector.broadcast %mul3A_659 : i32 to vector<16xi32>
          %ge3A_1140 = arith.cmpi sge, %get3A_1135, %ge3A : vector<16xi32>
          %lt3A = vector.broadcast %add3A_669 : i32 to vector<16xi32>
          %lt3A_1141 = arith.cmpi slt, %get3A_1135, %lt3A : vector<16xi32>
          %and3A_1142 = arith.andi %ge3A_1140, %lt3A_1141 : vector<16xi1>
          %sub3A_1143 = vector.broadcast %mul3A_659 : i32 to vector<16xi32>
          %sub3A_1144 = arith.subi %get3A_1135, %sub3A_1143 : vector<16xi32>
          tpu.vector_store_idx %arg7[%sub3A_1144], %get3A_1139 masked %and3A_1142 : memref<32768xf32, #tpu.memory_space<vmem>>[vector<16xi32>], vector<16xf32>, vector<16xi1>
        }
      }
    } else {
    }
    %dma_start3A_701 = tpu.memref_slice %arg6[%mul3A_659] : memref<8388608xf32, #tpu.memory_space<hbm>> -> memref<32768xf32, #tpu.memory_space<hbm>>
    %dma_start3A_702 = tpu.memref_slice %arg6[%mul3A_659] : memref<8388608xf32, #tpu.memory_space<hbm>> -> memref<32768xf32, #tpu.memory_space<hbm>>
    tpu.enqueue_dma source(%arg7 : memref<32768xf32, #tpu.memory_space<vmem>>) target(%dma_start3A_702 : memref<32768xf32, #tpu.memory_space<hbm>>) target_semaphore(%arg18 : memref<!tpu.dma_semaphore, #tpu.memory_space<semaphore_mem>>)
    %add3A_703 = arith.constant 32 : i32
    %add3A_704 = arith.addi %add3A, %add3A_703 : i32
    %mul3A_705 = arith.constant 32768 : i32
    %mul3A_706 = arith.muli %add3A_704, %mul3A_705 : i32
    %sub3A_707 = arith.subi %add3A_544, %add3A_536 : i32
    %eq3A_708 = arith.constant 32768 : i32
    %eq3A_709 = arith.cmpi eq, %sub3A_707, %eq3A_708 : i32
    %and3A_710 = arith.constant 7 : i32
    %and3A_711 = arith.andi %add3A_536, %and3A_710 : i32
    %eq3A_712 = arith.constant 0 : i32
    %eq3A_713 = arith.cmpi eq, %and3A_711, %eq3A_712 : i32
    %and3A_714 = arith.andi %eq3A_709, %eq3A_713 : i1
    %add3A_715 = arith.constant 32768 : i32
    %add3A_716 = arith.addi %mul3A_706, %add3A_715 : i32
    %add3A_717 = arith.constant 64 : i32
    %add3A_718 = arith.addi %add3A, %add3A_717 : i32
    %mul3A_719 = arith.constant 32768 : i32
    %mul3A_720 = arith.muli %add3A_718, %mul3A_719 : i32
    %sub3A_721 = arith.subi %add3A_560, %add3A_552 : i32
    %eq3A_722 = arith.constant 32768 : i32
    %eq3A_723 = arith.cmpi eq, %sub3A_721, %eq3A_722 : i32
    %and3A_724 = arith.constant 7 : i32
    %and3A_725 = arith.andi %add3A_552, %and3A_724 : i32
    %eq3A_726 = arith.constant 0 : i32
    %eq3A_727 = arith.cmpi eq, %and3A_725, %eq3A_726 : i32
    %and3A_728 = arith.andi %eq3A_723, %eq3A_727 : i1
    %convert_element_type3A_729 = arith.extui %and3A_728 : i1 to i32
    %cond3A_730 = arith.constant 0 : i32
    %cond3A_731 = arith.cmpi ne, %convert_element_type3A_729, %cond3A_730 : i32
    scf.if %cond3A_731 {
      %multiple_of3A_1051 = tpu.assume_multiple %add3A_552, 8 : i32
      %dma_start3A_1052 = tpu.memref_slice %arg4[%multiple_of3A_1051] : memref<524288xf32, #tpu.memory_space<hbm>> -> memref<32768xf32, #tpu.memory_space<hbm>>
      %dma_start3A_1053 = tpu.memref_slice %arg4[%multiple_of3A_1051] : memref<524288xf32, #tpu.memory_space<hbm>> -> memref<32768xf32, #tpu.memory_space<hbm>>
      tpu.enqueue_dma source(%dma_start3A_1053 : memref<32768xf32, #tpu.memory_space<hbm>>) target(%arg9 : memref<32768xf32, #tpu.memory_space<vmem>>) target_semaphore(%arg17 : memref<!tpu.dma_semaphore, #tpu.memory_space<semaphore_mem>>)
    } else {
    }
    %not3A_732 = arith.constant true
    %not3A_733 = arith.xori %and3A_728, %not3A_732 : i1
    %convert_element_type3A_734 = arith.extui %not3A_733 : i1 to i32
    %cond3A_735 = arith.constant 0 : i32
    %cond3A_736 = arith.cmpi ne, %convert_element_type3A_734, %cond3A_735 : i32
    scf.if %cond3A_736 {
      %dma_start3A_1051 = tpu.memref_slice %arg2[%mul3A_720] : memref<8388608xf32, #tpu.memory_space<hbm>> -> memref<32768xf32, #tpu.memory_space<hbm>>
      %dma_start3A_1052 = tpu.memref_slice %arg2[%mul3A_720] : memref<8388608xf32, #tpu.memory_space<hbm>> -> memref<32768xf32, #tpu.memory_space<hbm>>
      tpu.enqueue_dma source(%dma_start3A_1052 : memref<32768xf32, #tpu.memory_space<hbm>>) target(%arg9 : memref<32768xf32, #tpu.memory_space<vmem>>) target_semaphore(%arg17 : memref<!tpu.dma_semaphore, #tpu.memory_space<semaphore_mem>>)
    } else {
    }
    %dma_wait3A_737 = arith.constant 0 : i32
    %dma_wait3A_738 = tpu.memref_slice %arg2[%dma_wait3A_737] : memref<8388608xf32, #tpu.memory_space<hbm>> -> memref<32768xf32, #tpu.memory_space<hbm>>
    %dma_wait3A_739 = arith.constant 0 : i32
    %dma_wait3A_740 = tpu.memref_slice %arg2[%dma_wait3A_739] : memref<8388608xf32, #tpu.memory_space<hbm>> -> memref<32768xf32, #tpu.memory_space<hbm>>
    tpu.wait_dma2 semaphore(%arg16 : memref<!tpu.dma_semaphore, #tpu.memory_space<semaphore_mem>>) src(%dma_wait3A_740 : memref<32768xf32, #tpu.memory_space<hbm>>) dst(%arg8 : memref<32768xf32, #tpu.memory_space<vmem>>)
    %gt3A_741 = arith.constant 0 : i32
    %gt3A_742 = arith.cmpi sgt, %sub3A_707, %gt3A_741 : i32
    %not3A_743 = arith.constant true
    %not3A_744 = arith.xori %and3A_714, %not3A_743 : i1
    %and3A_745 = arith.andi %gt3A_742, %not3A_744 : i1
    %convert_element_type3A_746 = arith.extui %and3A_745 : i1 to i32
    %cond3A_747 = arith.constant 0 : i32
    %cond3A_748 = arith.cmpi ne, %convert_element_type3A_746, %cond3A_747 : i32
    scf.if %cond3A_748 {
      %and3A_1051 = arith.constant -8 : i32
      %and3A_1052 = arith.andi %add3A_536, %and3A_1051 : i32
      %sub3A_1053 = arith.subi %add3A_544, %and3A_1052 : i32
      %add3A_1054 = arith.constant 2048 : i32
      %add3A_1055 = arith.addi %sub3A_1053, %add3A_1054 : i32
      %sub3A_1056 = arith.constant 1 : i32
      %sub3A_1057 = arith.subi %add3A_1055, %sub3A_1056 : i32
      %jit3A = arith.constant 2048 : i32
      %div3A = arith.divsi %sub3A_1057, %jit3A : i32
      %sign3A = arith.constant 0 : i32
      %sign3A_1058 = arith.cmpi sgt, %sub3A_1057, %sign3A : i32
      %sign3A_1059 = arith.extui %sign3A_1058 : i1 to i32
      %sign3A_1060 = arith.constant 0 : i32
      %sign3A_1061 = arith.cmpi slt, %sub3A_1057, %sign3A_1060 : i32
      %sign3A_1062 = arith.extui %sign3A_1061 : i1 to i32
      %sign3A_1063 = arith.subi %sign3A_1059, %sign3A_1062 : i32
      %sign3A_1064 = arith.constant 0 : i32
      %sign3A_1065 = arith.cmpi sgt, %jit3A, %sign3A_1064 : i32
      %sign3A_1066 = arith.extui %sign3A_1065 : i1 to i32
      %sign3A_1067 = arith.constant 0 : i32
      %sign3A_1068 = arith.cmpi slt, %jit3A, %sign3A_1067 : i32
      %sign3A_1069 = arith.extui %sign3A_1068 : i1 to i32
      %sign3A_1070 = arith.subi %sign3A_1066, %sign3A_1069 : i32
      %ne3A = arith.cmpi ne, %sign3A_1063, %sign3A_1070 : i32
      %rem3A = arith.remsi %sub3A_1057, %jit3A : i32
      %ne3A_1071 = arith.constant 0 : i32
      %ne3A_1072 = arith.cmpi ne, %rem3A, %ne3A_1071 : i32
      %and3A_1073 = arith.andi %ne3A, %ne3A_1072 : i1
      %sub3A_1074 = arith.constant 1 : i32
      %sub3A_1075 = arith.subi %div3A, %sub3A_1074 : i32
      %select_n3A = arith.select %and3A_1073, %sub3A_1075, %div3A : i32
      %while3A = arith.constant 0 : i32
      %while3A_1076 = arith.constant 0 : i32
      %while3A_1077 = arith.subi %select_n3A, %while3A_1076 : i32
      %while3A_1078 = arith.addi %while3A_1076, %while3A_1077 : i32
      %while3A_1079 = arith.constant 1 : i32
      %while3A_1080 = arith.divsi %while3A_1077, %while3A_1079 : i32
      %while3A_1081 = arith.muli %while3A_1080, %while3A_1079 : i32
      %while3A_1082 = arith.addi %while3A_1076, %while3A_1081 : i32
      %while3A_1083 = arith.constant 1 : i32
      scf.for %while3A_1085 = %while3A_1076 to %while3A_1082 step %while3A_1083  : i32 {
        %mul3A_1086 = arith.constant 2048 : i32
        %mul3A_1087 = arith.muli %while3A_1085, %mul3A_1086 : i32
        %add3A_1088 = arith.addi %and3A_1052, %mul3A_1087 : i32
        %min3A = arith.constant 522240 : i32
        %min3A_1089 = arith.minsi %add3A_1088, %min3A : i32
        %multiple_of3A_1090 = tpu.assume_multiple %min3A_1089, 8 : i32
        "tpu.region"() ({
          %run_scoped3A = tpu.sem_alloc : memref<!tpu.dma_semaphore, #tpu.memory_space<semaphore_mem>>
          %dma_start3A_1132 = tpu.memref_slice %arg3[%multiple_of3A_1090] : memref<524288xi32, #tpu.memory_space<hbm>> -> memref<2048xi32, #tpu.memory_space<hbm>>
          %dma_start3A_1133 = tpu.memref_slice %arg3[%multiple_of3A_1090] : memref<524288xi32, #tpu.memory_space<hbm>> -> memref<2048xi32, #tpu.memory_space<hbm>>
          tpu.enqueue_dma source(%dma_start3A_1133 : memref<2048xi32, #tpu.memory_space<hbm>>) target(%arg10 : memref<2048xi32, #tpu.memory_space<vmem>>) target_semaphore(%run_scoped3A : memref<!tpu.dma_semaphore, #tpu.memory_space<semaphore_mem>>)
          %dma_wait3A_1134 = tpu.memref_slice %arg3[%multiple_of3A_1090] : memref<524288xi32, #tpu.memory_space<hbm>> -> memref<2048xi32, #tpu.memory_space<hbm>>
          %dma_wait3A_1135 = tpu.memref_slice %arg3[%multiple_of3A_1090] : memref<524288xi32, #tpu.memory_space<hbm>> -> memref<2048xi32, #tpu.memory_space<hbm>>
          tpu.wait_dma2 semaphore(%run_scoped3A : memref<!tpu.dma_semaphore, #tpu.memory_space<semaphore_mem>>) src(%dma_wait3A_1135 : memref<2048xi32, #tpu.memory_space<hbm>>) dst(%arg10 : memref<2048xi32, #tpu.memory_space<vmem>>)
          tpu.yield
        }) : () -> ()
        "tpu.region"() ({
          %run_scoped3A = tpu.sem_alloc : memref<!tpu.dma_semaphore, #tpu.memory_space<semaphore_mem>>
          %dma_start3A_1132 = tpu.memref_slice %arg4[%multiple_of3A_1090] : memref<524288xf32, #tpu.memory_space<hbm>> -> memref<2048xf32, #tpu.memory_space<hbm>>
          %dma_start3A_1133 = tpu.memref_slice %arg4[%multiple_of3A_1090] : memref<524288xf32, #tpu.memory_space<hbm>> -> memref<2048xf32, #tpu.memory_space<hbm>>
          tpu.enqueue_dma source(%dma_start3A_1133 : memref<2048xf32, #tpu.memory_space<hbm>>) target(%arg11 : memref<2048xf32, #tpu.memory_space<vmem>>) target_semaphore(%run_scoped3A : memref<!tpu.dma_semaphore, #tpu.memory_space<semaphore_mem>>)
          %dma_wait3A_1134 = tpu.memref_slice %arg4[%multiple_of3A_1090] : memref<524288xf32, #tpu.memory_space<hbm>> -> memref<2048xf32, #tpu.memory_space<hbm>>
          %dma_wait3A_1135 = tpu.memref_slice %arg4[%multiple_of3A_1090] : memref<524288xf32, #tpu.memory_space<hbm>> -> memref<2048xf32, #tpu.memory_space<hbm>>
          tpu.wait_dma2 semaphore(%run_scoped3A : memref<!tpu.dma_semaphore, #tpu.memory_space<semaphore_mem>>) src(%dma_wait3A_1135 : memref<2048xf32, #tpu.memory_space<hbm>>) dst(%arg11 : memref<2048xf32, #tpu.memory_space<vmem>>)
          tpu.yield
        }) : () -> ()
        %sub3A_1091 = arith.subi %add3A_544, %multiple_of3A_1090 : i32
        %add3A_1092 = arith.constant 16 : i32
        %add3A_1093 = arith.addi %sub3A_1091, %add3A_1092 : i32
        %sub3A_1094 = arith.constant 1 : i32
        %sub3A_1095 = arith.subi %add3A_1093, %sub3A_1094 : i32
        %jit3A_1096 = arith.constant 16 : i32
        %div3A_1097 = arith.divsi %sub3A_1095, %jit3A_1096 : i32
        %sign3A_1098 = arith.constant 0 : i32
        %sign3A_1099 = arith.cmpi sgt, %sub3A_1095, %sign3A_1098 : i32
        %sign3A_1100 = arith.extui %sign3A_1099 : i1 to i32
        %sign3A_1101 = arith.constant 0 : i32
        %sign3A_1102 = arith.cmpi slt, %sub3A_1095, %sign3A_1101 : i32
        %sign3A_1103 = arith.extui %sign3A_1102 : i1 to i32
        %sign3A_1104 = arith.subi %sign3A_1100, %sign3A_1103 : i32
        %sign3A_1105 = arith.constant 0 : i32
        %sign3A_1106 = arith.cmpi sgt, %jit3A_1096, %sign3A_1105 : i32
        %sign3A_1107 = arith.extui %sign3A_1106 : i1 to i32
        %sign3A_1108 = arith.constant 0 : i32
        %sign3A_1109 = arith.cmpi slt, %jit3A_1096, %sign3A_1108 : i32
        %sign3A_1110 = arith.extui %sign3A_1109 : i1 to i32
        %sign3A_1111 = arith.subi %sign3A_1107, %sign3A_1110 : i32
        %ne3A_1112 = arith.cmpi ne, %sign3A_1104, %sign3A_1111 : i32
        %rem3A_1113 = arith.remsi %sub3A_1095, %jit3A_1096 : i32
        %ne3A_1114 = arith.constant 0 : i32
        %ne3A_1115 = arith.cmpi ne, %rem3A_1113, %ne3A_1114 : i32
        %and3A_1116 = arith.andi %ne3A_1112, %ne3A_1115 : i1
        %sub3A_1117 = arith.constant 1 : i32
        %sub3A_1118 = arith.subi %div3A_1097, %sub3A_1117 : i32
        %select_n3A_1119 = arith.select %and3A_1116, %sub3A_1118, %div3A_1097 : i32
        %min3A_1120 = arith.constant 128 : i32
        %min3A_1121 = arith.minsi %select_n3A_1119, %min3A_1120 : i32
        %while3A_1122 = arith.constant 0 : i32
        %while3A_1123 = arith.constant 0 : i32
        %while3A_1124 = arith.subi %min3A_1121, %while3A_1123 : i32
        %while3A_1125 = arith.addi %while3A_1123, %while3A_1124 : i32
        %while3A_1126 = arith.constant 1 : i32
        %while3A_1127 = arith.divsi %while3A_1124, %while3A_1126 : i32
        %while3A_1128 = arith.muli %while3A_1127, %while3A_1126 : i32
        %while3A_1129 = arith.addi %while3A_1123, %while3A_1128 : i32
        %while3A_1130 = arith.constant 1 : i32
        scf.for %while3A_1132 = %while3A_1123 to %while3A_1129 step %while3A_1130  : i32 {
          %mul3A_1133 = arith.constant 16 : i32
          %mul3A_1134 = arith.muli %while3A_1132, %mul3A_1133 : i32
          %get3A = arith.index_cast %mul3A_1134 : i32 to index
          %get3A_1135 = tpu.vector_load %arg10[%get3A] {strides = array<i32>} : memref<2048xi32, #tpu.memory_space<vmem>>, vector<16xi32>,
          %mul3A_1136 = arith.constant 16 : i32
          %mul3A_1137 = arith.muli %while3A_1132, %mul3A_1136 : i32
          %get3A_1138 = arith.index_cast %mul3A_1137 : i32 to index
          %get3A_1139 = tpu.vector_load %arg11[%get3A_1138] {strides = array<i32>} : memref<2048xf32, #tpu.memory_space<vmem>>, vector<16xf32>,
          %ge3A = vector.broadcast %mul3A_706 : i32 to vector<16xi32>
          %ge3A_1140 = arith.cmpi sge, %get3A_1135, %ge3A : vector<16xi32>
          %lt3A = vector.broadcast %add3A_716 : i32 to vector<16xi32>
          %lt3A_1141 = arith.cmpi slt, %get3A_1135, %lt3A : vector<16xi32>
          %and3A_1142 = arith.andi %ge3A_1140, %lt3A_1141 : vector<16xi1>
          %sub3A_1143 = vector.broadcast %mul3A_706 : i32 to vector<16xi32>
          %sub3A_1144 = arith.subi %get3A_1135, %sub3A_1143 : vector<16xi32>
          tpu.vector_store_idx %arg8[%sub3A_1144], %get3A_1139 masked %and3A_1142 : memref<32768xf32, #tpu.memory_space<vmem>>[vector<16xi32>], vector<16xf32>, vector<16xi1>
        }
        %while3A_1131 = arith.constant 1 : i32
        scf.for %while3A_1132 = %while3A_1129 to %while3A_1125 step %while3A_1131  : i32 {
          %mul3A_1133 = arith.constant 16 : i32
          %mul3A_1134 = arith.muli %while3A_1132, %mul3A_1133 : i32
          %get3A = arith.index_cast %mul3A_1134 : i32 to index
          %get3A_1135 = tpu.vector_load %arg10[%get3A] {strides = array<i32>} : memref<2048xi32, #tpu.memory_space<vmem>>, vector<16xi32>,
          %mul3A_1136 = arith.constant 16 : i32
          %mul3A_1137 = arith.muli %while3A_1132, %mul3A_1136 : i32
          %get3A_1138 = arith.index_cast %mul3A_1137 : i32 to index
          %get3A_1139 = tpu.vector_load %arg11[%get3A_1138] {strides = array<i32>} : memref<2048xf32, #tpu.memory_space<vmem>>, vector<16xf32>,
          %ge3A = vector.broadcast %mul3A_706 : i32 to vector<16xi32>
          %ge3A_1140 = arith.cmpi sge, %get3A_1135, %ge3A : vector<16xi32>
          %lt3A = vector.broadcast %add3A_716 : i32 to vector<16xi32>
          %lt3A_1141 = arith.cmpi slt, %get3A_1135, %lt3A : vector<16xi32>
          %and3A_1142 = arith.andi %ge3A_1140, %lt3A_1141 : vector<16xi1>
          %sub3A_1143 = vector.broadcast %mul3A_706 : i32 to vector<16xi32>
          %sub3A_1144 = arith.subi %get3A_1135, %sub3A_1143 : vector<16xi32>
          tpu.vector_store_idx %arg8[%sub3A_1144], %get3A_1139 masked %and3A_1142 : memref<32768xf32, #tpu.memory_space<vmem>>[vector<16xi32>], vector<16xf32>, vector<16xi1>
        }
      }
      %while3A_1084 = arith.constant 1 : i32
      scf.for %while3A_1085 = %while3A_1082 to %while3A_1078 step %while3A_1084  : i32 {
        %mul3A_1086 = arith.constant 2048 : i32
        %mul3A_1087 = arith.muli %while3A_1085, %mul3A_1086 : i32
        %add3A_1088 = arith.addi %and3A_1052, %mul3A_1087 : i32
        %min3A = arith.constant 522240 : i32
        %min3A_1089 = arith.minsi %add3A_1088, %min3A : i32
        %multiple_of3A_1090 = tpu.assume_multiple %min3A_1089, 8 : i32
        "tpu.region"() ({
          %run_scoped3A = tpu.sem_alloc : memref<!tpu.dma_semaphore, #tpu.memory_space<semaphore_mem>>
          %dma_start3A_1132 = tpu.memref_slice %arg3[%multiple_of3A_1090] : memref<524288xi32, #tpu.memory_space<hbm>> -> memref<2048xi32, #tpu.memory_space<hbm>>
          %dma_start3A_1133 = tpu.memref_slice %arg3[%multiple_of3A_1090] : memref<524288xi32, #tpu.memory_space<hbm>> -> memref<2048xi32, #tpu.memory_space<hbm>>
          tpu.enqueue_dma source(%dma_start3A_1133 : memref<2048xi32, #tpu.memory_space<hbm>>) target(%arg10 : memref<2048xi32, #tpu.memory_space<vmem>>) target_semaphore(%run_scoped3A : memref<!tpu.dma_semaphore, #tpu.memory_space<semaphore_mem>>)
          %dma_wait3A_1134 = tpu.memref_slice %arg3[%multiple_of3A_1090] : memref<524288xi32, #tpu.memory_space<hbm>> -> memref<2048xi32, #tpu.memory_space<hbm>>
          %dma_wait3A_1135 = tpu.memref_slice %arg3[%multiple_of3A_1090] : memref<524288xi32, #tpu.memory_space<hbm>> -> memref<2048xi32, #tpu.memory_space<hbm>>
          tpu.wait_dma2 semaphore(%run_scoped3A : memref<!tpu.dma_semaphore, #tpu.memory_space<semaphore_mem>>) src(%dma_wait3A_1135 : memref<2048xi32, #tpu.memory_space<hbm>>) dst(%arg10 : memref<2048xi32, #tpu.memory_space<vmem>>)
          tpu.yield
        }) : () -> ()
        "tpu.region"() ({
          %run_scoped3A = tpu.sem_alloc : memref<!tpu.dma_semaphore, #tpu.memory_space<semaphore_mem>>
          %dma_start3A_1132 = tpu.memref_slice %arg4[%multiple_of3A_1090] : memref<524288xf32, #tpu.memory_space<hbm>> -> memref<2048xf32, #tpu.memory_space<hbm>>
          %dma_start3A_1133 = tpu.memref_slice %arg4[%multiple_of3A_1090] : memref<524288xf32, #tpu.memory_space<hbm>> -> memref<2048xf32, #tpu.memory_space<hbm>>
          tpu.enqueue_dma source(%dma_start3A_1133 : memref<2048xf32, #tpu.memory_space<hbm>>) target(%arg11 : memref<2048xf32, #tpu.memory_space<vmem>>) target_semaphore(%run_scoped3A : memref<!tpu.dma_semaphore, #tpu.memory_space<semaphore_mem>>)
          %dma_wait3A_1134 = tpu.memref_slice %arg4[%multiple_of3A_1090] : memref<524288xf32, #tpu.memory_space<hbm>> -> memref<2048xf32, #tpu.memory_space<hbm>>
          %dma_wait3A_1135 = tpu.memref_slice %arg4[%multiple_of3A_1090] : memref<524288xf32, #tpu.memory_space<hbm>> -> memref<2048xf32, #tpu.memory_space<hbm>>
          tpu.wait_dma2 semaphore(%run_scoped3A : memref<!tpu.dma_semaphore, #tpu.memory_space<semaphore_mem>>) src(%dma_wait3A_1135 : memref<2048xf32, #tpu.memory_space<hbm>>) dst(%arg11 : memref<2048xf32, #tpu.memory_space<vmem>>)
          tpu.yield
        }) : () -> ()
        %sub3A_1091 = arith.subi %add3A_544, %multiple_of3A_1090 : i32
        %add3A_1092 = arith.constant 16 : i32
        %add3A_1093 = arith.addi %sub3A_1091, %add3A_1092 : i32
        %sub3A_1094 = arith.constant 1 : i32
        %sub3A_1095 = arith.subi %add3A_1093, %sub3A_1094 : i32
        %jit3A_1096 = arith.constant 16 : i32
        %div3A_1097 = arith.divsi %sub3A_1095, %jit3A_1096 : i32
        %sign3A_1098 = arith.constant 0 : i32
        %sign3A_1099 = arith.cmpi sgt, %sub3A_1095, %sign3A_1098 : i32
        %sign3A_1100 = arith.extui %sign3A_1099 : i1 to i32
        %sign3A_1101 = arith.constant 0 : i32
        %sign3A_1102 = arith.cmpi slt, %sub3A_1095, %sign3A_1101 : i32
        %sign3A_1103 = arith.extui %sign3A_1102 : i1 to i32
        %sign3A_1104 = arith.subi %sign3A_1100, %sign3A_1103 : i32
        %sign3A_1105 = arith.constant 0 : i32
        %sign3A_1106 = arith.cmpi sgt, %jit3A_1096, %sign3A_1105 : i32
        %sign3A_1107 = arith.extui %sign3A_1106 : i1 to i32
        %sign3A_1108 = arith.constant 0 : i32
        %sign3A_1109 = arith.cmpi slt, %jit3A_1096, %sign3A_1108 : i32
        %sign3A_1110 = arith.extui %sign3A_1109 : i1 to i32
        %sign3A_1111 = arith.subi %sign3A_1107, %sign3A_1110 : i32
        %ne3A_1112 = arith.cmpi ne, %sign3A_1104, %sign3A_1111 : i32
        %rem3A_1113 = arith.remsi %sub3A_1095, %jit3A_1096 : i32
        %ne3A_1114 = arith.constant 0 : i32
        %ne3A_1115 = arith.cmpi ne, %rem3A_1113, %ne3A_1114 : i32
        %and3A_1116 = arith.andi %ne3A_1112, %ne3A_1115 : i1
        %sub3A_1117 = arith.constant 1 : i32
        %sub3A_1118 = arith.subi %div3A_1097, %sub3A_1117 : i32
        %select_n3A_1119 = arith.select %and3A_1116, %sub3A_1118, %div3A_1097 : i32
        %min3A_1120 = arith.constant 128 : i32
        %min3A_1121 = arith.minsi %select_n3A_1119, %min3A_1120 : i32
        %while3A_1122 = arith.constant 0 : i32
        %while3A_1123 = arith.constant 0 : i32
        %while3A_1124 = arith.subi %min3A_1121, %while3A_1123 : i32
        %while3A_1125 = arith.addi %while3A_1123, %while3A_1124 : i32
        %while3A_1126 = arith.constant 1 : i32
        %while3A_1127 = arith.divsi %while3A_1124, %while3A_1126 : i32
        %while3A_1128 = arith.muli %while3A_1127, %while3A_1126 : i32
        %while3A_1129 = arith.addi %while3A_1123, %while3A_1128 : i32
        %while3A_1130 = arith.constant 1 : i32
        scf.for %while3A_1132 = %while3A_1123 to %while3A_1129 step %while3A_1130  : i32 {
          %mul3A_1133 = arith.constant 16 : i32
          %mul3A_1134 = arith.muli %while3A_1132, %mul3A_1133 : i32
          %get3A = arith.index_cast %mul3A_1134 : i32 to index
          %get3A_1135 = tpu.vector_load %arg10[%get3A] {strides = array<i32>} : memref<2048xi32, #tpu.memory_space<vmem>>, vector<16xi32>,
          %mul3A_1136 = arith.constant 16 : i32
          %mul3A_1137 = arith.muli %while3A_1132, %mul3A_1136 : i32
          %get3A_1138 = arith.index_cast %mul3A_1137 : i32 to index
          %get3A_1139 = tpu.vector_load %arg11[%get3A_1138] {strides = array<i32>} : memref<2048xf32, #tpu.memory_space<vmem>>, vector<16xf32>,
          %ge3A = vector.broadcast %mul3A_706 : i32 to vector<16xi32>
          %ge3A_1140 = arith.cmpi sge, %get3A_1135, %ge3A : vector<16xi32>
          %lt3A = vector.broadcast %add3A_716 : i32 to vector<16xi32>
          %lt3A_1141 = arith.cmpi slt, %get3A_1135, %lt3A : vector<16xi32>
          %and3A_1142 = arith.andi %ge3A_1140, %lt3A_1141 : vector<16xi1>
          %sub3A_1143 = vector.broadcast %mul3A_706 : i32 to vector<16xi32>
          %sub3A_1144 = arith.subi %get3A_1135, %sub3A_1143 : vector<16xi32>
          tpu.vector_store_idx %arg8[%sub3A_1144], %get3A_1139 masked %and3A_1142 : memref<32768xf32, #tpu.memory_space<vmem>>[vector<16xi32>], vector<16xf32>, vector<16xi1>
        }
        %while3A_1131 = arith.constant 1 : i32
        scf.for %while3A_1132 = %while3A_1129 to %while3A_1125 step %while3A_1131  : i32 {
          %mul3A_1133 = arith.constant 16 : i32
          %mul3A_1134 = arith.muli %while3A_1132, %mul3A_1133 : i32
          %get3A = arith.index_cast %mul3A_1134 : i32 to index
          %get3A_1135 = tpu.vector_load %arg10[%get3A] {strides = array<i32>} : memref<2048xi32, #tpu.memory_space<vmem>>, vector<16xi32>,
          %mul3A_1136 = arith.constant 16 : i32
          %mul3A_1137 = arith.muli %while3A_1132, %mul3A_1136 : i32
          %get3A_1138 = arith.index_cast %mul3A_1137 : i32 to index
          %get3A_1139 = tpu.vector_load %arg11[%get3A_1138] {strides = array<i32>} : memref<2048xf32, #tpu.memory_space<vmem>>, vector<16xf32>,
          %ge3A = vector.broadcast %mul3A_706 : i32 to vector<16xi32>
          %ge3A_1140 = arith.cmpi sge, %get3A_1135, %ge3A : vector<16xi32>
          %lt3A = vector.broadcast %add3A_716 : i32 to vector<16xi32>
          %lt3A_1141 = arith.cmpi slt, %get3A_1135, %lt3A : vector<16xi32>
          %and3A_1142 = arith.andi %ge3A_1140, %lt3A_1141 : vector<16xi1>
          %sub3A_1143 = vector.broadcast %mul3A_706 : i32 to vector<16xi32>
          %sub3A_1144 = arith.subi %get3A_1135, %sub3A_1143 : vector<16xi32>
          tpu.vector_store_idx %arg8[%sub3A_1144], %get3A_1139 masked %and3A_1142 : memref<32768xf32, #tpu.memory_space<vmem>>[vector<16xi32>], vector<16xf32>, vector<16xi1>
        }
      }
    } else {
    }
    %dma_start3A_749 = tpu.memref_slice %arg6[%mul3A_706] : memref<8388608xf32, #tpu.memory_space<hbm>> -> memref<32768xf32, #tpu.memory_space<hbm>>
    %dma_start3A_750 = tpu.memref_slice %arg6[%mul3A_706] : memref<8388608xf32, #tpu.memory_space<hbm>> -> memref<32768xf32, #tpu.memory_space<hbm>>
    tpu.enqueue_dma source(%arg8 : memref<32768xf32, #tpu.memory_space<vmem>>) target(%dma_start3A_750 : memref<32768xf32, #tpu.memory_space<hbm>>) target_semaphore(%arg19 : memref<!tpu.dma_semaphore, #tpu.memory_space<semaphore_mem>>)
    %add3A_751 = arith.constant 64 : i32
    %add3A_752 = arith.addi %add3A, %add3A_751 : i32
    %mul3A_753 = arith.constant 32768 : i32
    %mul3A_754 = arith.muli %add3A_752, %mul3A_753 : i32
    %sub3A_755 = arith.subi %add3A_560, %add3A_552 : i32
    %eq3A_756 = arith.constant 32768 : i32
    %eq3A_757 = arith.cmpi eq, %sub3A_755, %eq3A_756 : i32
    %and3A_758 = arith.constant 7 : i32
    %and3A_759 = arith.andi %add3A_552, %and3A_758 : i32
    %eq3A_760 = arith.constant 0 : i32
    %eq3A_761 = arith.cmpi eq, %and3A_759, %eq3A_760 : i32
    %and3A_762 = arith.andi %eq3A_757, %eq3A_761 : i1
    %add3A_763 = arith.constant 32768 : i32
    %add3A_764 = arith.addi %mul3A_754, %add3A_763 : i32
    %dma_wait3A_765 = arith.constant 0 : i32
    %dma_wait3A_766 = tpu.memref_slice %arg6[%dma_wait3A_765] : memref<8388608xf32, #tpu.memory_space<hbm>> -> memref<32768xf32, #tpu.memory_space<hbm>>
    %dma_wait3A_767 = arith.constant 0 : i32
    %dma_wait3A_768 = tpu.memref_slice %arg6[%dma_wait3A_767] : memref<8388608xf32, #tpu.memory_space<hbm>> -> memref<32768xf32, #tpu.memory_space<hbm>>
    tpu.wait_dma2 semaphore(%arg18 : memref<!tpu.dma_semaphore, #tpu.memory_space<semaphore_mem>>) src(%arg7 : memref<32768xf32, #tpu.memory_space<vmem>>) dst(%dma_wait3A_768 : memref<32768xf32, #tpu.memory_space<hbm>>)
    %add3A_769 = arith.constant 96 : i32
    %add3A_770 = arith.addi %add3A, %add3A_769 : i32
    %mul3A_771 = arith.constant 32768 : i32
    %mul3A_772 = arith.muli %add3A_770, %mul3A_771 : i32
    %sub3A_773 = arith.subi %add3A_576, %add3A_568 : i32
    %eq3A_774 = arith.constant 32768 : i32
    %eq3A_775 = arith.cmpi eq, %sub3A_773, %eq3A_774 : i32
    %and3A_776 = arith.constant 7 : i32
    %and3A_777 = arith.andi %add3A_568, %and3A_776 : i32
    %eq3A_778 = arith.constant 0 : i32
    %eq3A_779 = arith.cmpi eq, %and3A_777, %eq3A_778 : i32
    %and3A_780 = arith.andi %eq3A_775, %eq3A_779 : i1
    %convert_element_type3A_781 = arith.extui %and3A_780 : i1 to i32
    %cond3A_782 = arith.constant 0 : i32
    %cond3A_783 = arith.cmpi ne, %convert_element_type3A_781, %cond3A_782 : i32
    scf.if %cond3A_783 {
      %multiple_of3A_1051 = tpu.assume_multiple %add3A_568, 8 : i32
      %dma_start3A_1052 = tpu.memref_slice %arg4[%multiple_of3A_1051] : memref<524288xf32, #tpu.memory_space<hbm>> -> memref<32768xf32, #tpu.memory_space<hbm>>
      %dma_start3A_1053 = tpu.memref_slice %arg4[%multiple_of3A_1051] : memref<524288xf32, #tpu.memory_space<hbm>> -> memref<32768xf32, #tpu.memory_space<hbm>>
      tpu.enqueue_dma source(%dma_start3A_1053 : memref<32768xf32, #tpu.memory_space<hbm>>) target(%arg7 : memref<32768xf32, #tpu.memory_space<vmem>>) target_semaphore(%arg15 : memref<!tpu.dma_semaphore, #tpu.memory_space<semaphore_mem>>)
    } else {
    }
    %not3A_784 = arith.constant true
    %not3A_785 = arith.xori %and3A_780, %not3A_784 : i1
    %convert_element_type3A_786 = arith.extui %not3A_785 : i1 to i32
    %cond3A_787 = arith.constant 0 : i32
    %cond3A_788 = arith.cmpi ne, %convert_element_type3A_786, %cond3A_787 : i32
    scf.if %cond3A_788 {
      %dma_start3A_1051 = tpu.memref_slice %arg2[%mul3A_772] : memref<8388608xf32, #tpu.memory_space<hbm>> -> memref<32768xf32, #tpu.memory_space<hbm>>
      %dma_start3A_1052 = tpu.memref_slice %arg2[%mul3A_772] : memref<8388608xf32, #tpu.memory_space<hbm>> -> memref<32768xf32, #tpu.memory_space<hbm>>
      tpu.enqueue_dma source(%dma_start3A_1052 : memref<32768xf32, #tpu.memory_space<hbm>>) target(%arg7 : memref<32768xf32, #tpu.memory_space<vmem>>) target_semaphore(%arg15 : memref<!tpu.dma_semaphore, #tpu.memory_space<semaphore_mem>>)
    } else {
    }
    %dma_wait3A_789 = arith.constant 0 : i32
    %dma_wait3A_790 = tpu.memref_slice %arg2[%dma_wait3A_789] : memref<8388608xf32, #tpu.memory_space<hbm>> -> memref<32768xf32, #tpu.memory_space<hbm>>
    %dma_wait3A_791 = arith.constant 0 : i32
    %dma_wait3A_792 = tpu.memref_slice %arg2[%dma_wait3A_791] : memref<8388608xf32, #tpu.memory_space<hbm>> -> memref<32768xf32, #tpu.memory_space<hbm>>
    tpu.wait_dma2 semaphore(%arg17 : memref<!tpu.dma_semaphore, #tpu.memory_space<semaphore_mem>>) src(%dma_wait3A_792 : memref<32768xf32, #tpu.memory_space<hbm>>) dst(%arg9 : memref<32768xf32, #tpu.memory_space<vmem>>)
    %gt3A_793 = arith.constant 0 : i32
    %gt3A_794 = arith.cmpi sgt, %sub3A_755, %gt3A_793 : i32
    %not3A_795 = arith.constant true
    %not3A_796 = arith.xori %and3A_762, %not3A_795 : i1
    %and3A_797 = arith.andi %gt3A_794, %not3A_796 : i1
    %convert_element_type3A_798 = arith.extui %and3A_797 : i1 to i32
    %cond3A_799 = arith.constant 0 : i32
    %cond3A_800 = arith.cmpi ne, %convert_element_type3A_798, %cond3A_799 : i32
    scf.if %cond3A_800 {
      %and3A_1051 = arith.constant -8 : i32
      %and3A_1052 = arith.andi %add3A_552, %and3A_1051 : i32
      %sub3A_1053 = arith.subi %add3A_560, %and3A_1052 : i32
      %add3A_1054 = arith.constant 2048 : i32
      %add3A_1055 = arith.addi %sub3A_1053, %add3A_1054 : i32
      %sub3A_1056 = arith.constant 1 : i32
      %sub3A_1057 = arith.subi %add3A_1055, %sub3A_1056 : i32
      %jit3A = arith.constant 2048 : i32
      %div3A = arith.divsi %sub3A_1057, %jit3A : i32
      %sign3A = arith.constant 0 : i32
      %sign3A_1058 = arith.cmpi sgt, %sub3A_1057, %sign3A : i32
      %sign3A_1059 = arith.extui %sign3A_1058 : i1 to i32
      %sign3A_1060 = arith.constant 0 : i32
      %sign3A_1061 = arith.cmpi slt, %sub3A_1057, %sign3A_1060 : i32
      %sign3A_1062 = arith.extui %sign3A_1061 : i1 to i32
      %sign3A_1063 = arith.subi %sign3A_1059, %sign3A_1062 : i32
      %sign3A_1064 = arith.constant 0 : i32
      %sign3A_1065 = arith.cmpi sgt, %jit3A, %sign3A_1064 : i32
      %sign3A_1066 = arith.extui %sign3A_1065 : i1 to i32
      %sign3A_1067 = arith.constant 0 : i32
      %sign3A_1068 = arith.cmpi slt, %jit3A, %sign3A_1067 : i32
      %sign3A_1069 = arith.extui %sign3A_1068 : i1 to i32
      %sign3A_1070 = arith.subi %sign3A_1066, %sign3A_1069 : i32
      %ne3A = arith.cmpi ne, %sign3A_1063, %sign3A_1070 : i32
      %rem3A = arith.remsi %sub3A_1057, %jit3A : i32
      %ne3A_1071 = arith.constant 0 : i32
      %ne3A_1072 = arith.cmpi ne, %rem3A, %ne3A_1071 : i32
      %and3A_1073 = arith.andi %ne3A, %ne3A_1072 : i1
      %sub3A_1074 = arith.constant 1 : i32
      %sub3A_1075 = arith.subi %div3A, %sub3A_1074 : i32
      %select_n3A = arith.select %and3A_1073, %sub3A_1075, %div3A : i32
      %while3A = arith.constant 0 : i32
      %while3A_1076 = arith.constant 0 : i32
      %while3A_1077 = arith.subi %select_n3A, %while3A_1076 : i32
      %while3A_1078 = arith.addi %while3A_1076, %while3A_1077 : i32
      %while3A_1079 = arith.constant 1 : i32
      %while3A_1080 = arith.divsi %while3A_1077, %while3A_1079 : i32
      %while3A_1081 = arith.muli %while3A_1080, %while3A_1079 : i32
      %while3A_1082 = arith.addi %while3A_1076, %while3A_1081 : i32
      %while3A_1083 = arith.constant 1 : i32
      scf.for %while3A_1085 = %while3A_1076 to %while3A_1082 step %while3A_1083  : i32 {
        %mul3A_1086 = arith.constant 2048 : i32
        %mul3A_1087 = arith.muli %while3A_1085, %mul3A_1086 : i32
        %add3A_1088 = arith.addi %and3A_1052, %mul3A_1087 : i32
        %min3A = arith.constant 522240 : i32
        %min3A_1089 = arith.minsi %add3A_1088, %min3A : i32
        %multiple_of3A_1090 = tpu.assume_multiple %min3A_1089, 8 : i32
        "tpu.region"() ({
          %run_scoped3A = tpu.sem_alloc : memref<!tpu.dma_semaphore, #tpu.memory_space<semaphore_mem>>
          %dma_start3A_1132 = tpu.memref_slice %arg3[%multiple_of3A_1090] : memref<524288xi32, #tpu.memory_space<hbm>> -> memref<2048xi32, #tpu.memory_space<hbm>>
          %dma_start3A_1133 = tpu.memref_slice %arg3[%multiple_of3A_1090] : memref<524288xi32, #tpu.memory_space<hbm>> -> memref<2048xi32, #tpu.memory_space<hbm>>
          tpu.enqueue_dma source(%dma_start3A_1133 : memref<2048xi32, #tpu.memory_space<hbm>>) target(%arg10 : memref<2048xi32, #tpu.memory_space<vmem>>) target_semaphore(%run_scoped3A : memref<!tpu.dma_semaphore, #tpu.memory_space<semaphore_mem>>)
          %dma_wait3A_1134 = tpu.memref_slice %arg3[%multiple_of3A_1090] : memref<524288xi32, #tpu.memory_space<hbm>> -> memref<2048xi32, #tpu.memory_space<hbm>>
          %dma_wait3A_1135 = tpu.memref_slice %arg3[%multiple_of3A_1090] : memref<524288xi32, #tpu.memory_space<hbm>> -> memref<2048xi32, #tpu.memory_space<hbm>>
          tpu.wait_dma2 semaphore(%run_scoped3A : memref<!tpu.dma_semaphore, #tpu.memory_space<semaphore_mem>>) src(%dma_wait3A_1135 : memref<2048xi32, #tpu.memory_space<hbm>>) dst(%arg10 : memref<2048xi32, #tpu.memory_space<vmem>>)
          tpu.yield
        }) : () -> ()
        "tpu.region"() ({
          %run_scoped3A = tpu.sem_alloc : memref<!tpu.dma_semaphore, #tpu.memory_space<semaphore_mem>>
          %dma_start3A_1132 = tpu.memref_slice %arg4[%multiple_of3A_1090] : memref<524288xf32, #tpu.memory_space<hbm>> -> memref<2048xf32, #tpu.memory_space<hbm>>
          %dma_start3A_1133 = tpu.memref_slice %arg4[%multiple_of3A_1090] : memref<524288xf32, #tpu.memory_space<hbm>> -> memref<2048xf32, #tpu.memory_space<hbm>>
          tpu.enqueue_dma source(%dma_start3A_1133 : memref<2048xf32, #tpu.memory_space<hbm>>) target(%arg11 : memref<2048xf32, #tpu.memory_space<vmem>>) target_semaphore(%run_scoped3A : memref<!tpu.dma_semaphore, #tpu.memory_space<semaphore_mem>>)
          %dma_wait3A_1134 = tpu.memref_slice %arg4[%multiple_of3A_1090] : memref<524288xf32, #tpu.memory_space<hbm>> -> memref<2048xf32, #tpu.memory_space<hbm>>
          %dma_wait3A_1135 = tpu.memref_slice %arg4[%multiple_of3A_1090] : memref<524288xf32, #tpu.memory_space<hbm>> -> memref<2048xf32, #tpu.memory_space<hbm>>
          tpu.wait_dma2 semaphore(%run_scoped3A : memref<!tpu.dma_semaphore, #tpu.memory_space<semaphore_mem>>) src(%dma_wait3A_1135 : memref<2048xf32, #tpu.memory_space<hbm>>) dst(%arg11 : memref<2048xf32, #tpu.memory_space<vmem>>)
          tpu.yield
        }) : () -> ()
        %sub3A_1091 = arith.subi %add3A_560, %multiple_of3A_1090 : i32
        %add3A_1092 = arith.constant 16 : i32
        %add3A_1093 = arith.addi %sub3A_1091, %add3A_1092 : i32
        %sub3A_1094 = arith.constant 1 : i32
        %sub3A_1095 = arith.subi %add3A_1093, %sub3A_1094 : i32
        %jit3A_1096 = arith.constant 16 : i32
        %div3A_1097 = arith.divsi %sub3A_1095, %jit3A_1096 : i32
        %sign3A_1098 = arith.constant 0 : i32
        %sign3A_1099 = arith.cmpi sgt, %sub3A_1095, %sign3A_1098 : i32
        %sign3A_1100 = arith.extui %sign3A_1099 : i1 to i32
        %sign3A_1101 = arith.constant 0 : i32
        %sign3A_1102 = arith.cmpi slt, %sub3A_1095, %sign3A_1101 : i32
        %sign3A_1103 = arith.extui %sign3A_1102 : i1 to i32
        %sign3A_1104 = arith.subi %sign3A_1100, %sign3A_1103 : i32
        %sign3A_1105 = arith.constant 0 : i32
        %sign3A_1106 = arith.cmpi sgt, %jit3A_1096, %sign3A_1105 : i32
        %sign3A_1107 = arith.extui %sign3A_1106 : i1 to i32
        %sign3A_1108 = arith.constant 0 : i32
        %sign3A_1109 = arith.cmpi slt, %jit3A_1096, %sign3A_1108 : i32
        %sign3A_1110 = arith.extui %sign3A_1109 : i1 to i32
        %sign3A_1111 = arith.subi %sign3A_1107, %sign3A_1110 : i32
        %ne3A_1112 = arith.cmpi ne, %sign3A_1104, %sign3A_1111 : i32
        %rem3A_1113 = arith.remsi %sub3A_1095, %jit3A_1096 : i32
        %ne3A_1114 = arith.constant 0 : i32
        %ne3A_1115 = arith.cmpi ne, %rem3A_1113, %ne3A_1114 : i32
        %and3A_1116 = arith.andi %ne3A_1112, %ne3A_1115 : i1
        %sub3A_1117 = arith.constant 1 : i32
        %sub3A_1118 = arith.subi %div3A_1097, %sub3A_1117 : i32
        %select_n3A_1119 = arith.select %and3A_1116, %sub3A_1118, %div3A_1097 : i32
        %min3A_1120 = arith.constant 128 : i32
        %min3A_1121 = arith.minsi %select_n3A_1119, %min3A_1120 : i32
        %while3A_1122 = arith.constant 0 : i32
        %while3A_1123 = arith.constant 0 : i32
        %while3A_1124 = arith.subi %min3A_1121, %while3A_1123 : i32
        %while3A_1125 = arith.addi %while3A_1123, %while3A_1124 : i32
        %while3A_1126 = arith.constant 1 : i32
        %while3A_1127 = arith.divsi %while3A_1124, %while3A_1126 : i32
        %while3A_1128 = arith.muli %while3A_1127, %while3A_1126 : i32
        %while3A_1129 = arith.addi %while3A_1123, %while3A_1128 : i32
        %while3A_1130 = arith.constant 1 : i32
        scf.for %while3A_1132 = %while3A_1123 to %while3A_1129 step %while3A_1130  : i32 {
          %mul3A_1133 = arith.constant 16 : i32
          %mul3A_1134 = arith.muli %while3A_1132, %mul3A_1133 : i32
          %get3A = arith.index_cast %mul3A_1134 : i32 to index
          %get3A_1135 = tpu.vector_load %arg10[%get3A] {strides = array<i32>} : memref<2048xi32, #tpu.memory_space<vmem>>, vector<16xi32>,
          %mul3A_1136 = arith.constant 16 : i32
          %mul3A_1137 = arith.muli %while3A_1132, %mul3A_1136 : i32
          %get3A_1138 = arith.index_cast %mul3A_1137 : i32 to index
          %get3A_1139 = tpu.vector_load %arg11[%get3A_1138] {strides = array<i32>} : memref<2048xf32, #tpu.memory_space<vmem>>, vector<16xf32>,
          %ge3A = vector.broadcast %mul3A_754 : i32 to vector<16xi32>
          %ge3A_1140 = arith.cmpi sge, %get3A_1135, %ge3A : vector<16xi32>
          %lt3A = vector.broadcast %add3A_764 : i32 to vector<16xi32>
          %lt3A_1141 = arith.cmpi slt, %get3A_1135, %lt3A : vector<16xi32>
          %and3A_1142 = arith.andi %ge3A_1140, %lt3A_1141 : vector<16xi1>
          %sub3A_1143 = vector.broadcast %mul3A_754 : i32 to vector<16xi32>
          %sub3A_1144 = arith.subi %get3A_1135, %sub3A_1143 : vector<16xi32>
          tpu.vector_store_idx %arg9[%sub3A_1144], %get3A_1139 masked %and3A_1142 : memref<32768xf32, #tpu.memory_space<vmem>>[vector<16xi32>], vector<16xf32>, vector<16xi1>
        }
        %while3A_1131 = arith.constant 1 : i32
        scf.for %while3A_1132 = %while3A_1129 to %while3A_1125 step %while3A_1131  : i32 {
          %mul3A_1133 = arith.constant 16 : i32
          %mul3A_1134 = arith.muli %while3A_1132, %mul3A_1133 : i32
          %get3A = arith.index_cast %mul3A_1134 : i32 to index
          %get3A_1135 = tpu.vector_load %arg10[%get3A] {strides = array<i32>} : memref<2048xi32, #tpu.memory_space<vmem>>, vector<16xi32>,
          %mul3A_1136 = arith.constant 16 : i32
          %mul3A_1137 = arith.muli %while3A_1132, %mul3A_1136 : i32
          %get3A_1138 = arith.index_cast %mul3A_1137 : i32 to index
          %get3A_1139 = tpu.vector_load %arg11[%get3A_1138] {strides = array<i32>} : memref<2048xf32, #tpu.memory_space<vmem>>, vector<16xf32>,
          %ge3A = vector.broadcast %mul3A_754 : i32 to vector<16xi32>
          %ge3A_1140 = arith.cmpi sge, %get3A_1135, %ge3A : vector<16xi32>
          %lt3A = vector.broadcast %add3A_764 : i32 to vector<16xi32>
          %lt3A_1141 = arith.cmpi slt, %get3A_1135, %lt3A : vector<16xi32>
          %and3A_1142 = arith.andi %ge3A_1140, %lt3A_1141 : vector<16xi1>
          %sub3A_1143 = vector.broadcast %mul3A_754 : i32 to vector<16xi32>
          %sub3A_1144 = arith.subi %get3A_1135, %sub3A_1143 : vector<16xi32>
          tpu.vector_store_idx %arg9[%sub3A_1144], %get3A_1139 masked %and3A_1142 : memref<32768xf32, #tpu.memory_space<vmem>>[vector<16xi32>], vector<16xf32>, vector<16xi1>
        }
      }
      %while3A_1084 = arith.constant 1 : i32
      scf.for %while3A_1085 = %while3A_1082 to %while3A_1078 step %while3A_1084  : i32 {
        %mul3A_1086 = arith.constant 2048 : i32
        %mul3A_1087 = arith.muli %while3A_1085, %mul3A_1086 : i32
        %add3A_1088 = arith.addi %and3A_1052, %mul3A_1087 : i32
        %min3A = arith.constant 522240 : i32
        %min3A_1089 = arith.minsi %add3A_1088, %min3A : i32
        %multiple_of3A_1090 = tpu.assume_multiple %min3A_1089, 8 : i32
        "tpu.region"() ({
          %run_scoped3A = tpu.sem_alloc : memref<!tpu.dma_semaphore, #tpu.memory_space<semaphore_mem>>
          %dma_start3A_1132 = tpu.memref_slice %arg3[%multiple_of3A_1090] : memref<524288xi32, #tpu.memory_space<hbm>> -> memref<2048xi32, #tpu.memory_space<hbm>>
          %dma_start3A_1133 = tpu.memref_slice %arg3[%multiple_of3A_1090] : memref<524288xi32, #tpu.memory_space<hbm>> -> memref<2048xi32, #tpu.memory_space<hbm>>
          tpu.enqueue_dma source(%dma_start3A_1133 : memref<2048xi32, #tpu.memory_space<hbm>>) target(%arg10 : memref<2048xi32, #tpu.memory_space<vmem>>) target_semaphore(%run_scoped3A : memref<!tpu.dma_semaphore, #tpu.memory_space<semaphore_mem>>)
          %dma_wait3A_1134 = tpu.memref_slice %arg3[%multiple_of3A_1090] : memref<524288xi32, #tpu.memory_space<hbm>> -> memref<2048xi32, #tpu.memory_space<hbm>>
          %dma_wait3A_1135 = tpu.memref_slice %arg3[%multiple_of3A_1090] : memref<524288xi32, #tpu.memory_space<hbm>> -> memref<2048xi32, #tpu.memory_space<hbm>>
          tpu.wait_dma2 semaphore(%run_scoped3A : memref<!tpu.dma_semaphore, #tpu.memory_space<semaphore_mem>>) src(%dma_wait3A_1135 : memref<2048xi32, #tpu.memory_space<hbm>>) dst(%arg10 : memref<2048xi32, #tpu.memory_space<vmem>>)
          tpu.yield
        }) : () -> ()
        "tpu.region"() ({
          %run_scoped3A = tpu.sem_alloc : memref<!tpu.dma_semaphore, #tpu.memory_space<semaphore_mem>>
          %dma_start3A_1132 = tpu.memref_slice %arg4[%multiple_of3A_1090] : memref<524288xf32, #tpu.memory_space<hbm>> -> memref<2048xf32, #tpu.memory_space<hbm>>
          %dma_start3A_1133 = tpu.memref_slice %arg4[%multiple_of3A_1090] : memref<524288xf32, #tpu.memory_space<hbm>> -> memref<2048xf32, #tpu.memory_space<hbm>>
          tpu.enqueue_dma source(%dma_start3A_1133 : memref<2048xf32, #tpu.memory_space<hbm>>) target(%arg11 : memref<2048xf32, #tpu.memory_space<vmem>>) target_semaphore(%run_scoped3A : memref<!tpu.dma_semaphore, #tpu.memory_space<semaphore_mem>>)
          %dma_wait3A_1134 = tpu.memref_slice %arg4[%multiple_of3A_1090] : memref<524288xf32, #tpu.memory_space<hbm>> -> memref<2048xf32, #tpu.memory_space<hbm>>
          %dma_wait3A_1135 = tpu.memref_slice %arg4[%multiple_of3A_1090] : memref<524288xf32, #tpu.memory_space<hbm>> -> memref<2048xf32, #tpu.memory_space<hbm>>
          tpu.wait_dma2 semaphore(%run_scoped3A : memref<!tpu.dma_semaphore, #tpu.memory_space<semaphore_mem>>) src(%dma_wait3A_1135 : memref<2048xf32, #tpu.memory_space<hbm>>) dst(%arg11 : memref<2048xf32, #tpu.memory_space<vmem>>)
          tpu.yield
        }) : () -> ()
        %sub3A_1091 = arith.subi %add3A_560, %multiple_of3A_1090 : i32
        %add3A_1092 = arith.constant 16 : i32
        %add3A_1093 = arith.addi %sub3A_1091, %add3A_1092 : i32
        %sub3A_1094 = arith.constant 1 : i32
        %sub3A_1095 = arith.subi %add3A_1093, %sub3A_1094 : i32
        %jit3A_1096 = arith.constant 16 : i32
        %div3A_1097 = arith.divsi %sub3A_1095, %jit3A_1096 : i32
        %sign3A_1098 = arith.constant 0 : i32
        %sign3A_1099 = arith.cmpi sgt, %sub3A_1095, %sign3A_1098 : i32
        %sign3A_1100 = arith.extui %sign3A_1099 : i1 to i32
        %sign3A_1101 = arith.constant 0 : i32
        %sign3A_1102 = arith.cmpi slt, %sub3A_1095, %sign3A_1101 : i32
        %sign3A_1103 = arith.extui %sign3A_1102 : i1 to i32
        %sign3A_1104 = arith.subi %sign3A_1100, %sign3A_1103 : i32
        %sign3A_1105 = arith.constant 0 : i32
        %sign3A_1106 = arith.cmpi sgt, %jit3A_1096, %sign3A_1105 : i32
        %sign3A_1107 = arith.extui %sign3A_1106 : i1 to i32
        %sign3A_1108 = arith.constant 0 : i32
        %sign3A_1109 = arith.cmpi slt, %jit3A_1096, %sign3A_1108 : i32
        %sign3A_1110 = arith.extui %sign3A_1109 : i1 to i32
        %sign3A_1111 = arith.subi %sign3A_1107, %sign3A_1110 : i32
        %ne3A_1112 = arith.cmpi ne, %sign3A_1104, %sign3A_1111 : i32
        %rem3A_1113 = arith.remsi %sub3A_1095, %jit3A_1096 : i32
        %ne3A_1114 = arith.constant 0 : i32
        %ne3A_1115 = arith.cmpi ne, %rem3A_1113, %ne3A_1114 : i32
        %and3A_1116 = arith.andi %ne3A_1112, %ne3A_1115 : i1
        %sub3A_1117 = arith.constant 1 : i32
        %sub3A_1118 = arith.subi %div3A_1097, %sub3A_1117 : i32
        %select_n3A_1119 = arith.select %and3A_1116, %sub3A_1118, %div3A_1097 : i32
        %min3A_1120 = arith.constant 128 : i32
        %min3A_1121 = arith.minsi %select_n3A_1119, %min3A_1120 : i32
        %while3A_1122 = arith.constant 0 : i32
        %while3A_1123 = arith.constant 0 : i32
        %while3A_1124 = arith.subi %min3A_1121, %while3A_1123 : i32
        %while3A_1125 = arith.addi %while3A_1123, %while3A_1124 : i32
        %while3A_1126 = arith.constant 1 : i32
        %while3A_1127 = arith.divsi %while3A_1124, %while3A_1126 : i32
        %while3A_1128 = arith.muli %while3A_1127, %while3A_1126 : i32
        %while3A_1129 = arith.addi %while3A_1123, %while3A_1128 : i32
        %while3A_1130 = arith.constant 1 : i32
        scf.for %while3A_1132 = %while3A_1123 to %while3A_1129 step %while3A_1130  : i32 {
          %mul3A_1133 = arith.constant 16 : i32
          %mul3A_1134 = arith.muli %while3A_1132, %mul3A_1133 : i32
          %get3A = arith.index_cast %mul3A_1134 : i32 to index
          %get3A_1135 = tpu.vector_load %arg10[%get3A] {strides = array<i32>} : memref<2048xi32, #tpu.memory_space<vmem>>, vector<16xi32>,
          %mul3A_1136 = arith.constant 16 : i32
          %mul3A_1137 = arith.muli %while3A_1132, %mul3A_1136 : i32
          %get3A_1138 = arith.index_cast %mul3A_1137 : i32 to index
          %get3A_1139 = tpu.vector_load %arg11[%get3A_1138] {strides = array<i32>} : memref<2048xf32, #tpu.memory_space<vmem>>, vector<16xf32>,
          %ge3A = vector.broadcast %mul3A_754 : i32 to vector<16xi32>
          %ge3A_1140 = arith.cmpi sge, %get3A_1135, %ge3A : vector<16xi32>
          %lt3A = vector.broadcast %add3A_764 : i32 to vector<16xi32>
          %lt3A_1141 = arith.cmpi slt, %get3A_1135, %lt3A : vector<16xi32>
          %and3A_1142 = arith.andi %ge3A_1140, %lt3A_1141 : vector<16xi1>
          %sub3A_1143 = vector.broadcast %mul3A_754 : i32 to vector<16xi32>
          %sub3A_1144 = arith.subi %get3A_1135, %sub3A_1143 : vector<16xi32>
          tpu.vector_store_idx %arg9[%sub3A_1144], %get3A_1139 masked %and3A_1142 : memref<32768xf32, #tpu.memory_space<vmem>>[vector<16xi32>], vector<16xf32>, vector<16xi1>
        }
        %while3A_1131 = arith.constant 1 : i32
        scf.for %while3A_1132 = %while3A_1129 to %while3A_1125 step %while3A_1131  : i32 {
          %mul3A_1133 = arith.constant 16 : i32
          %mul3A_1134 = arith.muli %while3A_1132, %mul3A_1133 : i32
          %get3A = arith.index_cast %mul3A_1134 : i32 to index
          %get3A_1135 = tpu.vector_load %arg10[%get3A] {strides = array<i32>} : memref<2048xi32, #tpu.memory_space<vmem>>, vector<16xi32>,
          %mul3A_1136 = arith.constant 16 : i32
          %mul3A_1137 = arith.muli %while3A_1132, %mul3A_1136 : i32
          %get3A_1138 = arith.index_cast %mul3A_1137 : i32 to index
          %get3A_1139 = tpu.vector_load %arg11[%get3A_1138] {strides = array<i32>} : memref<2048xf32, #tpu.memory_space<vmem>>, vector<16xf32>,
          %ge3A = vector.broadcast %mul3A_754 : i32 to vector<16xi32>
          %ge3A_1140 = arith.cmpi sge, %get3A_1135, %ge3A : vector<16xi32>
          %lt3A = vector.broadcast %add3A_764 : i32 to vector<16xi32>
          %lt3A_1141 = arith.cmpi slt, %get3A_1135, %lt3A : vector<16xi32>
          %and3A_1142 = arith.andi %ge3A_1140, %lt3A_1141 : vector<16xi1>
          %sub3A_1143 = vector.broadcast %mul3A_754 : i32 to vector<16xi32>
          %sub3A_1144 = arith.subi %get3A_1135, %sub3A_1143 : vector<16xi32>
          tpu.vector_store_idx %arg9[%sub3A_1144], %get3A_1139 masked %and3A_1142 : memref<32768xf32, #tpu.memory_space<vmem>>[vector<16xi32>], vector<16xf32>, vector<16xi1>
        }
      }
    } else {
    }
    %dma_start3A_801 = tpu.memref_slice %arg6[%mul3A_754] : memref<8388608xf32, #tpu.memory_space<hbm>> -> memref<32768xf32, #tpu.memory_space<hbm>>
    %dma_start3A_802 = tpu.memref_slice %arg6[%mul3A_754] : memref<8388608xf32, #tpu.memory_space<hbm>> -> memref<32768xf32, #tpu.memory_space<hbm>>
    tpu.enqueue_dma source(%arg9 : memref<32768xf32, #tpu.memory_space<vmem>>) target(%dma_start3A_802 : memref<32768xf32, #tpu.memory_space<hbm>>) target_semaphore(%arg20 : memref<!tpu.dma_semaphore, #tpu.memory_space<semaphore_mem>>)
    %add3A_803 = arith.constant 96 : i32
    %add3A_804 = arith.addi %add3A, %add3A_803 : i32
    %mul3A_805 = arith.constant 32768 : i32
    %mul3A_806 = arith.muli %add3A_804, %mul3A_805 : i32
    %sub3A_807 = arith.subi %add3A_576, %add3A_568 : i32
    %eq3A_808 = arith.constant 32768 : i32
    %eq3A_809 = arith.cmpi eq, %sub3A_807, %eq3A_808 : i32
    %and3A_810 = arith.constant 7 : i32
    %and3A_811 = arith.andi %add3A_568, %and3A_810 : i32
    %eq3A_812 = arith.constant 0 : i32
    %eq3A_813 = arith.cmpi eq, %and3A_811, %eq3A_812 : i32
    %and3A_814 = arith.andi %eq3A_809, %eq3A_813 : i1
    %add3A_815 = arith.constant 32768 : i32
    %add3A_816 = arith.addi %mul3A_806, %add3A_815 : i32
    %dma_wait3A_817 = arith.constant 0 : i32
    %dma_wait3A_818 = tpu.memref_slice %arg6[%dma_wait3A_817] : memref<8388608xf32, #tpu.memory_space<hbm>> -> memref<32768xf32, #tpu.memory_space<hbm>>
    %dma_wait3A_819 = arith.constant 0 : i32
    %dma_wait3A_820 = tpu.memref_slice %arg6[%dma_wait3A_819] : memref<8388608xf32, #tpu.memory_space<hbm>> -> memref<32768xf32, #tpu.memory_space<hbm>>
    tpu.wait_dma2 semaphore(%arg19 : memref<!tpu.dma_semaphore, #tpu.memory_space<semaphore_mem>>) src(%arg8 : memref<32768xf32, #tpu.memory_space<vmem>>) dst(%dma_wait3A_820 : memref<32768xf32, #tpu.memory_space<hbm>>)
    %add3A_821 = arith.constant 128 : i32
    %add3A_822 = arith.addi %add3A, %add3A_821 : i32
    %mul3A_823 = arith.constant 32768 : i32
    %mul3A_824 = arith.muli %add3A_822, %mul3A_823 : i32
    %sub3A_825 = arith.subi %add3A_592, %add3A_584 : i32
    %eq3A_826 = arith.constant 32768 : i32
    %eq3A_827 = arith.cmpi eq, %sub3A_825, %eq3A_826 : i32
    %and3A_828 = arith.constant 7 : i32
    %and3A_829 = arith.andi %add3A_584, %and3A_828 : i32
    %eq3A_830 = arith.constant 0 : i32
    %eq3A_831 = arith.cmpi eq, %and3A_829, %eq3A_830 : i32
    %and3A_832 = arith.andi %eq3A_827, %eq3A_831 : i1
    %convert_element_type3A_833 = arith.extui %and3A_832 : i1 to i32
    %cond3A_834 = arith.constant 0 : i32
    %cond3A_835 = arith.cmpi ne, %convert_element_type3A_833, %cond3A_834 : i32
    scf.if %cond3A_835 {
      %multiple_of3A_1051 = tpu.assume_multiple %add3A_584, 8 : i32
      %dma_start3A_1052 = tpu.memref_slice %arg4[%multiple_of3A_1051] : memref<524288xf32, #tpu.memory_space<hbm>> -> memref<32768xf32, #tpu.memory_space<hbm>>
      %dma_start3A_1053 = tpu.memref_slice %arg4[%multiple_of3A_1051] : memref<524288xf32, #tpu.memory_space<hbm>> -> memref<32768xf32, #tpu.memory_space<hbm>>
      tpu.enqueue_dma source(%dma_start3A_1053 : memref<32768xf32, #tpu.memory_space<hbm>>) target(%arg8 : memref<32768xf32, #tpu.memory_space<vmem>>) target_semaphore(%arg16 : memref<!tpu.dma_semaphore, #tpu.memory_space<semaphore_mem>>)
    } else {
    }
    %not3A_836 = arith.constant true
    %not3A_837 = arith.xori %and3A_832, %not3A_836 : i1
    %convert_element_type3A_838 = arith.extui %not3A_837 : i1 to i32
    %cond3A_839 = arith.constant 0 : i32
    %cond3A_840 = arith.cmpi ne, %convert_element_type3A_838, %cond3A_839 : i32
    scf.if %cond3A_840 {
      %dma_start3A_1051 = tpu.memref_slice %arg2[%mul3A_824] : memref<8388608xf32, #tpu.memory_space<hbm>> -> memref<32768xf32, #tpu.memory_space<hbm>>
      %dma_start3A_1052 = tpu.memref_slice %arg2[%mul3A_824] : memref<8388608xf32, #tpu.memory_space<hbm>> -> memref<32768xf32, #tpu.memory_space<hbm>>
      tpu.enqueue_dma source(%dma_start3A_1052 : memref<32768xf32, #tpu.memory_space<hbm>>) target(%arg8 : memref<32768xf32, #tpu.memory_space<vmem>>) target_semaphore(%arg16 : memref<!tpu.dma_semaphore, #tpu.memory_space<semaphore_mem>>)
    } else {
    }
    %dma_wait3A_841 = arith.constant 0 : i32
    %dma_wait3A_842 = tpu.memref_slice %arg2[%dma_wait3A_841] : memref<8388608xf32, #tpu.memory_space<hbm>> -> memref<32768xf32, #tpu.memory_space<hbm>>
    %dma_wait3A_843 = arith.constant 0 : i32
    %dma_wait3A_844 = tpu.memref_slice %arg2[%dma_wait3A_843] : memref<8388608xf32, #tpu.memory_space<hbm>> -> memref<32768xf32, #tpu.memory_space<hbm>>
    tpu.wait_dma2 semaphore(%arg15 : memref<!tpu.dma_semaphore, #tpu.memory_space<semaphore_mem>>) src(%dma_wait3A_844 : memref<32768xf32, #tpu.memory_space<hbm>>) dst(%arg7 : memref<32768xf32, #tpu.memory_space<vmem>>)
    %gt3A_845 = arith.constant 0 : i32
    %gt3A_846 = arith.cmpi sgt, %sub3A_807, %gt3A_845 : i32
    %not3A_847 = arith.constant true
    %not3A_848 = arith.xori %and3A_814, %not3A_847 : i1
    %and3A_849 = arith.andi %gt3A_846, %not3A_848 : i1
    %convert_element_type3A_850 = arith.extui %and3A_849 : i1 to i32
    %cond3A_851 = arith.constant 0 : i32
    %cond3A_852 = arith.cmpi ne, %convert_element_type3A_850, %cond3A_851 : i32
    scf.if %cond3A_852 {
      %and3A_1051 = arith.constant -8 : i32
      %and3A_1052 = arith.andi %add3A_568, %and3A_1051 : i32
      %sub3A_1053 = arith.subi %add3A_576, %and3A_1052 : i32
      %add3A_1054 = arith.constant 2048 : i32
      %add3A_1055 = arith.addi %sub3A_1053, %add3A_1054 : i32
      %sub3A_1056 = arith.constant 1 : i32
      %sub3A_1057 = arith.subi %add3A_1055, %sub3A_1056 : i32
      %jit3A = arith.constant 2048 : i32
      %div3A = arith.divsi %sub3A_1057, %jit3A : i32
      %sign3A = arith.constant 0 : i32
      %sign3A_1058 = arith.cmpi sgt, %sub3A_1057, %sign3A : i32
      %sign3A_1059 = arith.extui %sign3A_1058 : i1 to i32
      %sign3A_1060 = arith.constant 0 : i32
      %sign3A_1061 = arith.cmpi slt, %sub3A_1057, %sign3A_1060 : i32
      %sign3A_1062 = arith.extui %sign3A_1061 : i1 to i32
      %sign3A_1063 = arith.subi %sign3A_1059, %sign3A_1062 : i32
      %sign3A_1064 = arith.constant 0 : i32
      %sign3A_1065 = arith.cmpi sgt, %jit3A, %sign3A_1064 : i32
      %sign3A_1066 = arith.extui %sign3A_1065 : i1 to i32
      %sign3A_1067 = arith.constant 0 : i32
      %sign3A_1068 = arith.cmpi slt, %jit3A, %sign3A_1067 : i32
      %sign3A_1069 = arith.extui %sign3A_1068 : i1 to i32
      %sign3A_1070 = arith.subi %sign3A_1066, %sign3A_1069 : i32
      %ne3A = arith.cmpi ne, %sign3A_1063, %sign3A_1070 : i32
      %rem3A = arith.remsi %sub3A_1057, %jit3A : i32
      %ne3A_1071 = arith.constant 0 : i32
      %ne3A_1072 = arith.cmpi ne, %rem3A, %ne3A_1071 : i32
      %and3A_1073 = arith.andi %ne3A, %ne3A_1072 : i1
      %sub3A_1074 = arith.constant 1 : i32
      %sub3A_1075 = arith.subi %div3A, %sub3A_1074 : i32
      %select_n3A = arith.select %and3A_1073, %sub3A_1075, %div3A : i32
      %while3A = arith.constant 0 : i32
      %while3A_1076 = arith.constant 0 : i32
      %while3A_1077 = arith.subi %select_n3A, %while3A_1076 : i32
      %while3A_1078 = arith.addi %while3A_1076, %while3A_1077 : i32
      %while3A_1079 = arith.constant 1 : i32
      %while3A_1080 = arith.divsi %while3A_1077, %while3A_1079 : i32
      %while3A_1081 = arith.muli %while3A_1080, %while3A_1079 : i32
      %while3A_1082 = arith.addi %while3A_1076, %while3A_1081 : i32
      %while3A_1083 = arith.constant 1 : i32
      scf.for %while3A_1085 = %while3A_1076 to %while3A_1082 step %while3A_1083  : i32 {
        %mul3A_1086 = arith.constant 2048 : i32
        %mul3A_1087 = arith.muli %while3A_1085, %mul3A_1086 : i32
        %add3A_1088 = arith.addi %and3A_1052, %mul3A_1087 : i32
        %min3A = arith.constant 522240 : i32
        %min3A_1089 = arith.minsi %add3A_1088, %min3A : i32
        %multiple_of3A_1090 = tpu.assume_multiple %min3A_1089, 8 : i32
        "tpu.region"() ({
          %run_scoped3A = tpu.sem_alloc : memref<!tpu.dma_semaphore, #tpu.memory_space<semaphore_mem>>
          %dma_start3A_1132 = tpu.memref_slice %arg3[%multiple_of3A_1090] : memref<524288xi32, #tpu.memory_space<hbm>> -> memref<2048xi32, #tpu.memory_space<hbm>>
          %dma_start3A_1133 = tpu.memref_slice %arg3[%multiple_of3A_1090] : memref<524288xi32, #tpu.memory_space<hbm>> -> memref<2048xi32, #tpu.memory_space<hbm>>
          tpu.enqueue_dma source(%dma_start3A_1133 : memref<2048xi32, #tpu.memory_space<hbm>>) target(%arg10 : memref<2048xi32, #tpu.memory_space<vmem>>) target_semaphore(%run_scoped3A : memref<!tpu.dma_semaphore, #tpu.memory_space<semaphore_mem>>)
          %dma_wait3A_1134 = tpu.memref_slice %arg3[%multiple_of3A_1090] : memref<524288xi32, #tpu.memory_space<hbm>> -> memref<2048xi32, #tpu.memory_space<hbm>>
          %dma_wait3A_1135 = tpu.memref_slice %arg3[%multiple_of3A_1090] : memref<524288xi32, #tpu.memory_space<hbm>> -> memref<2048xi32, #tpu.memory_space<hbm>>
          tpu.wait_dma2 semaphore(%run_scoped3A : memref<!tpu.dma_semaphore, #tpu.memory_space<semaphore_mem>>) src(%dma_wait3A_1135 : memref<2048xi32, #tpu.memory_space<hbm>>) dst(%arg10 : memref<2048xi32, #tpu.memory_space<vmem>>)
          tpu.yield
        }) : () -> ()
        "tpu.region"() ({
          %run_scoped3A = tpu.sem_alloc : memref<!tpu.dma_semaphore, #tpu.memory_space<semaphore_mem>>
          %dma_start3A_1132 = tpu.memref_slice %arg4[%multiple_of3A_1090] : memref<524288xf32, #tpu.memory_space<hbm>> -> memref<2048xf32, #tpu.memory_space<hbm>>
          %dma_start3A_1133 = tpu.memref_slice %arg4[%multiple_of3A_1090] : memref<524288xf32, #tpu.memory_space<hbm>> -> memref<2048xf32, #tpu.memory_space<hbm>>
          tpu.enqueue_dma source(%dma_start3A_1133 : memref<2048xf32, #tpu.memory_space<hbm>>) target(%arg11 : memref<2048xf32, #tpu.memory_space<vmem>>) target_semaphore(%run_scoped3A : memref<!tpu.dma_semaphore, #tpu.memory_space<semaphore_mem>>)
          %dma_wait3A_1134 = tpu.memref_slice %arg4[%multiple_of3A_1090] : memref<524288xf32, #tpu.memory_space<hbm>> -> memref<2048xf32, #tpu.memory_space<hbm>>
          %dma_wait3A_1135 = tpu.memref_slice %arg4[%multiple_of3A_1090] : memref<524288xf32, #tpu.memory_space<hbm>> -> memref<2048xf32, #tpu.memory_space<hbm>>
          tpu.wait_dma2 semaphore(%run_scoped3A : memref<!tpu.dma_semaphore, #tpu.memory_space<semaphore_mem>>) src(%dma_wait3A_1135 : memref<2048xf32, #tpu.memory_space<hbm>>) dst(%arg11 : memref<2048xf32, #tpu.memory_space<vmem>>)
          tpu.yield
        }) : () -> ()
        %sub3A_1091 = arith.subi %add3A_576, %multiple_of3A_1090 : i32
        %add3A_1092 = arith.constant 16 : i32
        %add3A_1093 = arith.addi %sub3A_1091, %add3A_1092 : i32
        %sub3A_1094 = arith.constant 1 : i32
        %sub3A_1095 = arith.subi %add3A_1093, %sub3A_1094 : i32
        %jit3A_1096 = arith.constant 16 : i32
        %div3A_1097 = arith.divsi %sub3A_1095, %jit3A_1096 : i32
        %sign3A_1098 = arith.constant 0 : i32
        %sign3A_1099 = arith.cmpi sgt, %sub3A_1095, %sign3A_1098 : i32
        %sign3A_1100 = arith.extui %sign3A_1099 : i1 to i32
        %sign3A_1101 = arith.constant 0 : i32
        %sign3A_1102 = arith.cmpi slt, %sub3A_1095, %sign3A_1101 : i32
        %sign3A_1103 = arith.extui %sign3A_1102 : i1 to i32
        %sign3A_1104 = arith.subi %sign3A_1100, %sign3A_1103 : i32
        %sign3A_1105 = arith.constant 0 : i32
        %sign3A_1106 = arith.cmpi sgt, %jit3A_1096, %sign3A_1105 : i32
        %sign3A_1107 = arith.extui %sign3A_1106 : i1 to i32
        %sign3A_1108 = arith.constant 0 : i32
        %sign3A_1109 = arith.cmpi slt, %jit3A_1096, %sign3A_1108 : i32
        %sign3A_1110 = arith.extui %sign3A_1109 : i1 to i32
        %sign3A_1111 = arith.subi %sign3A_1107, %sign3A_1110 : i32
        %ne3A_1112 = arith.cmpi ne, %sign3A_1104, %sign3A_1111 : i32
        %rem3A_1113 = arith.remsi %sub3A_1095, %jit3A_1096 : i32
        %ne3A_1114 = arith.constant 0 : i32
        %ne3A_1115 = arith.cmpi ne, %rem3A_1113, %ne3A_1114 : i32
        %and3A_1116 = arith.andi %ne3A_1112, %ne3A_1115 : i1
        %sub3A_1117 = arith.constant 1 : i32
        %sub3A_1118 = arith.subi %div3A_1097, %sub3A_1117 : i32
        %select_n3A_1119 = arith.select %and3A_1116, %sub3A_1118, %div3A_1097 : i32
        %min3A_1120 = arith.constant 128 : i32
        %min3A_1121 = arith.minsi %select_n3A_1119, %min3A_1120 : i32
        %while3A_1122 = arith.constant 0 : i32
        %while3A_1123 = arith.constant 0 : i32
        %while3A_1124 = arith.subi %min3A_1121, %while3A_1123 : i32
        %while3A_1125 = arith.addi %while3A_1123, %while3A_1124 : i32
        %while3A_1126 = arith.constant 1 : i32
        %while3A_1127 = arith.divsi %while3A_1124, %while3A_1126 : i32
        %while3A_1128 = arith.muli %while3A_1127, %while3A_1126 : i32
        %while3A_1129 = arith.addi %while3A_1123, %while3A_1128 : i32
        %while3A_1130 = arith.constant 1 : i32
        scf.for %while3A_1132 = %while3A_1123 to %while3A_1129 step %while3A_1130  : i32 {
          %mul3A_1133 = arith.constant 16 : i32
          %mul3A_1134 = arith.muli %while3A_1132, %mul3A_1133 : i32
          %get3A = arith.index_cast %mul3A_1134 : i32 to index
          %get3A_1135 = tpu.vector_load %arg10[%get3A] {strides = array<i32>} : memref<2048xi32, #tpu.memory_space<vmem>>, vector<16xi32>,
          %mul3A_1136 = arith.constant 16 : i32
          %mul3A_1137 = arith.muli %while3A_1132, %mul3A_1136 : i32
          %get3A_1138 = arith.index_cast %mul3A_1137 : i32 to index
          %get3A_1139 = tpu.vector_load %arg11[%get3A_1138] {strides = array<i32>} : memref<2048xf32, #tpu.memory_space<vmem>>, vector<16xf32>,
          %ge3A = vector.broadcast %mul3A_806 : i32 to vector<16xi32>
          %ge3A_1140 = arith.cmpi sge, %get3A_1135, %ge3A : vector<16xi32>
          %lt3A = vector.broadcast %add3A_816 : i32 to vector<16xi32>
          %lt3A_1141 = arith.cmpi slt, %get3A_1135, %lt3A : vector<16xi32>
          %and3A_1142 = arith.andi %ge3A_1140, %lt3A_1141 : vector<16xi1>
          %sub3A_1143 = vector.broadcast %mul3A_806 : i32 to vector<16xi32>
          %sub3A_1144 = arith.subi %get3A_1135, %sub3A_1143 : vector<16xi32>
          tpu.vector_store_idx %arg7[%sub3A_1144], %get3A_1139 masked %and3A_1142 : memref<32768xf32, #tpu.memory_space<vmem>>[vector<16xi32>], vector<16xf32>, vector<16xi1>
        }
        %while3A_1131 = arith.constant 1 : i32
        scf.for %while3A_1132 = %while3A_1129 to %while3A_1125 step %while3A_1131  : i32 {
          %mul3A_1133 = arith.constant 16 : i32
          %mul3A_1134 = arith.muli %while3A_1132, %mul3A_1133 : i32
          %get3A = arith.index_cast %mul3A_1134 : i32 to index
          %get3A_1135 = tpu.vector_load %arg10[%get3A] {strides = array<i32>} : memref<2048xi32, #tpu.memory_space<vmem>>, vector<16xi32>,
          %mul3A_1136 = arith.constant 16 : i32
          %mul3A_1137 = arith.muli %while3A_1132, %mul3A_1136 : i32
          %get3A_1138 = arith.index_cast %mul3A_1137 : i32 to index
          %get3A_1139 = tpu.vector_load %arg11[%get3A_1138] {strides = array<i32>} : memref<2048xf32, #tpu.memory_space<vmem>>, vector<16xf32>,
          %ge3A = vector.broadcast %mul3A_806 : i32 to vector<16xi32>
          %ge3A_1140 = arith.cmpi sge, %get3A_1135, %ge3A : vector<16xi32>
          %lt3A = vector.broadcast %add3A_816 : i32 to vector<16xi32>
          %lt3A_1141 = arith.cmpi slt, %get3A_1135, %lt3A : vector<16xi32>
          %and3A_1142 = arith.andi %ge3A_1140, %lt3A_1141 : vector<16xi1>
          %sub3A_1143 = vector.broadcast %mul3A_806 : i32 to vector<16xi32>
          %sub3A_1144 = arith.subi %get3A_1135, %sub3A_1143 : vector<16xi32>
          tpu.vector_store_idx %arg7[%sub3A_1144], %get3A_1139 masked %and3A_1142 : memref<32768xf32, #tpu.memory_space<vmem>>[vector<16xi32>], vector<16xf32>, vector<16xi1>
        }
      }
      %while3A_1084 = arith.constant 1 : i32
      scf.for %while3A_1085 = %while3A_1082 to %while3A_1078 step %while3A_1084  : i32 {
        %mul3A_1086 = arith.constant 2048 : i32
        %mul3A_1087 = arith.muli %while3A_1085, %mul3A_1086 : i32
        %add3A_1088 = arith.addi %and3A_1052, %mul3A_1087 : i32
        %min3A = arith.constant 522240 : i32
        %min3A_1089 = arith.minsi %add3A_1088, %min3A : i32
        %multiple_of3A_1090 = tpu.assume_multiple %min3A_1089, 8 : i32
        "tpu.region"() ({
          %run_scoped3A = tpu.sem_alloc : memref<!tpu.dma_semaphore, #tpu.memory_space<semaphore_mem>>
          %dma_start3A_1132 = tpu.memref_slice %arg3[%multiple_of3A_1090] : memref<524288xi32, #tpu.memory_space<hbm>> -> memref<2048xi32, #tpu.memory_space<hbm>>
          %dma_start3A_1133 = tpu.memref_slice %arg3[%multiple_of3A_1090] : memref<524288xi32, #tpu.memory_space<hbm>> -> memref<2048xi32, #tpu.memory_space<hbm>>
          tpu.enqueue_dma source(%dma_start3A_1133 : memref<2048xi32, #tpu.memory_space<hbm>>) target(%arg10 : memref<2048xi32, #tpu.memory_space<vmem>>) target_semaphore(%run_scoped3A : memref<!tpu.dma_semaphore, #tpu.memory_space<semaphore_mem>>)
          %dma_wait3A_1134 = tpu.memref_slice %arg3[%multiple_of3A_1090] : memref<524288xi32, #tpu.memory_space<hbm>> -> memref<2048xi32, #tpu.memory_space<hbm>>
          %dma_wait3A_1135 = tpu.memref_slice %arg3[%multiple_of3A_1090] : memref<524288xi32, #tpu.memory_space<hbm>> -> memref<2048xi32, #tpu.memory_space<hbm>>
          tpu.wait_dma2 semaphore(%run_scoped3A : memref<!tpu.dma_semaphore, #tpu.memory_space<semaphore_mem>>) src(%dma_wait3A_1135 : memref<2048xi32, #tpu.memory_space<hbm>>) dst(%arg10 : memref<2048xi32, #tpu.memory_space<vmem>>)
          tpu.yield
        }) : () -> ()
        "tpu.region"() ({
          %run_scoped3A = tpu.sem_alloc : memref<!tpu.dma_semaphore, #tpu.memory_space<semaphore_mem>>
          %dma_start3A_1132 = tpu.memref_slice %arg4[%multiple_of3A_1090] : memref<524288xf32, #tpu.memory_space<hbm>> -> memref<2048xf32, #tpu.memory_space<hbm>>
          %dma_start3A_1133 = tpu.memref_slice %arg4[%multiple_of3A_1090] : memref<524288xf32, #tpu.memory_space<hbm>> -> memref<2048xf32, #tpu.memory_space<hbm>>
          tpu.enqueue_dma source(%dma_start3A_1133 : memref<2048xf32, #tpu.memory_space<hbm>>) target(%arg11 : memref<2048xf32, #tpu.memory_space<vmem>>) target_semaphore(%run_scoped3A : memref<!tpu.dma_semaphore, #tpu.memory_space<semaphore_mem>>)
          %dma_wait3A_1134 = tpu.memref_slice %arg4[%multiple_of3A_1090] : memref<524288xf32, #tpu.memory_space<hbm>> -> memref<2048xf32, #tpu.memory_space<hbm>>
          %dma_wait3A_1135 = tpu.memref_slice %arg4[%multiple_of3A_1090] : memref<524288xf32, #tpu.memory_space<hbm>> -> memref<2048xf32, #tpu.memory_space<hbm>>
          tpu.wait_dma2 semaphore(%run_scoped3A : memref<!tpu.dma_semaphore, #tpu.memory_space<semaphore_mem>>) src(%dma_wait3A_1135 : memref<2048xf32, #tpu.memory_space<hbm>>) dst(%arg11 : memref<2048xf32, #tpu.memory_space<vmem>>)
          tpu.yield
        }) : () -> ()
        %sub3A_1091 = arith.subi %add3A_576, %multiple_of3A_1090 : i32
        %add3A_1092 = arith.constant 16 : i32
        %add3A_1093 = arith.addi %sub3A_1091, %add3A_1092 : i32
        %sub3A_1094 = arith.constant 1 : i32
        %sub3A_1095 = arith.subi %add3A_1093, %sub3A_1094 : i32
        %jit3A_1096 = arith.constant 16 : i32
        %div3A_1097 = arith.divsi %sub3A_1095, %jit3A_1096 : i32
        %sign3A_1098 = arith.constant 0 : i32
        %sign3A_1099 = arith.cmpi sgt, %sub3A_1095, %sign3A_1098 : i32
        %sign3A_1100 = arith.extui %sign3A_1099 : i1 to i32
        %sign3A_1101 = arith.constant 0 : i32
        %sign3A_1102 = arith.cmpi slt, %sub3A_1095, %sign3A_1101 : i32
        %sign3A_1103 = arith.extui %sign3A_1102 : i1 to i32
        %sign3A_1104 = arith.subi %sign3A_1100, %sign3A_1103 : i32
        %sign3A_1105 = arith.constant 0 : i32
        %sign3A_1106 = arith.cmpi sgt, %jit3A_1096, %sign3A_1105 : i32
        %sign3A_1107 = arith.extui %sign3A_1106 : i1 to i32
        %sign3A_1108 = arith.constant 0 : i32
        %sign3A_1109 = arith.cmpi slt, %jit3A_1096, %sign3A_1108 : i32
        %sign3A_1110 = arith.extui %sign3A_1109 : i1 to i32
        %sign3A_1111 = arith.subi %sign3A_1107, %sign3A_1110 : i32
        %ne3A_1112 = arith.cmpi ne, %sign3A_1104, %sign3A_1111 : i32
        %rem3A_1113 = arith.remsi %sub3A_1095, %jit3A_1096 : i32
        %ne3A_1114 = arith.constant 0 : i32
        %ne3A_1115 = arith.cmpi ne, %rem3A_1113, %ne3A_1114 : i32
        %and3A_1116 = arith.andi %ne3A_1112, %ne3A_1115 : i1
        %sub3A_1117 = arith.constant 1 : i32
        %sub3A_1118 = arith.subi %div3A_1097, %sub3A_1117 : i32
        %select_n3A_1119 = arith.select %and3A_1116, %sub3A_1118, %div3A_1097 : i32
        %min3A_1120 = arith.constant 128 : i32
        %min3A_1121 = arith.minsi %select_n3A_1119, %min3A_1120 : i32
        %while3A_1122 = arith.constant 0 : i32
        %while3A_1123 = arith.constant 0 : i32
        %while3A_1124 = arith.subi %min3A_1121, %while3A_1123 : i32
        %while3A_1125 = arith.addi %while3A_1123, %while3A_1124 : i32
        %while3A_1126 = arith.constant 1 : i32
        %while3A_1127 = arith.divsi %while3A_1124, %while3A_1126 : i32
        %while3A_1128 = arith.muli %while3A_1127, %while3A_1126 : i32
        %while3A_1129 = arith.addi %while3A_1123, %while3A_1128 : i32
        %while3A_1130 = arith.constant 1 : i32
        scf.for %while3A_1132 = %while3A_1123 to %while3A_1129 step %while3A_1130  : i32 {
          %mul3A_1133 = arith.constant 16 : i32
          %mul3A_1134 = arith.muli %while3A_1132, %mul3A_1133 : i32
          %get3A = arith.index_cast %mul3A_1134 : i32 to index
          %get3A_1135 = tpu.vector_load %arg10[%get3A] {strides = array<i32>} : memref<2048xi32, #tpu.memory_space<vmem>>, vector<16xi32>,
          %mul3A_1136 = arith.constant 16 : i32
          %mul3A_1137 = arith.muli %while3A_1132, %mul3A_1136 : i32
          %get3A_1138 = arith.index_cast %mul3A_1137 : i32 to index
          %get3A_1139 = tpu.vector_load %arg11[%get3A_1138] {strides = array<i32>} : memref<2048xf32, #tpu.memory_space<vmem>>, vector<16xf32>,
          %ge3A = vector.broadcast %mul3A_806 : i32 to vector<16xi32>
          %ge3A_1140 = arith.cmpi sge, %get3A_1135, %ge3A : vector<16xi32>
          %lt3A = vector.broadcast %add3A_816 : i32 to vector<16xi32>
          %lt3A_1141 = arith.cmpi slt, %get3A_1135, %lt3A : vector<16xi32>
          %and3A_1142 = arith.andi %ge3A_1140, %lt3A_1141 : vector<16xi1>
          %sub3A_1143 = vector.broadcast %mul3A_806 : i32 to vector<16xi32>
          %sub3A_1144 = arith.subi %get3A_1135, %sub3A_1143 : vector<16xi32>
          tpu.vector_store_idx %arg7[%sub3A_1144], %get3A_1139 masked %and3A_1142 : memref<32768xf32, #tpu.memory_space<vmem>>[vector<16xi32>], vector<16xf32>, vector<16xi1>
        }
        %while3A_1131 = arith.constant 1 : i32
        scf.for %while3A_1132 = %while3A_1129 to %while3A_1125 step %while3A_1131  : i32 {
          %mul3A_1133 = arith.constant 16 : i32
          %mul3A_1134 = arith.muli %while3A_1132, %mul3A_1133 : i32
          %get3A = arith.index_cast %mul3A_1134 : i32 to index
          %get3A_1135 = tpu.vector_load %arg10[%get3A] {strides = array<i32>} : memref<2048xi32, #tpu.memory_space<vmem>>, vector<16xi32>,
          %mul3A_1136 = arith.constant 16 : i32
          %mul3A_1137 = arith.muli %while3A_1132, %mul3A_1136 : i32
          %get3A_1138 = arith.index_cast %mul3A_1137 : i32 to index
          %get3A_1139 = tpu.vector_load %arg11[%get3A_1138] {strides = array<i32>} : memref<2048xf32, #tpu.memory_space<vmem>>, vector<16xf32>,
          %ge3A = vector.broadcast %mul3A_806 : i32 to vector<16xi32>
          %ge3A_1140 = arith.cmpi sge, %get3A_1135, %ge3A : vector<16xi32>
          %lt3A = vector.broadcast %add3A_816 : i32 to vector<16xi32>
          %lt3A_1141 = arith.cmpi slt, %get3A_1135, %lt3A : vector<16xi32>
          %and3A_1142 = arith.andi %ge3A_1140, %lt3A_1141 : vector<16xi1>
          %sub3A_1143 = vector.broadcast %mul3A_806 : i32 to vector<16xi32>
          %sub3A_1144 = arith.subi %get3A_1135, %sub3A_1143 : vector<16xi32>
          tpu.vector_store_idx %arg7[%sub3A_1144], %get3A_1139 masked %and3A_1142 : memref<32768xf32, #tpu.memory_space<vmem>>[vector<16xi32>], vector<16xf32>, vector<16xi1>
        }
      }
    } else {
    }
    %dma_start3A_853 = tpu.memref_slice %arg6[%mul3A_806] : memref<8388608xf32, #tpu.memory_space<hbm>> -> memref<32768xf32, #tpu.memory_space<hbm>>
    %dma_start3A_854 = tpu.memref_slice %arg6[%mul3A_806] : memref<8388608xf32, #tpu.memory_space<hbm>> -> memref<32768xf32, #tpu.memory_space<hbm>>
    tpu.enqueue_dma source(%arg7 : memref<32768xf32, #tpu.memory_space<vmem>>) target(%dma_start3A_854 : memref<32768xf32, #tpu.memory_space<hbm>>) target_semaphore(%arg18 : memref<!tpu.dma_semaphore, #tpu.memory_space<semaphore_mem>>)
    %add3A_855 = arith.constant 128 : i32
    %add3A_856 = arith.addi %add3A, %add3A_855 : i32
    %mul3A_857 = arith.constant 32768 : i32
    %mul3A_858 = arith.muli %add3A_856, %mul3A_857 : i32
    %sub3A_859 = arith.subi %add3A_592, %add3A_584 : i32
    %eq3A_860 = arith.constant 32768 : i32
    %eq3A_861 = arith.cmpi eq, %sub3A_859, %eq3A_860 : i32
    %and3A_862 = arith.constant 7 : i32
    %and3A_863 = arith.andi %add3A_584, %and3A_862 : i32
    %eq3A_864 = arith.constant 0 : i32
    %eq3A_865 = arith.cmpi eq, %and3A_863, %eq3A_864 : i32
    %and3A_866 = arith.andi %eq3A_861, %eq3A_865 : i1
    %add3A_867 = arith.constant 32768 : i32
    %add3A_868 = arith.addi %mul3A_858, %add3A_867 : i32
    %dma_wait3A_869 = arith.constant 0 : i32
    %dma_wait3A_870 = tpu.memref_slice %arg6[%dma_wait3A_869] : memref<8388608xf32, #tpu.memory_space<hbm>> -> memref<32768xf32, #tpu.memory_space<hbm>>
    %dma_wait3A_871 = arith.constant 0 : i32
    %dma_wait3A_872 = tpu.memref_slice %arg6[%dma_wait3A_871] : memref<8388608xf32, #tpu.memory_space<hbm>> -> memref<32768xf32, #tpu.memory_space<hbm>>
    tpu.wait_dma2 semaphore(%arg20 : memref<!tpu.dma_semaphore, #tpu.memory_space<semaphore_mem>>) src(%arg9 : memref<32768xf32, #tpu.memory_space<vmem>>) dst(%dma_wait3A_872 : memref<32768xf32, #tpu.memory_space<hbm>>)
    %add3A_873 = arith.constant 160 : i32
    %add3A_874 = arith.addi %add3A, %add3A_873 : i32
    %mul3A_875 = arith.constant 32768 : i32
    %mul3A_876 = arith.muli %add3A_874, %mul3A_875 : i32
    %sub3A_877 = arith.subi %add3A_608, %add3A_600 : i32
    %eq3A_878 = arith.constant 32768 : i32
    %eq3A_879 = arith.cmpi eq, %sub3A_877, %eq3A_878 : i32
    %and3A_880 = arith.constant 7 : i32
    %and3A_881 = arith.andi %add3A_600, %and3A_880 : i32
    %eq3A_882 = arith.constant 0 : i32
    %eq3A_883 = arith.cmpi eq, %and3A_881, %eq3A_882 : i32
    %and3A_884 = arith.andi %eq3A_879, %eq3A_883 : i1
    %convert_element_type3A_885 = arith.extui %and3A_884 : i1 to i32
    %cond3A_886 = arith.constant 0 : i32
    %cond3A_887 = arith.cmpi ne, %convert_element_type3A_885, %cond3A_886 : i32
    scf.if %cond3A_887 {
      %multiple_of3A_1051 = tpu.assume_multiple %add3A_600, 8 : i32
      %dma_start3A_1052 = tpu.memref_slice %arg4[%multiple_of3A_1051] : memref<524288xf32, #tpu.memory_space<hbm>> -> memref<32768xf32, #tpu.memory_space<hbm>>
      %dma_start3A_1053 = tpu.memref_slice %arg4[%multiple_of3A_1051] : memref<524288xf32, #tpu.memory_space<hbm>> -> memref<32768xf32, #tpu.memory_space<hbm>>
      tpu.enqueue_dma source(%dma_start3A_1053 : memref<32768xf32, #tpu.memory_space<hbm>>) target(%arg9 : memref<32768xf32, #tpu.memory_space<vmem>>) target_semaphore(%arg17 : memref<!tpu.dma_semaphore, #tpu.memory_space<semaphore_mem>>)
    } else {
    }
    %not3A_888 = arith.constant true
    %not3A_889 = arith.xori %and3A_884, %not3A_888 : i1
    %convert_element_type3A_890 = arith.extui %not3A_889 : i1 to i32
    %cond3A_891 = arith.constant 0 : i32
    %cond3A_892 = arith.cmpi ne, %convert_element_type3A_890, %cond3A_891 : i32
    scf.if %cond3A_892 {
      %dma_start3A_1051 = tpu.memref_slice %arg2[%mul3A_876] : memref<8388608xf32, #tpu.memory_space<hbm>> -> memref<32768xf32, #tpu.memory_space<hbm>>
      %dma_start3A_1052 = tpu.memref_slice %arg2[%mul3A_876] : memref<8388608xf32, #tpu.memory_space<hbm>> -> memref<32768xf32, #tpu.memory_space<hbm>>
      tpu.enqueue_dma source(%dma_start3A_1052 : memref<32768xf32, #tpu.memory_space<hbm>>) target(%arg9 : memref<32768xf32, #tpu.memory_space<vmem>>) target_semaphore(%arg17 : memref<!tpu.dma_semaphore, #tpu.memory_space<semaphore_mem>>)
    } else {
    }
    %dma_wait3A_893 = arith.constant 0 : i32
    %dma_wait3A_894 = tpu.memref_slice %arg2[%dma_wait3A_893] : memref<8388608xf32, #tpu.memory_space<hbm>> -> memref<32768xf32, #tpu.memory_space<hbm>>
    %dma_wait3A_895 = arith.constant 0 : i32
    %dma_wait3A_896 = tpu.memref_slice %arg2[%dma_wait3A_895] : memref<8388608xf32, #tpu.memory_space<hbm>> -> memref<32768xf32, #tpu.memory_space<hbm>>
    tpu.wait_dma2 semaphore(%arg16 : memref<!tpu.dma_semaphore, #tpu.memory_space<semaphore_mem>>) src(%dma_wait3A_896 : memref<32768xf32, #tpu.memory_space<hbm>>) dst(%arg8 : memref<32768xf32, #tpu.memory_space<vmem>>)
    %gt3A_897 = arith.constant 0 : i32
    %gt3A_898 = arith.cmpi sgt, %sub3A_859, %gt3A_897 : i32
    %not3A_899 = arith.constant true
    %not3A_900 = arith.xori %and3A_866, %not3A_899 : i1
    %and3A_901 = arith.andi %gt3A_898, %not3A_900 : i1
    %convert_element_type3A_902 = arith.extui %and3A_901 : i1 to i32
    %cond3A_903 = arith.constant 0 : i32
    %cond3A_904 = arith.cmpi ne, %convert_element_type3A_902, %cond3A_903 : i32
    scf.if %cond3A_904 {
      %and3A_1051 = arith.constant -8 : i32
      %and3A_1052 = arith.andi %add3A_584, %and3A_1051 : i32
      %sub3A_1053 = arith.subi %add3A_592, %and3A_1052 : i32
      %add3A_1054 = arith.constant 2048 : i32
      %add3A_1055 = arith.addi %sub3A_1053, %add3A_1054 : i32
      %sub3A_1056 = arith.constant 1 : i32
      %sub3A_1057 = arith.subi %add3A_1055, %sub3A_1056 : i32
      %jit3A = arith.constant 2048 : i32
      %div3A = arith.divsi %sub3A_1057, %jit3A : i32
      %sign3A = arith.constant 0 : i32
      %sign3A_1058 = arith.cmpi sgt, %sub3A_1057, %sign3A : i32
      %sign3A_1059 = arith.extui %sign3A_1058 : i1 to i32
      %sign3A_1060 = arith.constant 0 : i32
      %sign3A_1061 = arith.cmpi slt, %sub3A_1057, %sign3A_1060 : i32
      %sign3A_1062 = arith.extui %sign3A_1061 : i1 to i32
      %sign3A_1063 = arith.subi %sign3A_1059, %sign3A_1062 : i32
      %sign3A_1064 = arith.constant 0 : i32
      %sign3A_1065 = arith.cmpi sgt, %jit3A, %sign3A_1064 : i32
      %sign3A_1066 = arith.extui %sign3A_1065 : i1 to i32
      %sign3A_1067 = arith.constant 0 : i32
      %sign3A_1068 = arith.cmpi slt, %jit3A, %sign3A_1067 : i32
      %sign3A_1069 = arith.extui %sign3A_1068 : i1 to i32
      %sign3A_1070 = arith.subi %sign3A_1066, %sign3A_1069 : i32
      %ne3A = arith.cmpi ne, %sign3A_1063, %sign3A_1070 : i32
      %rem3A = arith.remsi %sub3A_1057, %jit3A : i32
      %ne3A_1071 = arith.constant 0 : i32
      %ne3A_1072 = arith.cmpi ne, %rem3A, %ne3A_1071 : i32
      %and3A_1073 = arith.andi %ne3A, %ne3A_1072 : i1
      %sub3A_1074 = arith.constant 1 : i32
      %sub3A_1075 = arith.subi %div3A, %sub3A_1074 : i32
      %select_n3A = arith.select %and3A_1073, %sub3A_1075, %div3A : i32
      %while3A = arith.constant 0 : i32
      %while3A_1076 = arith.constant 0 : i32
      %while3A_1077 = arith.subi %select_n3A, %while3A_1076 : i32
      %while3A_1078 = arith.addi %while3A_1076, %while3A_1077 : i32
      %while3A_1079 = arith.constant 1 : i32
      %while3A_1080 = arith.divsi %while3A_1077, %while3A_1079 : i32
      %while3A_1081 = arith.muli %while3A_1080, %while3A_1079 : i32
      %while3A_1082 = arith.addi %while3A_1076, %while3A_1081 : i32
      %while3A_1083 = arith.constant 1 : i32
      scf.for %while3A_1085 = %while3A_1076 to %while3A_1082 step %while3A_1083  : i32 {
        %mul3A_1086 = arith.constant 2048 : i32
        %mul3A_1087 = arith.muli %while3A_1085, %mul3A_1086 : i32
        %add3A_1088 = arith.addi %and3A_1052, %mul3A_1087 : i32
        %min3A = arith.constant 522240 : i32
        %min3A_1089 = arith.minsi %add3A_1088, %min3A : i32
        %multiple_of3A_1090 = tpu.assume_multiple %min3A_1089, 8 : i32
        "tpu.region"() ({
          %run_scoped3A = tpu.sem_alloc : memref<!tpu.dma_semaphore, #tpu.memory_space<semaphore_mem>>
          %dma_start3A_1132 = tpu.memref_slice %arg3[%multiple_of3A_1090] : memref<524288xi32, #tpu.memory_space<hbm>> -> memref<2048xi32, #tpu.memory_space<hbm>>
          %dma_start3A_1133 = tpu.memref_slice %arg3[%multiple_of3A_1090] : memref<524288xi32, #tpu.memory_space<hbm>> -> memref<2048xi32, #tpu.memory_space<hbm>>
          tpu.enqueue_dma source(%dma_start3A_1133 : memref<2048xi32, #tpu.memory_space<hbm>>) target(%arg10 : memref<2048xi32, #tpu.memory_space<vmem>>) target_semaphore(%run_scoped3A : memref<!tpu.dma_semaphore, #tpu.memory_space<semaphore_mem>>)
          %dma_wait3A_1134 = tpu.memref_slice %arg3[%multiple_of3A_1090] : memref<524288xi32, #tpu.memory_space<hbm>> -> memref<2048xi32, #tpu.memory_space<hbm>>
          %dma_wait3A_1135 = tpu.memref_slice %arg3[%multiple_of3A_1090] : memref<524288xi32, #tpu.memory_space<hbm>> -> memref<2048xi32, #tpu.memory_space<hbm>>
          tpu.wait_dma2 semaphore(%run_scoped3A : memref<!tpu.dma_semaphore, #tpu.memory_space<semaphore_mem>>) src(%dma_wait3A_1135 : memref<2048xi32, #tpu.memory_space<hbm>>) dst(%arg10 : memref<2048xi32, #tpu.memory_space<vmem>>)
          tpu.yield
        }) : () -> ()
        "tpu.region"() ({
          %run_scoped3A = tpu.sem_alloc : memref<!tpu.dma_semaphore, #tpu.memory_space<semaphore_mem>>
          %dma_start3A_1132 = tpu.memref_slice %arg4[%multiple_of3A_1090] : memref<524288xf32, #tpu.memory_space<hbm>> -> memref<2048xf32, #tpu.memory_space<hbm>>
          %dma_start3A_1133 = tpu.memref_slice %arg4[%multiple_of3A_1090] : memref<524288xf32, #tpu.memory_space<hbm>> -> memref<2048xf32, #tpu.memory_space<hbm>>
          tpu.enqueue_dma source(%dma_start3A_1133 : memref<2048xf32, #tpu.memory_space<hbm>>) target(%arg11 : memref<2048xf32, #tpu.memory_space<vmem>>) target_semaphore(%run_scoped3A : memref<!tpu.dma_semaphore, #tpu.memory_space<semaphore_mem>>)
          %dma_wait3A_1134 = tpu.memref_slice %arg4[%multiple_of3A_1090] : memref<524288xf32, #tpu.memory_space<hbm>> -> memref<2048xf32, #tpu.memory_space<hbm>>
          %dma_wait3A_1135 = tpu.memref_slice %arg4[%multiple_of3A_1090] : memref<524288xf32, #tpu.memory_space<hbm>> -> memref<2048xf32, #tpu.memory_space<hbm>>
          tpu.wait_dma2 semaphore(%run_scoped3A : memref<!tpu.dma_semaphore, #tpu.memory_space<semaphore_mem>>) src(%dma_wait3A_1135 : memref<2048xf32, #tpu.memory_space<hbm>>) dst(%arg11 : memref<2048xf32, #tpu.memory_space<vmem>>)
          tpu.yield
        }) : () -> ()
        %sub3A_1091 = arith.subi %add3A_592, %multiple_of3A_1090 : i32
        %add3A_1092 = arith.constant 16 : i32
        %add3A_1093 = arith.addi %sub3A_1091, %add3A_1092 : i32
        %sub3A_1094 = arith.constant 1 : i32
        %sub3A_1095 = arith.subi %add3A_1093, %sub3A_1094 : i32
        %jit3A_1096 = arith.constant 16 : i32
        %div3A_1097 = arith.divsi %sub3A_1095, %jit3A_1096 : i32
        %sign3A_1098 = arith.constant 0 : i32
        %sign3A_1099 = arith.cmpi sgt, %sub3A_1095, %sign3A_1098 : i32
        %sign3A_1100 = arith.extui %sign3A_1099 : i1 to i32
        %sign3A_1101 = arith.constant 0 : i32
        %sign3A_1102 = arith.cmpi slt, %sub3A_1095, %sign3A_1101 : i32
        %sign3A_1103 = arith.extui %sign3A_1102 : i1 to i32
        %sign3A_1104 = arith.subi %sign3A_1100, %sign3A_1103 : i32
        %sign3A_1105 = arith.constant 0 : i32
        %sign3A_1106 = arith.cmpi sgt, %jit3A_1096, %sign3A_1105 : i32
        %sign3A_1107 = arith.extui %sign3A_1106 : i1 to i32
        %sign3A_1108 = arith.constant 0 : i32
        %sign3A_1109 = arith.cmpi slt, %jit3A_1096, %sign3A_1108 : i32
        %sign3A_1110 = arith.extui %sign3A_1109 : i1 to i32
        %sign3A_1111 = arith.subi %sign3A_1107, %sign3A_1110 : i32
        %ne3A_1112 = arith.cmpi ne, %sign3A_1104, %sign3A_1111 : i32
        %rem3A_1113 = arith.remsi %sub3A_1095, %jit3A_1096 : i32
        %ne3A_1114 = arith.constant 0 : i32
        %ne3A_1115 = arith.cmpi ne, %rem3A_1113, %ne3A_1114 : i32
        %and3A_1116 = arith.andi %ne3A_1112, %ne3A_1115 : i1
        %sub3A_1117 = arith.constant 1 : i32
        %sub3A_1118 = arith.subi %div3A_1097, %sub3A_1117 : i32
        %select_n3A_1119 = arith.select %and3A_1116, %sub3A_1118, %div3A_1097 : i32
        %min3A_1120 = arith.constant 128 : i32
        %min3A_1121 = arith.minsi %select_n3A_1119, %min3A_1120 : i32
        %while3A_1122 = arith.constant 0 : i32
        %while3A_1123 = arith.constant 0 : i32
        %while3A_1124 = arith.subi %min3A_1121, %while3A_1123 : i32
        %while3A_1125 = arith.addi %while3A_1123, %while3A_1124 : i32
        %while3A_1126 = arith.constant 1 : i32
        %while3A_1127 = arith.divsi %while3A_1124, %while3A_1126 : i32
        %while3A_1128 = arith.muli %while3A_1127, %while3A_1126 : i32
        %while3A_1129 = arith.addi %while3A_1123, %while3A_1128 : i32
        %while3A_1130 = arith.constant 1 : i32
        scf.for %while3A_1132 = %while3A_1123 to %while3A_1129 step %while3A_1130  : i32 {
          %mul3A_1133 = arith.constant 16 : i32
          %mul3A_1134 = arith.muli %while3A_1132, %mul3A_1133 : i32
          %get3A = arith.index_cast %mul3A_1134 : i32 to index
          %get3A_1135 = tpu.vector_load %arg10[%get3A] {strides = array<i32>} : memref<2048xi32, #tpu.memory_space<vmem>>, vector<16xi32>,
          %mul3A_1136 = arith.constant 16 : i32
          %mul3A_1137 = arith.muli %while3A_1132, %mul3A_1136 : i32
          %get3A_1138 = arith.index_cast %mul3A_1137 : i32 to index
          %get3A_1139 = tpu.vector_load %arg11[%get3A_1138] {strides = array<i32>} : memref<2048xf32, #tpu.memory_space<vmem>>, vector<16xf32>,
          %ge3A = vector.broadcast %mul3A_858 : i32 to vector<16xi32>
          %ge3A_1140 = arith.cmpi sge, %get3A_1135, %ge3A : vector<16xi32>
          %lt3A = vector.broadcast %add3A_868 : i32 to vector<16xi32>
          %lt3A_1141 = arith.cmpi slt, %get3A_1135, %lt3A : vector<16xi32>
          %and3A_1142 = arith.andi %ge3A_1140, %lt3A_1141 : vector<16xi1>
          %sub3A_1143 = vector.broadcast %mul3A_858 : i32 to vector<16xi32>
          %sub3A_1144 = arith.subi %get3A_1135, %sub3A_1143 : vector<16xi32>
          tpu.vector_store_idx %arg8[%sub3A_1144], %get3A_1139 masked %and3A_1142 : memref<32768xf32, #tpu.memory_space<vmem>>[vector<16xi32>], vector<16xf32>, vector<16xi1>
        }
        %while3A_1131 = arith.constant 1 : i32
        scf.for %while3A_1132 = %while3A_1129 to %while3A_1125 step %while3A_1131  : i32 {
          %mul3A_1133 = arith.constant 16 : i32
          %mul3A_1134 = arith.muli %while3A_1132, %mul3A_1133 : i32
          %get3A = arith.index_cast %mul3A_1134 : i32 to index
          %get3A_1135 = tpu.vector_load %arg10[%get3A] {strides = array<i32>} : memref<2048xi32, #tpu.memory_space<vmem>>, vector<16xi32>,
          %mul3A_1136 = arith.constant 16 : i32
          %mul3A_1137 = arith.muli %while3A_1132, %mul3A_1136 : i32
          %get3A_1138 = arith.index_cast %mul3A_1137 : i32 to index
          %get3A_1139 = tpu.vector_load %arg11[%get3A_1138] {strides = array<i32>} : memref<2048xf32, #tpu.memory_space<vmem>>, vector<16xf32>,
          %ge3A = vector.broadcast %mul3A_858 : i32 to vector<16xi32>
          %ge3A_1140 = arith.cmpi sge, %get3A_1135, %ge3A : vector<16xi32>
          %lt3A = vector.broadcast %add3A_868 : i32 to vector<16xi32>
          %lt3A_1141 = arith.cmpi slt, %get3A_1135, %lt3A : vector<16xi32>
          %and3A_1142 = arith.andi %ge3A_1140, %lt3A_1141 : vector<16xi1>
          %sub3A_1143 = vector.broadcast %mul3A_858 : i32 to vector<16xi32>
          %sub3A_1144 = arith.subi %get3A_1135, %sub3A_1143 : vector<16xi32>
          tpu.vector_store_idx %arg8[%sub3A_1144], %get3A_1139 masked %and3A_1142 : memref<32768xf32, #tpu.memory_space<vmem>>[vector<16xi32>], vector<16xf32>, vector<16xi1>
        }
      }
      %while3A_1084 = arith.constant 1 : i32
      scf.for %while3A_1085 = %while3A_1082 to %while3A_1078 step %while3A_1084  : i32 {
        %mul3A_1086 = arith.constant 2048 : i32
        %mul3A_1087 = arith.muli %while3A_1085, %mul3A_1086 : i32
        %add3A_1088 = arith.addi %and3A_1052, %mul3A_1087 : i32
        %min3A = arith.constant 522240 : i32
        %min3A_1089 = arith.minsi %add3A_1088, %min3A : i32
        %multiple_of3A_1090 = tpu.assume_multiple %min3A_1089, 8 : i32
        "tpu.region"() ({
          %run_scoped3A = tpu.sem_alloc : memref<!tpu.dma_semaphore, #tpu.memory_space<semaphore_mem>>
          %dma_start3A_1132 = tpu.memref_slice %arg3[%multiple_of3A_1090] : memref<524288xi32, #tpu.memory_space<hbm>> -> memref<2048xi32, #tpu.memory_space<hbm>>
          %dma_start3A_1133 = tpu.memref_slice %arg3[%multiple_of3A_1090] : memref<524288xi32, #tpu.memory_space<hbm>> -> memref<2048xi32, #tpu.memory_space<hbm>>
          tpu.enqueue_dma source(%dma_start3A_1133 : memref<2048xi32, #tpu.memory_space<hbm>>) target(%arg10 : memref<2048xi32, #tpu.memory_space<vmem>>) target_semaphore(%run_scoped3A : memref<!tpu.dma_semaphore, #tpu.memory_space<semaphore_mem>>)
          %dma_wait3A_1134 = tpu.memref_slice %arg3[%multiple_of3A_1090] : memref<524288xi32, #tpu.memory_space<hbm>> -> memref<2048xi32, #tpu.memory_space<hbm>>
          %dma_wait3A_1135 = tpu.memref_slice %arg3[%multiple_of3A_1090] : memref<524288xi32, #tpu.memory_space<hbm>> -> memref<2048xi32, #tpu.memory_space<hbm>>
          tpu.wait_dma2 semaphore(%run_scoped3A : memref<!tpu.dma_semaphore, #tpu.memory_space<semaphore_mem>>) src(%dma_wait3A_1135 : memref<2048xi32, #tpu.memory_space<hbm>>) dst(%arg10 : memref<2048xi32, #tpu.memory_space<vmem>>)
          tpu.yield
        }) : () -> ()
        "tpu.region"() ({
          %run_scoped3A = tpu.sem_alloc : memref<!tpu.dma_semaphore, #tpu.memory_space<semaphore_mem>>
          %dma_start3A_1132 = tpu.memref_slice %arg4[%multiple_of3A_1090] : memref<524288xf32, #tpu.memory_space<hbm>> -> memref<2048xf32, #tpu.memory_space<hbm>>
          %dma_start3A_1133 = tpu.memref_slice %arg4[%multiple_of3A_1090] : memref<524288xf32, #tpu.memory_space<hbm>> -> memref<2048xf32, #tpu.memory_space<hbm>>
          tpu.enqueue_dma source(%dma_start3A_1133 : memref<2048xf32, #tpu.memory_space<hbm>>) target(%arg11 : memref<2048xf32, #tpu.memory_space<vmem>>) target_semaphore(%run_scoped3A : memref<!tpu.dma_semaphore, #tpu.memory_space<semaphore_mem>>)
          %dma_wait3A_1134 = tpu.memref_slice %arg4[%multiple_of3A_1090] : memref<524288xf32, #tpu.memory_space<hbm>> -> memref<2048xf32, #tpu.memory_space<hbm>>
          %dma_wait3A_1135 = tpu.memref_slice %arg4[%multiple_of3A_1090] : memref<524288xf32, #tpu.memory_space<hbm>> -> memref<2048xf32, #tpu.memory_space<hbm>>
          tpu.wait_dma2 semaphore(%run_scoped3A : memref<!tpu.dma_semaphore, #tpu.memory_space<semaphore_mem>>) src(%dma_wait3A_1135 : memref<2048xf32, #tpu.memory_space<hbm>>) dst(%arg11 : memref<2048xf32, #tpu.memory_space<vmem>>)
          tpu.yield
        }) : () -> ()
        %sub3A_1091 = arith.subi %add3A_592, %multiple_of3A_1090 : i32
        %add3A_1092 = arith.constant 16 : i32
        %add3A_1093 = arith.addi %sub3A_1091, %add3A_1092 : i32
        %sub3A_1094 = arith.constant 1 : i32
        %sub3A_1095 = arith.subi %add3A_1093, %sub3A_1094 : i32
        %jit3A_1096 = arith.constant 16 : i32
        %div3A_1097 = arith.divsi %sub3A_1095, %jit3A_1096 : i32
        %sign3A_1098 = arith.constant 0 : i32
        %sign3A_1099 = arith.cmpi sgt, %sub3A_1095, %sign3A_1098 : i32
        %sign3A_1100 = arith.extui %sign3A_1099 : i1 to i32
        %sign3A_1101 = arith.constant 0 : i32
        %sign3A_1102 = arith.cmpi slt, %sub3A_1095, %sign3A_1101 : i32
        %sign3A_1103 = arith.extui %sign3A_1102 : i1 to i32
        %sign3A_1104 = arith.subi %sign3A_1100, %sign3A_1103 : i32
        %sign3A_1105 = arith.constant 0 : i32
        %sign3A_1106 = arith.cmpi sgt, %jit3A_1096, %sign3A_1105 : i32
        %sign3A_1107 = arith.extui %sign3A_1106 : i1 to i32
        %sign3A_1108 = arith.constant 0 : i32
        %sign3A_1109 = arith.cmpi slt, %jit3A_1096, %sign3A_1108 : i32
        %sign3A_1110 = arith.extui %sign3A_1109 : i1 to i32
        %sign3A_1111 = arith.subi %sign3A_1107, %sign3A_1110 : i32
        %ne3A_1112 = arith.cmpi ne, %sign3A_1104, %sign3A_1111 : i32
        %rem3A_1113 = arith.remsi %sub3A_1095, %jit3A_1096 : i32
        %ne3A_1114 = arith.constant 0 : i32
        %ne3A_1115 = arith.cmpi ne, %rem3A_1113, %ne3A_1114 : i32
        %and3A_1116 = arith.andi %ne3A_1112, %ne3A_1115 : i1
        %sub3A_1117 = arith.constant 1 : i32
        %sub3A_1118 = arith.subi %div3A_1097, %sub3A_1117 : i32
        %select_n3A_1119 = arith.select %and3A_1116, %sub3A_1118, %div3A_1097 : i32
        %min3A_1120 = arith.constant 128 : i32
        %min3A_1121 = arith.minsi %select_n3A_1119, %min3A_1120 : i32
        %while3A_1122 = arith.constant 0 : i32
        %while3A_1123 = arith.constant 0 : i32
        %while3A_1124 = arith.subi %min3A_1121, %while3A_1123 : i32
        %while3A_1125 = arith.addi %while3A_1123, %while3A_1124 : i32
        %while3A_1126 = arith.constant 1 : i32
        %while3A_1127 = arith.divsi %while3A_1124, %while3A_1126 : i32
        %while3A_1128 = arith.muli %while3A_1127, %while3A_1126 : i32
        %while3A_1129 = arith.addi %while3A_1123, %while3A_1128 : i32
        %while3A_1130 = arith.constant 1 : i32
        scf.for %while3A_1132 = %while3A_1123 to %while3A_1129 step %while3A_1130  : i32 {
          %mul3A_1133 = arith.constant 16 : i32
          %mul3A_1134 = arith.muli %while3A_1132, %mul3A_1133 : i32
          %get3A = arith.index_cast %mul3A_1134 : i32 to index
          %get3A_1135 = tpu.vector_load %arg10[%get3A] {strides = array<i32>} : memref<2048xi32, #tpu.memory_space<vmem>>, vector<16xi32>,
          %mul3A_1136 = arith.constant 16 : i32
          %mul3A_1137 = arith.muli %while3A_1132, %mul3A_1136 : i32
          %get3A_1138 = arith.index_cast %mul3A_1137 : i32 to index
          %get3A_1139 = tpu.vector_load %arg11[%get3A_1138] {strides = array<i32>} : memref<2048xf32, #tpu.memory_space<vmem>>, vector<16xf32>,
          %ge3A = vector.broadcast %mul3A_858 : i32 to vector<16xi32>
          %ge3A_1140 = arith.cmpi sge, %get3A_1135, %ge3A : vector<16xi32>
          %lt3A = vector.broadcast %add3A_868 : i32 to vector<16xi32>
          %lt3A_1141 = arith.cmpi slt, %get3A_1135, %lt3A : vector<16xi32>
          %and3A_1142 = arith.andi %ge3A_1140, %lt3A_1141 : vector<16xi1>
          %sub3A_1143 = vector.broadcast %mul3A_858 : i32 to vector<16xi32>
          %sub3A_1144 = arith.subi %get3A_1135, %sub3A_1143 : vector<16xi32>
          tpu.vector_store_idx %arg8[%sub3A_1144], %get3A_1139 masked %and3A_1142 : memref<32768xf32, #tpu.memory_space<vmem>>[vector<16xi32>], vector<16xf32>, vector<16xi1>
        }
        %while3A_1131 = arith.constant 1 : i32
        scf.for %while3A_1132 = %while3A_1129 to %while3A_1125 step %while3A_1131  : i32 {
          %mul3A_1133 = arith.constant 16 : i32
          %mul3A_1134 = arith.muli %while3A_1132, %mul3A_1133 : i32
          %get3A = arith.index_cast %mul3A_1134 : i32 to index
          %get3A_1135 = tpu.vector_load %arg10[%get3A] {strides = array<i32>} : memref<2048xi32, #tpu.memory_space<vmem>>, vector<16xi32>,
          %mul3A_1136 = arith.constant 16 : i32
          %mul3A_1137 = arith.muli %while3A_1132, %mul3A_1136 : i32
          %get3A_1138 = arith.index_cast %mul3A_1137 : i32 to index
          %get3A_1139 = tpu.vector_load %arg11[%get3A_1138] {strides = array<i32>} : memref<2048xf32, #tpu.memory_space<vmem>>, vector<16xf32>,
          %ge3A = vector.broadcast %mul3A_858 : i32 to vector<16xi32>
          %ge3A_1140 = arith.cmpi sge, %get3A_1135, %ge3A : vector<16xi32>
          %lt3A = vector.broadcast %add3A_868 : i32 to vector<16xi32>
          %lt3A_1141 = arith.cmpi slt, %get3A_1135, %lt3A : vector<16xi32>
          %and3A_1142 = arith.andi %ge3A_1140, %lt3A_1141 : vector<16xi1>
          %sub3A_1143 = vector.broadcast %mul3A_858 : i32 to vector<16xi32>
          %sub3A_1144 = arith.subi %get3A_1135, %sub3A_1143 : vector<16xi32>
          tpu.vector_store_idx %arg8[%sub3A_1144], %get3A_1139 masked %and3A_1142 : memref<32768xf32, #tpu.memory_space<vmem>>[vector<16xi32>], vector<16xf32>, vector<16xi1>
        }
      }
    } else {
    }
    %dma_start3A_905 = tpu.memref_slice %arg6[%mul3A_858] : memref<8388608xf32, #tpu.memory_space<hbm>> -> memref<32768xf32, #tpu.memory_space<hbm>>
    %dma_start3A_906 = tpu.memref_slice %arg6[%mul3A_858] : memref<8388608xf32, #tpu.memory_space<hbm>> -> memref<32768xf32, #tpu.memory_space<hbm>>
    tpu.enqueue_dma source(%arg8 : memref<32768xf32, #tpu.memory_space<vmem>>) target(%dma_start3A_906 : memref<32768xf32, #tpu.memory_space<hbm>>) target_semaphore(%arg19 : memref<!tpu.dma_semaphore, #tpu.memory_space<semaphore_mem>>)
    %add3A_907 = arith.constant 160 : i32
    %add3A_908 = arith.addi %add3A, %add3A_907 : i32
    %mul3A_909 = arith.constant 32768 : i32
    %mul3A_910 = arith.muli %add3A_908, %mul3A_909 : i32
    %sub3A_911 = arith.subi %add3A_608, %add3A_600 : i32
    %eq3A_912 = arith.constant 32768 : i32
    %eq3A_913 = arith.cmpi eq, %sub3A_911, %eq3A_912 : i32
    %and3A_914 = arith.constant 7 : i32
    %and3A_915 = arith.andi %add3A_600, %and3A_914 : i32
    %eq3A_916 = arith.constant 0 : i32
    %eq3A_917 = arith.cmpi eq, %and3A_915, %eq3A_916 : i32
    %and3A_918 = arith.andi %eq3A_913, %eq3A_917 : i1
    %add3A_919 = arith.constant 32768 : i32
    %add3A_920 = arith.addi %mul3A_910, %add3A_919 : i32
    %dma_wait3A_921 = arith.constant 0 : i32
    %dma_wait3A_922 = tpu.memref_slice %arg6[%dma_wait3A_921] : memref<8388608xf32, #tpu.memory_space<hbm>> -> memref<32768xf32, #tpu.memory_space<hbm>>
    %dma_wait3A_923 = arith.constant 0 : i32
    %dma_wait3A_924 = tpu.memref_slice %arg6[%dma_wait3A_923] : memref<8388608xf32, #tpu.memory_space<hbm>> -> memref<32768xf32, #tpu.memory_space<hbm>>
    tpu.wait_dma2 semaphore(%arg18 : memref<!tpu.dma_semaphore, #tpu.memory_space<semaphore_mem>>) src(%arg7 : memref<32768xf32, #tpu.memory_space<vmem>>) dst(%dma_wait3A_924 : memref<32768xf32, #tpu.memory_space<hbm>>)
    %add3A_925 = arith.constant 192 : i32
    %add3A_926 = arith.addi %add3A, %add3A_925 : i32
    %mul3A_927 = arith.constant 32768 : i32
    %mul3A_928 = arith.muli %add3A_926, %mul3A_927 : i32
    %sub3A_929 = arith.subi %add3A_624, %add3A_616 : i32
    %eq3A_930 = arith.constant 32768 : i32
    %eq3A_931 = arith.cmpi eq, %sub3A_929, %eq3A_930 : i32
    %and3A_932 = arith.constant 7 : i32
    %and3A_933 = arith.andi %add3A_616, %and3A_932 : i32
    %eq3A_934 = arith.constant 0 : i32
    %eq3A_935 = arith.cmpi eq, %and3A_933, %eq3A_934 : i32
    %and3A_936 = arith.andi %eq3A_931, %eq3A_935 : i1
    %convert_element_type3A_937 = arith.extui %and3A_936 : i1 to i32
    %cond3A_938 = arith.constant 0 : i32
    %cond3A_939 = arith.cmpi ne, %convert_element_type3A_937, %cond3A_938 : i32
    scf.if %cond3A_939 {
      %multiple_of3A_1051 = tpu.assume_multiple %add3A_616, 8 : i32
      %dma_start3A_1052 = tpu.memref_slice %arg4[%multiple_of3A_1051] : memref<524288xf32, #tpu.memory_space<hbm>> -> memref<32768xf32, #tpu.memory_space<hbm>>
      %dma_start3A_1053 = tpu.memref_slice %arg4[%multiple_of3A_1051] : memref<524288xf32, #tpu.memory_space<hbm>> -> memref<32768xf32, #tpu.memory_space<hbm>>
      tpu.enqueue_dma source(%dma_start3A_1053 : memref<32768xf32, #tpu.memory_space<hbm>>) target(%arg7 : memref<32768xf32, #tpu.memory_space<vmem>>) target_semaphore(%arg15 : memref<!tpu.dma_semaphore, #tpu.memory_space<semaphore_mem>>)
    } else {
    }
    %not3A_940 = arith.constant true
    %not3A_941 = arith.xori %and3A_936, %not3A_940 : i1
    %convert_element_type3A_942 = arith.extui %not3A_941 : i1 to i32
    %cond3A_943 = arith.constant 0 : i32
    %cond3A_944 = arith.cmpi ne, %convert_element_type3A_942, %cond3A_943 : i32
    scf.if %cond3A_944 {
      %dma_start3A_1051 = tpu.memref_slice %arg2[%mul3A_928] : memref<8388608xf32, #tpu.memory_space<hbm>> -> memref<32768xf32, #tpu.memory_space<hbm>>
      %dma_start3A_1052 = tpu.memref_slice %arg2[%mul3A_928] : memref<8388608xf32, #tpu.memory_space<hbm>> -> memref<32768xf32, #tpu.memory_space<hbm>>
      tpu.enqueue_dma source(%dma_start3A_1052 : memref<32768xf32, #tpu.memory_space<hbm>>) target(%arg7 : memref<32768xf32, #tpu.memory_space<vmem>>) target_semaphore(%arg15 : memref<!tpu.dma_semaphore, #tpu.memory_space<semaphore_mem>>)
    } else {
    }
    %dma_wait3A_945 = arith.constant 0 : i32
    %dma_wait3A_946 = tpu.memref_slice %arg2[%dma_wait3A_945] : memref<8388608xf32, #tpu.memory_space<hbm>> -> memref<32768xf32, #tpu.memory_space<hbm>>
    %dma_wait3A_947 = arith.constant 0 : i32
    %dma_wait3A_948 = tpu.memref_slice %arg2[%dma_wait3A_947] : memref<8388608xf32, #tpu.memory_space<hbm>> -> memref<32768xf32, #tpu.memory_space<hbm>>
    tpu.wait_dma2 semaphore(%arg17 : memref<!tpu.dma_semaphore, #tpu.memory_space<semaphore_mem>>) src(%dma_wait3A_948 : memref<32768xf32, #tpu.memory_space<hbm>>) dst(%arg9 : memref<32768xf32, #tpu.memory_space<vmem>>)
    %gt3A_949 = arith.constant 0 : i32
    %gt3A_950 = arith.cmpi sgt, %sub3A_911, %gt3A_949 : i32
    %not3A_951 = arith.constant true
    %not3A_952 = arith.xori %and3A_918, %not3A_951 : i1
    %and3A_953 = arith.andi %gt3A_950, %not3A_952 : i1
    %convert_element_type3A_954 = arith.extui %and3A_953 : i1 to i32
    %cond3A_955 = arith.constant 0 : i32
    %cond3A_956 = arith.cmpi ne, %convert_element_type3A_954, %cond3A_955 : i32
    scf.if %cond3A_956 {
      %and3A_1051 = arith.constant -8 : i32
      %and3A_1052 = arith.andi %add3A_600, %and3A_1051 : i32
      %sub3A_1053 = arith.subi %add3A_608, %and3A_1052 : i32
      %add3A_1054 = arith.constant 2048 : i32
      %add3A_1055 = arith.addi %sub3A_1053, %add3A_1054 : i32
      %sub3A_1056 = arith.constant 1 : i32
      %sub3A_1057 = arith.subi %add3A_1055, %sub3A_1056 : i32
      %jit3A = arith.constant 2048 : i32
      %div3A = arith.divsi %sub3A_1057, %jit3A : i32
      %sign3A = arith.constant 0 : i32
      %sign3A_1058 = arith.cmpi sgt, %sub3A_1057, %sign3A : i32
      %sign3A_1059 = arith.extui %sign3A_1058 : i1 to i32
      %sign3A_1060 = arith.constant 0 : i32
      %sign3A_1061 = arith.cmpi slt, %sub3A_1057, %sign3A_1060 : i32
      %sign3A_1062 = arith.extui %sign3A_1061 : i1 to i32
      %sign3A_1063 = arith.subi %sign3A_1059, %sign3A_1062 : i32
      %sign3A_1064 = arith.constant 0 : i32
      %sign3A_1065 = arith.cmpi sgt, %jit3A, %sign3A_1064 : i32
      %sign3A_1066 = arith.extui %sign3A_1065 : i1 to i32
      %sign3A_1067 = arith.constant 0 : i32
      %sign3A_1068 = arith.cmpi slt, %jit3A, %sign3A_1067 : i32
      %sign3A_1069 = arith.extui %sign3A_1068 : i1 to i32
      %sign3A_1070 = arith.subi %sign3A_1066, %sign3A_1069 : i32
      %ne3A = arith.cmpi ne, %sign3A_1063, %sign3A_1070 : i32
      %rem3A = arith.remsi %sub3A_1057, %jit3A : i32
      %ne3A_1071 = arith.constant 0 : i32
      %ne3A_1072 = arith.cmpi ne, %rem3A, %ne3A_1071 : i32
      %and3A_1073 = arith.andi %ne3A, %ne3A_1072 : i1
      %sub3A_1074 = arith.constant 1 : i32
      %sub3A_1075 = arith.subi %div3A, %sub3A_1074 : i32
      %select_n3A = arith.select %and3A_1073, %sub3A_1075, %div3A : i32
      %while3A = arith.constant 0 : i32
      %while3A_1076 = arith.constant 0 : i32
      %while3A_1077 = arith.subi %select_n3A, %while3A_1076 : i32
      %while3A_1078 = arith.addi %while3A_1076, %while3A_1077 : i32
      %while3A_1079 = arith.constant 1 : i32
      %while3A_1080 = arith.divsi %while3A_1077, %while3A_1079 : i32
      %while3A_1081 = arith.muli %while3A_1080, %while3A_1079 : i32
      %while3A_1082 = arith.addi %while3A_1076, %while3A_1081 : i32
      %while3A_1083 = arith.constant 1 : i32
      scf.for %while3A_1085 = %while3A_1076 to %while3A_1082 step %while3A_1083  : i32 {
        %mul3A_1086 = arith.constant 2048 : i32
        %mul3A_1087 = arith.muli %while3A_1085, %mul3A_1086 : i32
        %add3A_1088 = arith.addi %and3A_1052, %mul3A_1087 : i32
        %min3A = arith.constant 522240 : i32
        %min3A_1089 = arith.minsi %add3A_1088, %min3A : i32
        %multiple_of3A_1090 = tpu.assume_multiple %min3A_1089, 8 : i32
        "tpu.region"() ({
          %run_scoped3A = tpu.sem_alloc : memref<!tpu.dma_semaphore, #tpu.memory_space<semaphore_mem>>
          %dma_start3A_1132 = tpu.memref_slice %arg3[%multiple_of3A_1090] : memref<524288xi32, #tpu.memory_space<hbm>> -> memref<2048xi32, #tpu.memory_space<hbm>>
          %dma_start3A_1133 = tpu.memref_slice %arg3[%multiple_of3A_1090] : memref<524288xi32, #tpu.memory_space<hbm>> -> memref<2048xi32, #tpu.memory_space<hbm>>
          tpu.enqueue_dma source(%dma_start3A_1133 : memref<2048xi32, #tpu.memory_space<hbm>>) target(%arg10 : memref<2048xi32, #tpu.memory_space<vmem>>) target_semaphore(%run_scoped3A : memref<!tpu.dma_semaphore, #tpu.memory_space<semaphore_mem>>)
          %dma_wait3A_1134 = tpu.memref_slice %arg3[%multiple_of3A_1090] : memref<524288xi32, #tpu.memory_space<hbm>> -> memref<2048xi32, #tpu.memory_space<hbm>>
          %dma_wait3A_1135 = tpu.memref_slice %arg3[%multiple_of3A_1090] : memref<524288xi32, #tpu.memory_space<hbm>> -> memref<2048xi32, #tpu.memory_space<hbm>>
          tpu.wait_dma2 semaphore(%run_scoped3A : memref<!tpu.dma_semaphore, #tpu.memory_space<semaphore_mem>>) src(%dma_wait3A_1135 : memref<2048xi32, #tpu.memory_space<hbm>>) dst(%arg10 : memref<2048xi32, #tpu.memory_space<vmem>>)
          tpu.yield
        }) : () -> ()
        "tpu.region"() ({
          %run_scoped3A = tpu.sem_alloc : memref<!tpu.dma_semaphore, #tpu.memory_space<semaphore_mem>>
          %dma_start3A_1132 = tpu.memref_slice %arg4[%multiple_of3A_1090] : memref<524288xf32, #tpu.memory_space<hbm>> -> memref<2048xf32, #tpu.memory_space<hbm>>
          %dma_start3A_1133 = tpu.memref_slice %arg4[%multiple_of3A_1090] : memref<524288xf32, #tpu.memory_space<hbm>> -> memref<2048xf32, #tpu.memory_space<hbm>>
          tpu.enqueue_dma source(%dma_start3A_1133 : memref<2048xf32, #tpu.memory_space<hbm>>) target(%arg11 : memref<2048xf32, #tpu.memory_space<vmem>>) target_semaphore(%run_scoped3A : memref<!tpu.dma_semaphore, #tpu.memory_space<semaphore_mem>>)
          %dma_wait3A_1134 = tpu.memref_slice %arg4[%multiple_of3A_1090] : memref<524288xf32, #tpu.memory_space<hbm>> -> memref<2048xf32, #tpu.memory_space<hbm>>
          %dma_wait3A_1135 = tpu.memref_slice %arg4[%multiple_of3A_1090] : memref<524288xf32, #tpu.memory_space<hbm>> -> memref<2048xf32, #tpu.memory_space<hbm>>
          tpu.wait_dma2 semaphore(%run_scoped3A : memref<!tpu.dma_semaphore, #tpu.memory_space<semaphore_mem>>) src(%dma_wait3A_1135 : memref<2048xf32, #tpu.memory_space<hbm>>) dst(%arg11 : memref<2048xf32, #tpu.memory_space<vmem>>)
          tpu.yield
        }) : () -> ()
        %sub3A_1091 = arith.subi %add3A_608, %multiple_of3A_1090 : i32
        %add3A_1092 = arith.constant 16 : i32
        %add3A_1093 = arith.addi %sub3A_1091, %add3A_1092 : i32
        %sub3A_1094 = arith.constant 1 : i32
        %sub3A_1095 = arith.subi %add3A_1093, %sub3A_1094 : i32
        %jit3A_1096 = arith.constant 16 : i32
        %div3A_1097 = arith.divsi %sub3A_1095, %jit3A_1096 : i32
        %sign3A_1098 = arith.constant 0 : i32
        %sign3A_1099 = arith.cmpi sgt, %sub3A_1095, %sign3A_1098 : i32
        %sign3A_1100 = arith.extui %sign3A_1099 : i1 to i32
        %sign3A_1101 = arith.constant 0 : i32
        %sign3A_1102 = arith.cmpi slt, %sub3A_1095, %sign3A_1101 : i32
        %sign3A_1103 = arith.extui %sign3A_1102 : i1 to i32
        %sign3A_1104 = arith.subi %sign3A_1100, %sign3A_1103 : i32
        %sign3A_1105 = arith.constant 0 : i32
        %sign3A_1106 = arith.cmpi sgt, %jit3A_1096, %sign3A_1105 : i32
        %sign3A_1107 = arith.extui %sign3A_1106 : i1 to i32
        %sign3A_1108 = arith.constant 0 : i32
        %sign3A_1109 = arith.cmpi slt, %jit3A_1096, %sign3A_1108 : i32
        %sign3A_1110 = arith.extui %sign3A_1109 : i1 to i32
        %sign3A_1111 = arith.subi %sign3A_1107, %sign3A_1110 : i32
        %ne3A_1112 = arith.cmpi ne, %sign3A_1104, %sign3A_1111 : i32
        %rem3A_1113 = arith.remsi %sub3A_1095, %jit3A_1096 : i32
        %ne3A_1114 = arith.constant 0 : i32
        %ne3A_1115 = arith.cmpi ne, %rem3A_1113, %ne3A_1114 : i32
        %and3A_1116 = arith.andi %ne3A_1112, %ne3A_1115 : i1
        %sub3A_1117 = arith.constant 1 : i32
        %sub3A_1118 = arith.subi %div3A_1097, %sub3A_1117 : i32
        %select_n3A_1119 = arith.select %and3A_1116, %sub3A_1118, %div3A_1097 : i32
        %min3A_1120 = arith.constant 128 : i32
        %min3A_1121 = arith.minsi %select_n3A_1119, %min3A_1120 : i32
        %while3A_1122 = arith.constant 0 : i32
        %while3A_1123 = arith.constant 0 : i32
        %while3A_1124 = arith.subi %min3A_1121, %while3A_1123 : i32
        %while3A_1125 = arith.addi %while3A_1123, %while3A_1124 : i32
        %while3A_1126 = arith.constant 1 : i32
        %while3A_1127 = arith.divsi %while3A_1124, %while3A_1126 : i32
        %while3A_1128 = arith.muli %while3A_1127, %while3A_1126 : i32
        %while3A_1129 = arith.addi %while3A_1123, %while3A_1128 : i32
        %while3A_1130 = arith.constant 1 : i32
        scf.for %while3A_1132 = %while3A_1123 to %while3A_1129 step %while3A_1130  : i32 {
          %mul3A_1133 = arith.constant 16 : i32
          %mul3A_1134 = arith.muli %while3A_1132, %mul3A_1133 : i32
          %get3A = arith.index_cast %mul3A_1134 : i32 to index
          %get3A_1135 = tpu.vector_load %arg10[%get3A] {strides = array<i32>} : memref<2048xi32, #tpu.memory_space<vmem>>, vector<16xi32>,
          %mul3A_1136 = arith.constant 16 : i32
          %mul3A_1137 = arith.muli %while3A_1132, %mul3A_1136 : i32
          %get3A_1138 = arith.index_cast %mul3A_1137 : i32 to index
          %get3A_1139 = tpu.vector_load %arg11[%get3A_1138] {strides = array<i32>} : memref<2048xf32, #tpu.memory_space<vmem>>, vector<16xf32>,
          %ge3A = vector.broadcast %mul3A_910 : i32 to vector<16xi32>
          %ge3A_1140 = arith.cmpi sge, %get3A_1135, %ge3A : vector<16xi32>
          %lt3A = vector.broadcast %add3A_920 : i32 to vector<16xi32>
          %lt3A_1141 = arith.cmpi slt, %get3A_1135, %lt3A : vector<16xi32>
          %and3A_1142 = arith.andi %ge3A_1140, %lt3A_1141 : vector<16xi1>
          %sub3A_1143 = vector.broadcast %mul3A_910 : i32 to vector<16xi32>
          %sub3A_1144 = arith.subi %get3A_1135, %sub3A_1143 : vector<16xi32>
          tpu.vector_store_idx %arg9[%sub3A_1144], %get3A_1139 masked %and3A_1142 : memref<32768xf32, #tpu.memory_space<vmem>>[vector<16xi32>], vector<16xf32>, vector<16xi1>
        }
        %while3A_1131 = arith.constant 1 : i32
        scf.for %while3A_1132 = %while3A_1129 to %while3A_1125 step %while3A_1131  : i32 {
          %mul3A_1133 = arith.constant 16 : i32
          %mul3A_1134 = arith.muli %while3A_1132, %mul3A_1133 : i32
          %get3A = arith.index_cast %mul3A_1134 : i32 to index
          %get3A_1135 = tpu.vector_load %arg10[%get3A] {strides = array<i32>} : memref<2048xi32, #tpu.memory_space<vmem>>, vector<16xi32>,
          %mul3A_1136 = arith.constant 16 : i32
          %mul3A_1137 = arith.muli %while3A_1132, %mul3A_1136 : i32
          %get3A_1138 = arith.index_cast %mul3A_1137 : i32 to index
          %get3A_1139 = tpu.vector_load %arg11[%get3A_1138] {strides = array<i32>} : memref<2048xf32, #tpu.memory_space<vmem>>, vector<16xf32>,
          %ge3A = vector.broadcast %mul3A_910 : i32 to vector<16xi32>
          %ge3A_1140 = arith.cmpi sge, %get3A_1135, %ge3A : vector<16xi32>
          %lt3A = vector.broadcast %add3A_920 : i32 to vector<16xi32>
          %lt3A_1141 = arith.cmpi slt, %get3A_1135, %lt3A : vector<16xi32>
          %and3A_1142 = arith.andi %ge3A_1140, %lt3A_1141 : vector<16xi1>
          %sub3A_1143 = vector.broadcast %mul3A_910 : i32 to vector<16xi32>
          %sub3A_1144 = arith.subi %get3A_1135, %sub3A_1143 : vector<16xi32>
          tpu.vector_store_idx %arg9[%sub3A_1144], %get3A_1139 masked %and3A_1142 : memref<32768xf32, #tpu.memory_space<vmem>>[vector<16xi32>], vector<16xf32>, vector<16xi1>
        }
      }
      %while3A_1084 = arith.constant 1 : i32
      scf.for %while3A_1085 = %while3A_1082 to %while3A_1078 step %while3A_1084  : i32 {
        %mul3A_1086 = arith.constant 2048 : i32
        %mul3A_1087 = arith.muli %while3A_1085, %mul3A_1086 : i32
        %add3A_1088 = arith.addi %and3A_1052, %mul3A_1087 : i32
        %min3A = arith.constant 522240 : i32
        %min3A_1089 = arith.minsi %add3A_1088, %min3A : i32
        %multiple_of3A_1090 = tpu.assume_multiple %min3A_1089, 8 : i32
        "tpu.region"() ({
          %run_scoped3A = tpu.sem_alloc : memref<!tpu.dma_semaphore, #tpu.memory_space<semaphore_mem>>
          %dma_start3A_1132 = tpu.memref_slice %arg3[%multiple_of3A_1090] : memref<524288xi32, #tpu.memory_space<hbm>> -> memref<2048xi32, #tpu.memory_space<hbm>>
          %dma_start3A_1133 = tpu.memref_slice %arg3[%multiple_of3A_1090] : memref<524288xi32, #tpu.memory_space<hbm>> -> memref<2048xi32, #tpu.memory_space<hbm>>
          tpu.enqueue_dma source(%dma_start3A_1133 : memref<2048xi32, #tpu.memory_space<hbm>>) target(%arg10 : memref<2048xi32, #tpu.memory_space<vmem>>) target_semaphore(%run_scoped3A : memref<!tpu.dma_semaphore, #tpu.memory_space<semaphore_mem>>)
          %dma_wait3A_1134 = tpu.memref_slice %arg3[%multiple_of3A_1090] : memref<524288xi32, #tpu.memory_space<hbm>> -> memref<2048xi32, #tpu.memory_space<hbm>>
          %dma_wait3A_1135 = tpu.memref_slice %arg3[%multiple_of3A_1090] : memref<524288xi32, #tpu.memory_space<hbm>> -> memref<2048xi32, #tpu.memory_space<hbm>>
          tpu.wait_dma2 semaphore(%run_scoped3A : memref<!tpu.dma_semaphore, #tpu.memory_space<semaphore_mem>>) src(%dma_wait3A_1135 : memref<2048xi32, #tpu.memory_space<hbm>>) dst(%arg10 : memref<2048xi32, #tpu.memory_space<vmem>>)
          tpu.yield
        }) : () -> ()
        "tpu.region"() ({
          %run_scoped3A = tpu.sem_alloc : memref<!tpu.dma_semaphore, #tpu.memory_space<semaphore_mem>>
          %dma_start3A_1132 = tpu.memref_slice %arg4[%multiple_of3A_1090] : memref<524288xf32, #tpu.memory_space<hbm>> -> memref<2048xf32, #tpu.memory_space<hbm>>
          %dma_start3A_1133 = tpu.memref_slice %arg4[%multiple_of3A_1090] : memref<524288xf32, #tpu.memory_space<hbm>> -> memref<2048xf32, #tpu.memory_space<hbm>>
          tpu.enqueue_dma source(%dma_start3A_1133 : memref<2048xf32, #tpu.memory_space<hbm>>) target(%arg11 : memref<2048xf32, #tpu.memory_space<vmem>>) target_semaphore(%run_scoped3A : memref<!tpu.dma_semaphore, #tpu.memory_space<semaphore_mem>>)
          %dma_wait3A_1134 = tpu.memref_slice %arg4[%multiple_of3A_1090] : memref<524288xf32, #tpu.memory_space<hbm>> -> memref<2048xf32, #tpu.memory_space<hbm>>
          %dma_wait3A_1135 = tpu.memref_slice %arg4[%multiple_of3A_1090] : memref<524288xf32, #tpu.memory_space<hbm>> -> memref<2048xf32, #tpu.memory_space<hbm>>
          tpu.wait_dma2 semaphore(%run_scoped3A : memref<!tpu.dma_semaphore, #tpu.memory_space<semaphore_mem>>) src(%dma_wait3A_1135 : memref<2048xf32, #tpu.memory_space<hbm>>) dst(%arg11 : memref<2048xf32, #tpu.memory_space<vmem>>)
          tpu.yield
        }) : () -> ()
        %sub3A_1091 = arith.subi %add3A_608, %multiple_of3A_1090 : i32
        %add3A_1092 = arith.constant 16 : i32
        %add3A_1093 = arith.addi %sub3A_1091, %add3A_1092 : i32
        %sub3A_1094 = arith.constant 1 : i32
        %sub3A_1095 = arith.subi %add3A_1093, %sub3A_1094 : i32
        %jit3A_1096 = arith.constant 16 : i32
        %div3A_1097 = arith.divsi %sub3A_1095, %jit3A_1096 : i32
        %sign3A_1098 = arith.constant 0 : i32
        %sign3A_1099 = arith.cmpi sgt, %sub3A_1095, %sign3A_1098 : i32
        %sign3A_1100 = arith.extui %sign3A_1099 : i1 to i32
        %sign3A_1101 = arith.constant 0 : i32
        %sign3A_1102 = arith.cmpi slt, %sub3A_1095, %sign3A_1101 : i32
        %sign3A_1103 = arith.extui %sign3A_1102 : i1 to i32
        %sign3A_1104 = arith.subi %sign3A_1100, %sign3A_1103 : i32
        %sign3A_1105 = arith.constant 0 : i32
        %sign3A_1106 = arith.cmpi sgt, %jit3A_1096, %sign3A_1105 : i32
        %sign3A_1107 = arith.extui %sign3A_1106 : i1 to i32
        %sign3A_1108 = arith.constant 0 : i32
        %sign3A_1109 = arith.cmpi slt, %jit3A_1096, %sign3A_1108 : i32
        %sign3A_1110 = arith.extui %sign3A_1109 : i1 to i32
        %sign3A_1111 = arith.subi %sign3A_1107, %sign3A_1110 : i32
        %ne3A_1112 = arith.cmpi ne, %sign3A_1104, %sign3A_1111 : i32
        %rem3A_1113 = arith.remsi %sub3A_1095, %jit3A_1096 : i32
        %ne3A_1114 = arith.constant 0 : i32
        %ne3A_1115 = arith.cmpi ne, %rem3A_1113, %ne3A_1114 : i32
        %and3A_1116 = arith.andi %ne3A_1112, %ne3A_1115 : i1
        %sub3A_1117 = arith.constant 1 : i32
        %sub3A_1118 = arith.subi %div3A_1097, %sub3A_1117 : i32
        %select_n3A_1119 = arith.select %and3A_1116, %sub3A_1118, %div3A_1097 : i32
        %min3A_1120 = arith.constant 128 : i32
        %min3A_1121 = arith.minsi %select_n3A_1119, %min3A_1120 : i32
        %while3A_1122 = arith.constant 0 : i32
        %while3A_1123 = arith.constant 0 : i32
        %while3A_1124 = arith.subi %min3A_1121, %while3A_1123 : i32
        %while3A_1125 = arith.addi %while3A_1123, %while3A_1124 : i32
        %while3A_1126 = arith.constant 1 : i32
        %while3A_1127 = arith.divsi %while3A_1124, %while3A_1126 : i32
        %while3A_1128 = arith.muli %while3A_1127, %while3A_1126 : i32
        %while3A_1129 = arith.addi %while3A_1123, %while3A_1128 : i32
        %while3A_1130 = arith.constant 1 : i32
        scf.for %while3A_1132 = %while3A_1123 to %while3A_1129 step %while3A_1130  : i32 {
          %mul3A_1133 = arith.constant 16 : i32
          %mul3A_1134 = arith.muli %while3A_1132, %mul3A_1133 : i32
          %get3A = arith.index_cast %mul3A_1134 : i32 to index
          %get3A_1135 = tpu.vector_load %arg10[%get3A] {strides = array<i32>} : memref<2048xi32, #tpu.memory_space<vmem>>, vector<16xi32>,
          %mul3A_1136 = arith.constant 16 : i32
          %mul3A_1137 = arith.muli %while3A_1132, %mul3A_1136 : i32
          %get3A_1138 = arith.index_cast %mul3A_1137 : i32 to index
          %get3A_1139 = tpu.vector_load %arg11[%get3A_1138] {strides = array<i32>} : memref<2048xf32, #tpu.memory_space<vmem>>, vector<16xf32>,
          %ge3A = vector.broadcast %mul3A_910 : i32 to vector<16xi32>
          %ge3A_1140 = arith.cmpi sge, %get3A_1135, %ge3A : vector<16xi32>
          %lt3A = vector.broadcast %add3A_920 : i32 to vector<16xi32>
          %lt3A_1141 = arith.cmpi slt, %get3A_1135, %lt3A : vector<16xi32>
          %and3A_1142 = arith.andi %ge3A_1140, %lt3A_1141 : vector<16xi1>
          %sub3A_1143 = vector.broadcast %mul3A_910 : i32 to vector<16xi32>
          %sub3A_1144 = arith.subi %get3A_1135, %sub3A_1143 : vector<16xi32>
          tpu.vector_store_idx %arg9[%sub3A_1144], %get3A_1139 masked %and3A_1142 : memref<32768xf32, #tpu.memory_space<vmem>>[vector<16xi32>], vector<16xf32>, vector<16xi1>
        }
        %while3A_1131 = arith.constant 1 : i32
        scf.for %while3A_1132 = %while3A_1129 to %while3A_1125 step %while3A_1131  : i32 {
          %mul3A_1133 = arith.constant 16 : i32
          %mul3A_1134 = arith.muli %while3A_1132, %mul3A_1133 : i32
          %get3A = arith.index_cast %mul3A_1134 : i32 to index
          %get3A_1135 = tpu.vector_load %arg10[%get3A] {strides = array<i32>} : memref<2048xi32, #tpu.memory_space<vmem>>, vector<16xi32>,
          %mul3A_1136 = arith.constant 16 : i32
          %mul3A_1137 = arith.muli %while3A_1132, %mul3A_1136 : i32
          %get3A_1138 = arith.index_cast %mul3A_1137 : i32 to index
          %get3A_1139 = tpu.vector_load %arg11[%get3A_1138] {strides = array<i32>} : memref<2048xf32, #tpu.memory_space<vmem>>, vector<16xf32>,
          %ge3A = vector.broadcast %mul3A_910 : i32 to vector<16xi32>
          %ge3A_1140 = arith.cmpi sge, %get3A_1135, %ge3A : vector<16xi32>
          %lt3A = vector.broadcast %add3A_920 : i32 to vector<16xi32>
          %lt3A_1141 = arith.cmpi slt, %get3A_1135, %lt3A : vector<16xi32>
          %and3A_1142 = arith.andi %ge3A_1140, %lt3A_1141 : vector<16xi1>
          %sub3A_1143 = vector.broadcast %mul3A_910 : i32 to vector<16xi32>
          %sub3A_1144 = arith.subi %get3A_1135, %sub3A_1143 : vector<16xi32>
          tpu.vector_store_idx %arg9[%sub3A_1144], %get3A_1139 masked %and3A_1142 : memref<32768xf32, #tpu.memory_space<vmem>>[vector<16xi32>], vector<16xf32>, vector<16xi1>
        }
      }
    } else {
    }
    %dma_start3A_957 = tpu.memref_slice %arg6[%mul3A_910] : memref<8388608xf32, #tpu.memory_space<hbm>> -> memref<32768xf32, #tpu.memory_space<hbm>>
    %dma_start3A_958 = tpu.memref_slice %arg6[%mul3A_910] : memref<8388608xf32, #tpu.memory_space<hbm>> -> memref<32768xf32, #tpu.memory_space<hbm>>
    tpu.enqueue_dma source(%arg9 : memref<32768xf32, #tpu.memory_space<vmem>>) target(%dma_start3A_958 : memref<32768xf32, #tpu.memory_space<hbm>>) target_semaphore(%arg20 : memref<!tpu.dma_semaphore, #tpu.memory_space<semaphore_mem>>)
    %add3A_959 = arith.constant 192 : i32
    %add3A_960 = arith.addi %add3A, %add3A_959 : i32
    %mul3A_961 = arith.constant 32768 : i32
    %mul3A_962 = arith.muli %add3A_960, %mul3A_961 : i32
    %sub3A_963 = arith.subi %add3A_624, %add3A_616 : i32
    %eq3A_964 = arith.constant 32768 : i32
    %eq3A_965 = arith.cmpi eq, %sub3A_963, %eq3A_964 : i32
    %and3A_966 = arith.constant 7 : i32
    %and3A_967 = arith.andi %add3A_616, %and3A_966 : i32
    %eq3A_968 = arith.constant 0 : i32
    %eq3A_969 = arith.cmpi eq, %and3A_967, %eq3A_968 : i32
    %and3A_970 = arith.andi %eq3A_965, %eq3A_969 : i1
    %add3A_971 = arith.constant 32768 : i32
    %add3A_972 = arith.addi %mul3A_962, %add3A_971 : i32
    %dma_wait3A_973 = arith.constant 0 : i32
    %dma_wait3A_974 = tpu.memref_slice %arg6[%dma_wait3A_973] : memref<8388608xf32, #tpu.memory_space<hbm>> -> memref<32768xf32, #tpu.memory_space<hbm>>
    %dma_wait3A_975 = arith.constant 0 : i32
    %dma_wait3A_976 = tpu.memref_slice %arg6[%dma_wait3A_975] : memref<8388608xf32, #tpu.memory_space<hbm>> -> memref<32768xf32, #tpu.memory_space<hbm>>
    tpu.wait_dma2 semaphore(%arg19 : memref<!tpu.dma_semaphore, #tpu.memory_space<semaphore_mem>>) src(%arg8 : memref<32768xf32, #tpu.memory_space<vmem>>) dst(%dma_wait3A_976 : memref<32768xf32, #tpu.memory_space<hbm>>)
    %add3A_977 = arith.constant 224 : i32
    %add3A_978 = arith.addi %add3A, %add3A_977 : i32
    %mul3A_979 = arith.constant 32768 : i32
    %mul3A_980 = arith.muli %add3A_978, %mul3A_979 : i32
    %sub3A_981 = arith.subi %add3A_640, %add3A_632 : i32
    %eq3A_982 = arith.constant 32768 : i32
    %eq3A_983 = arith.cmpi eq, %sub3A_981, %eq3A_982 : i32
    %and3A_984 = arith.constant 7 : i32
    %and3A_985 = arith.andi %add3A_632, %and3A_984 : i32
    %eq3A_986 = arith.constant 0 : i32
    %eq3A_987 = arith.cmpi eq, %and3A_985, %eq3A_986 : i32
    %and3A_988 = arith.andi %eq3A_983, %eq3A_987 : i1
    %convert_element_type3A_989 = arith.extui %and3A_988 : i1 to i32
    %cond3A_990 = arith.constant 0 : i32
    %cond3A_991 = arith.cmpi ne, %convert_element_type3A_989, %cond3A_990 : i32
    scf.if %cond3A_991 {
      %multiple_of3A_1051 = tpu.assume_multiple %add3A_632, 8 : i32
      %dma_start3A_1052 = tpu.memref_slice %arg4[%multiple_of3A_1051] : memref<524288xf32, #tpu.memory_space<hbm>> -> memref<32768xf32, #tpu.memory_space<hbm>>
      %dma_start3A_1053 = tpu.memref_slice %arg4[%multiple_of3A_1051] : memref<524288xf32, #tpu.memory_space<hbm>> -> memref<32768xf32, #tpu.memory_space<hbm>>
      tpu.enqueue_dma source(%dma_start3A_1053 : memref<32768xf32, #tpu.memory_space<hbm>>) target(%arg8 : memref<32768xf32, #tpu.memory_space<vmem>>) target_semaphore(%arg16 : memref<!tpu.dma_semaphore, #tpu.memory_space<semaphore_mem>>)
    } else {
    }
    %not3A_992 = arith.constant true
    %not3A_993 = arith.xori %and3A_988, %not3A_992 : i1
    %convert_element_type3A_994 = arith.extui %not3A_993 : i1 to i32
    %cond3A_995 = arith.constant 0 : i32
    %cond3A_996 = arith.cmpi ne, %convert_element_type3A_994, %cond3A_995 : i32
    scf.if %cond3A_996 {
      %dma_start3A_1051 = tpu.memref_slice %arg2[%mul3A_980] : memref<8388608xf32, #tpu.memory_space<hbm>> -> memref<32768xf32, #tpu.memory_space<hbm>>
      %dma_start3A_1052 = tpu.memref_slice %arg2[%mul3A_980] : memref<8388608xf32, #tpu.memory_space<hbm>> -> memref<32768xf32, #tpu.memory_space<hbm>>
      tpu.enqueue_dma source(%dma_start3A_1052 : memref<32768xf32, #tpu.memory_space<hbm>>) target(%arg8 : memref<32768xf32, #tpu.memory_space<vmem>>) target_semaphore(%arg16 : memref<!tpu.dma_semaphore, #tpu.memory_space<semaphore_mem>>)
    } else {
    }
    %dma_wait3A_997 = arith.constant 0 : i32
    %dma_wait3A_998 = tpu.memref_slice %arg2[%dma_wait3A_997] : memref<8388608xf32, #tpu.memory_space<hbm>> -> memref<32768xf32, #tpu.memory_space<hbm>>
    %dma_wait3A_999 = arith.constant 0 : i32
    %dma_wait3A_1000 = tpu.memref_slice %arg2[%dma_wait3A_999] : memref<8388608xf32, #tpu.memory_space<hbm>> -> memref<32768xf32, #tpu.memory_space<hbm>>
    tpu.wait_dma2 semaphore(%arg15 : memref<!tpu.dma_semaphore, #tpu.memory_space<semaphore_mem>>) src(%dma_wait3A_1000 : memref<32768xf32, #tpu.memory_space<hbm>>) dst(%arg7 : memref<32768xf32, #tpu.memory_space<vmem>>)
    %gt3A_1001 = arith.constant 0 : i32
    %gt3A_1002 = arith.cmpi sgt, %sub3A_963, %gt3A_1001 : i32
    %not3A_1003 = arith.constant true
    %not3A_1004 = arith.xori %and3A_970, %not3A_1003 : i1
    %and3A_1005 = arith.andi %gt3A_1002, %not3A_1004 : i1
    %convert_element_type3A_1006 = arith.extui %and3A_1005 : i1 to i32
    %cond3A_1007 = arith.constant 0 : i32
    %cond3A_1008 = arith.cmpi ne, %convert_element_type3A_1006, %cond3A_1007 : i32
    scf.if %cond3A_1008 {
      %and3A_1051 = arith.constant -8 : i32
      %and3A_1052 = arith.andi %add3A_616, %and3A_1051 : i32
      %sub3A_1053 = arith.subi %add3A_624, %and3A_1052 : i32
      %add3A_1054 = arith.constant 2048 : i32
      %add3A_1055 = arith.addi %sub3A_1053, %add3A_1054 : i32
      %sub3A_1056 = arith.constant 1 : i32
      %sub3A_1057 = arith.subi %add3A_1055, %sub3A_1056 : i32
      %jit3A = arith.constant 2048 : i32
      %div3A = arith.divsi %sub3A_1057, %jit3A : i32
      %sign3A = arith.constant 0 : i32
      %sign3A_1058 = arith.cmpi sgt, %sub3A_1057, %sign3A : i32
      %sign3A_1059 = arith.extui %sign3A_1058 : i1 to i32
      %sign3A_1060 = arith.constant 0 : i32
      %sign3A_1061 = arith.cmpi slt, %sub3A_1057, %sign3A_1060 : i32
      %sign3A_1062 = arith.extui %sign3A_1061 : i1 to i32
      %sign3A_1063 = arith.subi %sign3A_1059, %sign3A_1062 : i32
      %sign3A_1064 = arith.constant 0 : i32
      %sign3A_1065 = arith.cmpi sgt, %jit3A, %sign3A_1064 : i32
      %sign3A_1066 = arith.extui %sign3A_1065 : i1 to i32
      %sign3A_1067 = arith.constant 0 : i32
      %sign3A_1068 = arith.cmpi slt, %jit3A, %sign3A_1067 : i32
      %sign3A_1069 = arith.extui %sign3A_1068 : i1 to i32
      %sign3A_1070 = arith.subi %sign3A_1066, %sign3A_1069 : i32
      %ne3A = arith.cmpi ne, %sign3A_1063, %sign3A_1070 : i32
      %rem3A = arith.remsi %sub3A_1057, %jit3A : i32
      %ne3A_1071 = arith.constant 0 : i32
      %ne3A_1072 = arith.cmpi ne, %rem3A, %ne3A_1071 : i32
      %and3A_1073 = arith.andi %ne3A, %ne3A_1072 : i1
      %sub3A_1074 = arith.constant 1 : i32
      %sub3A_1075 = arith.subi %div3A, %sub3A_1074 : i32
      %select_n3A = arith.select %and3A_1073, %sub3A_1075, %div3A : i32
      %while3A = arith.constant 0 : i32
      %while3A_1076 = arith.constant 0 : i32
      %while3A_1077 = arith.subi %select_n3A, %while3A_1076 : i32
      %while3A_1078 = arith.addi %while3A_1076, %while3A_1077 : i32
      %while3A_1079 = arith.constant 1 : i32
      %while3A_1080 = arith.divsi %while3A_1077, %while3A_1079 : i32
      %while3A_1081 = arith.muli %while3A_1080, %while3A_1079 : i32
      %while3A_1082 = arith.addi %while3A_1076, %while3A_1081 : i32
      %while3A_1083 = arith.constant 1 : i32
      scf.for %while3A_1085 = %while3A_1076 to %while3A_1082 step %while3A_1083  : i32 {
        %mul3A_1086 = arith.constant 2048 : i32
        %mul3A_1087 = arith.muli %while3A_1085, %mul3A_1086 : i32
        %add3A_1088 = arith.addi %and3A_1052, %mul3A_1087 : i32
        %min3A = arith.constant 522240 : i32
        %min3A_1089 = arith.minsi %add3A_1088, %min3A : i32
        %multiple_of3A_1090 = tpu.assume_multiple %min3A_1089, 8 : i32
        "tpu.region"() ({
          %run_scoped3A = tpu.sem_alloc : memref<!tpu.dma_semaphore, #tpu.memory_space<semaphore_mem>>
          %dma_start3A_1132 = tpu.memref_slice %arg3[%multiple_of3A_1090] : memref<524288xi32, #tpu.memory_space<hbm>> -> memref<2048xi32, #tpu.memory_space<hbm>>
          %dma_start3A_1133 = tpu.memref_slice %arg3[%multiple_of3A_1090] : memref<524288xi32, #tpu.memory_space<hbm>> -> memref<2048xi32, #tpu.memory_space<hbm>>
          tpu.enqueue_dma source(%dma_start3A_1133 : memref<2048xi32, #tpu.memory_space<hbm>>) target(%arg10 : memref<2048xi32, #tpu.memory_space<vmem>>) target_semaphore(%run_scoped3A : memref<!tpu.dma_semaphore, #tpu.memory_space<semaphore_mem>>)
          %dma_wait3A_1134 = tpu.memref_slice %arg3[%multiple_of3A_1090] : memref<524288xi32, #tpu.memory_space<hbm>> -> memref<2048xi32, #tpu.memory_space<hbm>>
          %dma_wait3A_1135 = tpu.memref_slice %arg3[%multiple_of3A_1090] : memref<524288xi32, #tpu.memory_space<hbm>> -> memref<2048xi32, #tpu.memory_space<hbm>>
          tpu.wait_dma2 semaphore(%run_scoped3A : memref<!tpu.dma_semaphore, #tpu.memory_space<semaphore_mem>>) src(%dma_wait3A_1135 : memref<2048xi32, #tpu.memory_space<hbm>>) dst(%arg10 : memref<2048xi32, #tpu.memory_space<vmem>>)
          tpu.yield
        }) : () -> ()
        "tpu.region"() ({
          %run_scoped3A = tpu.sem_alloc : memref<!tpu.dma_semaphore, #tpu.memory_space<semaphore_mem>>
          %dma_start3A_1132 = tpu.memref_slice %arg4[%multiple_of3A_1090] : memref<524288xf32, #tpu.memory_space<hbm>> -> memref<2048xf32, #tpu.memory_space<hbm>>
          %dma_start3A_1133 = tpu.memref_slice %arg4[%multiple_of3A_1090] : memref<524288xf32, #tpu.memory_space<hbm>> -> memref<2048xf32, #tpu.memory_space<hbm>>
          tpu.enqueue_dma source(%dma_start3A_1133 : memref<2048xf32, #tpu.memory_space<hbm>>) target(%arg11 : memref<2048xf32, #tpu.memory_space<vmem>>) target_semaphore(%run_scoped3A : memref<!tpu.dma_semaphore, #tpu.memory_space<semaphore_mem>>)
          %dma_wait3A_1134 = tpu.memref_slice %arg4[%multiple_of3A_1090] : memref<524288xf32, #tpu.memory_space<hbm>> -> memref<2048xf32, #tpu.memory_space<hbm>>
          %dma_wait3A_1135 = tpu.memref_slice %arg4[%multiple_of3A_1090] : memref<524288xf32, #tpu.memory_space<hbm>> -> memref<2048xf32, #tpu.memory_space<hbm>>
          tpu.wait_dma2 semaphore(%run_scoped3A : memref<!tpu.dma_semaphore, #tpu.memory_space<semaphore_mem>>) src(%dma_wait3A_1135 : memref<2048xf32, #tpu.memory_space<hbm>>) dst(%arg11 : memref<2048xf32, #tpu.memory_space<vmem>>)
          tpu.yield
        }) : () -> ()
        %sub3A_1091 = arith.subi %add3A_624, %multiple_of3A_1090 : i32
        %add3A_1092 = arith.constant 16 : i32
        %add3A_1093 = arith.addi %sub3A_1091, %add3A_1092 : i32
        %sub3A_1094 = arith.constant 1 : i32
        %sub3A_1095 = arith.subi %add3A_1093, %sub3A_1094 : i32
        %jit3A_1096 = arith.constant 16 : i32
        %div3A_1097 = arith.divsi %sub3A_1095, %jit3A_1096 : i32
        %sign3A_1098 = arith.constant 0 : i32
        %sign3A_1099 = arith.cmpi sgt, %sub3A_1095, %sign3A_1098 : i32
        %sign3A_1100 = arith.extui %sign3A_1099 : i1 to i32
        %sign3A_1101 = arith.constant 0 : i32
        %sign3A_1102 = arith.cmpi slt, %sub3A_1095, %sign3A_1101 : i32
        %sign3A_1103 = arith.extui %sign3A_1102 : i1 to i32
        %sign3A_1104 = arith.subi %sign3A_1100, %sign3A_1103 : i32
        %sign3A_1105 = arith.constant 0 : i32
        %sign3A_1106 = arith.cmpi sgt, %jit3A_1096, %sign3A_1105 : i32
        %sign3A_1107 = arith.extui %sign3A_1106 : i1 to i32
        %sign3A_1108 = arith.constant 0 : i32
        %sign3A_1109 = arith.cmpi slt, %jit3A_1096, %sign3A_1108 : i32
        %sign3A_1110 = arith.extui %sign3A_1109 : i1 to i32
        %sign3A_1111 = arith.subi %sign3A_1107, %sign3A_1110 : i32
        %ne3A_1112 = arith.cmpi ne, %sign3A_1104, %sign3A_1111 : i32
        %rem3A_1113 = arith.remsi %sub3A_1095, %jit3A_1096 : i32
        %ne3A_1114 = arith.constant 0 : i32
        %ne3A_1115 = arith.cmpi ne, %rem3A_1113, %ne3A_1114 : i32
        %and3A_1116 = arith.andi %ne3A_1112, %ne3A_1115 : i1
        %sub3A_1117 = arith.constant 1 : i32
        %sub3A_1118 = arith.subi %div3A_1097, %sub3A_1117 : i32
        %select_n3A_1119 = arith.select %and3A_1116, %sub3A_1118, %div3A_1097 : i32
        %min3A_1120 = arith.constant 128 : i32
        %min3A_1121 = arith.minsi %select_n3A_1119, %min3A_1120 : i32
        %while3A_1122 = arith.constant 0 : i32
        %while3A_1123 = arith.constant 0 : i32
        %while3A_1124 = arith.subi %min3A_1121, %while3A_1123 : i32
        %while3A_1125 = arith.addi %while3A_1123, %while3A_1124 : i32
        %while3A_1126 = arith.constant 1 : i32
        %while3A_1127 = arith.divsi %while3A_1124, %while3A_1126 : i32
        %while3A_1128 = arith.muli %while3A_1127, %while3A_1126 : i32
        %while3A_1129 = arith.addi %while3A_1123, %while3A_1128 : i32
        %while3A_1130 = arith.constant 1 : i32
        scf.for %while3A_1132 = %while3A_1123 to %while3A_1129 step %while3A_1130  : i32 {
          %mul3A_1133 = arith.constant 16 : i32
          %mul3A_1134 = arith.muli %while3A_1132, %mul3A_1133 : i32
          %get3A = arith.index_cast %mul3A_1134 : i32 to index
          %get3A_1135 = tpu.vector_load %arg10[%get3A] {strides = array<i32>} : memref<2048xi32, #tpu.memory_space<vmem>>, vector<16xi32>,
          %mul3A_1136 = arith.constant 16 : i32
          %mul3A_1137 = arith.muli %while3A_1132, %mul3A_1136 : i32
          %get3A_1138 = arith.index_cast %mul3A_1137 : i32 to index
          %get3A_1139 = tpu.vector_load %arg11[%get3A_1138] {strides = array<i32>} : memref<2048xf32, #tpu.memory_space<vmem>>, vector<16xf32>,
          %ge3A = vector.broadcast %mul3A_962 : i32 to vector<16xi32>
          %ge3A_1140 = arith.cmpi sge, %get3A_1135, %ge3A : vector<16xi32>
          %lt3A = vector.broadcast %add3A_972 : i32 to vector<16xi32>
          %lt3A_1141 = arith.cmpi slt, %get3A_1135, %lt3A : vector<16xi32>
          %and3A_1142 = arith.andi %ge3A_1140, %lt3A_1141 : vector<16xi1>
          %sub3A_1143 = vector.broadcast %mul3A_962 : i32 to vector<16xi32>
          %sub3A_1144 = arith.subi %get3A_1135, %sub3A_1143 : vector<16xi32>
          tpu.vector_store_idx %arg7[%sub3A_1144], %get3A_1139 masked %and3A_1142 : memref<32768xf32, #tpu.memory_space<vmem>>[vector<16xi32>], vector<16xf32>, vector<16xi1>
        }
        %while3A_1131 = arith.constant 1 : i32
        scf.for %while3A_1132 = %while3A_1129 to %while3A_1125 step %while3A_1131  : i32 {
          %mul3A_1133 = arith.constant 16 : i32
          %mul3A_1134 = arith.muli %while3A_1132, %mul3A_1133 : i32
          %get3A = arith.index_cast %mul3A_1134 : i32 to index
          %get3A_1135 = tpu.vector_load %arg10[%get3A] {strides = array<i32>} : memref<2048xi32, #tpu.memory_space<vmem>>, vector<16xi32>,
          %mul3A_1136 = arith.constant 16 : i32
          %mul3A_1137 = arith.muli %while3A_1132, %mul3A_1136 : i32
          %get3A_1138 = arith.index_cast %mul3A_1137 : i32 to index
          %get3A_1139 = tpu.vector_load %arg11[%get3A_1138] {strides = array<i32>} : memref<2048xf32, #tpu.memory_space<vmem>>, vector<16xf32>,
          %ge3A = vector.broadcast %mul3A_962 : i32 to vector<16xi32>
          %ge3A_1140 = arith.cmpi sge, %get3A_1135, %ge3A : vector<16xi32>
          %lt3A = vector.broadcast %add3A_972 : i32 to vector<16xi32>
          %lt3A_1141 = arith.cmpi slt, %get3A_1135, %lt3A : vector<16xi32>
          %and3A_1142 = arith.andi %ge3A_1140, %lt3A_1141 : vector<16xi1>
          %sub3A_1143 = vector.broadcast %mul3A_962 : i32 to vector<16xi32>
          %sub3A_1144 = arith.subi %get3A_1135, %sub3A_1143 : vector<16xi32>
          tpu.vector_store_idx %arg7[%sub3A_1144], %get3A_1139 masked %and3A_1142 : memref<32768xf32, #tpu.memory_space<vmem>>[vector<16xi32>], vector<16xf32>, vector<16xi1>
        }
      }
      %while3A_1084 = arith.constant 1 : i32
      scf.for %while3A_1085 = %while3A_1082 to %while3A_1078 step %while3A_1084  : i32 {
        %mul3A_1086 = arith.constant 2048 : i32
        %mul3A_1087 = arith.muli %while3A_1085, %mul3A_1086 : i32
        %add3A_1088 = arith.addi %and3A_1052, %mul3A_1087 : i32
        %min3A = arith.constant 522240 : i32
        %min3A_1089 = arith.minsi %add3A_1088, %min3A : i32
        %multiple_of3A_1090 = tpu.assume_multiple %min3A_1089, 8 : i32
        "tpu.region"() ({
          %run_scoped3A = tpu.sem_alloc : memref<!tpu.dma_semaphore, #tpu.memory_space<semaphore_mem>>
          %dma_start3A_1132 = tpu.memref_slice %arg3[%multiple_of3A_1090] : memref<524288xi32, #tpu.memory_space<hbm>> -> memref<2048xi32, #tpu.memory_space<hbm>>
          %dma_start3A_1133 = tpu.memref_slice %arg3[%multiple_of3A_1090] : memref<524288xi32, #tpu.memory_space<hbm>> -> memref<2048xi32, #tpu.memory_space<hbm>>
          tpu.enqueue_dma source(%dma_start3A_1133 : memref<2048xi32, #tpu.memory_space<hbm>>) target(%arg10 : memref<2048xi32, #tpu.memory_space<vmem>>) target_semaphore(%run_scoped3A : memref<!tpu.dma_semaphore, #tpu.memory_space<semaphore_mem>>)
          %dma_wait3A_1134 = tpu.memref_slice %arg3[%multiple_of3A_1090] : memref<524288xi32, #tpu.memory_space<hbm>> -> memref<2048xi32, #tpu.memory_space<hbm>>
          %dma_wait3A_1135 = tpu.memref_slice %arg3[%multiple_of3A_1090] : memref<524288xi32, #tpu.memory_space<hbm>> -> memref<2048xi32, #tpu.memory_space<hbm>>
          tpu.wait_dma2 semaphore(%run_scoped3A : memref<!tpu.dma_semaphore, #tpu.memory_space<semaphore_mem>>) src(%dma_wait3A_1135 : memref<2048xi32, #tpu.memory_space<hbm>>) dst(%arg10 : memref<2048xi32, #tpu.memory_space<vmem>>)
          tpu.yield
        }) : () -> ()
        "tpu.region"() ({
          %run_scoped3A = tpu.sem_alloc : memref<!tpu.dma_semaphore, #tpu.memory_space<semaphore_mem>>
          %dma_start3A_1132 = tpu.memref_slice %arg4[%multiple_of3A_1090] : memref<524288xf32, #tpu.memory_space<hbm>> -> memref<2048xf32, #tpu.memory_space<hbm>>
          %dma_start3A_1133 = tpu.memref_slice %arg4[%multiple_of3A_1090] : memref<524288xf32, #tpu.memory_space<hbm>> -> memref<2048xf32, #tpu.memory_space<hbm>>
          tpu.enqueue_dma source(%dma_start3A_1133 : memref<2048xf32, #tpu.memory_space<hbm>>) target(%arg11 : memref<2048xf32, #tpu.memory_space<vmem>>) target_semaphore(%run_scoped3A : memref<!tpu.dma_semaphore, #tpu.memory_space<semaphore_mem>>)
          %dma_wait3A_1134 = tpu.memref_slice %arg4[%multiple_of3A_1090] : memref<524288xf32, #tpu.memory_space<hbm>> -> memref<2048xf32, #tpu.memory_space<hbm>>
          %dma_wait3A_1135 = tpu.memref_slice %arg4[%multiple_of3A_1090] : memref<524288xf32, #tpu.memory_space<hbm>> -> memref<2048xf32, #tpu.memory_space<hbm>>
          tpu.wait_dma2 semaphore(%run_scoped3A : memref<!tpu.dma_semaphore, #tpu.memory_space<semaphore_mem>>) src(%dma_wait3A_1135 : memref<2048xf32, #tpu.memory_space<hbm>>) dst(%arg11 : memref<2048xf32, #tpu.memory_space<vmem>>)
          tpu.yield
        }) : () -> ()
        %sub3A_1091 = arith.subi %add3A_624, %multiple_of3A_1090 : i32
        %add3A_1092 = arith.constant 16 : i32
        %add3A_1093 = arith.addi %sub3A_1091, %add3A_1092 : i32
        %sub3A_1094 = arith.constant 1 : i32
        %sub3A_1095 = arith.subi %add3A_1093, %sub3A_1094 : i32
        %jit3A_1096 = arith.constant 16 : i32
        %div3A_1097 = arith.divsi %sub3A_1095, %jit3A_1096 : i32
        %sign3A_1098 = arith.constant 0 : i32
        %sign3A_1099 = arith.cmpi sgt, %sub3A_1095, %sign3A_1098 : i32
        %sign3A_1100 = arith.extui %sign3A_1099 : i1 to i32
        %sign3A_1101 = arith.constant 0 : i32
        %sign3A_1102 = arith.cmpi slt, %sub3A_1095, %sign3A_1101 : i32
        %sign3A_1103 = arith.extui %sign3A_1102 : i1 to i32
        %sign3A_1104 = arith.subi %sign3A_1100, %sign3A_1103 : i32
        %sign3A_1105 = arith.constant 0 : i32
        %sign3A_1106 = arith.cmpi sgt, %jit3A_1096, %sign3A_1105 : i32
        %sign3A_1107 = arith.extui %sign3A_1106 : i1 to i32
        %sign3A_1108 = arith.constant 0 : i32
        %sign3A_1109 = arith.cmpi slt, %jit3A_1096, %sign3A_1108 : i32
        %sign3A_1110 = arith.extui %sign3A_1109 : i1 to i32
        %sign3A_1111 = arith.subi %sign3A_1107, %sign3A_1110 : i32
        %ne3A_1112 = arith.cmpi ne, %sign3A_1104, %sign3A_1111 : i32
        %rem3A_1113 = arith.remsi %sub3A_1095, %jit3A_1096 : i32
        %ne3A_1114 = arith.constant 0 : i32
        %ne3A_1115 = arith.cmpi ne, %rem3A_1113, %ne3A_1114 : i32
        %and3A_1116 = arith.andi %ne3A_1112, %ne3A_1115 : i1
        %sub3A_1117 = arith.constant 1 : i32
        %sub3A_1118 = arith.subi %div3A_1097, %sub3A_1117 : i32
        %select_n3A_1119 = arith.select %and3A_1116, %sub3A_1118, %div3A_1097 : i32
        %min3A_1120 = arith.constant 128 : i32
        %min3A_1121 = arith.minsi %select_n3A_1119, %min3A_1120 : i32
        %while3A_1122 = arith.constant 0 : i32
        %while3A_1123 = arith.constant 0 : i32
        %while3A_1124 = arith.subi %min3A_1121, %while3A_1123 : i32
        %while3A_1125 = arith.addi %while3A_1123, %while3A_1124 : i32
        %while3A_1126 = arith.constant 1 : i32
        %while3A_1127 = arith.divsi %while3A_1124, %while3A_1126 : i32
        %while3A_1128 = arith.muli %while3A_1127, %while3A_1126 : i32
        %while3A_1129 = arith.addi %while3A_1123, %while3A_1128 : i32
        %while3A_1130 = arith.constant 1 : i32
        scf.for %while3A_1132 = %while3A_1123 to %while3A_1129 step %while3A_1130  : i32 {
          %mul3A_1133 = arith.constant 16 : i32
          %mul3A_1134 = arith.muli %while3A_1132, %mul3A_1133 : i32
          %get3A = arith.index_cast %mul3A_1134 : i32 to index
          %get3A_1135 = tpu.vector_load %arg10[%get3A] {strides = array<i32>} : memref<2048xi32, #tpu.memory_space<vmem>>, vector<16xi32>,
          %mul3A_1136 = arith.constant 16 : i32
          %mul3A_1137 = arith.muli %while3A_1132, %mul3A_1136 : i32
          %get3A_1138 = arith.index_cast %mul3A_1137 : i32 to index
          %get3A_1139 = tpu.vector_load %arg11[%get3A_1138] {strides = array<i32>} : memref<2048xf32, #tpu.memory_space<vmem>>, vector<16xf32>,
          %ge3A = vector.broadcast %mul3A_962 : i32 to vector<16xi32>
          %ge3A_1140 = arith.cmpi sge, %get3A_1135, %ge3A : vector<16xi32>
          %lt3A = vector.broadcast %add3A_972 : i32 to vector<16xi32>
          %lt3A_1141 = arith.cmpi slt, %get3A_1135, %lt3A : vector<16xi32>
          %and3A_1142 = arith.andi %ge3A_1140, %lt3A_1141 : vector<16xi1>
          %sub3A_1143 = vector.broadcast %mul3A_962 : i32 to vector<16xi32>
          %sub3A_1144 = arith.subi %get3A_1135, %sub3A_1143 : vector<16xi32>
          tpu.vector_store_idx %arg7[%sub3A_1144], %get3A_1139 masked %and3A_1142 : memref<32768xf32, #tpu.memory_space<vmem>>[vector<16xi32>], vector<16xf32>, vector<16xi1>
        }
        %while3A_1131 = arith.constant 1 : i32
        scf.for %while3A_1132 = %while3A_1129 to %while3A_1125 step %while3A_1131  : i32 {
          %mul3A_1133 = arith.constant 16 : i32
          %mul3A_1134 = arith.muli %while3A_1132, %mul3A_1133 : i32
          %get3A = arith.index_cast %mul3A_1134 : i32 to index
          %get3A_1135 = tpu.vector_load %arg10[%get3A] {strides = array<i32>} : memref<2048xi32, #tpu.memory_space<vmem>>, vector<16xi32>,
          %mul3A_1136 = arith.constant 16 : i32
          %mul3A_1137 = arith.muli %while3A_1132, %mul3A_1136 : i32
          %get3A_1138 = arith.index_cast %mul3A_1137 : i32 to index
          %get3A_1139 = tpu.vector_load %arg11[%get3A_1138] {strides = array<i32>} : memref<2048xf32, #tpu.memory_space<vmem>>, vector<16xf32>,
          %ge3A = vector.broadcast %mul3A_962 : i32 to vector<16xi32>
          %ge3A_1140 = arith.cmpi sge, %get3A_1135, %ge3A : vector<16xi32>
          %lt3A = vector.broadcast %add3A_972 : i32 to vector<16xi32>
          %lt3A_1141 = arith.cmpi slt, %get3A_1135, %lt3A : vector<16xi32>
          %and3A_1142 = arith.andi %ge3A_1140, %lt3A_1141 : vector<16xi1>
          %sub3A_1143 = vector.broadcast %mul3A_962 : i32 to vector<16xi32>
          %sub3A_1144 = arith.subi %get3A_1135, %sub3A_1143 : vector<16xi32>
          tpu.vector_store_idx %arg7[%sub3A_1144], %get3A_1139 masked %and3A_1142 : memref<32768xf32, #tpu.memory_space<vmem>>[vector<16xi32>], vector<16xf32>, vector<16xi1>
        }
      }
    } else {
    }
    %dma_start3A_1009 = tpu.memref_slice %arg6[%mul3A_962] : memref<8388608xf32, #tpu.memory_space<hbm>> -> memref<32768xf32, #tpu.memory_space<hbm>>
    %dma_start3A_1010 = tpu.memref_slice %arg6[%mul3A_962] : memref<8388608xf32, #tpu.memory_space<hbm>> -> memref<32768xf32, #tpu.memory_space<hbm>>
    tpu.enqueue_dma source(%arg7 : memref<32768xf32, #tpu.memory_space<vmem>>) target(%dma_start3A_1010 : memref<32768xf32, #tpu.memory_space<hbm>>) target_semaphore(%arg18 : memref<!tpu.dma_semaphore, #tpu.memory_space<semaphore_mem>>)
    %add3A_1011 = arith.constant 224 : i32
    %add3A_1012 = arith.addi %add3A, %add3A_1011 : i32
    %mul3A_1013 = arith.constant 32768 : i32
    %mul3A_1014 = arith.muli %add3A_1012, %mul3A_1013 : i32
    %sub3A_1015 = arith.subi %add3A_640, %add3A_632 : i32
    %eq3A_1016 = arith.constant 32768 : i32
    %eq3A_1017 = arith.cmpi eq, %sub3A_1015, %eq3A_1016 : i32
    %and3A_1018 = arith.constant 7 : i32
    %and3A_1019 = arith.andi %add3A_632, %and3A_1018 : i32
    %eq3A_1020 = arith.constant 0 : i32
    %eq3A_1021 = arith.cmpi eq, %and3A_1019, %eq3A_1020 : i32
    %and3A_1022 = arith.andi %eq3A_1017, %eq3A_1021 : i1
    %add3A_1023 = arith.constant 32768 : i32
    %add3A_1024 = arith.addi %mul3A_1014, %add3A_1023 : i32
    %dma_wait3A_1025 = arith.constant 0 : i32
    %dma_wait3A_1026 = tpu.memref_slice %arg2[%dma_wait3A_1025] : memref<8388608xf32, #tpu.memory_space<hbm>> -> memref<32768xf32, #tpu.memory_space<hbm>>
    %dma_wait3A_1027 = arith.constant 0 : i32
    %dma_wait3A_1028 = tpu.memref_slice %arg2[%dma_wait3A_1027] : memref<8388608xf32, #tpu.memory_space<hbm>> -> memref<32768xf32, #tpu.memory_space<hbm>>
    tpu.wait_dma2 semaphore(%arg16 : memref<!tpu.dma_semaphore, #tpu.memory_space<semaphore_mem>>) src(%dma_wait3A_1028 : memref<32768xf32, #tpu.memory_space<hbm>>) dst(%arg8 : memref<32768xf32, #tpu.memory_space<vmem>>)
    %gt3A_1029 = arith.constant 0 : i32
    %gt3A_1030 = arith.cmpi sgt, %sub3A_1015, %gt3A_1029 : i32
    %not3A_1031 = arith.constant true
    %not3A_1032 = arith.xori %and3A_1022, %not3A_1031 : i1
    %and3A_1033 = arith.andi %gt3A_1030, %not3A_1032 : i1
    %convert_element_type3A_1034 = arith.extui %and3A_1033 : i1 to i32
    %cond3A_1035 = arith.constant 0 : i32
    %cond3A_1036 = arith.cmpi ne, %convert_element_type3A_1034, %cond3A_1035 : i32
    scf.if %cond3A_1036 {
      %and3A_1051 = arith.constant -8 : i32
      %and3A_1052 = arith.andi %add3A_632, %and3A_1051 : i32
      %sub3A_1053 = arith.subi %add3A_640, %and3A_1052 : i32
      %add3A_1054 = arith.constant 2048 : i32
      %add3A_1055 = arith.addi %sub3A_1053, %add3A_1054 : i32
      %sub3A_1056 = arith.constant 1 : i32
      %sub3A_1057 = arith.subi %add3A_1055, %sub3A_1056 : i32
      %jit3A = arith.constant 2048 : i32
      %div3A = arith.divsi %sub3A_1057, %jit3A : i32
      %sign3A = arith.constant 0 : i32
      %sign3A_1058 = arith.cmpi sgt, %sub3A_1057, %sign3A : i32
      %sign3A_1059 = arith.extui %sign3A_1058 : i1 to i32
      %sign3A_1060 = arith.constant 0 : i32
      %sign3A_1061 = arith.cmpi slt, %sub3A_1057, %sign3A_1060 : i32
      %sign3A_1062 = arith.extui %sign3A_1061 : i1 to i32
      %sign3A_1063 = arith.subi %sign3A_1059, %sign3A_1062 : i32
      %sign3A_1064 = arith.constant 0 : i32
      %sign3A_1065 = arith.cmpi sgt, %jit3A, %sign3A_1064 : i32
      %sign3A_1066 = arith.extui %sign3A_1065 : i1 to i32
      %sign3A_1067 = arith.constant 0 : i32
      %sign3A_1068 = arith.cmpi slt, %jit3A, %sign3A_1067 : i32
      %sign3A_1069 = arith.extui %sign3A_1068 : i1 to i32
      %sign3A_1070 = arith.subi %sign3A_1066, %sign3A_1069 : i32
      %ne3A = arith.cmpi ne, %sign3A_1063, %sign3A_1070 : i32
      %rem3A = arith.remsi %sub3A_1057, %jit3A : i32
      %ne3A_1071 = arith.constant 0 : i32
      %ne3A_1072 = arith.cmpi ne, %rem3A, %ne3A_1071 : i32
      %and3A_1073 = arith.andi %ne3A, %ne3A_1072 : i1
      %sub3A_1074 = arith.constant 1 : i32
      %sub3A_1075 = arith.subi %div3A, %sub3A_1074 : i32
      %select_n3A = arith.select %and3A_1073, %sub3A_1075, %div3A : i32
      %while3A = arith.constant 0 : i32
      %while3A_1076 = arith.constant 0 : i32
      %while3A_1077 = arith.subi %select_n3A, %while3A_1076 : i32
      %while3A_1078 = arith.addi %while3A_1076, %while3A_1077 : i32
      %while3A_1079 = arith.constant 1 : i32
      %while3A_1080 = arith.divsi %while3A_1077, %while3A_1079 : i32
      %while3A_1081 = arith.muli %while3A_1080, %while3A_1079 : i32
      %while3A_1082 = arith.addi %while3A_1076, %while3A_1081 : i32
      %while3A_1083 = arith.constant 1 : i32
      scf.for %while3A_1085 = %while3A_1076 to %while3A_1082 step %while3A_1083  : i32 {
        %mul3A_1086 = arith.constant 2048 : i32
        %mul3A_1087 = arith.muli %while3A_1085, %mul3A_1086 : i32
        %add3A_1088 = arith.addi %and3A_1052, %mul3A_1087 : i32
        %min3A = arith.constant 522240 : i32
        %min3A_1089 = arith.minsi %add3A_1088, %min3A : i32
        %multiple_of3A_1090 = tpu.assume_multiple %min3A_1089, 8 : i32
        "tpu.region"() ({
          %run_scoped3A = tpu.sem_alloc : memref<!tpu.dma_semaphore, #tpu.memory_space<semaphore_mem>>
          %dma_start3A_1132 = tpu.memref_slice %arg3[%multiple_of3A_1090] : memref<524288xi32, #tpu.memory_space<hbm>> -> memref<2048xi32, #tpu.memory_space<hbm>>
          %dma_start3A_1133 = tpu.memref_slice %arg3[%multiple_of3A_1090] : memref<524288xi32, #tpu.memory_space<hbm>> -> memref<2048xi32, #tpu.memory_space<hbm>>
          tpu.enqueue_dma source(%dma_start3A_1133 : memref<2048xi32, #tpu.memory_space<hbm>>) target(%arg10 : memref<2048xi32, #tpu.memory_space<vmem>>) target_semaphore(%run_scoped3A : memref<!tpu.dma_semaphore, #tpu.memory_space<semaphore_mem>>)
          %dma_wait3A_1134 = tpu.memref_slice %arg3[%multiple_of3A_1090] : memref<524288xi32, #tpu.memory_space<hbm>> -> memref<2048xi32, #tpu.memory_space<hbm>>
          %dma_wait3A_1135 = tpu.memref_slice %arg3[%multiple_of3A_1090] : memref<524288xi32, #tpu.memory_space<hbm>> -> memref<2048xi32, #tpu.memory_space<hbm>>
          tpu.wait_dma2 semaphore(%run_scoped3A : memref<!tpu.dma_semaphore, #tpu.memory_space<semaphore_mem>>) src(%dma_wait3A_1135 : memref<2048xi32, #tpu.memory_space<hbm>>) dst(%arg10 : memref<2048xi32, #tpu.memory_space<vmem>>)
          tpu.yield
        }) : () -> ()
        "tpu.region"() ({
          %run_scoped3A = tpu.sem_alloc : memref<!tpu.dma_semaphore, #tpu.memory_space<semaphore_mem>>
          %dma_start3A_1132 = tpu.memref_slice %arg4[%multiple_of3A_1090] : memref<524288xf32, #tpu.memory_space<hbm>> -> memref<2048xf32, #tpu.memory_space<hbm>>
          %dma_start3A_1133 = tpu.memref_slice %arg4[%multiple_of3A_1090] : memref<524288xf32, #tpu.memory_space<hbm>> -> memref<2048xf32, #tpu.memory_space<hbm>>
          tpu.enqueue_dma source(%dma_start3A_1133 : memref<2048xf32, #tpu.memory_space<hbm>>) target(%arg11 : memref<2048xf32, #tpu.memory_space<vmem>>) target_semaphore(%run_scoped3A : memref<!tpu.dma_semaphore, #tpu.memory_space<semaphore_mem>>)
          %dma_wait3A_1134 = tpu.memref_slice %arg4[%multiple_of3A_1090] : memref<524288xf32, #tpu.memory_space<hbm>> -> memref<2048xf32, #tpu.memory_space<hbm>>
          %dma_wait3A_1135 = tpu.memref_slice %arg4[%multiple_of3A_1090] : memref<524288xf32, #tpu.memory_space<hbm>> -> memref<2048xf32, #tpu.memory_space<hbm>>
          tpu.wait_dma2 semaphore(%run_scoped3A : memref<!tpu.dma_semaphore, #tpu.memory_space<semaphore_mem>>) src(%dma_wait3A_1135 : memref<2048xf32, #tpu.memory_space<hbm>>) dst(%arg11 : memref<2048xf32, #tpu.memory_space<vmem>>)
          tpu.yield
        }) : () -> ()
        %sub3A_1091 = arith.subi %add3A_640, %multiple_of3A_1090 : i32
        %add3A_1092 = arith.constant 16 : i32
        %add3A_1093 = arith.addi %sub3A_1091, %add3A_1092 : i32
        %sub3A_1094 = arith.constant 1 : i32
        %sub3A_1095 = arith.subi %add3A_1093, %sub3A_1094 : i32
        %jit3A_1096 = arith.constant 16 : i32
        %div3A_1097 = arith.divsi %sub3A_1095, %jit3A_1096 : i32
        %sign3A_1098 = arith.constant 0 : i32
        %sign3A_1099 = arith.cmpi sgt, %sub3A_1095, %sign3A_1098 : i32
        %sign3A_1100 = arith.extui %sign3A_1099 : i1 to i32
        %sign3A_1101 = arith.constant 0 : i32
        %sign3A_1102 = arith.cmpi slt, %sub3A_1095, %sign3A_1101 : i32
        %sign3A_1103 = arith.extui %sign3A_1102 : i1 to i32
        %sign3A_1104 = arith.subi %sign3A_1100, %sign3A_1103 : i32
        %sign3A_1105 = arith.constant 0 : i32
        %sign3A_1106 = arith.cmpi sgt, %jit3A_1096, %sign3A_1105 : i32
        %sign3A_1107 = arith.extui %sign3A_1106 : i1 to i32
        %sign3A_1108 = arith.constant 0 : i32
        %sign3A_1109 = arith.cmpi slt, %jit3A_1096, %sign3A_1108 : i32
        %sign3A_1110 = arith.extui %sign3A_1109 : i1 to i32
        %sign3A_1111 = arith.subi %sign3A_1107, %sign3A_1110 : i32
        %ne3A_1112 = arith.cmpi ne, %sign3A_1104, %sign3A_1111 : i32
        %rem3A_1113 = arith.remsi %sub3A_1095, %jit3A_1096 : i32
        %ne3A_1114 = arith.constant 0 : i32
        %ne3A_1115 = arith.cmpi ne, %rem3A_1113, %ne3A_1114 : i32
        %and3A_1116 = arith.andi %ne3A_1112, %ne3A_1115 : i1
        %sub3A_1117 = arith.constant 1 : i32
        %sub3A_1118 = arith.subi %div3A_1097, %sub3A_1117 : i32
        %select_n3A_1119 = arith.select %and3A_1116, %sub3A_1118, %div3A_1097 : i32
        %min3A_1120 = arith.constant 128 : i32
        %min3A_1121 = arith.minsi %select_n3A_1119, %min3A_1120 : i32
        %while3A_1122 = arith.constant 0 : i32
        %while3A_1123 = arith.constant 0 : i32
        %while3A_1124 = arith.subi %min3A_1121, %while3A_1123 : i32
        %while3A_1125 = arith.addi %while3A_1123, %while3A_1124 : i32
        %while3A_1126 = arith.constant 1 : i32
        %while3A_1127 = arith.divsi %while3A_1124, %while3A_1126 : i32
        %while3A_1128 = arith.muli %while3A_1127, %while3A_1126 : i32
        %while3A_1129 = arith.addi %while3A_1123, %while3A_1128 : i32
        %while3A_1130 = arith.constant 1 : i32
        scf.for %while3A_1132 = %while3A_1123 to %while3A_1129 step %while3A_1130  : i32 {
          %mul3A_1133 = arith.constant 16 : i32
          %mul3A_1134 = arith.muli %while3A_1132, %mul3A_1133 : i32
          %get3A = arith.index_cast %mul3A_1134 : i32 to index
          %get3A_1135 = tpu.vector_load %arg10[%get3A] {strides = array<i32>} : memref<2048xi32, #tpu.memory_space<vmem>>, vector<16xi32>,
          %mul3A_1136 = arith.constant 16 : i32
          %mul3A_1137 = arith.muli %while3A_1132, %mul3A_1136 : i32
          %get3A_1138 = arith.index_cast %mul3A_1137 : i32 to index
          %get3A_1139 = tpu.vector_load %arg11[%get3A_1138] {strides = array<i32>} : memref<2048xf32, #tpu.memory_space<vmem>>, vector<16xf32>,
          %ge3A = vector.broadcast %mul3A_1014 : i32 to vector<16xi32>
          %ge3A_1140 = arith.cmpi sge, %get3A_1135, %ge3A : vector<16xi32>
          %lt3A = vector.broadcast %add3A_1024 : i32 to vector<16xi32>
          %lt3A_1141 = arith.cmpi slt, %get3A_1135, %lt3A : vector<16xi32>
          %and3A_1142 = arith.andi %ge3A_1140, %lt3A_1141 : vector<16xi1>
          %sub3A_1143 = vector.broadcast %mul3A_1014 : i32 to vector<16xi32>
          %sub3A_1144 = arith.subi %get3A_1135, %sub3A_1143 : vector<16xi32>
          tpu.vector_store_idx %arg8[%sub3A_1144], %get3A_1139 masked %and3A_1142 : memref<32768xf32, #tpu.memory_space<vmem>>[vector<16xi32>], vector<16xf32>, vector<16xi1>
        }
        %while3A_1131 = arith.constant 1 : i32
        scf.for %while3A_1132 = %while3A_1129 to %while3A_1125 step %while3A_1131  : i32 {
          %mul3A_1133 = arith.constant 16 : i32
          %mul3A_1134 = arith.muli %while3A_1132, %mul3A_1133 : i32
          %get3A = arith.index_cast %mul3A_1134 : i32 to index
          %get3A_1135 = tpu.vector_load %arg10[%get3A] {strides = array<i32>} : memref<2048xi32, #tpu.memory_space<vmem>>, vector<16xi32>,
          %mul3A_1136 = arith.constant 16 : i32
          %mul3A_1137 = arith.muli %while3A_1132, %mul3A_1136 : i32
          %get3A_1138 = arith.index_cast %mul3A_1137 : i32 to index
          %get3A_1139 = tpu.vector_load %arg11[%get3A_1138] {strides = array<i32>} : memref<2048xf32, #tpu.memory_space<vmem>>, vector<16xf32>,
          %ge3A = vector.broadcast %mul3A_1014 : i32 to vector<16xi32>
          %ge3A_1140 = arith.cmpi sge, %get3A_1135, %ge3A : vector<16xi32>
          %lt3A = vector.broadcast %add3A_1024 : i32 to vector<16xi32>
          %lt3A_1141 = arith.cmpi slt, %get3A_1135, %lt3A : vector<16xi32>
          %and3A_1142 = arith.andi %ge3A_1140, %lt3A_1141 : vector<16xi1>
          %sub3A_1143 = vector.broadcast %mul3A_1014 : i32 to vector<16xi32>
          %sub3A_1144 = arith.subi %get3A_1135, %sub3A_1143 : vector<16xi32>
          tpu.vector_store_idx %arg8[%sub3A_1144], %get3A_1139 masked %and3A_1142 : memref<32768xf32, #tpu.memory_space<vmem>>[vector<16xi32>], vector<16xf32>, vector<16xi1>
        }
      }
      %while3A_1084 = arith.constant 1 : i32
      scf.for %while3A_1085 = %while3A_1082 to %while3A_1078 step %while3A_1084  : i32 {
        %mul3A_1086 = arith.constant 2048 : i32
        %mul3A_1087 = arith.muli %while3A_1085, %mul3A_1086 : i32
        %add3A_1088 = arith.addi %and3A_1052, %mul3A_1087 : i32
        %min3A = arith.constant 522240 : i32
        %min3A_1089 = arith.minsi %add3A_1088, %min3A : i32
        %multiple_of3A_1090 = tpu.assume_multiple %min3A_1089, 8 : i32
        "tpu.region"() ({
          %run_scoped3A = tpu.sem_alloc : memref<!tpu.dma_semaphore, #tpu.memory_space<semaphore_mem>>
          %dma_start3A_1132 = tpu.memref_slice %arg3[%multiple_of3A_1090] : memref<524288xi32, #tpu.memory_space<hbm>> -> memref<2048xi32, #tpu.memory_space<hbm>>
          %dma_start3A_1133 = tpu.memref_slice %arg3[%multiple_of3A_1090] : memref<524288xi32, #tpu.memory_space<hbm>> -> memref<2048xi32, #tpu.memory_space<hbm>>
          tpu.enqueue_dma source(%dma_start3A_1133 : memref<2048xi32, #tpu.memory_space<hbm>>) target(%arg10 : memref<2048xi32, #tpu.memory_space<vmem>>) target_semaphore(%run_scoped3A : memref<!tpu.dma_semaphore, #tpu.memory_space<semaphore_mem>>)
          %dma_wait3A_1134 = tpu.memref_slice %arg3[%multiple_of3A_1090] : memref<524288xi32, #tpu.memory_space<hbm>> -> memref<2048xi32, #tpu.memory_space<hbm>>
          %dma_wait3A_1135 = tpu.memref_slice %arg3[%multiple_of3A_1090] : memref<524288xi32, #tpu.memory_space<hbm>> -> memref<2048xi32, #tpu.memory_space<hbm>>
          tpu.wait_dma2 semaphore(%run_scoped3A : memref<!tpu.dma_semaphore, #tpu.memory_space<semaphore_mem>>) src(%dma_wait3A_1135 : memref<2048xi32, #tpu.memory_space<hbm>>) dst(%arg10 : memref<2048xi32, #tpu.memory_space<vmem>>)
          tpu.yield
        }) : () -> ()
        "tpu.region"() ({
          %run_scoped3A = tpu.sem_alloc : memref<!tpu.dma_semaphore, #tpu.memory_space<semaphore_mem>>
          %dma_start3A_1132 = tpu.memref_slice %arg4[%multiple_of3A_1090] : memref<524288xf32, #tpu.memory_space<hbm>> -> memref<2048xf32, #tpu.memory_space<hbm>>
          %dma_start3A_1133 = tpu.memref_slice %arg4[%multiple_of3A_1090] : memref<524288xf32, #tpu.memory_space<hbm>> -> memref<2048xf32, #tpu.memory_space<hbm>>
          tpu.enqueue_dma source(%dma_start3A_1133 : memref<2048xf32, #tpu.memory_space<hbm>>) target(%arg11 : memref<2048xf32, #tpu.memory_space<vmem>>) target_semaphore(%run_scoped3A : memref<!tpu.dma_semaphore, #tpu.memory_space<semaphore_mem>>)
          %dma_wait3A_1134 = tpu.memref_slice %arg4[%multiple_of3A_1090] : memref<524288xf32, #tpu.memory_space<hbm>> -> memref<2048xf32, #tpu.memory_space<hbm>>
          %dma_wait3A_1135 = tpu.memref_slice %arg4[%multiple_of3A_1090] : memref<524288xf32, #tpu.memory_space<hbm>> -> memref<2048xf32, #tpu.memory_space<hbm>>
          tpu.wait_dma2 semaphore(%run_scoped3A : memref<!tpu.dma_semaphore, #tpu.memory_space<semaphore_mem>>) src(%dma_wait3A_1135 : memref<2048xf32, #tpu.memory_space<hbm>>) dst(%arg11 : memref<2048xf32, #tpu.memory_space<vmem>>)
          tpu.yield
        }) : () -> ()
        %sub3A_1091 = arith.subi %add3A_640, %multiple_of3A_1090 : i32
        %add3A_1092 = arith.constant 16 : i32
        %add3A_1093 = arith.addi %sub3A_1091, %add3A_1092 : i32
        %sub3A_1094 = arith.constant 1 : i32
        %sub3A_1095 = arith.subi %add3A_1093, %sub3A_1094 : i32
        %jit3A_1096 = arith.constant 16 : i32
        %div3A_1097 = arith.divsi %sub3A_1095, %jit3A_1096 : i32
        %sign3A_1098 = arith.constant 0 : i32
        %sign3A_1099 = arith.cmpi sgt, %sub3A_1095, %sign3A_1098 : i32
        %sign3A_1100 = arith.extui %sign3A_1099 : i1 to i32
        %sign3A_1101 = arith.constant 0 : i32
        %sign3A_1102 = arith.cmpi slt, %sub3A_1095, %sign3A_1101 : i32
        %sign3A_1103 = arith.extui %sign3A_1102 : i1 to i32
        %sign3A_1104 = arith.subi %sign3A_1100, %sign3A_1103 : i32
        %sign3A_1105 = arith.constant 0 : i32
        %sign3A_1106 = arith.cmpi sgt, %jit3A_1096, %sign3A_1105 : i32
        %sign3A_1107 = arith.extui %sign3A_1106 : i1 to i32
        %sign3A_1108 = arith.constant 0 : i32
        %sign3A_1109 = arith.cmpi slt, %jit3A_1096, %sign3A_1108 : i32
        %sign3A_1110 = arith.extui %sign3A_1109 : i1 to i32
        %sign3A_1111 = arith.subi %sign3A_1107, %sign3A_1110 : i32
        %ne3A_1112 = arith.cmpi ne, %sign3A_1104, %sign3A_1111 : i32
        %rem3A_1113 = arith.remsi %sub3A_1095, %jit3A_1096 : i32
        %ne3A_1114 = arith.constant 0 : i32
        %ne3A_1115 = arith.cmpi ne, %rem3A_1113, %ne3A_1114 : i32
        %and3A_1116 = arith.andi %ne3A_1112, %ne3A_1115 : i1
        %sub3A_1117 = arith.constant 1 : i32
        %sub3A_1118 = arith.subi %div3A_1097, %sub3A_1117 : i32
        %select_n3A_1119 = arith.select %and3A_1116, %sub3A_1118, %div3A_1097 : i32
        %min3A_1120 = arith.constant 128 : i32
        %min3A_1121 = arith.minsi %select_n3A_1119, %min3A_1120 : i32
        %while3A_1122 = arith.constant 0 : i32
        %while3A_1123 = arith.constant 0 : i32
        %while3A_1124 = arith.subi %min3A_1121, %while3A_1123 : i32
        %while3A_1125 = arith.addi %while3A_1123, %while3A_1124 : i32
        %while3A_1126 = arith.constant 1 : i32
        %while3A_1127 = arith.divsi %while3A_1124, %while3A_1126 : i32
        %while3A_1128 = arith.muli %while3A_1127, %while3A_1126 : i32
        %while3A_1129 = arith.addi %while3A_1123, %while3A_1128 : i32
        %while3A_1130 = arith.constant 1 : i32
        scf.for %while3A_1132 = %while3A_1123 to %while3A_1129 step %while3A_1130  : i32 {
          %mul3A_1133 = arith.constant 16 : i32
          %mul3A_1134 = arith.muli %while3A_1132, %mul3A_1133 : i32
          %get3A = arith.index_cast %mul3A_1134 : i32 to index
          %get3A_1135 = tpu.vector_load %arg10[%get3A] {strides = array<i32>} : memref<2048xi32, #tpu.memory_space<vmem>>, vector<16xi32>,
          %mul3A_1136 = arith.constant 16 : i32
          %mul3A_1137 = arith.muli %while3A_1132, %mul3A_1136 : i32
          %get3A_1138 = arith.index_cast %mul3A_1137 : i32 to index
          %get3A_1139 = tpu.vector_load %arg11[%get3A_1138] {strides = array<i32>} : memref<2048xf32, #tpu.memory_space<vmem>>, vector<16xf32>,
          %ge3A = vector.broadcast %mul3A_1014 : i32 to vector<16xi32>
          %ge3A_1140 = arith.cmpi sge, %get3A_1135, %ge3A : vector<16xi32>
          %lt3A = vector.broadcast %add3A_1024 : i32 to vector<16xi32>
          %lt3A_1141 = arith.cmpi slt, %get3A_1135, %lt3A : vector<16xi32>
          %and3A_1142 = arith.andi %ge3A_1140, %lt3A_1141 : vector<16xi1>
          %sub3A_1143 = vector.broadcast %mul3A_1014 : i32 to vector<16xi32>
          %sub3A_1144 = arith.subi %get3A_1135, %sub3A_1143 : vector<16xi32>
          tpu.vector_store_idx %arg8[%sub3A_1144], %get3A_1139 masked %and3A_1142 : memref<32768xf32, #tpu.memory_space<vmem>>[vector<16xi32>], vector<16xf32>, vector<16xi1>
        }
        %while3A_1131 = arith.constant 1 : i32
        scf.for %while3A_1132 = %while3A_1129 to %while3A_1125 step %while3A_1131  : i32 {
          %mul3A_1133 = arith.constant 16 : i32
          %mul3A_1134 = arith.muli %while3A_1132, %mul3A_1133 : i32
          %get3A = arith.index_cast %mul3A_1134 : i32 to index
          %get3A_1135 = tpu.vector_load %arg10[%get3A] {strides = array<i32>} : memref<2048xi32, #tpu.memory_space<vmem>>, vector<16xi32>,
          %mul3A_1136 = arith.constant 16 : i32
          %mul3A_1137 = arith.muli %while3A_1132, %mul3A_1136 : i32
          %get3A_1138 = arith.index_cast %mul3A_1137 : i32 to index
          %get3A_1139 = tpu.vector_load %arg11[%get3A_1138] {strides = array<i32>} : memref<2048xf32, #tpu.memory_space<vmem>>, vector<16xf32>,
          %ge3A = vector.broadcast %mul3A_1014 : i32 to vector<16xi32>
          %ge3A_1140 = arith.cmpi sge, %get3A_1135, %ge3A : vector<16xi32>
          %lt3A = vector.broadcast %add3A_1024 : i32 to vector<16xi32>
          %lt3A_1141 = arith.cmpi slt, %get3A_1135, %lt3A : vector<16xi32>
          %and3A_1142 = arith.andi %ge3A_1140, %lt3A_1141 : vector<16xi1>
          %sub3A_1143 = vector.broadcast %mul3A_1014 : i32 to vector<16xi32>
          %sub3A_1144 = arith.subi %get3A_1135, %sub3A_1143 : vector<16xi32>
          tpu.vector_store_idx %arg8[%sub3A_1144], %get3A_1139 masked %and3A_1142 : memref<32768xf32, #tpu.memory_space<vmem>>[vector<16xi32>], vector<16xf32>, vector<16xi1>
        }
      }
    } else {
    }
    %dma_start3A_1037 = tpu.memref_slice %arg6[%mul3A_1014] : memref<8388608xf32, #tpu.memory_space<hbm>> -> memref<32768xf32, #tpu.memory_space<hbm>>
    %dma_start3A_1038 = tpu.memref_slice %arg6[%mul3A_1014] : memref<8388608xf32, #tpu.memory_space<hbm>> -> memref<32768xf32, #tpu.memory_space<hbm>>
    tpu.enqueue_dma source(%arg8 : memref<32768xf32, #tpu.memory_space<vmem>>) target(%dma_start3A_1038 : memref<32768xf32, #tpu.memory_space<hbm>>) target_semaphore(%arg19 : memref<!tpu.dma_semaphore, #tpu.memory_space<semaphore_mem>>)
    %dma_wait3A_1039 = arith.constant 0 : i32
    %dma_wait3A_1040 = tpu.memref_slice %arg6[%dma_wait3A_1039] : memref<8388608xf32, #tpu.memory_space<hbm>> -> memref<32768xf32, #tpu.memory_space<hbm>>
    %dma_wait3A_1041 = arith.constant 0 : i32
    %dma_wait3A_1042 = tpu.memref_slice %arg6[%dma_wait3A_1041] : memref<8388608xf32, #tpu.memory_space<hbm>> -> memref<32768xf32, #tpu.memory_space<hbm>>
    tpu.wait_dma2 semaphore(%arg20 : memref<!tpu.dma_semaphore, #tpu.memory_space<semaphore_mem>>) src(%arg9 : memref<32768xf32, #tpu.memory_space<vmem>>) dst(%dma_wait3A_1042 : memref<32768xf32, #tpu.memory_space<hbm>>)
    %dma_wait3A_1043 = arith.constant 0 : i32
    %dma_wait3A_1044 = tpu.memref_slice %arg6[%dma_wait3A_1043] : memref<8388608xf32, #tpu.memory_space<hbm>> -> memref<32768xf32, #tpu.memory_space<hbm>>
    %dma_wait3A_1045 = arith.constant 0 : i32
    %dma_wait3A_1046 = tpu.memref_slice %arg6[%dma_wait3A_1045] : memref<8388608xf32, #tpu.memory_space<hbm>> -> memref<32768xf32, #tpu.memory_space<hbm>>
    tpu.wait_dma2 semaphore(%arg18 : memref<!tpu.dma_semaphore, #tpu.memory_space<semaphore_mem>>) src(%arg7 : memref<32768xf32, #tpu.memory_space<vmem>>) dst(%dma_wait3A_1046 : memref<32768xf32, #tpu.memory_space<hbm>>)
    %dma_wait3A_1047 = arith.constant 0 : i32
    %dma_wait3A_1048 = tpu.memref_slice %arg6[%dma_wait3A_1047] : memref<8388608xf32, #tpu.memory_space<hbm>> -> memref<32768xf32, #tpu.memory_space<hbm>>
    %dma_wait3A_1049 = arith.constant 0 : i32
    %dma_wait3A_1050 = tpu.memref_slice %arg6[%dma_wait3A_1049] : memref<8388608xf32, #tpu.memory_space<hbm>> -> memref<32768xf32, #tpu.memory_space<hbm>>
    tpu.wait_dma2 semaphore(%arg19 : memref<!tpu.dma_semaphore, #tpu.memory_space<semaphore_mem>>) src(%arg8 : memref<32768xf32, #tpu.memory_space<vmem>>) dst(%dma_wait3A_1050 : memref<32768xf32, #tpu.memory_space<hbm>>)
    return
  }
}

</mosaic_0001>

<sc_bundles>
// kernel: kernel.3.cloned.1.call-start
scs
__scs_entry_jumppad:
0x0: {  	(pc) =	sbr.rel $0x88, $3  }
0x1: {  	(tag) =	ssettag $0x0;
	lr =	simm.s32 $0x1  }
0x2: {  	[smem:$0x3F9E] =	sst lr;
	_ =	strace $0xD0000000  }
0x3: {  	_ = 	snop  }
0x4: {  	_ = 	snop  }
0x5: {  	_ = 	snop  }
0x6: {  	_ = 	snop  }
0x7: {  	_ = 	snop  }
__scs_overlays_trampoline_lowered:
0x8: {  	[smem:$0x3FAD] =	sst s0  }
0x9: {  	[smem:$0x3FAE] =	sst s1  }
0xa: {  	[smem:$0x3FAF] =	sst s2  }
0xb: {  	[smem:$0x3FB0] =	sst s3  }
0xc: {  	[smem:$0x3FB1] =	sst s4  }
0xd: {  	[smem:$0x3FB2] =	sst s5  }
0xe: {  	[smem:$0x3FB3] =	sst s6  }
0xf: {  	[smem:$0x3FB4] =	sst s7  }
0x10: {  	[smem:$0x3FB5] =	sst s8  }
0x11: {  	[smem:$0x3FB6] =	sst s9;
	s0 =	simm.s32 @!p0 $0x0  }
0x12: {  	s1 =	sld [smem:$0x3F9C];
	s0 =	simm.s32 @p0 $0x1  }
0x13: {  	[smem:$0x3FB7] =	sst s0;
	s0 =	simm.s32 @!p1 $0x0  }
0x14: {  	s2 =	sld [smem:$0x3F9B];
	s0 =	simm.s32 @p1 $0x1  }
0x15: {  	[smem:$0x3FB8] =	sst s0;
	s0 =	simm.s32 @!p2 $0x0  }
0x16: {  	s3 =	sld [smem:$0x3FDB];
	s0 =	simm.s32 @p2 $0x1  }
0x17: {  	s4 =	simm.s32 $0x1BF5;
	[smem:$0x3FBA] =	sst s0  }
0x18: {  	s0 =	sld [smem:$0x3F9D];
	_ =	swait.ge [sflag:s4], $0x0  }
0x19: {  	s7 =	sld [smem:$0x3F9E]  }
0x1a: {  	s8 =	sadd.s32 $0xFFFFE003, lr  }
0x1b: {  	s9 =	sadd.s32 $0xFFFFFEF7, lr;
	s5 =	simm.s32 $0xFFFFFFFF;
	p2 =	slt.u32 s8, $0xFFFFF086  }
0x1c: {  	p1 =	slt.u32 s9, $0xF7A;
	s5 =	simm.s32 @!p2 $0x0  }
0x1d: {  	s5 =	simm.s32 @p1 $0x1;
	p0 =	seq.s32 s7, s2  }
0x1e: {  	s7 =	smul.u32 @!p0 $0xF7A, s2;
	p2 =	seq.s32 @!p0 s5, $0x0  }
0x1f: {  	s9 =	smul.u32 $0xF7A, s1;
	s8 =	simm.s32 @!p0 $0x1BF5;
	p2 =	por !p2, p0  }
0x20: {  	[sflag:s8] =	ssyncset.s32 @!p0 $0xFFFFF086;
	s6 =	sadd.s32 @!p0 s3, s7;
	s7 =	simm.s32 @!p0 $0x108  }
0x21: {  	s3 =	sadd.s32 s3, s9;
	s6 =	sadd.s32 @!p0 $0x88, s6;
	s7 =	simm.s32 @p2 $0x1082  }
0x22: {  	[simem:s7], [sflag:s8] =	dma.local @!p0 [hbm:s6], $0xF7A  }
0x23: {  	s9 =	sor.u32 $0xD0000000, s2;
	s6 =	simm.s32 $0x108;
	_ =	swait.ge @!p0 [sflag:s8], $0x0  }
0x24: {  	s3 =	sadd.s32 $0x88, s3;
	s6 =	simm.s32 @!p1 $0x1082;
	[sflag:s4] =	ssyncset.s32 $0xFFFFF086  }
0x25: {  	[simem:s6], [sflag:s4] =	dma.local [hbm:s3], $0xF7A  }
0x26: {  	[smem:$0x3F9E] =	sst s1;
	(tag) =	ssettag s2;
	_ =	strace s9  }
0x27: {  	s1 =	sld [smem:$0x3FAE]  }
0x28: {  	s2 =	sld [smem:$0x3FAF]  }
0x29: {  	s4 =	sld [smem:$0x3FB1]  }
0x2a: {  	p0 =	seq.s32 s5, $0x0;
	s5 =	sld [smem:$0x3FB2]  }
0x2b: {  	s6 =	sld [smem:$0x3FB3]  }
0x2c: {  	s7 =	sld [smem:$0x3FB4]  }
0x2d: {  	s3 =	simm.s32 $0x108;
	s8 =	sld [smem:$0x3FB5]  }
0x2e: {  	s3 =	simm.s32 @!p0 $0x1082;
	s9 =	sld [smem:$0x3FB6]  }
0x2f: {  	lr =	sadd.s32 s0, s3;
	s0 =	sld [smem:$0x3FAD]  }
0x30: {  	s3 =	sld [smem:$0x3FB0]  }
0x31: {  	[smem:$0x3FB9] =	sst s10  }
0x32: {  	s10 =	sld [smem:$0x3FB7];
	_ =	sdelay $0x3  }
0x33: {  	p0 =	seq.s32 s10, $0x1;
	s10 =	sld [smem:$0x3FB9];
	_ =	sdelay $0x3  }
0x34: {  	[smem:$0x3FB9] =	sst s10  }
0x35: {  	s10 =	sld [smem:$0x3FB8];
	_ =	sdelay $0x3  }
0x36: {  	p1 =	seq.s32 s10, $0x1;
	s10 =	sld [smem:$0x3FB9];
	_ =	sdelay $0x3  }
0x37: {  	[smem:$0x3FB9] =	sst s10  }
0x38: {  	s10 =	sld [smem:$0x3FBA]  }
0x39: {  	_ = 	snop;
	(pc) =	sbr.ind lr, $3  }
0x3a: {  	_ = 	snop  }
0x3b: {  	_ = 	snop  }
0x3c: {  	p2 =	seq.s32 s10, $0x1;
	s10 =	sld [smem:$0x3FB9]  }
0x3d: {  	_ =	shalt  }
0x3e: {  	_ =	shalt  }
0x3f: {  	_ =	shalt  }
0x40: {  	_ =	shalt  }
0x41: {  	_ =	shalt  }
0x42: {  	_ =	shalt  }
0x43: {  	_ =	shalt  }
0x44: {  	_ =	shalt  }
0x45: {  	_ =	shalt  }
0x46: {  	_ =	shalt  }
0x47: {  	_ =	shalt  }
0x48: {  	_ =	shalt  }
0x49: {  	_ =	shalt  }
0x4a: {  	_ =	shalt  }
0x4b: {  	_ =	shalt  }
0x4c: {  	_ =	shalt  }
0x4d: {  	_ =	shalt  }
0x4e: {  	_ =	shalt  }
0x4f: {  	_ =	shalt  }
0x50: {  	_ =	shalt  }
0x51: {  	_ =	shalt  }
0x52: {  	_ =	shalt  }
0x53: {  	_ =	shalt  }
0x54: {  	_ =	shalt  }
0x55: {  	_ =	shalt  }
0x56: {  	_ =	shalt  }
0x57: {  	_ =	shalt  }
0x58: {  	_ =	shalt  }
0x59: {  	_ =	shalt  }
0x5a: {  	_ =	shalt  }
0x5b: {  	_ =	shalt  }
0x5c: {  	_ =	shalt  }
0x5d: {  	_ =	shalt  }
0x5e: {  	_ =	shalt  }
0x5f: {  	_ =	shalt  }
0x60: {  	_ =	shalt  }
0x61: {  	_ =	shalt  }
0x62: {  	_ =	shalt  }
0x63: {  	_ =	shalt  }
0x64: {  	_ =	shalt  }
0x65: {  	_ =	shalt  }
0x66: {  	_ =	shalt  }
0x67: {  	_ =	shalt  }
0x68: {  	_ =	shalt  }
0x69: {  	_ =	shalt  }
0x6a: {  	_ =	shalt  }
0x6b: {  	_ =	shalt  }
0x6c: {  	_ =	shalt  }
0x6d: {  	_ =	shalt  }
0x6e: {  	_ =	shalt  }
0x6f: {  	_ =	shalt  }
0x70: {  	_ =	shalt  }
0x71: {  	_ =	shalt  }
0x72: {  	_ =	shalt  }
0x73: {  	_ =	shalt  }
0x74: {  	_ =	shalt  }
0x75: {  	_ =	shalt  }
0x76: {  	_ =	shalt  }
0x77: {  	_ =	shalt  }
0x78: {  	_ =	shalt  }
0x79: {  	_ =	shalt  }
0x7a: {  	_ =	shalt  }
0x7b: {  	_ =	shalt  }
0x7c: {  	_ =	shalt  }
0x7d: {  	_ =	shalt  }
0x7e: {  	_ =	shalt  }
0x7f: {  	_ =	shalt  }
0x80: {  	_ =	shalt  }
0x81: {  	_ =	shalt  }
0x82: {  	_ =	shalt  }
0x83: {  	_ =	shalt  }
0x84: {  	_ =	shalt  }
0x85: {  	_ =	shalt  }
0x86: {  	_ =	shalt  }
0x87: {  	_ =	shalt  }
.Lfunc_end0:
.L_simem_size_0:
called_computation_lowered:
.L_overlay_start_0:
0x88: {  	s2 =	sld [smem:$0x3FD9]  }
0x89: {  	s3 =	sld [smem:$0x3FFE];
	_ =	sdelay $0x1  }
0x8a: {  	s1 =	srdreg.scid  }
0x8b: {  	s0 =	sand.u32 $0x1, s1  }
0x8c: {  	s17 =	sshll.u32 s0, $0xA;
	s2 =	sadd.s32 s3, s2  }
0x8d: {  	s2 =	sadd.s32 s2, s17  }
0x8e: {  	[smem:$0x3FC5] =	sst s2  }
0x8f: {  	_ = 	snop  }
0x90: {  	s2 =	sld [smem:$0x3FC9]  }
0x91: {  	s18 =	sld [smem:$0x3FC8]  }
0x92: {  	s4 =	sld [smem:$0x3FC7]  }
0x93: {  	s5 =	sld [smem:$0x3FD0];
	(tm) =	ssettm $0x1  }
0x94: {  	s6 =	sld [smem:$0x3FFB];
	_ =	sdelay $0x3  }
0x95: {  	_ =	strace s6  }
0x96: {  	s6 =	sld [smem:$0x3FFC];
	_ =	sdelay $0x3  }
0x97: {  	_ =	strace s6  }
0x98: {  	s6 =	sld [smem:$0x3FFD];
	_ =	sdelay $0x3  }
0x99: {  	_ =	strace s6  }
0x9a: {  	_ =	strace $0x8FFFFFFF  }
0x9b: {  	s19 =	sld [smem:$0x3FDB];
	_ =	sdelay $0x1  }
0x9c: {  	s7 =	simm.s32 $_scs_section_size  }
0x9d: {  	s8 =	simm.s32 $_size__tile_overlayer_lowered;
	s9 =	simm.s32 $_tile_overlayer_lowered  }
0x9e: {  	s22 =	simm.s32 $0x1BFF;
	s21 =	sshll.u32 s9, $0x1;
	s6 =	sadd.s32 s7, s19  }
0x9f: {  	s10 =	simm.s32 $0x0;
	s20 =	sshll.u32 s8, $0x1;
	s8 =	sadd.s32 s21, s6  }
0xa0: {  	[timem:s10], [sflag:s22] =	dma.local [hbm:s8], s20  }
0xa1: {  	_ =	swait.ge [sflag:s22], s20  }
0xa2: {  	s7 =	ssub.s32 $0x0, s20;
	[sflag:s22] =	ssyncset.done $0x0  }
0xa3: {  	[sflag:s22] =	ssyncadd.s32 s7;
	_ =	sdelay $0x1  }
0xa4: {  	s23 =	simm.s32 $0x1B8B  }
0xa5: {  	_ =	swait.ge [sflag:s23], $0x1  }
0xa6: {  	[sflag:s23] =	ssyncset.done $0x0  }
0xa7: {  	s25 =	simm.s32 $0x1B8E;
	s24 =	sld [smem:$0x3FFE];
	[sflag:s23] =	ssyncadd.s32 $0xFFFFFFFF  }
0xa8: {  	s26 =	simm.s32 $execute0_lowered;
	[smem:$0x3FD2] =	sst s25  }
0xa9: {  	s8 =	sshll.u32 s26, $0x1;
	_ =	strace $0x80000046;
	[dreg:$0x1] =	wrdreg $0xFFFFFFFF  }
0xaa: {  	s28 =	simm.s32 $_size_execute0_lowered;
	s6 =	sadd.s32 s6, s8;
	[dreg:$0x0] =	wrdreg $0x0  }
0xab: {  	s8 =	sshll.u32 s28, $0x1;
	[dreg:$0x2] =	wrdreg s6  }
0xac: {  	[dreg:$0x3] =	wrdreg s8  }
0xad: {  	[dreg:$0x4] =	wrdreg $0xC0  }
0xae: {  	_ =	task [dreg:s10], $0x5FFFF  }
0xaf: {  	[dreg:$0x1] =	wrdreg $0xFFFFFFFF  }
0xb0: {  	[dreg:$0x0] =	wrdreg $0x60  }
0xb1: {  	[dreg:$0x2] =	wrdreg s2  }
0xb2: {  	[dreg:$0x3] =	wrdreg s4  }
0xb3: {  	[dreg:$0x4] =	wrdreg s18  }
0xb4: {  	[dreg:$0x5] =	wrdreg s24  }
0xb5: {  	[dreg:$0x6] =	wrdreg s5  }
0xb6: {  	[dreg:$0x7] =	wrdreg $0x9  }
0xb7: {  	_ =	task.clear_ibuf [dreg:s10], $0x8FFFF;
	_ =	strace $0x90000046  }
0xb8: {  	s29 =	simm.s32 $0x9;
	_ =	strace $0x80000048  }
0xb9: {  	_ =	swait.ge [sflag:s29], $0x1  }
0xba: {  	[sflag:s29] =	ssyncadd.s32 $0xFFFFFFFF  }
0xbb: {  	_ =	strace $0x90000048  }
0xbc: {  	_ =	sfence  }
0xbd: {  	s30 =	sld [smem:$0x0];
	_ =	sdelay $0x2  }
0xbe: {  	s31 =	sshll.u32 s1, $0xD;
	s1 =	sshrl.u32 s1, $0x2  }
0xbf: {  	s3 =	sand.u32 $0x4000, s31;
	s1 =	sadd.s32 s1, s30  }
0xc0: {  	s0 =	sor.u32 s3, s0;
	s1 =	sshll.u32 s1, $0x11  }
0xc1: {  	s0 =	sor.u32 s1, s0  }
0xc2: {  	s0 =	sadd.s32 $0x8F2B, s0  }
0xc3: {  	[sflag:s0] =	ssyncadd.remote.s32 $0x1  }
0xc4: {  	_ =	sfence.sel $0xFFFF  }
0xc5: {  	[dreg:$0x0] =	wrdreg $0xFFFFFFFF;
	(pc) =	sbr.abs _section_cstart, $3  }
0xc6: {  	[dreg:$0x1] =	wrdreg $0xFFFFFFFF  }
0xc7: {  	_ =	task.clear_ibuf [dreg:s10], $0x2FFFF;
	_ =	strace $0x9FFFFFFF  }
0xc8: {  	(tm) =	ssettm $0x7FFFFFFF  }
0xc9: {  	_ =	shalt  }
tec
execute0_lowered:
.L_overlay_start_1:
0x0: {  	(tag) =	ssettag $0x1  }
0x1: {  	s11 =	rddreg [dreg:$0x0]  }
0x2: {  	s1 =	rddreg [dreg:$0x1];
	s0 =	srdreg.scid  }
0x3: {  	s2 =	stileid.u32;
	s12 =	rddreg [dreg:$0x4];
	s0 =	sand.u32 $0x1, s0  }
0x4: {  	s3 =	simm.s32 $0x0;
	s4 =	sshll.u32 s2, $0x1;
	s5 =	ssub.s32 $0x2, s0  }
0x5: {  	[smem:$0x7FF] =	sst s3;
	s9 =	sor.u32 s0, s4;
	s29 =	sshrl.u32 s5, $0x1  }
0x6: {  	s10 =	sshll.u32 s9, $0xF;
	s9 =	sshll.u32 s9, $0xC;
	s13 =	ssub.s32 s5, s29  }
0x7: {  	s8 =	sor.u32 $0x100000, s10;
	s7 =	sor.u32 $0x200000, s10;
	s30 =	sadd.s32 s11, s9  }
0x8: {  	s9 =	sadd.s32 s12, s9;
	s14 =	sshrl.u32 s8, $0x3;
	[dreg:$0x6] =	wrdreg s30  }
0x9: {  	s15 =	sshrl.u32 s7, $0x3;
	[dreg:$0x8] =	wrdreg s9;
	s31 =	sadd.s32 s11, s14  }
0xa: {  	s6 =	sor.u32 $0x300000, s10;
	s16 =	sadd.s32 s11, s15;
	[dreg:$0x7] =	wrdreg s31  }
0xb: {  	s17 =	sshrl.u32 s6, $0x3;
	s18 =	sadd.s32 s12, s14;
	[dreg:$0x9] =	wrdreg s16  }
0xc: {  	s5 =	sor.u32 $0x400000, s10;
	s19 =	sadd.s32 s11, s17;
	[dreg:$0xa] =	wrdreg s18  }
0xd: {  	s20 =	sshrl.u32 s5, $0x3;
	s21 =	sadd.s32 s12, s15;
	[dreg:$0xb] =	wrdreg s19  }
0xe: {  	s4 =	sor.u32 $0x500000, s10;
	s22 =	sadd.s32 s11, s20;
	[dreg:$0xc] =	wrdreg s21  }
0xf: {  	s23 =	sshrl.u32 s4, $0x3;
	s24 =	sadd.s32 s12, s17;
	[dreg:$0xd] =	wrdreg s22  }
0x10: {  	s25 =	sadd.s32 s11, s23;
	[dreg:$0xe] =	wrdreg s24  }
0x11: {  	s28 =	simm.s32 $0x8000;
	s26 =	sadd.s32 s12, s20;
	[dreg:$0xf] =	wrdreg s25  }
0x12: {  	s0 =	sor.u32 $0x600000, s10;
	s29 =	sadd.s32 s12, s23;
	[dreg:$0x10] =	wrdreg s26  }
0x13: {  	s9 =	sor.u32 $0x700000, s10;
	s30 =	sshrl.u32 s0, $0x3;
	[dreg:$0x11] =	wrdreg s29  }
0x14: {  	v10 =	vmov s4;
	s4 =	simm.s32 $0x0;
	s17 =	sadd.s32 s11, s30;
	s31 =	rddreg [dreg:$0x3]  }
0x15: {  	s23 =	sadd.s32 $0x208000, s10;
	[dreg:$0x12] =	wrdreg s17;
	s16 =	sshrl.u32 s9, $0x3  }
0x16: {  	s19 =	sadd.s32 s12, s30;
	s22 =	smax.u32 s13, $0x1;
	s17 =	sadd.s32 $0x108000, s10  }
0x17: {  	s25 =	sadd.s32 $0x308000, s10;
	s26 =	sadd.s32 $0x408000, s10;
	s29 =	sadd.s32 $0x508000, s10  }
.Ltmp0:
0x18: {  	v0 =	vmov s10;
	v2 =	vmov s8;
	v4 =	vmov s7;
	s18 =	sadd.s32 s11, s16;
	[dreg:$0x14] =	wrdreg s19;
	(pc) =	sbr.rel .LBB2_1-.Ltmp0, $4  }
0x19: {  	v6 =	vmov s6;
	v8 =	vmov s5;
	v12 =	vmov s0;
	s30 =	sadd.s32 $0x608000, s10;
	s20 =	sadd.s32 s12, s16;
	[dreg:$0x13] =	wrdreg s18  }
0x1a: {  	v14 =	vmov s9;
	v5 =	vmov s23;
	s21 =	sadd.s32 $0x400, s31;
	s31 =	sadd.s32 $0x708000, s10;
	v3 =	vmov s17;
	[dreg:$0x15] =	wrdreg s20  }
0x1b: {  	v7 =	vmov s25;
	v9 =	vmov s26;
	v11 =	vmov s29;
	s18 =	sadd.s32 $0x8000, s10;
	_ =	strace $0x80000047;
	[dreg:$0x16] =	wrdreg s21  }
0x1c: {  	s24 =	simm.s32 $0x8;
	s16 =	simm.s32 $0x10000;
	v13 =	vmov s30;
	v15 =	vmov s31;
	[dreg:$0x17] =	wrdreg s22;
	v1 =	vmov s18  }
.LBB2_107:
0x1d: {  	s0 =	rddreg [dreg:$0x15]  }
0x1e: {  	[hbm4b:s0+s3] =	stream.linear.scatter [tilespmem:s28], [sflag:$0x6], $0x8000, $0x38;
	[tilespmem:$0x1B400] =	vst v63  }
0x1f: {  	_ =	swait.ge [sflag:s18], $0x8000  }
0x20: {  	[sflag:s18] =	ssyncset.done $0x0  }
0x21: {  	s30 =	simm.s32 $0x5;
	[sflag:s18] =	ssyncadd.s32 $0xFFFF8000  }
0x22: {  	_ =	swait.ge [sflag:s30], $0x8000  }
0x23: {  	[sflag:s30] =	ssyncset.done $0x0  }
0x24: {  	s2 =	simm.s32 $0x6;
	[sflag:s30] =	ssyncadd.s32 $0xFFFF8000  }
0x25: {  	_ =	swait.ge [sflag:s2], $0x8000  }
0x26: {  	s4 =	rddreg [dreg:$0x18]  }
0x27: {  	s31 =	rddreg [dreg:$0x17];
	s4 =	sadd.s32 $0x1, s4  }
0x28: {  	p0 =	sne.s32 s4, s31  }
.Ltmp1:
0x29: {  	_ = 	snop;
	(pc) =	sbr.rel @!p0 .LBB2_108-.Ltmp1, $3  }
0x2a: {  	_ =	sdelay $0x1  }
0x2b: {  	[sflag:s2] =	ssyncset.done $0x0  }
0x2c: {  	[sflag:s2] =	ssyncadd.s32 $0xFFFF8000  }
.LBB2_1:
0x2d: {  	[dreg:$0x18] =	wrdreg s4  }
0x2e: {  	s0 =	rddreg [dreg:$0x16];
	s2 =	simm.s32 $0x19000  }
0x2f: {  	[tilespmem:s2], [sflag:$0x8] =	stream.linear.gather [hbm4b:s0+s3], $0x400, $0x38;
	[tilespmem:$0x1B400] =	vst v63  }
0x30: {  	_ =	swait.ge [sflag:s24], $0x400  }
0x31: {  	[sflag:s24] =	ssyncset.done $0x0  }
0x32: {  	s29 =	simm.s32 $0x0;
	[sflag:s24] =	ssyncadd.s32 $0xFFFFFC00  }
0x33: {  	v16 =	vld [tilespmem:s29+$0x19000];
	_ =	sdelay $0x2  }
0x34: {  	s30 =	simm.s32 $0x10  }
0x35: {  	v19 =	vld [tilespmem:s30+$0x19000]  }
0x36: {  	vm0 =	vlt.s32 v16, v9;
	vm1 =	vlt.s32 v16, v4  }
0x37: {  	vm2 =	vlt.s32 v16, v3;
	vm3 =	vlt.s32 v16, v6;
	vm4 =	vlt.s32 v16, v7  }
0x38: {  	vm5 =	vlt.s32 v16, v10;
	vm6 =	vlt.s32 v16, v12;
	v17 =	vmpcnt.ones.xlane vm0  }
0x39: {  	vm7 =	vlt.s32 v16, v13;
	vm8 =	vlt.s32 v16, v8;
	v18 =	vmpcnt.ones.xlane vm1  }
0x3a: {  	vm9 =	vlt.s32 v19, v10;
	vm10 =	vlt.s32 v19, v15;
	(v2sf) =	vpush v17, $0x0  }
0x3b: {  	vm0 =	vlt.s32 v16, v0;
	v21 =	vmpcnt.ones.xlane vm4;
	(v2sf) =	vpush v18, $0x0  }
0x3c: {  	vm1 =	vlt.s32 v16, v1;
	v22 =	vmpcnt.ones.xlane vm8;
	v24 =	vmpcnt.ones.xlane vm7  }
0x3d: {  	vm4 =	vlt.s32 v16, v11;
	v26 =	vmpcnt.ones.xlane vm2;
	v27 =	vmpcnt.ones.xlane vm6  }
0x3e: {  	vm2 =	vlt.s32 v19, v1;
	v20 =	vmpcnt.ones.xlane vm4;
	v17 =	vmpcnt.ones.xlane vm3  }
0x3f: {  	vm4 =	vlt.s32 v16, v2;
	v23 =	vmpcnt.ones.xlane vm0;
	vm0 =	vlt.s32 v16, v5  }
0x40: {  	v18 =	vmpcnt.ones.xlane vm5;
	vm5 =	vlt.s32 v16, v14;
	(v2sf) =	vpush v17, $0x0  }
0x41: {  	vm3 =	vlt.s32 v16, v15;
	v16 =	vmpcnt.ones.xlane vm5;
	(v2sf) =	vpush v23, $0x0  }
0x42: {  	vm6 =	vlt.s32 v19, v6;
	vm7 =	vlt.s32 v19, v7;
	(v2sf) =	vpush v22, $0x0  }
0x43: {  	vm8 =	vlt.s32 v19, v9;
	v25 =	vmpcnt.ones.xlane vm3;
	(v2sf) =	vpush v16, $0x0  }
0x44: {  	vm3 =	vlt.s32 v19, v3;
	v17 =	vmpcnt.ones.xlane vm1;
	(v2sf) =	vpush v20, $0x0  }
0x45: {  	vm5 =	vlt.s32 v19, v4;
	v23 =	vmpcnt.ones.xlane vm0;
	(v2sf) =	vpush v26, $0x0  }
0x46: {  	vm1 =	vlt.s32 v19, v13;
	v22 =	vmpcnt.ones.xlane vm4;
	(v2sf) =	vpush v17, $0x0  }
0x47: {  	s20 =	simm.s32 $0x80;
	vm0 =	vlt.s32 v19, v12;
	vm4 =	vlt.s32 v19, v0;
	(v2sf) =	vpush v23, $0x0  }
0x48: {  	s4 =	simm.s32 $0x0;
	s8 =	simm.s32 $0x0;
	s25 =	simm.s32 $0x0;
	v16 =	vmpcnt.ones.xlane vm10;
	v20 =	vmpcnt.ones.xlane vm6;
	(v2sf) =	vpush v22, $0x0  }
0x49: {  	s12 =	simm.s32 $0x0;
	s17 =	simm.s32 $0x0;
	vm6 =	vlt.s32 v19, v14;
	v17 =	vmpcnt.ones.xlane vm9;
	s31 =	spop (v2sf);
	(v2sf) =	vpush v24, $0x0  }
0x4a: {  	s15 =	simm.s32 $0x0;
	s19 =	simm.s32 $0x0;
	v22 =	vmpcnt.ones.xlane vm8;
	vm8 =	vlt.s32 v19, v8;
	s22 =	spop (v2sf);
	(v2sf) =	vpush v21, $0x0  }
0x4b: {  	s6 =	simm.s32 $0x0;
	s18 =	simm.s32 $0x0;
	s7 =	simm.s32 $0x0;
	v23 =	vmpcnt.ones.xlane vm8;
	v24 =	vmpcnt.ones.xlane vm5;
	(v2sf) =	vpush v18, $0x0  }
0x4c: {  	s13 =	simm.s32 $0x0;
	s11 =	simm.s32 $0x0;
	s9 =	simm.s32 $0x0;
	v18 =	vmpcnt.ones.xlane vm7;
	vm7 =	vlt.s32 v19, v11;
	(v2sf) =	vpush v27, $0x0  }
0x4d: {  	s5 =	simm.s32 $0x0;
	s0 =	simm.s32 $0x0;
	vm5 =	vlt.s32 v19, v2;
	s10 =	sadd.s32 $0x0, s31;
	v21 =	vmpcnt.ones.xlane vm7;
	(v2sf) =	vpush v25, $0x0  }
.LBB2_2:
0x4e: {  	s14 =	smov.u32 s20  }
0x4f: {  	s21 =	sshra.s32 s20, $0x2;
	v25 =	vmpcnt.ones.xlane vm4;
	v26 =	vmpcnt.ones.xlane vm1;
	(v2sf) =	vpush v22, $0x0;
	s23 =	spop (v2sf);
	s14 =	sadd.s32 $0x40, s20  }
0x50: {  	p0 =	sne.s32 s20, $0xFC0;
	v22 =	vmpcnt.ones.xlane vm3;
	vm1 =	vlt.s32 v19, v5;
	v19 =	vld [tilespmem:s21+$0x19000];
	(v2sf) =	vpush v24, $0x0;
	s20 =	spop (v2sf)  }
0x51: {  	v27 =	vmpcnt.ones.xlane vm1;
	v24 =	vmpcnt.ones.xlane vm2;
	(v2sf) =	vpush v20, $0x0;
	s0 =	sadd.s32 s0, s20;
	s20 =	spop (v2sf)  }
0x52: {  	v20 =	vmpcnt.ones.xlane vm6;
	(v2sf) =	vpush v25, $0x0;
	s21 =	spop (v2sf)  }
0x53: {  	(v2sf) =	vpush v23, $0x0;
	s4 =	sadd.s32 s4, s21;
	s21 =	spop (v2sf)  }
0x54: {  	v25 =	vmpcnt.ones.xlane vm0;
	v23 =	vmpcnt.ones.xlane vm5;
	(v2sf) =	vpush v20, $0x0;
	s8 =	sadd.s32 s8, s21;
	s21 =	spop (v2sf)  }
0x55: {  	s12 =	sadd.s32 s12, s20;
	vm4 =	vlt.s32 v19, v0;
	vm2 =	vlt.s32 v19, v1;
	(v2sf) =	vpush v21, $0x0;
	s25 =	sadd.s32 s25, s21;
	s20 =	spop (v2sf)  }
0x56: {  	s15 =	sadd.s32 s15, s23;
	vm3 =	vlt.s32 v19, v3;
	vm5 =	vlt.s32 v19, v4;
	(v2sf) =	vpush v22, $0x0;
	s17 =	sadd.s32 s17, s20;
	s20 =	spop (v2sf)  }
0x57: {  	vm6 =	vlt.s32 v19, v6;
	vm7 =	vlt.s32 v19, v7;
	(v2sf) =	vpush v24, $0x0;
	s19 =	sadd.s32 s19, s20;
	s20 =	spop (v2sf)  }
0x58: {  	s18 =	sadd.s32 s18, s22;
	vm8 =	vlt.s32 v19, v9;
	vm9 =	vlt.s32 v19, v10;
	(v2sf) =	vpush v27, $0x0;
	s6 =	sadd.s32 s6, s20;
	s20 =	spop (v2sf)  }
0x59: {  	vm0 =	vlt.s32 v19, v12;
	vm1 =	vlt.s32 v19, v13;
	(v2sf) =	vpush v23, $0x0;
	s7 =	sadd.s32 s7, s20;
	s20 =	spop (v2sf)  }
0x5a: {  	vm10 =	vlt.s32 v19, v15;
	v20 =	vmpcnt.ones.xlane vm6;
	(v2sf) =	vpush v26, $0x0;
	s13 =	sadd.s32 s13, s20;
	s20 =	spop (v2sf)  }
.Ltmp2:
0x5b: {  	v22 =	vmpcnt.ones.xlane vm8;
	vm6 =	vlt.s32 v19, v14;
	(v2sf) =	vpush v18, $0x0;
	s11 =	sadd.s32 s11, s20;
	(pc) =	sbr.rel @p0 .LBB2_2-.Ltmp2, $4  }
0x5c: {  	vm8 =	vlt.s32 v19, v8;
	(v2sf) =	vpush v17, $0x0;
	v17 =	vmpcnt.ones.xlane vm9;
	s20 =	spop (v2sf)  }
0x5d: {  	v24 =	vmpcnt.ones.xlane vm5;
	v18 =	vmpcnt.ones.xlane vm7;
	vm7 =	vlt.s32 v19, v11;
	s9 =	sadd.s32 s9, s20;
	s20 =	spop (v2sf)  }
0x5e: {  	vm5 =	vlt.s32 v19, v2;
	v21 =	vmpcnt.ones.xlane vm7;
	s21 =	spop (v2sf);
	(v2sf) =	vpush v25, $0x0;
	s5 =	sadd.s32 s5, s20  }
0x5f: {  	v23 =	vmpcnt.ones.xlane vm8;
	s20 =	smov.u32 s14;
	s10 =	sadd.s32 s10, s21;
	s22 =	spop (v2sf);
	(v2sf) =	vpush v16, $0x0;
	v16 =	vmpcnt.ones.xlane vm10  }
0x60: {  	(v2sf) =	vpush v22, $0x0  }
0x61: {  	v59 =	vmpcnt.ones.xlane vm4;
	s2 =	spop (v2sf);
	(v2sf) =	vpush v24, $0x0  }
0x62: {  	s26 =	spop (v2sf);
	(v2sf) =	vpush v20, $0x0  }
0x63: {  	s31 =	spop (v2sf);
	(v2sf) =	vpush v59, $0x0  }
0x64: {  	s14 =	spop (v2sf)  }
0x65: {  	s20 =	spop (v2sf)  }
0x66: {  	[smem:$0x7F7] =	sst s20;
	s20 =	spop (v2sf)  }
0x67: {  	s30 =	spop (v2sf)  }
0x68: {  	s23 =	spop (v2sf)  }
0x69: {  	[smem:$0x7FB] =	sst s14;
	s14 =	spop (v2sf)  }
0x6a: {  	s21 =	spop (v2sf)  }
0x6b: {  	s29 =	spop (v2sf)  }
0x6c: {  	[smem:$0x7F3] =	sst s31;
	s31 =	spop (v2sf)  }
0x6d: {  	[smem:$0x7FA] =	sst s21;
	s21 =	spop (v2sf)  }
0x6e: {  	[smem:$0x7F1] =	sst s29;
	s29 =	spop (v2sf)  }
0x6f: {  	v60 =	vmpcnt.ones.xlane vm6;
	[smem:$0x7F6] =	sst s31;
	s31 =	spop (v2sf)  }
0x70: {  	(v2sf) =	vpush v23, $0x0;
	[smem:$0x7F9] =	sst s21;
	s21 =	spop (v2sf)  }
0x71: {  	v61 =	vmpcnt.ones.xlane vm3;
	[smem:$0x7FD] =	sst s29;
	(v2sf) =	vpush v60, $0x0;
	s29 =	spop (v2sf)  }
0x72: {  	v62 =	vmpcnt.ones.xlane vm2;
	[smem:$0x7EF] =	sst s2;
	s0 =	sadd.s32 s0, s26;
	(v2sf) =	vpush v21, $0x0;
	s2 =	spop (v2sf)  }
0x73: {  	(v2sf) =	vpush v61, $0x0;
	s0 =	sadd.s32 s0, s2  }
0x74: {  	(v2sf) =	vpush v62, $0x0;
	s0 =	sadd.s32 $0xFFFFFFFF, s0  }
0x75: {  	p0 =	sgt.s32 s0, $0x0  }
0x76: {  	s0 =	simm.s32 @!p0 $0x0  }
0x77: {  	s0 =	sshll.u32 s0, $0x9  }
0x78: {  	s26 =	simm.s32 $0x19400;
	[smem:$0x7EA] =	sst s0;
	s0 =	sshrl.u32 s0, $0x3  }
0x79: {  	[smem:$0x7F4] =	sst s31;
	s31 =	sadd.s32 s1, s0;
	s0 =	simm.s32 $0x0  }
0x7a: {  	[tilespmem:s26], [sflag:$0x1] =	stream.linear.gather [hbm4b:s31+s0], $0x80, $0x38;
	[tilespmem:$0x1B400] =	vst v63  }
0x7b: {  	s2 =	simm.s32 $0x19800;
	s26 =	sadd.s32 $0x10, s31  }
0x7c: {  	[tilespmem:s2], [sflag:$0x1] =	stream.linear.gather [hbm4b:s26+s0], $0x80, $0x38;
	[tilespmem:$0x1B400] =	vst v63  }
0x7d: {  	s26 =	sadd.s32 $0x20, s31;
	s2 =	simm.s32 $0x19C00  }
0x7e: {  	[tilespmem:s2], [sflag:$0x1] =	stream.linear.gather [hbm4b:s26+s0], $0x80, $0x38;
	[tilespmem:$0x1B400] =	vst v63  }
0x7f: {  	vm12 =	vlt.s32 v19, v5;
	s26 =	spop (v2sf)  }
0x80: {  	v19 =	vmpcnt.ones.xlane vm12;
	s2 =	spop (v2sf)  }
0x81: {  	v63 =	vmpcnt.ones.xlane vm5;
	[smem:$0x7FC] =	sst s2;
	s2 =	spop (v2sf)  }
0x82: {  	(v2sf) =	vpush v19, $0x0;
	[smem:$0x7F8] =	sst s2;
	s2 =	spop (v2sf)  }
0x83: {  	s17 =	sadd.s32 s17, s30;
	(v2sf) =	vpush v63, $0x0;
	s30 =	spop (v2sf)  }
0x84: {  	s17 =	sadd.s32 s17, s30;
	s30 =	sadd.s32 $0x30, s31;
	s31 =	simm.s32 $0x1A000  }
0x85: {  	[tilespmem:s31], [sflag:$0x1] =	stream.linear.gather [hbm4b:s30+s0], $0x80, $0x38;
	[tilespmem:$0x1B400] =	vst v63  }
0x86: {  	s17 =	sadd.s32 $0xFFFFFFFF, s17  }
0x87: {  	p0 =	sgt.s32 s17, $0x0  }
0x88: {  	s17 =	simm.s32 @!p0 $0x0  }
0x89: {  	s17 =	sshll.u32 s17, $0x9  }
0x8a: {  	[smem:$0x7EB] =	sst s17;
	s17 =	sshrl.u32 s17, $0x3  }
0x8b: {  	s31 =	simm.s32 $0x19480;
	s17 =	sadd.s32 s1, s17  }
0x8c: {  	[tilespmem:s31], [sflag:$0x1] =	stream.linear.gather [hbm4b:s17+s0], $0x80, $0x38;
	[tilespmem:$0x1B400] =	vst v63  }
0x8d: {  	s30 =	sadd.s32 $0x10, s17;
	s31 =	simm.s32 $0x19880  }
0x8e: {  	[tilespmem:s31], [sflag:$0x1] =	stream.linear.gather [hbm4b:s30+s0], $0x80, $0x38;
	[tilespmem:$0x1B400] =	vst v63  }
0x8f: {  	s30 =	sadd.s32 $0x20, s17;
	s31 =	simm.s32 $0x19C80  }
0x90: {  	[tilespmem:s31], [sflag:$0x1] =	stream.linear.gather [hbm4b:s30+s0], $0x80, $0x38;
	[tilespmem:$0x1B400] =	vst v63  }
0x91: {  	s30 =	spop (v2sf)  }
0x92: {  	s6 =	sadd.s32 s6, s14;
	s31 =	spop (v2sf)  }
0x93: {  	s17 =	sadd.s32 $0x30, s17;
	s6 =	sadd.s32 s6, s31;
	s31 =	simm.s32 $0x1A080  }
0x94: {  	[tilespmem:s31], [sflag:$0x1] =	stream.linear.gather [hbm4b:s17+s0], $0x80, $0x38;
	[tilespmem:$0x1B400] =	vst v63  }
0x95: {  	s6 =	sadd.s32 $0xFFFFFFFF, s6  }
0x96: {  	p0 =	sgt.s32 s6, $0x0  }
0x97: {  	s6 =	simm.s32 @!p0 $0x0  }
0x98: {  	s6 =	sshll.u32 s6, $0x9  }
0x99: {  	s14 =	sadd.s32 s25, s20;
	[smem:$0x7EC] =	sst s6;
	s6 =	sshrl.u32 s6, $0x3  }
0x9a: {  	s2 =	sadd.s32 s14, s2;
	s31 =	simm.s32 $0x19500;
	s6 =	sadd.s32 s1, s6  }
0x9b: {  	[tilespmem:s31], [sflag:$0x1] =	stream.linear.gather [hbm4b:s6+s0], $0x80, $0x38;
	[tilespmem:$0x1B400] =	vst v63  }
0x9c: {  	s2 =	sadd.s32 $0xFFFFFFFF, s2;
	s17 =	sadd.s32 $0x10, s6;
	s31 =	simm.s32 $0x19900  }
0x9d: {  	[tilespmem:s31], [sflag:$0x1] =	stream.linear.gather [hbm4b:s17+s0], $0x80, $0x38;
	[tilespmem:$0x1B400] =	vst v63  }
0x9e: {  	p0 =	sgt.s32 s2, $0x0;
	s25 =	sadd.s32 $0x20, s6;
	s31 =	simm.s32 $0x19D00  }
0x9f: {  	[tilespmem:s31], [sflag:$0x1] =	stream.linear.gather [hbm4b:s25+s0], $0x80, $0x38;
	[tilespmem:$0x1B400] =	vst v63  }
0xa0: {  	s2 =	simm.s32 @!p0 $0x0;
	s6 =	sadd.s32 $0x30, s6;
	s25 =	simm.s32 $0x1A100  }
0xa1: {  	[tilespmem:s25], [sflag:$0x1] =	stream.linear.gather [hbm4b:s6+s0], $0x80, $0x38;
	[tilespmem:$0x1B400] =	vst v63  }
0xa2: {  	s25 =	sshll.u32 s2, $0x9  }
0xa3: {  	s2 =	sshrl.u32 s25, $0x3  }
0xa4: {  	s31 =	simm.s32 $0x19580;
	s2 =	sadd.s32 s1, s2  }
0xa5: {  	[tilespmem:s31], [sflag:$0x1] =	stream.linear.gather [hbm4b:s2+s0], $0x80, $0x38;
	[tilespmem:$0x1B400] =	vst v63  }
0xa6: {  	s17 =	simm.s32 $0x19980;
	s14 =	sadd.s32 $0x10, s2  }
0xa7: {  	[tilespmem:s17], [sflag:$0x1] =	stream.linear.gather [hbm4b:s14+s0], $0x80, $0x38;
	[tilespmem:$0x1B400] =	vst v63  }
0xa8: {  	s18 =	sadd.s32 s18, s22;
	s22 =	simm.s32 $0x19D80;
	s20 =	sadd.s32 $0x20, s2  }
0xa9: {  	[tilespmem:s22], [sflag:$0x1] =	stream.linear.gather [hbm4b:s20+s0], $0x80, $0x38;
	[tilespmem:$0x1B400] =	vst v63  }
0xaa: {  	s6 =	sadd.s32 s18, s21;
	s2 =	sadd.s32 $0x30, s2;
	s31 =	simm.s32 $0x1A180  }
0xab: {  	[tilespmem:s31], [sflag:$0x1] =	stream.linear.gather [hbm4b:s2+s0], $0x80, $0x38;
	[tilespmem:$0x1B400] =	vst v63  }
0xac: {  	s2 =	sadd.s32 $0xFFFFFFFF, s6  }
0xad: {  	p0 =	sgt.s32 s2, $0x0  }
0xae: {  	s2 =	simm.s32 @!p0 $0x0  }
0xaf: {  	s2 =	sshll.u32 s2, $0x9  }
0xb0: {  	[smem:$0x7ED] =	sst s2;
	s2 =	sshrl.u32 s2, $0x3  }
0xb1: {  	s14 =	simm.s32 $0x19600;
	s2 =	sadd.s32 s1, s2  }
0xb2: {  	[tilespmem:s14], [sflag:$0x1] =	stream.linear.gather [hbm4b:s2+s0], $0x80, $0x38;
	[tilespmem:$0x1B400] =	vst v63  }
0xb3: {  	s18 =	simm.s32 $0x19A00;
	s17 =	sadd.s32 $0x10, s2  }
0xb4: {  	[tilespmem:s18], [sflag:$0x1] =	stream.linear.gather [hbm4b:s17+s0], $0x80, $0x38;
	[tilespmem:$0x1B400] =	vst v63  }
0xb5: {  	s19 =	sadd.s32 s19, s23;
	s21 =	simm.s32 $0x19E00;
	s20 =	sadd.s32 $0x20, s2  }
0xb6: {  	[tilespmem:s21], [sflag:$0x1] =	stream.linear.gather [hbm4b:s20+s0], $0x80, $0x38;
	[tilespmem:$0x1B400] =	vst v63  }
0xb7: {  	s22 =	simm.s32 $0x1A200;
	s6 =	sadd.s32 s19, s30;
	s2 =	sadd.s32 $0x30, s2  }
0xb8: {  	[tilespmem:s22], [sflag:$0x1] =	stream.linear.gather [hbm4b:s2+s0], $0x80, $0x38;
	[tilespmem:$0x1B400] =	vst v63  }
0xb9: {  	s2 =	sadd.s32 $0xFFFFFFFF, s6  }
0xba: {  	p0 =	sgt.s32 s2, $0x0  }
0xbb: {  	s2 =	simm.s32 @!p0 $0x0  }
0xbc: {  	v19 =	vmpcnt.ones.xlane vm1;
	s2 =	sshll.u32 s2, $0x9  }
0xbd: {  	[smem:$0x7EE] =	sst s2;
	s2 =	sshrl.u32 s2, $0x3  }
0xbe: {  	s23 =	simm.s32 $0x19680;
	(v2sf) =	vpush v19, $0x0;
	s14 =	sld [smem:$0x7EF];
	s2 =	sadd.s32 s1, s2  }
0xbf: {  	[tilespmem:s23], [sflag:$0x1] =	stream.linear.gather [hbm4b:s2+s0], $0x80, $0x38;
	[tilespmem:$0x1B400] =	vst v63  }
0xc0: {  	(v2sf) =	vpush v18, $0x0;
	s31 =	simm.s32 $0x19A80;
	s30 =	sadd.s32 $0x10, s2  }
0xc1: {  	[tilespmem:s31], [sflag:$0x1] =	stream.linear.gather [hbm4b:s30+s0], $0x80, $0x38;
	[tilespmem:$0x1B400] =	vst v63  }
0xc2: {  	s17 =	simm.s32 $0x19E80;
	s6 =	sadd.s32 s15, s14;
	s15 =	sadd.s32 $0x20, s2  }
0xc3: {  	[tilespmem:s17], [sflag:$0x1] =	stream.linear.gather [hbm4b:s15+s0], $0x80, $0x38;
	[tilespmem:$0x1B400] =	vst v63  }
0xc4: {  	s18 =	simm.s32 $0x1A280;
	s6 =	sadd.s32 s6, s29;
	s2 =	sadd.s32 $0x30, s2  }
0xc5: {  	[tilespmem:s18], [sflag:$0x1] =	stream.linear.gather [hbm4b:s2+s0], $0x80, $0x38;
	[tilespmem:$0x1B400] =	vst v63  }
0xc6: {  	s2 =	sadd.s32 $0xFFFFFFFF, s6  }
0xc7: {  	p0 =	sgt.s32 s2, $0x0  }
0xc8: {  	s2 =	simm.s32 @!p0 $0x0  }
0xc9: {  	s29 =	sld [smem:$0x7F1];
	s2 =	sshll.u32 s2, $0x9  }
0xca: {  	[smem:$0x7F0] =	sst s2;
	s2 =	sshrl.u32 s2, $0x3  }
0xcb: {  	s19 =	simm.s32 $0x19700;
	s21 =	simm.s32 $0x19B00;
	s2 =	sadd.s32 s1, s2  }
0xcc: {  	[tilespmem:s19], [sflag:$0x1] =	stream.linear.gather [hbm4b:s2+s0], $0x80, $0x38;
	[tilespmem:$0x1B400] =	vst v63  }
0xcd: {  	s13 =	sadd.s32 s13, s29;
	s6 =	spop (v2sf);
	s20 =	sadd.s32 $0x10, s2  }
0xce: {  	[tilespmem:s21], [sflag:$0x1] =	stream.linear.gather [hbm4b:s20+s0], $0x80, $0x38;
	[tilespmem:$0x1B400] =	vst v63  }
0xcf: {  	s23 =	simm.s32 $0x19F00;
	s30 =	spop (v2sf);
	s22 =	sadd.s32 $0x20, s2  }
0xd0: {  	[tilespmem:s23], [sflag:$0x1] =	stream.linear.gather [hbm4b:s22+s0], $0x80, $0x38;
	[tilespmem:$0x1B400] =	vst v63  }
0xd1: {  	s31 =	simm.s32 $0x1A300;
	s13 =	sadd.s32 s13, s30;
	s2 =	sadd.s32 $0x30, s2  }
0xd2: {  	[tilespmem:s31], [sflag:$0x1] =	stream.linear.gather [hbm4b:s2+s0], $0x80, $0x38;
	[tilespmem:$0x1B400] =	vst v63  }
0xd3: {  	s2 =	sadd.s32 $0xFFFFFFFF, s13  }
0xd4: {  	p0 =	sgt.s32 s2, $0x0  }
0xd5: {  	s2 =	simm.s32 @!p0 $0x0  }
0xd6: {  	s2 =	sshll.u32 s2, $0x9  }
0xd7: {  	[smem:$0x7F2] =	sst s2;
	s2 =	sshrl.u32 s2, $0x3  }
0xd8: {  	s15 =	simm.s32 $0x19780;
	s19 =	sld [smem:$0x7F3];
	s2 =	sadd.s32 s1, s2  }
0xd9: {  	[tilespmem:s15], [sflag:$0x1] =	stream.linear.gather [hbm4b:s2+s0], $0x80, $0x38;
	[tilespmem:$0x1B400] =	vst v63  }
0xda: {  	s18 =	simm.s32 $0x19B80;
	s17 =	sadd.s32 $0x10, s2  }
0xdb: {  	[tilespmem:s18], [sflag:$0x1] =	stream.linear.gather [hbm4b:s17+s0], $0x80, $0x38;
	[tilespmem:$0x1B400] =	vst v63  }
0xdc: {  	s21 =	simm.s32 $0x19F80;
	s12 =	sadd.s32 s12, s19;
	s20 =	sadd.s32 $0x20, s2  }
0xdd: {  	[tilespmem:s21], [sflag:$0x1] =	stream.linear.gather [hbm4b:s20+s0], $0x80, $0x38;
	[tilespmem:$0x1B400] =	vst v63  }
0xde: {  	s12 =	sadd.s32 s12, s26;
	s22 =	simm.s32 $0x1A380;
	s2 =	sadd.s32 $0x30, s2  }
0xdf: {  	[tilespmem:s22], [sflag:$0x1] =	stream.linear.gather [hbm4b:s2+s0], $0x80, $0x38;
	[tilespmem:$0x1B400] =	vst v63  }
0xe0: {  	s2 =	sadd.s32 $0xFFFFFFFF, s12  }
0xe1: {  	p0 =	sgt.s32 s2, $0x0  }
0xe2: {  	s2 =	simm.s32 @!p0 $0x0  }
0xe3: {  	s2 =	sshll.u32 s2, $0x9  }
0xe4: {  	[dreg:$0x1f] =	wrdreg s2;
	s2 =	sshrl.u32 s2, $0x3  }
0xe5: {  	s23 =	simm.s32 $0x1A400;
	s2 =	sadd.s32 s1, s2  }
0xe6: {  	[tilespmem:s23], [sflag:$0x1] =	stream.linear.gather [hbm4b:s2+s0], $0x80, $0x38;
	[tilespmem:$0x1B400] =	vst v63  }
0xe7: {  	s29 =	simm.s32 $0x1A800;
	(v2sf) =	vpush v17, $0x0;
	s13 =	sld [smem:$0x7F4];
	s26 =	sadd.s32 $0x10, s2  }
0xe8: {  	[tilespmem:s29], [sflag:$0x1] =	stream.linear.gather [hbm4b:s26+s0], $0x80, $0x38;
	[tilespmem:$0x1B400] =	vst v63  }
0xe9: {  	s31 =	simm.s32 $0x1AC00;
	s30 =	sadd.s32 $0x20, s2  }
0xea: {  	[tilespmem:s31], [sflag:$0x1] =	stream.linear.gather [hbm4b:s30+s0], $0x80, $0x38;
	[tilespmem:$0x1B400] =	vst v63  }
0xeb: {  	s14 =	simm.s32 $0x1B000;
	s10 =	sadd.s32 s10, s13;
	s2 =	sadd.s32 $0x30, s2  }
0xec: {  	[tilespmem:s14], [sflag:$0x1] =	stream.linear.gather [hbm4b:s2+s0], $0x80, $0x38;
	[tilespmem:$0x1B400] =	vst v63  }
0xed: {  	s2 =	sadd.s32 $0xFFFFFFFF, s10  }
0xee: {  	p0 =	sgt.s32 s2, $0x0  }
0xef: {  	s2 =	simm.s32 @!p0 $0x0  }
0xf0: {  	s2 =	sshll.u32 s2, $0x9  }
0xf1: {  	[smem:$0x7F5] =	sst s2;
	s2 =	sshrl.u32 s2, $0x3  }
0xf2: {  	s15 =	simm.s32 $0x1A480;
	s21 =	sld [smem:$0x7F6];
	s2 =	sadd.s32 s1, s2  }
0xf3: {  	[tilespmem:s15], [sflag:$0x1] =	stream.linear.gather [hbm4b:s2+s0], $0x80, $0x38;
	[tilespmem:$0x1B400] =	vst v63  }
0xf4: {  	s18 =	simm.s32 $0x1A880;
	s20 =	simm.s32 $0x1AC80;
	s17 =	sadd.s32 $0x10, s2  }
0xf5: {  	[tilespmem:s18], [sflag:$0x1] =	stream.linear.gather [hbm4b:s17+s0], $0x80, $0x38;
	[tilespmem:$0x1B400] =	vst v63  }
0xf6: {  	s22 =	spop (v2sf);
	s10 =	sadd.s32 s11, s21;
	s19 =	sadd.s32 $0x20, s2  }
0xf7: {  	[tilespmem:s20], [sflag:$0x1] =	stream.linear.gather [hbm4b:s19+s0], $0x80, $0x38;
	[tilespmem:$0x1B400] =	vst v63  }
0xf8: {  	s23 =	simm.s32 $0x1B080;
	s10 =	sadd.s32 s10, s22;
	s2 =	sadd.s32 $0x30, s2  }
0xf9: {  	[tilespmem:s23], [sflag:$0x1] =	stream.linear.gather [hbm4b:s2+s0], $0x80, $0x38;
	[tilespmem:$0x1B400] =	vst v63  }
0xfa: {  	s2 =	sadd.s32 $0xFFFFFFFF, s10  }
0xfb: {  	p0 =	sgt.s32 s2, $0x0  }
0xfc: {  	s2 =	simm.s32 @!p0 $0x0  }
0xfd: {  	v17 =	vmpcnt.ones.xlane vm0;
	s2 =	sshll.u32 s2, $0x9  }
0xfe: {  	[dreg:$0x1d] =	wrdreg s2;
	s2 =	sshrl.u32 s2, $0x3  }
0xff: {  	(v2sf) =	vpush v17, $0x0;
	s26 =	simm.s32 $0x1A500;
	s31 =	sld [smem:$0x7F7];
	s2 =	sadd.s32 s1, s2  }
0x100: {  	[tilespmem:s26], [sflag:$0x1] =	stream.linear.gather [hbm4b:s2+s0], $0x80, $0x38;
	[tilespmem:$0x1B400] =	vst v63  }
0x101: {  	s13 =	sld [smem:$0x7F8];
	s30 =	simm.s32 $0x1A900;
	s29 =	sadd.s32 $0x10, s2  }
0x102: {  	[tilespmem:s30], [sflag:$0x1] =	stream.linear.gather [hbm4b:s29+s0], $0x80, $0x38;
	[tilespmem:$0x1B400] =	vst v63  }
0x103: {  	s12 =	simm.s32 $0x1AD00;
	s8 =	sadd.s32 s8, s31;
	s11 =	sadd.s32 $0x20, s2  }
0x104: {  	[tilespmem:s12], [sflag:$0x1] =	stream.linear.gather [hbm4b:s11+s0], $0x80, $0x38;
	[tilespmem:$0x1B400] =	vst v63  }
0x105: {  	s14 =	simm.s32 $0x1B100;
	s8 =	sadd.s32 s8, s13;
	s2 =	sadd.s32 $0x30, s2  }
0x106: {  	[tilespmem:s14], [sflag:$0x1] =	stream.linear.gather [hbm4b:s2+s0], $0x80, $0x38;
	[tilespmem:$0x1B400] =	vst v63  }
0x107: {  	s2 =	sadd.s32 $0xFFFFFFFF, s8  }
0x108: {  	p0 =	sgt.s32 s2, $0x0  }
0x109: {  	s2 =	simm.s32 @!p0 $0x0  }
0x10a: {  	s2 =	sshll.u32 s2, $0x9  }
0x10b: {  	[dreg:$0x1e] =	wrdreg s2;
	s2 =	sshrl.u32 s2, $0x3  }
0x10c: {  	s21 =	sld [smem:$0x7F9];
	s15 =	simm.s32 $0x1A580;
	s2 =	sadd.s32 s1, s2  }
0x10d: {  	[tilespmem:s15], [sflag:$0x1] =	stream.linear.gather [hbm4b:s2+s0], $0x80, $0x38;
	[tilespmem:$0x1B400] =	vst v63  }
0x10e: {  	s22 =	spop (v2sf);
	s18 =	simm.s32 $0x1A980;
	s17 =	sadd.s32 $0x10, s2  }
0x10f: {  	[tilespmem:s18], [sflag:$0x1] =	stream.linear.gather [hbm4b:s17+s0], $0x80, $0x38;
	[tilespmem:$0x1B400] =	vst v63  }
0x110: {  	s20 =	simm.s32 $0x1AD80;
	s8 =	sadd.s32 s9, s21;
	s19 =	sadd.s32 $0x20, s2  }
0x111: {  	[tilespmem:s20], [sflag:$0x1] =	stream.linear.gather [hbm4b:s19+s0], $0x80, $0x38;
	[tilespmem:$0x1B400] =	vst v63  }
0x112: {  	s23 =	simm.s32 $0x1B180;
	s8 =	sadd.s32 s8, s22;
	s2 =	sadd.s32 $0x30, s2  }
0x113: {  	[tilespmem:s23], [sflag:$0x1] =	stream.linear.gather [hbm4b:s2+s0], $0x80, $0x38;
	[tilespmem:$0x1B400] =	vst v63  }
0x114: {  	s2 =	sadd.s32 $0xFFFFFFFF, s8  }
0x115: {  	p0 =	sgt.s32 s2, $0x0  }
0x116: {  	s2 =	simm.s32 @!p0 $0x0  }
0x117: {  	s2 =	sshll.u32 s2, $0x9  }
0x118: {  	[dreg:$0x1b] =	wrdreg s2;
	s2 =	sshrl.u32 s2, $0x3  }
0x119: {  	s31 =	sld [smem:$0x7FA];
	s26 =	simm.s32 $0x1A600;
	s2 =	sadd.s32 s1, s2  }
0x11a: {  	[tilespmem:s26], [sflag:$0x1] =	stream.linear.gather [hbm4b:s2+s0], $0x80, $0x38;
	[tilespmem:$0x1B400] =	vst v63  }
0x11b: {  	s30 =	simm.s32 $0x1AA00;
	s29 =	sadd.s32 $0x10, s2  }
0x11c: {  	[tilespmem:s30], [sflag:$0x1] =	stream.linear.gather [hbm4b:s29+s0], $0x80, $0x38;
	[tilespmem:$0x1B400] =	vst v63  }
0x11d: {  	s7 =	sadd.s32 s7, s31;
	s10 =	simm.s32 $0x1AE00;
	s9 =	sadd.s32 $0x20, s2  }
0x11e: {  	[tilespmem:s10], [sflag:$0x1] =	stream.linear.gather [hbm4b:s9+s0], $0x80, $0x38;
	[tilespmem:$0x1B400] =	vst v63  }
0x11f: {  	s6 =	sadd.s32 s7, s6;
	s11 =	simm.s32 $0x1B200;
	s2 =	sadd.s32 $0x30, s2  }
0x120: {  	[tilespmem:s11], [sflag:$0x1] =	stream.linear.gather [hbm4b:s2+s0], $0x80, $0x38;
	[tilespmem:$0x1B400] =	vst v63  }
0x121: {  	s2 =	sadd.s32 $0xFFFFFFFF, s6  }
0x122: {  	p0 =	sgt.s32 s2, $0x0  }
0x123: {  	s2 =	simm.s32 @!p0 $0x0  }
0x124: {  	s2 =	sshll.u32 s2, $0x9  }
0x125: {  	[dreg:$0x1c] =	wrdreg s2;
	s2 =	sshrl.u32 s2, $0x3  }
0x126: {  	s12 =	simm.s32 $0x1A680;
	s15 =	sld [smem:$0x7FB];
	s2 =	sadd.s32 s1, s2  }
0x127: {  	[tilespmem:s12], [sflag:$0x1] =	stream.linear.gather [hbm4b:s2+s0], $0x80, $0x38;
	[tilespmem:$0x1B400] =	vst v63  }
0x128: {  	(v2sf) =	vpush v16, $0x0;
	s14 =	simm.s32 $0x1AA80;
	s19 =	sld [smem:$0x7FC];
	s13 =	sadd.s32 $0x10, s2  }
0x129: {  	[tilespmem:s14], [sflag:$0x1] =	stream.linear.gather [hbm4b:s13+s0], $0x80, $0x38;
	[tilespmem:$0x1B400] =	vst v63  }
0x12a: {  	s18 =	simm.s32 $0x1AE80;
	s4 =	sadd.s32 s4, s15;
	s17 =	sadd.s32 $0x20, s2  }
0x12b: {  	[tilespmem:s18], [sflag:$0x1] =	stream.linear.gather [hbm4b:s17+s0], $0x80, $0x38;
	[tilespmem:$0x1B400] =	vst v63  }
0x12c: {  	s20 =	simm.s32 $0x1B280;
	s4 =	sadd.s32 s4, s19;
	s2 =	sadd.s32 $0x30, s2  }
0x12d: {  	[tilespmem:s20], [sflag:$0x1] =	stream.linear.gather [hbm4b:s2+s0], $0x80, $0x38;
	[tilespmem:$0x1B400] =	vst v63  }
0x12e: {  	s2 =	sadd.s32 $0xFFFFFFFF, s4  }
0x12f: {  	p0 =	sgt.s32 s2, $0x0  }
0x130: {  	s2 =	simm.s32 @!p0 $0x0  }
0x131: {  	s2 =	sshll.u32 s2, $0x9  }
0x132: {  	[dreg:$0x19] =	wrdreg s2;
	s2 =	sshrl.u32 s2, $0x3  }
0x133: {  	s21 =	simm.s32 $0x1A700;
	s26 =	sld [smem:$0x7FD];
	s2 =	sadd.s32 s1, s2  }
0x134: {  	[tilespmem:s21], [sflag:$0x1] =	stream.linear.gather [hbm4b:s2+s0], $0x80, $0x38;
	[tilespmem:$0x1B400] =	vst v63  }
0x135: {  	s31 =	simm.s32 $0x1AF00;
	s23 =	simm.s32 $0x1AB00;
	s22 =	sadd.s32 $0x10, s2  }
0x136: {  	[tilespmem:s23], [sflag:$0x1] =	stream.linear.gather [hbm4b:s22+s0], $0x80, $0x38;
	[tilespmem:$0x1B400] =	vst v63  }
0x137: {  	s29 =	spop (v2sf);
	s4 =	sadd.s32 s5, s26;
	s30 =	sadd.s32 $0x20, s2  }
0x138: {  	[tilespmem:s31], [sflag:$0x1] =	stream.linear.gather [hbm4b:s30+s0], $0x80, $0x38;
	[tilespmem:$0x1B400] =	vst v63  }
0x139: {  	s8 =	simm.s32 $0x1B300;
	s4 =	sadd.s32 s4, s29;
	s2 =	sadd.s32 $0x30, s2  }
0x13a: {  	[tilespmem:s8], [sflag:$0x1] =	stream.linear.gather [hbm4b:s2+s0], $0x80, $0x38;
	[tilespmem:$0x1B400] =	vst v63  }
0x13b: {  	s2 =	sadd.s32 $0xFFFFFFFF, s4  }
0x13c: {  	p0 =	sgt.s32 s2, $0x0  }
0x13d: {  	s2 =	simm.s32 @!p0 $0x0  }
0x13e: {  	s2 =	sshll.u32 s2, $0x9  }
0x13f: {  	[dreg:$0x1a] =	wrdreg s2;
	s2 =	sshrl.u32 s2, $0x3  }
0x140: {  	s9 =	simm.s32 $0x1A780;
	s2 =	sadd.s32 s1, s2  }
0x141: {  	[tilespmem:s9], [sflag:$0x1] =	stream.linear.gather [hbm4b:s2+s0], $0x80, $0x38;
	[tilespmem:$0x1B400] =	vst v63  }
0x142: {  	s11 =	simm.s32 $0x1AB80;
	s10 =	sadd.s32 $0x10, s2  }
0x143: {  	[tilespmem:s11], [sflag:$0x1] =	stream.linear.gather [hbm4b:s10+s0], $0x80, $0x38;
	[tilespmem:$0x1B400] =	vst v63  }
0x144: {  	s13 =	simm.s32 $0x1AF80;
	s12 =	sadd.s32 $0x20, s2  }
0x145: {  	[tilespmem:s13], [sflag:$0x1] =	stream.linear.gather [hbm4b:s12+s0], $0x80, $0x38;
	[tilespmem:$0x1B400] =	vst v63  }
0x146: {  	s15 =	simm.s32 $0x1;
	s14 =	simm.s32 $0x1B380;
	s2 =	sadd.s32 $0x30, s2  }
0x147: {  	[tilespmem:s14], [sflag:$0x1] =	stream.linear.gather [hbm4b:s2+s0], $0x80, $0x38;
	[tilespmem:$0x1B400] =	vst v63  }
0x148: {  	_ =	swait.ge [sflag:s15], $0x200  }
0x149: {  	[sflag:s15] =	ssyncset.done $0x0  }
0x14a: {  	[sflag:s15] =	ssyncadd.s32 $0xFFFFFE00  }
0x14b: {  	_ =	swait.ge [sflag:s15], $0x200  }
0x14c: {  	[sflag:s15] =	ssyncset.done $0x0  }
0x14d: {  	[sflag:s15] =	ssyncadd.s32 $0xFFFFFE00  }
0x14e: {  	_ =	swait.ge [sflag:s15], $0x200  }
0x14f: {  	[sflag:s15] =	ssyncset.done $0x0  }
0x150: {  	[sflag:s15] =	ssyncadd.s32 $0xFFFFFE00  }
0x151: {  	_ =	swait.ge [sflag:s15], $0x200  }
0x152: {  	[sflag:s15] =	ssyncset.done $0x0  }
0x153: {  	[sflag:s15] =	ssyncadd.s32 $0xFFFFFE00  }
0x154: {  	_ =	swait.ge [sflag:s15], $0x200  }
0x155: {  	[sflag:s15] =	ssyncset.done $0x0  }
0x156: {  	[sflag:s15] =	ssyncadd.s32 $0xFFFFFE00  }
0x157: {  	_ =	swait.ge [sflag:s15], $0x200  }
0x158: {  	[sflag:s15] =	ssyncset.done $0x0  }
0x159: {  	[sflag:s15] =	ssyncadd.s32 $0xFFFFFE00  }
0x15a: {  	_ =	swait.ge [sflag:s15], $0x200  }
0x15b: {  	[sflag:s15] =	ssyncset.done $0x0  }
0x15c: {  	[sflag:s15] =	ssyncadd.s32 $0xFFFFFE00  }
0x15d: {  	_ =	swait.ge [sflag:s15], $0x200  }
0x15e: {  	[sflag:s15] =	ssyncset.done $0x0  }
0x15f: {  	[sflag:s15] =	ssyncadd.s32 $0xFFFFFE00  }
0x160: {  	_ =	swait.ge [sflag:s15], $0x200  }
0x161: {  	[sflag:s15] =	ssyncset.done $0x0  }
0x162: {  	[sflag:s15] =	ssyncadd.s32 $0xFFFFFE00  }
0x163: {  	_ =	swait.ge [sflag:s15], $0x200  }
0x164: {  	[sflag:s15] =	ssyncset.done $0x0  }
0x165: {  	[sflag:s15] =	ssyncadd.s32 $0xFFFFFE00  }
0x166: {  	_ =	swait.ge [sflag:s15], $0x200  }
0x167: {  	[sflag:s15] =	ssyncset.done $0x0  }
0x168: {  	[sflag:s15] =	ssyncadd.s32 $0xFFFFFE00  }
0x169: {  	_ =	swait.ge [sflag:s15], $0x200  }
0x16a: {  	[sflag:s15] =	ssyncset.done $0x0  }
0x16b: {  	[sflag:s15] =	ssyncadd.s32 $0xFFFFFE00  }
0x16c: {  	_ =	swait.ge [sflag:s15], $0x200  }
0x16d: {  	[sflag:s15] =	ssyncset.done $0x0  }
0x16e: {  	[sflag:s15] =	ssyncadd.s32 $0xFFFFFE00  }
0x16f: {  	_ =	swait.ge [sflag:s15], $0x200  }
0x170: {  	[sflag:s15] =	ssyncset.done $0x0  }
0x171: {  	[sflag:s15] =	ssyncadd.s32 $0xFFFFFE00  }
0x172: {  	_ =	swait.ge [sflag:s15], $0x200  }
0x173: {  	[sflag:s15] =	ssyncset.done $0x0  }
0x174: {  	[sflag:s15] =	ssyncadd.s32 $0xFFFFFE00  }
0x175: {  	s19 =	simm.s32 $0x10;
	s17 =	sand.u32 $0x70, s0;
	_ =	swait.ge [sflag:s15], $0x200  }
0x176: {  	s18 =	sand.u32 $0xC00, s0;
	s20 =	sand.u32 $0x70, s19;
	[sflag:s15] =	ssyncset.done $0x0  }
0x177: {  	s21 =	simm.s32 $0x80;
	s4 =	sor.u32 s17, s18;
	[sflag:s15] =	ssyncadd.s32 $0xFFFFFE00  }
0x178: {  	s5 =	sand.u32 $0xC00, s21;
	s22 =	simm.s32 $0x20;
	s23 =	simm.s32 $0x100;
	v16 =	vld [tilespmem:s4+$0x19400]  }
0x179: {  	s6 =	sor.u32 s20, s5;
	s26 =	sand.u32 $0x70, s22;
	s29 =	sand.u32 $0xC00, s23  }
0x17a: {  	s7 =	sor.u32 s26, s29;
	v17 =	vld [tilespmem:s6+$0x19400]  }
0x17b: {  	v18 =	vld [tilespmem:s7+$0x19400];
	_ =	sdelay $0x1  }
0x17c: {  	vm13 =	vlt.s32 v16, v0  }
0x17d: {  	v16 =	vmpcnt.ones.xlane vm13  }
0x17e: {  	vm14 =	vlt.s32 v17, v0  }
0x17f: {  	vm15 =	vlt.s32 v18, v0;
	v17 =	vmpcnt.ones.xlane vm14;
	(v2sf) =	vpush v16, $0x0  }
0x180: {  	v18 =	vmpcnt.ones.xlane vm15  }
0x181: {  	(v2sf) =	vpush v17, $0x0  }
0x182: {  	(v2sf) =	vpush v18, $0x0;
	_ =	sdelay $0x3  }
0x183: {  	s30 =	simm.s32 $0x30;
	s9 =	simm.s32 $0x180  }
0x184: {  	s5 =	sand.u32 $0x70, s30;
	s31 =	sand.u32 $0xC00, s9  }
0x185: {  	s2 =	sor.u32 s5, s31  }
0x186: {  	v16 =	vld [tilespmem:s2+$0x19400];
	_ =	sdelay $0x1  }
0x187: {  	s8 =	simm.s32 $0x0;
	s10 =	simm.s32 $0x40  }
.LBB2_4:
0x188: {  	s2 =	sand.u32 $0x70, s10;
	s9 =	sadd.s32 $0x80, s9;
	p0 =	sne.s32 s10, $0x1F0  }
.Ltmp3:
0x189: {  	s10 =	sadd.s32 $0x10, s10;
	s11 =	sand.u32 $0xC00, s9;
	(pc) =	sbr.rel @p0 .LBB2_4-.Ltmp3, $3  }
0x18a: {  	s2 =	sor.u32 s2, s11;
	vm0 =	vlt.s32 v16, v0;
	s11 =	spop (v2sf)  }
0x18b: {  	v16 =	vld [tilespmem:s2+$0x19400];
	v17 =	vmpcnt.ones.xlane vm0;
	s8 =	sadd.s32 s8, s11;
	_ =	sdelay $0x1  }
0x18c: {  	(v2sf) =	vpush v17, $0x0  }
0x18d: {  	_ =	sdelay $0x1  }
0x18e: {  	vm0 =	vlt.s32 v16, v0  }
0x18f: {  	v16 =	vmpcnt.ones.xlane vm0;
	_ =	sdelay $0x1  }
0x190: {  	(v2sf) =	vpush v16, $0x0;
	v16 =	vld [tilespmem:s4+$0x19480];
	_ =	sdelay $0x1  }
0x191: {  	v17 =	vld [tilespmem:s6+$0x19480]  }
0x192: {  	v18 =	vld [tilespmem:s7+$0x19480];
	_ =	sdelay $0x1  }
0x193: {  	vm13 =	vlt.s32 v16, v1  }
0x194: {  	v16 =	vmpcnt.ones.xlane vm13  }
0x195: {  	s2 =	spop (v2sf);
	vm14 =	vlt.s32 v17, v1  }
0x196: {  	s26 =	spop (v2sf);
	vm15 =	vlt.s32 v18, v1;
	v17 =	vmpcnt.ones.xlane vm14;
	(v2sf) =	vpush v16, $0x0  }
0x197: {  	v18 =	vmpcnt.ones.xlane vm15  }
0x198: {  	(v2sf) =	vpush v17, $0x0  }
0x199: {  	s29 =	spop (v2sf);
	(v2sf) =	vpush v18, $0x0;
	_ =	sdelay $0x3  }
0x19a: {  	s4 =	simm.s32 $0x180  }
0x19b: {  	s30 =	sand.u32 $0xC00, s4  }
0x19c: {  	s2 =	sadd.s32 s8, s2;
	s7 =	sor.u32 s5, s30  }
0x19d: {  	s2 =	sadd.s32 s2, s26;
	v16 =	vld [tilespmem:s7+$0x19480]  }
0x19e: {  	s2 =	sadd.s32 s2, s29;
	s31 =	spop (v2sf)  }
0x19f: {  	s5 =	simm.s32 $0x40;
	s9 =	sadd.s32 s2, s31  }
.LBB2_6:
0x1a0: {  	s2 =	sand.u32 $0x70, s5;
	s4 =	sadd.s32 $0x80, s4;
	p0 =	sne.s32 s5, $0x1F0  }
.Ltmp4:
0x1a1: {  	s5 =	sadd.s32 $0x10, s5;
	s6 =	sand.u32 $0xC00, s4;
	(pc) =	sbr.rel @p0 .LBB2_6-.Ltmp4, $3  }
0x1a2: {  	s2 =	sor.u32 s2, s6;
	vm0 =	vlt.s32 v16, v1;
	s6 =	spop (v2sf)  }
0x1a3: {  	v16 =	vld [tilespmem:s2+$0x19480];
	v17 =	vmpcnt.ones.xlane vm0;
	s0 =	sadd.s32 s0, s6;
	_ =	sdelay $0x1  }
0x1a4: {  	(v2sf) =	vpush v17, $0x0  }
0x1a5: {  	_ =	sdelay $0x1  }
0x1a6: {  	s5 =	simm.s32 $0x0;
	vm0 =	vlt.s32 v16, v1  }
0x1a7: {  	s7 =	simm.s32 $0x10;
	s2 =	sand.u32 $0x70, s5;
	s4 =	sand.u32 $0xC00, s5;
	v16 =	vmpcnt.ones.xlane vm0  }
0x1a8: {  	s19 =	simm.s32 $0x80;
	s8 =	simm.s32 $0x20;
	s6 =	sor.u32 s2, s4  }
0x1a9: {  	s10 =	simm.s32 $0x100;
	s18 =	sand.u32 $0x70, s7;
	s4 =	sand.u32 $0xC00, s19;
	(v2sf) =	vpush v16, $0x0;
	v16 =	vld [tilespmem:s6+$0x19500]  }
0x1aa: {  	s20 =	sand.u32 $0x70, s8;
	s21 =	sand.u32 $0xC00, s10;
	s7 =	sor.u32 s18, s4  }
0x1ab: {  	s8 =	sor.u32 s20, s21;
	v17 =	vld [tilespmem:s7+$0x19500]  }
0x1ac: {  	v18 =	vld [tilespmem:s8+$0x19500];
	_ =	sdelay $0x1  }
0x1ad: {  	vm13 =	vlt.s32 v16, v2  }
0x1ae: {  	v16 =	vmpcnt.ones.xlane vm13  }
0x1af: {  	vm14 =	vlt.s32 v17, v2  }
0x1b0: {  	s22 =	spop (v2sf);
	vm15 =	vlt.s32 v18, v2;
	v17 =	vmpcnt.ones.xlane vm14;
	(v2sf) =	vpush v16, $0x0  }
0x1b1: {  	v18 =	vmpcnt.ones.xlane vm15  }
0x1b2: {  	s23 =	spop (v2sf);
	(v2sf) =	vpush v17, $0x0  }
0x1b3: {  	s29 =	spop (v2sf);
	(v2sf) =	vpush v18, $0x0;
	_ =	sdelay $0x3  }
0x1b4: {  	s26 =	simm.s32 $0x30;
	s0 =	sadd.s32 s0, s22;
	s10 =	simm.s32 $0x180  }
0x1b5: {  	s2 =	sadd.s32 s0, s23;
	s0 =	sand.u32 $0x70, s26;
	s11 =	sand.u32 $0xC00, s10  }
0x1b6: {  	s11 =	sor.u32 s0, s11  }
0x1b7: {  	v16 =	vld [tilespmem:s11+$0x19500]  }
0x1b8: {  	s12 =	simm.s32 $0x40;
	s2 =	sadd.s32 s2, s29;
	s30 =	spop (v2sf)  }
0x1b9: {  	s31 =	simm.s32 $0x2;
	s11 =	simm.s32 $0x0;
	s4 =	sadd.s32 s2, s30  }
.LBB2_8:
0x1ba: {  	s2 =	sand.u32 $0x70, s12;
	s10 =	sadd.s32 $0x80, s10;
	p0 =	sne.s32 s12, $0x1F0  }
.Ltmp5:
0x1bb: {  	s12 =	sadd.s32 $0x10, s12;
	s13 =	sand.u32 $0xC00, s10;
	(pc) =	sbr.rel @p0 .LBB2_8-.Ltmp5, $3  }
0x1bc: {  	s2 =	sor.u32 s2, s13;
	vm0 =	vlt.s32 v16, v2;
	s13 =	spop (v2sf)  }
0x1bd: {  	v16 =	vld [tilespmem:s2+$0x19500];
	v17 =	vmpcnt.ones.xlane vm0;
	s11 =	sadd.s32 s11, s13;
	_ =	sdelay $0x1  }
0x1be: {  	(v2sf) =	vpush v17, $0x0  }
0x1bf: {  	_ =	sdelay $0x1  }
0x1c0: {  	vm0 =	vlt.s32 v16, v2  }
0x1c1: {  	v16 =	vmpcnt.ones.xlane vm0;
	_ =	sdelay $0x1  }
0x1c2: {  	(v2sf) =	vpush v16, $0x0;
	v16 =	vld [tilespmem:s6+$0x19580];
	_ =	sdelay $0x1  }
0x1c3: {  	v17 =	vld [tilespmem:s7+$0x19580]  }
0x1c4: {  	v18 =	vld [tilespmem:s8+$0x19580];
	_ =	sdelay $0x1  }
0x1c5: {  	vm13 =	vlt.s32 v16, v3  }
0x1c6: {  	v16 =	vmpcnt.ones.xlane vm13  }
0x1c7: {  	vm14 =	vlt.s32 v17, v3  }
0x1c8: {  	s2 =	spop (v2sf);
	vm15 =	vlt.s32 v18, v3;
	v17 =	vmpcnt.ones.xlane vm14;
	(v2sf) =	vpush v16, $0x0  }
0x1c9: {  	v18 =	vmpcnt.ones.xlane vm15  }
0x1ca: {  	s23 =	spop (v2sf);
	(v2sf) =	vpush v17, $0x0  }
0x1cb: {  	s26 =	spop (v2sf);
	(v2sf) =	vpush v18, $0x0;
	_ =	sdelay $0x3  }
0x1cc: {  	s6 =	simm.s32 $0x180  }
0x1cd: {  	s29 =	sand.u32 $0xC00, s6  }
0x1ce: {  	s2 =	sadd.s32 s11, s2;
	s8 =	sor.u32 s0, s29  }
0x1cf: {  	s2 =	sadd.s32 s2, s23;
	v16 =	vld [tilespmem:s8+$0x19580]  }
0x1d0: {  	s2 =	sadd.s32 s2, s26;
	s30 =	spop (v2sf)  }
0x1d1: {  	s0 =	simm.s32 $0x40;
	s13 =	sadd.s32 s2, s30  }
.LBB2_10:
0x1d2: {  	s2 =	sand.u32 $0x70, s0;
	s6 =	sadd.s32 $0x80, s6;
	p0 =	sne.s32 s0, $0x1F0  }
.Ltmp6:
0x1d3: {  	s0 =	sadd.s32 $0x10, s0;
	s7 =	sand.u32 $0xC00, s6;
	(pc) =	sbr.rel @p0 .LBB2_10-.Ltmp6, $3  }
0x1d4: {  	s2 =	sor.u32 s2, s7;
	vm0 =	vlt.s32 v16, v3;
	s7 =	spop (v2sf)  }
0x1d5: {  	v16 =	vld [tilespmem:s2+$0x19580];
	v17 =	vmpcnt.ones.xlane vm0;
	s5 =	sadd.s32 s5, s7;
	_ =	sdelay $0x1  }
0x1d6: {  	(v2sf) =	vpush v17, $0x0  }
0x1d7: {  	_ =	sdelay $0x1  }
0x1d8: {  	s0 =	simm.s32 $0x0;
	vm0 =	vlt.s32 v16, v3  }
0x1d9: {  	s7 =	simm.s32 $0x10;
	s2 =	sand.u32 $0x70, s0;
	s6 =	sand.u32 $0xC00, s0;
	v16 =	vmpcnt.ones.xlane vm0  }
0x1da: {  	s20 =	simm.s32 $0x80;
	s8 =	simm.s32 $0x20;
	s6 =	sor.u32 s2, s6  }
0x1db: {  	s10 =	simm.s32 $0x100;
	s19 =	sand.u32 $0x70, s7;
	s7 =	sand.u32 $0xC00, s20;
	(v2sf) =	vpush v16, $0x0;
	v16 =	vld [tilespmem:s6+$0x19600]  }
0x1dc: {  	s21 =	sand.u32 $0x70, s8;
	s22 =	sand.u32 $0xC00, s10;
	s7 =	sor.u32 s19, s7  }
0x1dd: {  	s8 =	sor.u32 s21, s22;
	v17 =	vld [tilespmem:s7+$0x19600]  }
0x1de: {  	v18 =	vld [tilespmem:s8+$0x19600];
	_ =	sdelay $0x1  }
0x1df: {  	vm13 =	vlt.s32 v16, v4  }
0x1e0: {  	v16 =	vmpcnt.ones.xlane vm13  }
0x1e1: {  	vm14 =	vlt.s32 v17, v4  }
0x1e2: {  	s23 =	spop (v2sf);
	vm15 =	vlt.s32 v18, v4;
	v17 =	vmpcnt.ones.xlane vm14;
	(v2sf) =	vpush v16, $0x0  }
0x1e3: {  	v18 =	vmpcnt.ones.xlane vm15  }
0x1e4: {  	s26 =	spop (v2sf);
	(v2sf) =	vpush v17, $0x0  }
0x1e5: {  	s11 =	spop (v2sf);
	(v2sf) =	vpush v18, $0x0;
	_ =	sdelay $0x3  }
0x1e6: {  	s29 =	simm.s32 $0x30;
	s10 =	simm.s32 $0x180  }
0x1e7: {  	s2 =	sadd.s32 s5, s23;
	s5 =	sand.u32 $0x70, s29;
	s12 =	sand.u32 $0xC00, s10  }
0x1e8: {  	s14 =	sor.u32 s5, s12  }
0x1e9: {  	s2 =	sadd.s32 s2, s26;
	v16 =	vld [tilespmem:s14+$0x19600]  }
0x1ea: {  	s2 =	sadd.s32 s2, s11;
	s30 =	spop (v2sf)  }
0x1eb: {  	s12 =	simm.s32 $0x40;
	s11 =	simm.s32 $0x0;
	s17 =	sadd.s32 s2, s30  }
.LBB2_12:
0x1ec: {  	s2 =	sand.u32 $0x70, s12;
	s10 =	sadd.s32 $0x80, s10;
	p0 =	sne.s32 s12, $0x1F0  }
.Ltmp7:
0x1ed: {  	s12 =	sadd.s32 $0x10, s12;
	s14 =	sand.u32 $0xC00, s10;
	(pc) =	sbr.rel @p0 .LBB2_12-.Ltmp7, $3  }
0x1ee: {  	s2 =	sor.u32 s2, s14;
	vm0 =	vlt.s32 v16, v4;
	s14 =	spop (v2sf)  }
0x1ef: {  	v16 =	vld [tilespmem:s2+$0x19600];
	v17 =	vmpcnt.ones.xlane vm0;
	s11 =	sadd.s32 s11, s14;
	_ =	sdelay $0x1  }
0x1f0: {  	(v2sf) =	vpush v17, $0x0  }
0x1f1: {  	_ =	sdelay $0x1  }
0x1f2: {  	vm0 =	vlt.s32 v16, v4  }
0x1f3: {  	v16 =	vmpcnt.ones.xlane vm0;
	_ =	sdelay $0x1  }
0x1f4: {  	(v2sf) =	vpush v16, $0x0;
	v16 =	vld [tilespmem:s6+$0x19680];
	_ =	sdelay $0x1  }
0x1f5: {  	v17 =	vld [tilespmem:s7+$0x19680]  }
0x1f6: {  	v18 =	vld [tilespmem:s8+$0x19680];
	_ =	sdelay $0x1  }
0x1f7: {  	vm13 =	vlt.s32 v16, v5  }
0x1f8: {  	v16 =	vmpcnt.ones.xlane vm13  }
0x1f9: {  	vm14 =	vlt.s32 v17, v5  }
0x1fa: {  	s2 =	spop (v2sf);
	vm15 =	vlt.s32 v18, v5;
	v17 =	vmpcnt.ones.xlane vm14;
	(v2sf) =	vpush v16, $0x0  }
0x1fb: {  	v18 =	vmpcnt.ones.xlane vm15  }
0x1fc: {  	s23 =	spop (v2sf);
	(v2sf) =	vpush v17, $0x0  }
0x1fd: {  	s26 =	spop (v2sf);
	(v2sf) =	vpush v18, $0x0;
	_ =	sdelay $0x3  }
0x1fe: {  	s6 =	simm.s32 $0x180  }
0x1ff: {  	s29 =	sand.u32 $0xC00, s6  }
0x200: {  	s2 =	sadd.s32 s11, s2;
	s8 =	sor.u32 s5, s29  }
0x201: {  	s2 =	sadd.s32 s2, s23;
	v16 =	vld [tilespmem:s8+$0x19680]  }
0x202: {  	s2 =	sadd.s32 s2, s26;
	s30 =	spop (v2sf)  }
0x203: {  	s5 =	simm.s32 $0x40;
	s11 =	sadd.s32 s2, s30  }
.LBB2_14:
0x204: {  	s2 =	sand.u32 $0x70, s5;
	s6 =	sadd.s32 $0x80, s6;
	p0 =	sne.s32 s5, $0x1F0  }
.Ltmp8:
0x205: {  	s5 =	sadd.s32 $0x10, s5;
	s7 =	sand.u32 $0xC00, s6;
	(pc) =	sbr.rel @p0 .LBB2_14-.Ltmp8, $3  }
0x206: {  	s2 =	sor.u32 s2, s7;
	vm0 =	vlt.s32 v16, v5;
	s7 =	spop (v2sf)  }
0x207: {  	v16 =	vld [tilespmem:s2+$0x19680];
	v17 =	vmpcnt.ones.xlane vm0;
	s0 =	sadd.s32 s0, s7;
	_ =	sdelay $0x1  }
0x208: {  	(v2sf) =	vpush v17, $0x0  }
0x209: {  	_ =	sdelay $0x1  }
0x20a: {  	s5 =	simm.s32 $0x0;
	vm0 =	vlt.s32 v16, v5  }
0x20b: {  	s6 =	simm.s32 $0x10;
	s2 =	sand.u32 $0x70, s5;
	s7 =	sand.u32 $0xC00, s5;
	v16 =	vmpcnt.ones.xlane vm0  }
0x20c: {  	s8 =	simm.s32 $0x80;
	s10 =	simm.s32 $0x100;
	s2 =	sor.u32 s2, s7  }
0x20d: {  	s12 =	sand.u32 $0x70, s6;
	s14 =	sand.u32 $0xC00, s8;
	s7 =	simm.s32 $0x20;
	(v2sf) =	vpush v16, $0x0;
	v16 =	vld [tilespmem:s2+$0x19700]  }
0x20e: {  	s21 =	sand.u32 $0xC00, s10;
	s19 =	sor.u32 s12, s14;
	s20 =	sand.u32 $0x70, s7  }
0x20f: {  	v17 =	vld [tilespmem:s19+$0x19700];
	s22 =	sor.u32 s20, s21  }
0x210: {  	v18 =	vld [tilespmem:s22+$0x19700];
	_ =	sdelay $0x1  }
0x211: {  	vm13 =	vlt.s32 v16, v6  }
0x212: {  	v16 =	vmpcnt.ones.xlane vm13  }
0x213: {  	vm14 =	vlt.s32 v17, v6  }
0x214: {  	s23 =	spop (v2sf);
	v17 =	vmpcnt.ones.xlane vm14;
	vm15 =	vlt.s32 v18, v6;
	(v2sf) =	vpush v16, $0x0  }
0x215: {  	v18 =	vmpcnt.ones.xlane vm15  }
0x216: {  	s26 =	spop (v2sf);
	(v2sf) =	vpush v17, $0x0  }
0x217: {  	s29 =	spop (v2sf);
	(v2sf) =	vpush v18, $0x0;
	_ =	sdelay $0x2  }
0x218: {  	s0 =	sadd.s32 s0, s23  }
0x219: {  	s14 =	simm.s32 $0x180;
	s2 =	sadd.s32 s0, s26;
	s0 =	simm.s32 $0x30  }
0x21a: {  	s18 =	sand.u32 $0xC00, s14;
	s15 =	sand.u32 $0x70, s0  }
0x21b: {  	s19 =	sor.u32 s15, s18  }
0x21c: {  	v16 =	vld [tilespmem:s19+$0x19700]  }
0x21d: {  	s2 =	sadd.s32 s2, s29;
	s30 =	spop (v2sf)  }
0x21e: {  	s12 =	simm.s32 $0x0;
	s18 =	simm.s32 $0x40;
	s15 =	sadd.s32 s2, s30  }
.LBB2_16:
0x21f: {  	s2 =	sand.u32 $0x70, s18;
	s14 =	sadd.s32 $0x80, s14;
	p0 =	sne.s32 s18, $0x1F0  }
.Ltmp9:
0x220: {  	s18 =	sadd.s32 $0x10, s18;
	s19 =	sand.u32 $0xC00, s14;
	(pc) =	sbr.rel @p0 .LBB2_16-.Ltmp9, $3  }
0x221: {  	s2 =	sor.u32 s2, s19;
	vm0 =	vlt.s32 v16, v6;
	s19 =	spop (v2sf)  }
0x222: {  	v16 =	vld [tilespmem:s2+$0x19700];
	v17 =	vmpcnt.ones.xlane vm0;
	s12 =	sadd.s32 s12, s19;
	_ =	sdelay $0x1  }
0x223: {  	(v2sf) =	vpush v17, $0x0  }
0x224: {  	_ =	sdelay $0x1  }
0x225: {  	vm0 =	vlt.s32 v16, v6  }
0x226: {  	s2 =	sor.u32 s5, s5;
	v16 =	vmpcnt.ones.xlane vm0  }
0x227: {  	s2 =	sor.u32 $0x380, s2  }
0x228: {  	(v2sf) =	vpush v16, $0x0;
	v16 =	vld [tilespmem:s2+$0x19400]  }
0x229: {  	s6 =	sor.u32 s8, s6  }
0x22a: {  	s20 =	sor.u32 s10, s7;
	s19 =	sor.u32 $0x380, s6  }
0x22b: {  	s21 =	sor.u32 $0x380, s20;
	v17 =	vld [tilespmem:s19+$0x19400]  }
0x22c: {  	v18 =	vld [tilespmem:s21+$0x19400]  }
0x22d: {  	vm13 =	vlt.s32 v16, v7  }
0x22e: {  	v16 =	vmpcnt.ones.xlane vm13;
	_ =	sdelay $0x1  }
0x22f: {  	s22 =	spop (v2sf);
	vm14 =	vlt.s32 v17, v7;
	(v2sf) =	vpush v16, $0x0  }
0x230: {  	vm15 =	vlt.s32 v18, v7;
	v17 =	vmpcnt.ones.xlane vm14  }
0x231: {  	v18 =	vmpcnt.ones.xlane vm15  }
0x232: {  	s23 =	spop (v2sf);
	(v2sf) =	vpush v17, $0x0  }
0x233: {  	s29 =	spop (v2sf);
	(v2sf) =	vpush v18, $0x0;
	_ =	sdelay $0x2  }
0x234: {  	s26 =	simm.s32 $0x180  }
0x235: {  	s0 =	sor.u32 s26, s0  }
0x236: {  	s7 =	sor.u32 $0x380, s0  }
0x237: {  	s2 =	sadd.s32 s12, s22;
	v16 =	vld [tilespmem:s7+$0x19400]  }
0x238: {  	s2 =	sadd.s32 s2, s23  }
0x239: {  	s2 =	sadd.s32 s2, s29;
	s30 =	spop (v2sf)  }
0x23a: {  	s6 =	simm.s32 $0x40;
	s7 =	simm.s32 $0x200;
	s0 =	sadd.s32 s2, s30  }
.LBB2_18:
0x23b: {  	s2 =	sor.u32 s7, s6;
	p0 =	sne.s32 s6, $0x1F0;
	s6 =	sadd.s32 $0x10, s6  }
.Ltmp10:
0x23c: {  	s2 =	sor.u32 $0x380, s2;
	vm0 =	vlt.s32 v16, v7;
	s8 =	spop (v2sf);
	(pc) =	sbr.rel @p0 .LBB2_18-.Ltmp10, $3  }
0x23d: {  	v16 =	vld [tilespmem:s2+$0x19400];
	v17 =	vmpcnt.ones.xlane vm0;
	s5 =	sadd.s32 s5, s8;
	_ =	sdelay $0x1  }
0x23e: {  	(v2sf) =	vpush v17, $0x0  }
0x23f: {  	s7 =	sadd.s32 $0x80, s7  }
0x240: {  	_ = 	snop  }
0x241: {  	s6 =	simm.s32 $0x0;
	vm0 =	vlt.s32 v16, v7  }
0x242: {  	s8 =	simm.s32 $0x10;
	s2 =	sand.u32 $0x70, s6;
	s7 =	sand.u32 $0xC00, s6;
	v16 =	vmpcnt.ones.xlane vm0  }
0x243: {  	s20 =	simm.s32 $0x80;
	s10 =	simm.s32 $0x20;
	s7 =	sor.u32 s2, s7  }
0x244: {  	s12 =	simm.s32 $0x100;
	s19 =	sand.u32 $0x70, s8;
	s8 =	sand.u32 $0xC00, s20;
	(v2sf) =	vpush v16, $0x0;
	v16 =	vld [tilespmem:s7+$0x1A400]  }
0x245: {  	s21 =	sand.u32 $0x70, s10;
	s22 =	sand.u32 $0xC00, s12;
	s8 =	sor.u32 s19, s8  }
0x246: {  	s10 =	sor.u32 s21, s22;
	v17 =	vld [tilespmem:s8+$0x1A400]  }
0x247: {  	v18 =	vld [tilespmem:s10+$0x1A400];
	_ =	sdelay $0x1  }
0x248: {  	vm13 =	vlt.s32 v16, v8  }
0x249: {  	v16 =	vmpcnt.ones.xlane vm13  }
0x24a: {  	vm14 =	vlt.s32 v17, v8  }
0x24b: {  	s23 =	spop (v2sf);
	vm15 =	vlt.s32 v18, v8;
	v17 =	vmpcnt.ones.xlane vm14;
	(v2sf) =	vpush v16, $0x0  }
0x24c: {  	v18 =	vmpcnt.ones.xlane vm15  }
0x24d: {  	s26 =	spop (v2sf);
	(v2sf) =	vpush v17, $0x0  }
0x24e: {  	s14 =	spop (v2sf);
	(v2sf) =	vpush v18, $0x0;
	_ =	sdelay $0x3  }
0x24f: {  	s29 =	simm.s32 $0x30;
	s12 =	simm.s32 $0x180  }
0x250: {  	s2 =	sadd.s32 s5, s23;
	s5 =	sand.u32 $0x70, s29;
	s18 =	sand.u32 $0xC00, s12  }
0x251: {  	s19 =	sor.u32 s5, s18  }
0x252: {  	s2 =	sadd.s32 s2, s26;
	v16 =	vld [tilespmem:s19+$0x1A400]  }
0x253: {  	s2 =	sadd.s32 s2, s14;
	s30 =	spop (v2sf)  }
0x254: {  	s20 =	simm.s32 $0x0;
	s18 =	simm.s32 $0x40;
	s14 =	sadd.s32 s2, s30  }
.LBB2_20:
0x255: {  	s2 =	sand.u32 $0x70, s18;
	s12 =	sadd.s32 $0x80, s12;
	p0 =	sne.s32 s18, $0x1F0  }
.Ltmp11:
0x256: {  	s18 =	sadd.s32 $0x10, s18;
	s19 =	sand.u32 $0xC00, s12;
	(pc) =	sbr.rel @p0 .LBB2_20-.Ltmp11, $3  }
0x257: {  	s2 =	sor.u32 s2, s19;
	vm0 =	vlt.s32 v16, v8;
	s19 =	spop (v2sf)  }
0x258: {  	v16 =	vld [tilespmem:s2+$0x1A400];
	v17 =	vmpcnt.ones.xlane vm0;
	s20 =	sadd.s32 s20, s19;
	_ =	sdelay $0x1  }
0x259: {  	(v2sf) =	vpush v17, $0x0  }
0x25a: {  	_ =	sdelay $0x1  }
0x25b: {  	vm0 =	vlt.s32 v16, v8  }
0x25c: {  	v16 =	vmpcnt.ones.xlane vm0;
	_ =	sdelay $0x1  }
0x25d: {  	(v2sf) =	vpush v16, $0x0;
	v16 =	vld [tilespmem:s7+$0x1A480];
	_ =	sdelay $0x1  }
0x25e: {  	v17 =	vld [tilespmem:s8+$0x1A480]  }
0x25f: {  	v18 =	vld [tilespmem:s10+$0x1A480];
	_ =	sdelay $0x1  }
0x260: {  	vm13 =	vlt.s32 v16, v9  }
0x261: {  	v16 =	vmpcnt.ones.xlane vm13  }
0x262: {  	vm14 =	vlt.s32 v17, v9  }
0x263: {  	s2 =	spop (v2sf);
	vm15 =	vlt.s32 v18, v9;
	v17 =	vmpcnt.ones.xlane vm14;
	(v2sf) =	vpush v16, $0x0  }
0x264: {  	v18 =	vmpcnt.ones.xlane vm15  }
0x265: {  	s23 =	spop (v2sf);
	(v2sf) =	vpush v17, $0x0  }
0x266: {  	s26 =	spop (v2sf);
	(v2sf) =	vpush v18, $0x0;
	_ =	sdelay $0x3  }
0x267: {  	s7 =	simm.s32 $0x180  }
0x268: {  	s29 =	sand.u32 $0xC00, s7  }
0x269: {  	s2 =	sadd.s32 s20, s2;
	s12 =	sor.u32 s5, s29  }
0x26a: {  	s2 =	sadd.s32 s2, s23;
	v16 =	vld [tilespmem:s12+$0x1A480]  }
0x26b: {  	s2 =	sadd.s32 s2, s26;
	s30 =	spop (v2sf)  }
0x26c: {  	s5 =	simm.s32 $0x40;
	s10 =	sadd.s32 s2, s30  }
.LBB2_22:
0x26d: {  	s2 =	sand.u32 $0x70, s5;
	s7 =	sadd.s32 $0x80, s7;
	p0 =	sne.s32 s5, $0x1F0  }
.Ltmp12:
0x26e: {  	s5 =	sadd.s32 $0x10, s5;
	s8 =	sand.u32 $0xC00, s7;
	(pc) =	sbr.rel @p0 .LBB2_22-.Ltmp12, $3  }
0x26f: {  	s2 =	sor.u32 s2, s8;
	vm0 =	vlt.s32 v16, v9;
	s8 =	spop (v2sf)  }
0x270: {  	v16 =	vld [tilespmem:s2+$0x1A480];
	v17 =	vmpcnt.ones.xlane vm0;
	s6 =	sadd.s32 s6, s8;
	_ =	sdelay $0x1  }
0x271: {  	(v2sf) =	vpush v17, $0x0  }
0x272: {  	_ =	sdelay $0x1  }
0x273: {  	s5 =	simm.s32 $0x0;
	vm0 =	vlt.s32 v16, v9  }
0x274: {  	s8 =	simm.s32 $0x10;
	s2 =	sand.u32 $0x70, s5;
	s7 =	sand.u32 $0xC00, s5;
	v16 =	vmpcnt.ones.xlane vm0  }
0x275: {  	s18 =	simm.s32 $0x80;
	s12 =	simm.s32 $0x20;
	s7 =	sor.u32 s2, s7  }
0x276: {  	s30 =	sand.u32 $0x70, s8;
	s8 =	sand.u32 $0xC00, s18;
	s18 =	simm.s32 $0x100;
	(v2sf) =	vpush v16, $0x0;
	v16 =	vld [tilespmem:s7+$0x1A500]  }
0x277: {  	s19 =	sand.u32 $0x70, s12;
	s8 =	sor.u32 s30, s8;
	s20 =	sand.u32 $0xC00, s18  }
0x278: {  	v17 =	vld [tilespmem:s8+$0x1A500];
	s20 =	sor.u32 s19, s20  }
0x279: {  	v18 =	vld [tilespmem:s20+$0x1A500];
	_ =	sdelay $0x1  }
0x27a: {  	vm13 =	vlt.s32 v16, v10  }
0x27b: {  	v16 =	vmpcnt.ones.xlane vm13  }
0x27c: {  	vm14 =	vlt.s32 v17, v10  }
0x27d: {  	s21 =	spop (v2sf);
	v17 =	vmpcnt.ones.xlane vm14;
	vm15 =	vlt.s32 v18, v10;
	(v2sf) =	vpush v16, $0x0  }
0x27e: {  	v18 =	vmpcnt.ones.xlane vm15  }
0x27f: {  	s22 =	spop (v2sf);
	(v2sf) =	vpush v17, $0x0  }
0x280: {  	s26 =	spop (v2sf);
	(v2sf) =	vpush v18, $0x0;
	_ =	sdelay $0x3  }
0x281: {  	s23 =	simm.s32 $0x30;
	s2 =	sadd.s32 s6, s21;
	s21 =	simm.s32 $0x180  }
0x282: {  	s6 =	sand.u32 $0x70, s23;
	s29 =	sand.u32 $0xC00, s21  }
0x283: {  	s19 =	sor.u32 s6, s29  }
0x284: {  	s2 =	sadd.s32 s2, s22;
	v16 =	vld [tilespmem:s19+$0x1A500]  }
0x285: {  	s2 =	sadd.s32 s2, s26;
	s30 =	spop (v2sf)  }
0x286: {  	s18 =	simm.s32 $0x40;
	s22 =	simm.s32 $0x0;
	s12 =	sadd.s32 s2, s30  }
.LBB2_24:
0x287: {  	s2 =	sand.u32 $0x70, s18;
	s21 =	sadd.s32 $0x80, s21;
	p0 =	sne.s32 s18, $0x1F0  }
.Ltmp13:
0x288: {  	s18 =	sadd.s32 $0x10, s18;
	s19 =	sand.u32 $0xC00, s21;
	(pc) =	sbr.rel @p0 .LBB2_24-.Ltmp13, $3  }
0x289: {  	s2 =	sor.u32 s2, s19;
	vm0 =	vlt.s32 v16, v10;
	s19 =	spop (v2sf)  }
0x28a: {  	v16 =	vld [tilespmem:s2+$0x1A500];
	v17 =	vmpcnt.ones.xlane vm0;
	s22 =	sadd.s32 s22, s19;
	_ =	sdelay $0x1  }
0x28b: {  	(v2sf) =	vpush v17, $0x0  }
0x28c: {  	_ =	sdelay $0x1  }
0x28d: {  	vm0 =	vlt.s32 v16, v10  }
0x28e: {  	v16 =	vmpcnt.ones.xlane vm0;
	_ =	sdelay $0x1  }
0x28f: {  	(v2sf) =	vpush v16, $0x0;
	v16 =	vld [tilespmem:s7+$0x1A580];
	_ =	sdelay $0x1  }
0x290: {  	v17 =	vld [tilespmem:s8+$0x1A580]  }
0x291: {  	v18 =	vld [tilespmem:s20+$0x1A580];
	_ =	sdelay $0x1  }
0x292: {  	vm13 =	vlt.s32 v16, v11  }
0x293: {  	v16 =	vmpcnt.ones.xlane vm13  }
0x294: {  	vm14 =	vlt.s32 v17, v11  }
0x295: {  	s2 =	spop (v2sf);
	vm15 =	vlt.s32 v18, v11;
	v17 =	vmpcnt.ones.xlane vm14;
	(v2sf) =	vpush v16, $0x0  }
0x296: {  	v18 =	vmpcnt.ones.xlane vm15  }
0x297: {  	s26 =	spop (v2sf);
	(v2sf) =	vpush v17, $0x0  }
0x298: {  	s29 =	spop (v2sf);
	(v2sf) =	vpush v18, $0x0;
	_ =	sdelay $0x3  }
0x299: {  	s7 =	simm.s32 $0x180  }
0x29a: {  	s18 =	sand.u32 $0xC00, s7  }
0x29b: {  	s2 =	sadd.s32 s22, s2;
	s18 =	sor.u32 s6, s18  }
0x29c: {  	s2 =	sadd.s32 s2, s26;
	v16 =	vld [tilespmem:s18+$0x1A580]  }
0x29d: {  	s2 =	sadd.s32 s2, s29;
	s30 =	spop (v2sf)  }
0x29e: {  	s6 =	simm.s32 $0x40;
	s8 =	sadd.s32 s2, s30  }
.LBB2_26:
0x29f: {  	s2 =	sand.u32 $0x70, s6;
	s7 =	sadd.s32 $0x80, s7;
	p0 =	sne.s32 s6, $0x1F0  }
.Ltmp14:
0x2a0: {  	s6 =	sadd.s32 $0x10, s6;
	s18 =	sand.u32 $0xC00, s7;
	(pc) =	sbr.rel @p0 .LBB2_26-.Ltmp14, $3  }
0x2a1: {  	s2 =	sor.u32 s2, s18;
	vm0 =	vlt.s32 v16, v11;
	s18 =	spop (v2sf)  }
0x2a2: {  	v16 =	vld [tilespmem:s2+$0x1A580];
	v17 =	vmpcnt.ones.xlane vm0;
	s5 =	sadd.s32 s5, s18;
	_ =	sdelay $0x1  }
0x2a3: {  	(v2sf) =	vpush v17, $0x0  }
0x2a4: {  	_ =	sdelay $0x1  }
0x2a5: {  	s6 =	simm.s32 $0x0;
	vm0 =	vlt.s32 v16, v11  }
0x2a6: {  	s18 =	simm.s32 $0x10;
	s2 =	sand.u32 $0x70, s6;
	s7 =	sand.u32 $0xC00, s6;
	v16 =	vmpcnt.ones.xlane vm0  }
0x2a7: {  	s26 =	simm.s32 $0x80;
	s19 =	simm.s32 $0x20;
	s7 =	sor.u32 s2, s7  }
0x2a8: {  	s21 =	simm.s32 $0x100;
	s23 =	sand.u32 $0x70, s18;
	s18 =	sand.u32 $0xC00, s26;
	(v2sf) =	vpush v16, $0x0;
	v16 =	vld [tilespmem:s7+$0x1A600]  }
0x2a9: {  	s29 =	sand.u32 $0x70, s19;
	s30 =	sand.u32 $0xC00, s21;
	s20 =	sor.u32 s23, s18  }
0x2aa: {  	s21 =	sor.u32 s29, s30;
	v17 =	vld [tilespmem:s20+$0x1A600]  }
0x2ab: {  	v18 =	vld [tilespmem:s21+$0x1A600];
	_ =	sdelay $0x1  }
0x2ac: {  	vm13 =	vlt.s32 v16, v12  }
0x2ad: {  	v16 =	vmpcnt.ones.xlane vm13  }
0x2ae: {  	vm14 =	vlt.s32 v17, v12  }
0x2af: {  	s18 =	spop (v2sf);
	vm15 =	vlt.s32 v18, v12;
	v17 =	vmpcnt.ones.xlane vm14;
	(v2sf) =	vpush v16, $0x0  }
0x2b0: {  	v18 =	vmpcnt.ones.xlane vm15  }
0x2b1: {  	s19 =	spop (v2sf);
	(v2sf) =	vpush v17, $0x0  }
0x2b2: {  	s26 =	spop (v2sf);
	(v2sf) =	vpush v18, $0x0;
	_ =	sdelay $0x3  }
0x2b3: {  	s22 =	simm.s32 $0x30;
	s23 =	simm.s32 $0x180  }
0x2b4: {  	s2 =	sadd.s32 s5, s18;
	s5 =	sand.u32 $0x70, s22;
	s29 =	sand.u32 $0xC00, s23  }
0x2b5: {  	s2 =	sadd.s32 s2, s19;
	s19 =	sor.u32 s5, s29  }
0x2b6: {  	v16 =	vld [tilespmem:s19+$0x1A600]  }
0x2b7: {  	s2 =	sadd.s32 s2, s26;
	s30 =	spop (v2sf)  }
0x2b8: {  	s18 =	simm.s32 $0x40;
	s26 =	simm.s32 $0x0;
	s22 =	sadd.s32 s2, s30  }
.LBB2_28:
0x2b9: {  	s2 =	sand.u32 $0x70, s18;
	s23 =	sadd.s32 $0x80, s23;
	p0 =	sne.s32 s18, $0x1F0  }
.Ltmp15:
0x2ba: {  	s18 =	sadd.s32 $0x10, s18;
	s19 =	sand.u32 $0xC00, s23;
	(pc) =	sbr.rel @p0 .LBB2_28-.Ltmp15, $3  }
0x2bb: {  	s2 =	sor.u32 s2, s19;
	vm0 =	vlt.s32 v16, v12;
	s19 =	spop (v2sf)  }
0x2bc: {  	v16 =	vld [tilespmem:s2+$0x1A600];
	v17 =	vmpcnt.ones.xlane vm0;
	s26 =	sadd.s32 s26, s19;
	_ =	sdelay $0x1  }
0x2bd: {  	(v2sf) =	vpush v17, $0x0  }
0x2be: {  	_ =	sdelay $0x1  }
0x2bf: {  	vm0 =	vlt.s32 v16, v12  }
0x2c0: {  	v16 =	vmpcnt.ones.xlane vm0;
	_ =	sdelay $0x1  }
0x2c1: {  	(v2sf) =	vpush v16, $0x0;
	v16 =	vld [tilespmem:s7+$0x1A680];
	_ =	sdelay $0x1  }
0x2c2: {  	v17 =	vld [tilespmem:s20+$0x1A680]  }
0x2c3: {  	v18 =	vld [tilespmem:s21+$0x1A680];
	_ =	sdelay $0x1  }
0x2c4: {  	vm13 =	vlt.s32 v16, v13  }
0x2c5: {  	v16 =	vmpcnt.ones.xlane vm13  }
0x2c6: {  	vm14 =	vlt.s32 v17, v13  }
0x2c7: {  	s2 =	spop (v2sf);
	vm15 =	vlt.s32 v18, v13;
	v17 =	vmpcnt.ones.xlane vm14;
	(v2sf) =	vpush v16, $0x0  }
0x2c8: {  	v18 =	vmpcnt.ones.xlane vm15  }
0x2c9: {  	s2 =	sadd.s32 s26, s2;
	s26 =	spop (v2sf);
	(v2sf) =	vpush v17, $0x0  }
0x2ca: {  	s29 =	spop (v2sf);
	(v2sf) =	vpush v18, $0x0;
	_ =	sdelay $0x3  }
0x2cb: {  	s18 =	simm.s32 $0x180  }
0x2cc: {  	s19 =	sand.u32 $0xC00, s18  }
0x2cd: {  	s19 =	sor.u32 s5, s19  }
0x2ce: {  	s2 =	sadd.s32 s2, s26;
	v16 =	vld [tilespmem:s19+$0x1A680]  }
0x2cf: {  	s2 =	sadd.s32 s2, s29;
	s30 =	spop (v2sf)  }
0x2d0: {  	s5 =	simm.s32 $0x40;
	s7 =	sadd.s32 s2, s30  }
.LBB2_30:
0x2d1: {  	s2 =	sand.u32 $0x70, s5;
	s18 =	sadd.s32 $0x80, s18;
	p0 =	sne.s32 s5, $0x1F0  }
.Ltmp16:
0x2d2: {  	s5 =	sadd.s32 $0x10, s5;
	s19 =	sand.u32 $0xC00, s18;
	(pc) =	sbr.rel @p0 .LBB2_30-.Ltmp16, $3  }
0x2d3: {  	s2 =	sor.u32 s2, s19;
	vm0 =	vlt.s32 v16, v13;
	s19 =	spop (v2sf)  }
0x2d4: {  	v16 =	vld [tilespmem:s2+$0x1A680];
	v17 =	vmpcnt.ones.xlane vm0;
	s6 =	sadd.s32 s6, s19;
	_ =	sdelay $0x1  }
0x2d5: {  	(v2sf) =	vpush v17, $0x0  }
0x2d6: {  	_ =	sdelay $0x1  }
0x2d7: {  	s26 =	simm.s32 $0x0;
	vm0 =	vlt.s32 v16, v13  }
0x2d8: {  	s18 =	simm.s32 $0x10;
	s2 =	sand.u32 $0x70, s26;
	s5 =	sand.u32 $0xC00, s26;
	v16 =	vmpcnt.ones.xlane vm0  }
0x2d9: {  	s30 =	simm.s32 $0x80;
	s19 =	simm.s32 $0x20;
	s5 =	sor.u32 s2, s5  }
0x2da: {  	s21 =	simm.s32 $0x100;
	s23 =	sand.u32 $0x70, s18;
	s18 =	sand.u32 $0xC00, s30;
	(v2sf) =	vpush v16, $0x0;
	v16 =	vld [tilespmem:s5+$0x1A700]  }
0x2db: {  	s19 =	sand.u32 $0x70, s19;
	s20 =	sor.u32 s23, s18;
	s23 =	sand.u32 $0xC00, s21  }
0x2dc: {  	v17 =	vld [tilespmem:s20+$0x1A700];
	s21 =	sor.u32 s19, s23  }
0x2dd: {  	v18 =	vld [tilespmem:s21+$0x1A700];
	_ =	sdelay $0x1  }
0x2de: {  	vm13 =	vlt.s32 v16, v14  }
0x2df: {  	v16 =	vmpcnt.ones.xlane vm13  }
0x2e0: {  	vm14 =	vlt.s32 v17, v14  }
0x2e1: {  	s30 =	spop (v2sf);
	v17 =	vmpcnt.ones.xlane vm14;
	vm15 =	vlt.s32 v18, v14;
	(v2sf) =	vpush v16, $0x0  }
0x2e2: {  	v18 =	vmpcnt.ones.xlane vm15  }
0x2e3: {  	s18 =	spop (v2sf);
	(v2sf) =	vpush v17, $0x0  }
0x2e4: {  	s23 =	spop (v2sf);
	(v2sf) =	vpush v18, $0x0;
	_ =	sdelay $0x3  }
0x2e5: {  	s29 =	simm.s32 $0x180;
	s19 =	simm.s32 $0x30  }
0x2e6: {  	s2 =	sadd.s32 s6, s30;
	s30 =	sand.u32 $0xC00, s29;
	s6 =	sand.u32 $0x70, s19  }
0x2e7: {  	s30 =	sor.u32 s6, s30  }
0x2e8: {  	s2 =	sadd.s32 s2, s18;
	v16 =	vld [tilespmem:s30+$0x1A700]  }
0x2e9: {  	s2 =	sadd.s32 s2, s23;
	s23 =	spop (v2sf)  }
0x2ea: {  	s18 =	simm.s32 $0x0;
	s19 =	simm.s32 $0x40;
	s23 =	sadd.s32 s2, s23  }
.LBB2_32:
0x2eb: {  	s2 =	sand.u32 $0x70, s19;
	s29 =	sadd.s32 $0x80, s29;
	p0 =	sne.s32 s19, $0x1F0  }
.Ltmp17:
0x2ec: {  	s19 =	sadd.s32 $0x10, s19;
	s30 =	sand.u32 $0xC00, s29;
	(pc) =	sbr.rel @p0 .LBB2_32-.Ltmp17, $3  }
0x2ed: {  	s2 =	sor.u32 s2, s30;
	vm0 =	vlt.s32 v16, v14;
	s30 =	spop (v2sf)  }
0x2ee: {  	v16 =	vld [tilespmem:s2+$0x1A700];
	v17 =	vmpcnt.ones.xlane vm0;
	s18 =	sadd.s32 s18, s30;
	_ =	sdelay $0x1  }
0x2ef: {  	(v2sf) =	vpush v17, $0x0  }
0x2f0: {  	_ =	sdelay $0x1  }
0x2f1: {  	vm0 =	vlt.s32 v16, v14  }
0x2f2: {  	v16 =	vmpcnt.ones.xlane vm0;
	_ =	sdelay $0x1  }
0x2f3: {  	(v2sf) =	vpush v16, $0x0;
	v16 =	vld [tilespmem:s5+$0x1A780];
	_ =	sdelay $0x1  }
0x2f4: {  	v17 =	vld [tilespmem:s20+$0x1A780]  }
0x2f5: {  	v18 =	vld [tilespmem:s21+$0x1A780];
	_ =	sdelay $0x1  }
0x2f6: {  	vm13 =	vlt.s32 v16, v15  }
0x2f7: {  	v16 =	vmpcnt.ones.xlane vm13  }
0x2f8: {  	vm14 =	vlt.s32 v17, v15  }
0x2f9: {  	s2 =	spop (v2sf);
	vm15 =	vlt.s32 v18, v15;
	v17 =	vmpcnt.ones.xlane vm14;
	(v2sf) =	vpush v16, $0x0  }
0x2fa: {  	v18 =	vmpcnt.ones.xlane vm15  }
0x2fb: {  	s21 =	spop (v2sf);
	(v2sf) =	vpush v17, $0x0  }
0x2fc: {  	s29 =	spop (v2sf);
	(v2sf) =	vpush v18, $0x0;
	_ =	sdelay $0x3  }
0x2fd: {  	s2 =	sadd.s32 s18, s2;
	s18 =	simm.s32 $0x180  }
0x2fe: {  	s19 =	sand.u32 $0xC00, s18  }
0x2ff: {  	s19 =	sor.u32 s6, s19  }
0x300: {  	s2 =	sadd.s32 s2, s21;
	v16 =	vld [tilespmem:s19+$0x1A780]  }
0x301: {  	s2 =	sadd.s32 s2, s29;
	s30 =	spop (v2sf)  }
0x302: {  	s6 =	simm.s32 $0x40;
	s5 =	sadd.s32 s2, s30  }
.LBB2_34:
0x303: {  	s2 =	sand.u32 $0x70, s6;
	s18 =	sadd.s32 $0x80, s18;
	p0 =	sne.s32 s6, $0x1F0  }
.Ltmp18:
0x304: {  	s6 =	sadd.s32 $0x10, s6;
	s19 =	sand.u32 $0xC00, s18;
	(pc) =	sbr.rel @p0 .LBB2_34-.Ltmp18, $3  }
0x305: {  	s2 =	sor.u32 s2, s19;
	vm0 =	vlt.s32 v16, v15;
	s19 =	spop (v2sf)  }
0x306: {  	v16 =	vld [tilespmem:s2+$0x1A780];
	v17 =	vmpcnt.ones.xlane vm0;
	s26 =	sadd.s32 s26, s19;
	_ =	sdelay $0x1  }
0x307: {  	(v2sf) =	vpush v17, $0x0  }
0x308: {  	s2 =	sld [smem:$0x7EA]  }
0x309: {  	s6 =	sld [smem:$0x7EB]  }
0x30a: {  	s19 =	sand.u32 $0x7, s9  }
0x30b: {  	s30 =	rddreg [dreg:$0x2];
	p1 =	sne.s32 s19, $0x0;
	s2 =	sadd.s32 s2, s9  }
0x30c: {  	s20 =	sadd.s32 s6, s4;
	s6 =	sld [smem:$0x7EC];
	s4 =	sadd.s32 s25, s17  }
0x30d: {  	s17 =	rddreg [dreg:$0x6];
	s18 =	ssub.s32 s20, s2;
	s21 =	sshrl.u32 s2, $0x3  }
0x30e: {  	p0 =	sne.s32 s18, $0x8000;
	s9 =	sadd.s32 s30, s21;
	p6 =	slt.s32 s18, $0x1  }
0x30f: {  	p1 =	por p1, p0;
	s6 =	sadd.s32 s6, s13;
	s13 =	sand.u32 $0x7, s13  }
0x310: {  	vm0 =	vlt.s32 v16, v15;
	s9 =	smov.u32 @p1 s17;
	s21 =	ssub.s32 s4, s6;
	p2 =	sne.s32 s13, $0x0  }
0x311: {  	v16 =	vmpcnt.ones.xlane vm0;
	[tilespmem:s3], [sflag:$0x2] =	stream.linear.gather [hbm4b:s9+s3], $0x8000, $0x38;
	[tilespmem:$0x1B400] =	vst v63  }
0x312: {  	s17 =	sshrl.u32 s6, $0x3;
	s13 =	rddreg [dreg:$0x7];
	p5 =	sne.s32 s21, $0x8000  }
0x313: {  	(v2sf) =	vpush v16, $0x0;
	p1 =	por p6, !p1;
	s9 =	sadd.s32 s30, s17;
	p0 =	por p2, p5  }
0x314: {  	s9 =	smov.u32 @p0 s13;
	s13 =	sand.u32 @!p1 $0xFFFFFFF8, s2  }
0x315: {  	[tilespmem:s28], [sflag:$0x3] =	stream.linear.gather [hbm4b:s9+s3], $0x8000, $0x38;
	[tilespmem:$0x1B400] =	vst v63  }
0x316: {  	s2 =	ssub.s32 @!p1 s20, s13  }
0x317: {  	s2 =	sadd.s32 @!p1 $0x7FF, s2  }
0x318: {  	s9 =	sand.u32 @!p1 $0x7FF, s2  }
0x319: {  	p2 =	slt.s32 @!p1 s2, $0x1;
	p3 =	sne.s32 @!p1 s9, $0x0  }
0x31a: {  	s17 =	sshra.s32 @!p1 s2, $0x1F;
	p2 =	por @!p1 !p2, !p3  }
0x31b: {  	s17 =	sshrl.u32 @!p1 s17, $0x15;
	p2 =	por @!p1 !p2, !p2  }
0x31c: {  	s2 =	sadd.s32 @!p1 s17, s2;
	s17 =	simm.s32 @!p1 $0x1;
	p2 =	por !p2, p1  }
0x31d: {  	s2 =	sshra.s32 @!p1 s2, $0xB;
	s17 =	simm.s32 @p2 $0x0  }
0x31e: {  	s17 =	ssub.s32 @!p1 s2, s17  }
0x31f: {  	s18 =	spop (v2sf);
	p2 =	slt.s32 @!p1 s17, $0x1  }
0x320: {  	s25 =	spop (v2sf);
	p2 =	por p1, p2  }
.Ltmp19:
0x321: {  	s19 =	spop (v2sf);
	(pc) =	sbr.rel @!p2 .LBB2_36-.Ltmp19, $4  }
0x322: {  	s9 =	sadd.s32 s26, s18;
	s26 =	spop (v2sf)  }
0x323: {  	s29 =	simm.s32 $0x18800;
	s9 =	sadd.s32 s9, s25;
	_ =	swait.ge [sflag:s31], $0x8000  }
0x324: {  	s25 =	simm.s32 @!p1 $0x0;
	s9 =	sadd.s32 s9, s19;
	[sflag:s31] =	ssyncset.done $0x0  }
0x325: {  	s9 =	sadd.s32 s9, s26;
	s26 =	simm.s32 $0x18000;
	[sflag:s31] =	ssyncadd.s32 $0xFFFF8000  }
.LBB2_44:
0x326: {  	s2 =	sld [smem:$0x7ED]  }
0x327: {  	s13 =	sld [smem:$0x7EE]  }
0x328: {  	s18 =	rddreg [dreg:$0x8];
	s19 =	sand.u32 $0x7, s11  }
0x329: {  	[hbm4b:s18+s3] =	stream.linear.scatter [tilespmem:s3], [sflag:$0x5], $0x8000, $0x38;
	[tilespmem:$0x1B400] =	vst v63  }
0x32a: {  	p6 =	slt.s32 s21, $0x1;
	s17 =	sadd.s32 s2, s11;
	s13 =	sadd.s32 s13, s15  }
0x32b: {  	p0 =	por !p0, !p0;
	p2 =	sne.s32 s19, $0x0;
	s15 =	ssub.s32 s13, s17  }
0x32c: {  	p0 =	por p6, p0;
	s20 =	sshrl.u32 s17, $0x3;
	p1 =	sne.s32 s15, $0x8000  }
0x32d: {  	s11 =	rddreg [dreg:$0x9];
	s2 =	sadd.s32 s30, s20;
	p1 =	por p2, p1  }
0x32e: {  	s6 =	sand.u32 @!p0 $0xFFFFFFF8, s6;
	s2 =	smov.u32 @p1 s11  }
0x32f: {  	[tilespmem:s16], [sflag:$0x4] =	stream.linear.gather [hbm4b:s2+s3], $0x8000, $0x38;
	[tilespmem:$0x1B400] =	vst v63  }
0x330: {  	s2 =	ssub.s32 @!p0 s4, s6  }
0x331: {  	s2 =	sadd.s32 @!p0 $0x7FF, s2  }
0x332: {  	s11 =	sand.u32 @!p0 $0x7FF, s2  }
0x333: {  	p2 =	slt.s32 @!p0 s2, $0x1;
	p3 =	sne.s32 @!p0 s11, $0x0  }
0x334: {  	s11 =	sshra.s32 @!p0 s2, $0x1F;
	p2 =	por @!p0 !p2, !p3  }
0x335: {  	s11 =	sshrl.u32 @!p0 s11, $0x15;
	p2 =	por @!p0 !p2, !p2  }
0x336: {  	s2 =	sadd.s32 @!p0 s11, s2;
	s11 =	simm.s32 @!p0 $0x1;
	p2 =	por !p2, p0  }
0x337: {  	s2 =	sshra.s32 @!p0 s2, $0xB;
	s11 =	simm.s32 @p2 $0x0  }
0x338: {  	s11 =	ssub.s32 @!p0 s2, s11  }
0x339: {  	p2 =	slt.s32 @!p0 s11, $0x1  }
0x33a: {  	p2 =	por p0, p2  }
.Ltmp20:
0x33b: {  	_ = 	snop;
	(pc) =	sbr.rel @!p2 .LBB2_45-.Ltmp20, $4  }
0x33c: {  	s25 =	simm.s32 $0x3  }
0x33d: {  	_ =	swait.ge [sflag:s25], $0x8000  }
0x33e: {  	[sflag:s25] =	ssyncset.done $0x0  }
0x33f: {  	s18 =	simm.s32 @!p0 $0x0;
	[sflag:s25] =	ssyncadd.s32 $0xFFFF8000  }
.LBB2_53:
0x340: {  	s2 =	sld [smem:$0x7F0]  }
0x341: {  	s11 =	sld [smem:$0x7F2]  }
0x342: {  	s18 =	rddreg [dreg:$0xa]  }
0x343: {  	s19 =	simm.s32 $0x5;
	s20 =	sand.u32 $0x7, s0;
	p6 =	slt.s32 s15, $0x1  }
0x344: {  	[hbm4b:s18+s3] =	stream.linear.scatter [tilespmem:s28], [sflag:$0x6], $0x8000, $0x38;
	[tilespmem:$0x1B400] =	vst v63  }
0x345: {  	p1 =	por !p1, !p1;
	s6 =	sadd.s32 s2, s0;
	s4 =	sadd.s32 s11, s14  }
0x346: {  	p2 =	sne.s32 s20, $0x0;
	_ =	swait.ge [sflag:s19], $0x8000;
	s14 =	ssub.s32 s4, s6  }
0x347: {  	[sflag:s19] =	ssyncset.done $0x0;
	s21 =	sshrl.u32 s6, $0x3;
	p0 =	sne.s32 s14, $0x8000  }
0x348: {  	s2 =	rddreg [dreg:$0xb];
	s0 =	sadd.s32 s30, s21;
	p0 =	por p2, p0  }
0x349: {  	p1 =	por p6, p1;
	[sflag:s19] =	ssyncadd.s32 $0xFFFF8000;
	s0 =	smov.u32 @p0 s2  }
0x34a: {  	[tilespmem:s3], [sflag:$0x2] =	stream.linear.gather [hbm4b:s0+s3], $0x8000, $0x38;
	[tilespmem:$0x1B400] =	vst v63  }
0x34b: {  	s0 =	sand.u32 @!p1 $0xFFFFFFF8, s17  }
0x34c: {  	s2 =	ssub.s32 @!p1 s13, s0  }
0x34d: {  	s2 =	sadd.s32 @!p1 $0x7FF, s2  }
0x34e: {  	s11 =	sand.u32 @!p1 $0x7FF, s2  }
0x34f: {  	p2 =	slt.s32 @!p1 s2, $0x1;
	p3 =	sne.s32 @!p1 s11, $0x0  }
0x350: {  	s11 =	sshra.s32 @!p1 s2, $0x1F;
	p2 =	por @!p1 !p2, !p3  }
0x351: {  	s11 =	sshrl.u32 @!p1 s11, $0x15;
	p2 =	por @!p1 !p2, !p2  }
0x352: {  	s2 =	sadd.s32 @!p1 s11, s2;
	s11 =	simm.s32 @!p1 $0x1;
	p2 =	por !p2, p1  }
0x353: {  	s2 =	sshra.s32 @!p1 s2, $0xB;
	s11 =	simm.s32 @p2 $0x0  }
0x354: {  	s11 =	ssub.s32 @!p1 s2, s11  }
0x355: {  	p2 =	slt.s32 @!p1 s11, $0x1  }
0x356: {  	p2 =	por p1, p2  }
.Ltmp21:
0x357: {  	_ = 	snop;
	(pc) =	sbr.rel @!p2 .LBB2_54-.Ltmp21, $4  }
0x358: {  	s25 =	simm.s32 $0x4  }
0x359: {  	_ =	swait.ge [sflag:s25], $0x8000  }
0x35a: {  	[sflag:s25] =	ssyncset.done $0x0  }
0x35b: {  	s15 =	simm.s32 @!p1 $0x0;
	[sflag:s25] =	ssyncadd.s32 $0xFFFF8000  }
.LBB2_62:
0x35c: {  	s0 =	rddreg [dreg:$0x1f]  }
0x35d: {  	s20 =	sld [smem:$0x7F5]  }
0x35e: {  	s2 =	rddreg [dreg:$0xc];
	s13 =	simm.s32 $0x6  }
0x35f: {  	s21 =	sand.u32 $0x7, s10;
	p6 =	slt.s32 s14, $0x1;
	p0 =	por !p0, !p0  }
0x360: {  	[hbm4b:s2+s3] =	stream.linear.scatter [tilespmem:s16], [sflag:$0x7], $0x8000, $0x38;
	[tilespmem:$0x1B400] =	vst v63  }
0x361: {  	s11 =	sadd.s32 s0, s10;
	p2 =	sne.s32 s21, $0x0;
	s0 =	sadd.s32 s20, s12  }
0x362: {  	p0 =	por p6, p0;
	_ =	swait.ge [sflag:s13], $0x8000;
	s12 =	ssub.s32 s0, s11  }
0x363: {  	s25 =	sshrl.u32 s11, $0x3;
	[sflag:s13] =	ssyncset.done $0x0;
	p1 =	sne.s32 s12, $0x8000  }
0x364: {  	s2 =	sadd.s32 s30, s25;
	s10 =	rddreg [dreg:$0xd];
	p1 =	por p2, p1  }
0x365: {  	s6 =	sand.u32 @!p0 $0xFFFFFFF8, s6;
	[sflag:s13] =	ssyncadd.s32 $0xFFFF8000;
	s2 =	smov.u32 @p1 s10  }
0x366: {  	[tilespmem:s28], [sflag:$0x3] =	stream.linear.gather [hbm4b:s2+s3], $0x8000, $0x38;
	[tilespmem:$0x1B400] =	vst v63  }
0x367: {  	s2 =	ssub.s32 @!p0 s4, s6  }
0x368: {  	s2 =	sadd.s32 @!p0 $0x7FF, s2  }
0x369: {  	s10 =	sand.u32 @!p0 $0x7FF, s2  }
0x36a: {  	p2 =	slt.s32 @!p0 s2, $0x1;
	p3 =	sne.s32 @!p0 s10, $0x0  }
0x36b: {  	s10 =	sshra.s32 @!p0 s2, $0x1F;
	p2 =	por @!p0 !p2, !p3  }
0x36c: {  	s10 =	sshrl.u32 @!p0 s10, $0x15;
	p2 =	por @!p0 !p2, !p2  }
0x36d: {  	s2 =	sadd.s32 @!p0 s10, s2;
	s10 =	simm.s32 @!p0 $0x1;
	p2 =	por !p2, p0  }
0x36e: {  	s2 =	sshra.s32 @!p0 s2, $0xB;
	s10 =	simm.s32 @p2 $0x0  }
0x36f: {  	s10 =	ssub.s32 @!p0 s2, s10  }
0x370: {  	p2 =	slt.s32 @!p0 s10, $0x1  }
0x371: {  	p2 =	por p0, p2  }
.Ltmp22:
0x372: {  	_ = 	snop;
	(pc) =	sbr.rel @!p2 .LBB2_63-.Ltmp22, $4  }
0x373: {  	_ = 	snop  }
0x374: {  	_ =	swait.ge [sflag:s31], $0x8000  }
0x375: {  	[sflag:s31] =	ssyncset.done $0x0  }
0x376: {  	s13 =	simm.s32 @!p0 $0x0;
	[sflag:s31] =	ssyncadd.s32 $0xFFFF8000  }
.LBB2_71:
0x377: {  	s2 =	rddreg [dreg:$0x1d]  }
0x378: {  	s19 =	rddreg [dreg:$0x1e]  }
0x379: {  	s20 =	rddreg [dreg:$0xe];
	s18 =	simm.s32 $0x7  }
0x37a: {  	s21 =	sand.u32 $0x7, s8;
	p6 =	slt.s32 s12, $0x1;
	p1 =	por !p1, !p1  }
0x37b: {  	[hbm4b:s20+s3] =	stream.linear.scatter [tilespmem:s3], [sflag:$0x5], $0x8000, $0x38;
	[tilespmem:$0x1B400] =	vst v63  }
0x37c: {  	s6 =	sadd.s32 s2, s8;
	s4 =	sadd.s32 s19, s22;
	p2 =	sne.s32 s21, $0x0  }
0x37d: {  	p1 =	por p6, p1;
	_ =	swait.ge [sflag:s18], $0x8000;
	s10 =	ssub.s32 s4, s6  }
0x37e: {  	s22 =	sshrl.u32 s6, $0x3;
	p0 =	sne.s32 s10, $0x8000;
	[sflag:s18] =	ssyncset.done $0x0  }
0x37f: {  	s2 =	sadd.s32 s30, s22;
	s8 =	rddreg [dreg:$0xf];
	p0 =	por p2, p0  }
0x380: {  	[sflag:s18] =	ssyncadd.s32 $0xFFFF8000;
	s2 =	smov.u32 @p0 s8;
	s8 =	sand.u32 @!p1 $0xFFFFFFF8, s11  }
0x381: {  	[tilespmem:s16], [sflag:$0x4] =	stream.linear.gather [hbm4b:s2+s3], $0x8000, $0x38;
	[tilespmem:$0x1B400] =	vst v63  }
0x382: {  	s2 =	ssub.s32 @!p1 s0, s8  }
0x383: {  	s2 =	sadd.s32 @!p1 $0x7FF, s2  }
0x384: {  	s11 =	sand.u32 @!p1 $0x7FF, s2  }
0x385: {  	p2 =	slt.s32 @!p1 s2, $0x1;
	p3 =	sne.s32 @!p1 s11, $0x0  }
0x386: {  	s11 =	sshra.s32 @!p1 s2, $0x1F;
	p2 =	por @!p1 !p2, !p3  }
0x387: {  	s11 =	sshrl.u32 @!p1 s11, $0x15;
	p2 =	por @!p1 !p2, !p2  }
0x388: {  	s2 =	sadd.s32 @!p1 s11, s2;
	s11 =	simm.s32 @!p1 $0x1;
	p2 =	por !p2, p1  }
0x389: {  	s2 =	sshra.s32 @!p1 s2, $0xB;
	s11 =	simm.s32 @p2 $0x0  }
0x38a: {  	s11 =	ssub.s32 @!p1 s2, s11  }
0x38b: {  	p2 =	slt.s32 @!p1 s11, $0x1  }
0x38c: {  	p2 =	por p1, p2  }
.Ltmp23:
0x38d: {  	_ = 	snop;
	(pc) =	sbr.rel @!p2 .LBB2_72-.Ltmp23, $4  }
0x38e: {  	s25 =	simm.s32 $0x3  }
0x38f: {  	_ =	swait.ge [sflag:s25], $0x8000  }
0x390: {  	[sflag:s25] =	ssyncset.done $0x0  }
0x391: {  	s12 =	simm.s32 @!p1 $0x0;
	[sflag:s25] =	ssyncadd.s32 $0xFFFF8000  }
.LBB2_80:
0x392: {  	s0 =	rddreg [dreg:$0x1b]  }
0x393: {  	s21 =	rddreg [dreg:$0x1c]  }
0x394: {  	s2 =	rddreg [dreg:$0x10];
	s12 =	simm.s32 $0x5  }
0x395: {  	s22 =	sand.u32 $0x7, s7;
	p6 =	slt.s32 s10, $0x1;
	p0 =	por !p0, !p0  }
0x396: {  	[hbm4b:s2+s3] =	stream.linear.scatter [tilespmem:s28], [sflag:$0x6], $0x8000, $0x38;
	[tilespmem:$0x1B400] =	vst v63  }
0x397: {  	s8 =	sadd.s32 s0, s7;
	s0 =	sadd.s32 s21, s23;
	p2 =	sne.s32 s22, $0x0  }
0x398: {  	p0 =	por p6, p0;
	_ =	swait.ge [sflag:s12], $0x8000;
	s11 =	ssub.s32 s0, s8  }
0x399: {  	s23 =	sshrl.u32 s8, $0x3;
	p1 =	sne.s32 s11, $0x8000;
	[sflag:s12] =	ssyncset.done $0x0  }
0x39a: {  	s2 =	sadd.s32 s30, s23;
	s7 =	rddreg [dreg:$0x12];
	p1 =	por p2, p1  }
0x39b: {  	s6 =	sand.u32 @!p0 $0xFFFFFFF8, s6;
	[sflag:s12] =	ssyncadd.s32 $0xFFFF8000;
	s2 =	smov.u32 @p1 s7  }
0x39c: {  	[tilespmem:s3], [sflag:$0x2] =	stream.linear.gather [hbm4b:s2+s3], $0x8000, $0x38;
	[tilespmem:$0x1B400] =	vst v63  }
0x39d: {  	s2 =	ssub.s32 @!p0 s4, s6  }
0x39e: {  	s2 =	sadd.s32 @!p0 $0x7FF, s2  }
0x39f: {  	s7 =	sand.u32 @!p0 $0x7FF, s2  }
0x3a0: {  	p2 =	slt.s32 @!p0 s2, $0x1;
	p3 =	sne.s32 @!p0 s7, $0x0  }
0x3a1: {  	s7 =	sshra.s32 @!p0 s2, $0x1F;
	p2 =	por @!p0 !p2, !p3  }
0x3a2: {  	s7 =	sshrl.u32 @!p0 s7, $0x15;
	p2 =	por @!p0 !p2, !p2  }
0x3a3: {  	s2 =	sadd.s32 @!p0 s7, s2;
	s7 =	simm.s32 @!p0 $0x1;
	p2 =	por !p2, p0  }
0x3a4: {  	s2 =	sshra.s32 @!p0 s2, $0xB;
	s7 =	simm.s32 @p2 $0x0  }
0x3a5: {  	s7 =	ssub.s32 @!p0 s2, s7  }
0x3a6: {  	p2 =	slt.s32 @!p0 s7, $0x1  }
0x3a7: {  	p2 =	por p0, p2  }
.Ltmp24:
0x3a8: {  	_ = 	snop;
	(pc) =	sbr.rel @!p2 .LBB2_81-.Ltmp24, $4  }
0x3a9: {  	s25 =	simm.s32 $0x4  }
0x3aa: {  	_ =	swait.ge [sflag:s25], $0x8000  }
0x3ab: {  	[sflag:s25] =	ssyncset.done $0x0  }
0x3ac: {  	s10 =	simm.s32 @!p0 $0x0;
	[sflag:s25] =	ssyncadd.s32 $0xFFFF8000  }
.LBB2_89:
0x3ad: {  	s2 =	rddreg [dreg:$0x19]  }
0x3ae: {  	s20 =	rddreg [dreg:$0x1a]  }
0x3af: {  	s21 =	rddreg [dreg:$0x11];
	s22 =	simm.s32 $0x6  }
0x3b0: {  	s23 =	sand.u32 $0x7, s5;
	p6 =	slt.s32 s11, $0x1;
	p1 =	por !p1, !p1  }
0x3b1: {  	[hbm4b:s21+s3] =	stream.linear.scatter [tilespmem:s16], [sflag:$0x7], $0x8000, $0x38;
	[tilespmem:$0x1B400] =	vst v63  }
0x3b2: {  	s6 =	sadd.s32 s2, s5;
	s4 =	sadd.s32 s20, s9;
	p2 =	sne.s32 s23, $0x0  }
0x3b3: {  	p1 =	por p6, p1;
	_ =	swait.ge [sflag:s22], $0x8000;
	s7 =	ssub.s32 s4, s6  }
0x3b4: {  	s25 =	sshrl.u32 s6, $0x3;
	p0 =	sne.s32 s7, $0x8000;
	[sflag:s22] =	ssyncset.done $0x0  }
0x3b5: {  	s2 =	sadd.s32 s30, s25;
	s5 =	rddreg [dreg:$0x13];
	p0 =	por p2, p0  }
0x3b6: {  	[sflag:s22] =	ssyncadd.s32 $0xFFFF8000;
	s2 =	smov.u32 @p0 s5;
	s5 =	sand.u32 @!p1 $0xFFFFFFF8, s8  }
0x3b7: {  	[tilespmem:s28], [sflag:$0x3] =	stream.linear.gather [hbm4b:s2+s3], $0x8000, $0x38;
	[tilespmem:$0x1B400] =	vst v63  }
0x3b8: {  	s2 =	ssub.s32 @!p1 s0, s5  }
0x3b9: {  	s2 =	sadd.s32 @!p1 $0x7FF, s2  }
0x3ba: {  	s8 =	sand.u32 @!p1 $0x7FF, s2  }
0x3bb: {  	p2 =	slt.s32 @!p1 s2, $0x1;
	p3 =	sne.s32 @!p1 s8, $0x0  }
0x3bc: {  	s8 =	sshra.s32 @!p1 s2, $0x1F;
	p2 =	por @!p1 !p2, !p3  }
0x3bd: {  	s8 =	sshrl.u32 @!p1 s8, $0x15;
	p2 =	por @!p1 !p2, !p2  }
0x3be: {  	s2 =	sadd.s32 @!p1 s8, s2;
	s8 =	simm.s32 @!p1 $0x1;
	p2 =	por !p2, p1  }
0x3bf: {  	s2 =	sshra.s32 @!p1 s2, $0xB;
	s8 =	simm.s32 @p2 $0x0  }
0x3c0: {  	s8 =	ssub.s32 @!p1 s2, s8  }
0x3c1: {  	p2 =	slt.s32 @!p1 s8, $0x1  }
0x3c2: {  	p2 =	por p1, p2  }
.Ltmp25:
0x3c3: {  	_ = 	snop;
	(pc) =	sbr.rel @!p2 .LBB2_90-.Ltmp25, $4  }
0x3c4: {  	_ = 	snop  }
0x3c5: {  	_ =	swait.ge [sflag:s31], $0x8000  }
0x3c6: {  	[sflag:s31] =	ssyncset.done $0x0  }
0x3c7: {  	s9 =	simm.s32 @!p1 $0x0;
	[sflag:s31] =	ssyncadd.s32 $0xFFFF8000  }
.LBB2_98:
0x3c8: {  	s0 =	rddreg [dreg:$0x14];
	p1 =	slt.s32 s7, $0x1;
	p0 =	por !p0, !p0  }
0x3c9: {  	[hbm4b:s0+s3] =	stream.linear.scatter [tilespmem:s3], [sflag:$0x5], $0x8000, $0x38;
	[tilespmem:$0x1B400] =	vst v63  }
0x3ca: {  	p0 =	por p1, p0  }
0x3cb: {  	s0 =	sand.u32 @!p0 $0xFFFFFFF8, s6  }
0x3cc: {  	s2 =	ssub.s32 @!p0 s4, s0  }
0x3cd: {  	s2 =	sadd.s32 @!p0 $0x7FF, s2  }
0x3ce: {  	s5 =	sand.u32 @!p0 $0x7FF, s2  }
0x3cf: {  	p1 =	slt.s32 @!p0 s2, $0x1;
	p2 =	sne.s32 @!p0 s5, $0x0  }
0x3d0: {  	s5 =	sshra.s32 @!p0 s2, $0x1F;
	p1 =	por @!p0 !p1, !p2  }
0x3d1: {  	s5 =	sshrl.u32 @!p0 s5, $0x15;
	p1 =	por @!p0 !p1, !p1  }
0x3d2: {  	s2 =	sadd.s32 @!p0 s5, s2;
	s5 =	simm.s32 @!p0 $0x1;
	p1 =	por !p1, p0  }
0x3d3: {  	s2 =	sshra.s32 @!p0 s2, $0xB;
	s5 =	simm.s32 @p1 $0x0  }
0x3d4: {  	s5 =	ssub.s32 @!p0 s2, s5  }
0x3d5: {  	p1 =	slt.s32 @!p0 s5, $0x1  }
0x3d6: {  	p1 =	por p0, p1  }
.Ltmp26:
0x3d7: {  	_ = 	snop;
	(pc) =	sbr.rel @!p1 .LBB2_99-.Ltmp26, $4  }
.Ltmp27:
0x3d8: {  	s31 =	simm.s32 $0x3;
	(pc) =	sbr.rel @p1 .LBB2_107-.Ltmp27, $4  }
0x3d9: {  	_ =	swait.ge [sflag:s31], $0x8000  }
0x3da: {  	[sflag:s31] =	ssyncset.done $0x0  }
0x3db: {  	s6 =	simm.s32 @!p0 $0x0;
	[sflag:s31] =	ssyncadd.s32 $0xFFFF8000  }
0x3dc: {  	_ = 	snop  }
.LBB2_38:
0x3dd: {  	s29 =	simm.s32 $0x18800  }
.LBB2_42:
0x3de: {  	vm0 =	vge.s32 v16, v0;
	vm1 =	vlt.s32 v16, v1;
	v17 =	vsub.s32 v16, v0;
	s2 =	sadd.s32 @p1 $0x10, s29  }
0x3df: {  	v16 =	vand.u32 $0x7F, v16;
	vm0 =	vmand vm0, vm1;
	v17 =	vand.u32 $0xFFFFFF80, v17;
	s26 =	smov.u32 @p1 s2  }
0x3e0: {  	v18 =	vld [tilespmem:s26+$0x0];
	v16 =	vor.u32 v16, v17;
	_ =	sdelay $0x4  }
0x3e1: {  	s29 =	simm.s32 $0x18800;
	s26 =	simm.s32 $0x18000;
	[tilespmem:v16+s3+$0x0] =	vst.idx.msk vm0, v18  }
.LBB2_43:
0x3e2: {  	s25 =	sadd.s32 $0x1, s25  }
0x3e3: {  	p1 =	sne.s32 s25, s17  }
.Ltmp28:
0x3e4: {  	_ = 	snop;
	(pc) =	sbr.rel @!p1 .LBB2_44-.Ltmp28, $1  }
0x3e5: {  	_ =	sdelay $0x3  }
.LBB2_36:
0x3e6: {  	s2 =	sshll.u32 s25, $0xB  }
0x3e7: {  	s2 =	sadd.s32 s13, s2  }
0x3e8: {  	p1 =	slt.s32 s2, $0x7F800  }
0x3e9: {  	s2 =	simm.s32 @!p1 $0x7F800  }
0x3ea: {  	s18 =	sshrl.u32 s2, $0x3  }
0x3eb: {  	s19 =	sadd.s32 s1, s18  }
0x3ec: {  	[tilespmem:s26], [sflag:$0x8] =	stream.linear.gather [hbm4b:s19+s3], $0x800, $0x38;
	[tilespmem:$0x1B400] =	vst v63  }
0x3ed: {  	_ =	swait.ge [sflag:s24], $0x800  }
0x3ee: {  	s2 =	ssub.s32 s20, s2;
	[sflag:s24] =	ssyncset.done $0x0  }
0x3ef: {  	s18 =	sadd.s32 s30, s18;
	s2 =	sadd.s32 $0xF, s2;
	[sflag:s24] =	ssyncadd.s32 $0xFFFFF800  }
0x3f0: {  	[tilespmem:s29], [sflag:$0x8] =	stream.linear.gather [hbm4b:s18+s3], $0x800, $0x38;
	[tilespmem:$0x1B400] =	vst v63  }
0x3f1: {  	s18 =	sand.u32 $0xF, s2  }
0x3f2: {  	s19 =	sshra.s32 s2, $0x1F;
	p6 =	slt.s32 s2, $0x1;
	p2 =	sne.s32 s18, $0x0  }
0x3f3: {  	s19 =	sshrl.u32 s19, $0x1C;
	p1 =	por !p6, !p2  }
0x3f4: {  	s2 =	sadd.s32 s19, s2;
	s18 =	simm.s32 $0x1;
	p1 =	por !p1, !p1  }
0x3f5: {  	s2 =	sshra.s32 s2, $0x4;
	s18 =	simm.s32 @!p1 $0x0  }
0x3f6: {  	s18 =	ssub.s32 s2, s18  }
0x3f7: {  	p1 =	slt.s32 s18, $0x1  }
.Ltmp29:
0x3f8: {  	_ = 	snop;
	(pc) =	sbr.rel @p1 .LBB2_43-.Ltmp29, $4  }
0x3f9: {  	_ = 	snop  }
0x3fa: {  	_ =	swait.ge [sflag:s24], $0x800  }
0x3fb: {  	[sflag:s24] =	ssyncset.done $0x0  }
0x3fc: {  	[sflag:s24] =	ssyncadd.s32 $0xFFFFF800  }
0x3fd: {  	s2 =	smin.u32 s18, $0x80  }
0x3fe: {  	s29 =	simm.s32 $0x18000;
	p2 =	sne.s32 s2, $0x1  }
.Ltmp30:
0x3ff: {  	v16 =	vld [tilespmem:s29+$0x0];
	(pc) =	sbr.rel @!p2 .LBB2_38-.Ltmp30, $2  }
0x400: {  	_ =	sdelay $0x2  }
0x401: {  	s26 =	simm.s32 $0x18800;
	p1 =	por $0x0, $0x0;
	s19 =	sadd.s32 $0xFFFFFFFF, s2  }
0x402: {  	vm0 =	vge.s32 v16, v0;
	vm1 =	vlt.s32 v16, v1;
	v17 =	vsub.s32 v16, v0  }
0x403: {  	v16 =	vand.u32 $0x7F, v16;
	vm0 =	vmand vm0, vm1;
	v17 =	vand.u32 $0xFFFFFF80, v17  }
0x404: {  	v18 =	vld [tilespmem:s26+$0x0];
	v16 =	vor.u32 v16, v17;
	_ =	sdelay $0x4  }
0x405: {  	p2 =	sne.s32 s19, $0x1;
	s18 =	simm.s32 $0x18010;
	[tilespmem:v16+s3+$0x0] =	vst.idx.msk vm0, v18  }
.Ltmp31:
0x406: {  	v16 =	vld [tilespmem:s18+$0x0];
	(pc) =	sbr.rel @!p2 .LBB2_40-.Ltmp31, $2  }
0x407: {  	_ =	sdelay $0x2  }
0x408: {  	s19 =	sadd.s32 $0xFFFFFFFF, s19;
	p1 =	por $0x1, $0x1;
	s29 =	simm.s32 $0x18800  }
.LBB2_41:
0x409: {  	p2 =	sne.s32 s19, $0x1;
	_ =	sdelay $0x3  }
0x40a: {  	vm0 =	vge.s32 v16, v0;
	vm1 =	vlt.s32 v16, v1;
	v17 =	vsub.s32 v16, v0  }
0x40b: {  	v16 =	vand.u32 $0x7F, v16;
	s29 =	sadd.s32 $0x10, s29;
	vm0 =	vmand vm0, vm1;
	v17 =	vand.u32 $0xFFFFFF80, v17  }
0x40c: {  	v16 =	vor.u32 v16, v17;
	v18 =	vld [tilespmem:s29+$0x0];
	_ =	sdelay $0x1  }
.Ltmp32:
0x40d: {  	(pc) =	sbr.rel @p2 .LBB2_41-.Ltmp32, $3  }
0x40e: {  	_ =	sdelay $0x1  }
0x40f: {  	s18 =	sadd.s32 $0x10, s18;
	[tilespmem:v16+s3+$0x0] =	vst.idx.msk vm0, v18  }
0x410: {  	s19 =	sadd.s32 $0xFFFFFFFF, s19;
	v16 =	vld [tilespmem:s18+$0x0]  }
.Ltmp33:
0x411: {  	_ = 	snop;
	(pc) =	sbr.rel .LBB2_42-.Ltmp33, $1  }
0x412: {  	_ =	sdelay $0x3  }
.LBB2_40:
.Ltmp34:
0x413: {  	(pc) =	sbr.rel .LBB2_42-.Ltmp34, $2  }
0x414: {  	_ =	sdelay $0x2  }
0x415: {  	s29 =	simm.s32 $0x18800  }
.LBB2_47:
0x416: {  	s20 =	simm.s32 $0x18800  }
.LBB2_51:
0x417: {  	vm0 =	vge.s32 v16, v2;
	vm1 =	vlt.s32 v16, v3;
	v17 =	vsub.s32 v16, v2;
	s2 =	sadd.s32 @p0 $0x10, s20  }
0x418: {  	v16 =	vand.u32 $0x7F, v16;
	vm0 =	vmand vm0, vm1;
	v17 =	vand.u32 $0xFFFFFF80, v17;
	s19 =	smov.u32 @p0 s2  }
0x419: {  	v18 =	vld [tilespmem:s19+$0x0];
	v16 =	vor.u32 v16, v17;
	_ =	sdelay $0x4  }
0x41a: {  	[tilespmem:v16+s28+$0x0] =	vst.idx.msk vm0, v18  }
.LBB2_52:
0x41b: {  	s18 =	sadd.s32 $0x1, s18  }
0x41c: {  	p0 =	sne.s32 s18, s11  }
.Ltmp35:
0x41d: {  	_ = 	snop;
	(pc) =	sbr.rel @!p0 .LBB2_53-.Ltmp35, $1  }
0x41e: {  	_ =	sdelay $0x3  }
.LBB2_45:
0x41f: {  	s2 =	sshll.u32 s18, $0xB  }
0x420: {  	s2 =	sadd.s32 s6, s2  }
0x421: {  	p0 =	slt.s32 s2, $0x7F800  }
0x422: {  	s2 =	simm.s32 @!p0 $0x7F800  }
0x423: {  	s19 =	sshrl.u32 s2, $0x3;
	s2 =	ssub.s32 s4, s2  }
0x424: {  	s20 =	sadd.s32 s1, s19;
	s19 =	sadd.s32 s30, s19;
	s2 =	sadd.s32 $0xF, s2  }
0x425: {  	[tilespmem:s26], [sflag:$0x8] =	stream.linear.gather [hbm4b:s20+s3], $0x800, $0x38;
	[tilespmem:$0x1B400] =	vst v63  }
0x426: {  	s20 =	sand.u32 $0xF, s2;
	s21 =	sshra.s32 s2, $0x1F;
	_ =	swait.ge [sflag:s24], $0x800  }
0x427: {  	p6 =	slt.s32 s2, $0x1;
	p2 =	sne.s32 s20, $0x0;
	[sflag:s24] =	ssyncset.done $0x0  }
0x428: {  	s25 =	sshrl.u32 s21, $0x1C;
	p0 =	por !p6, !p2;
	[sflag:s24] =	ssyncadd.s32 $0xFFFFF800  }
0x429: {  	[tilespmem:s29], [sflag:$0x8] =	stream.linear.gather [hbm4b:s19+s3], $0x800, $0x38;
	[tilespmem:$0x1B400] =	vst v63  }
0x42a: {  	s2 =	sadd.s32 s25, s2;
	p0 =	por !p0, !p0;
	s19 =	simm.s32 $0x1  }
0x42b: {  	s2 =	sshra.s32 s2, $0x4;
	s19 =	simm.s32 @!p0 $0x0  }
0x42c: {  	s19 =	ssub.s32 s2, s19  }
0x42d: {  	p0 =	slt.s32 s19, $0x1  }
.Ltmp36:
0x42e: {  	_ = 	snop;
	(pc) =	sbr.rel @p0 .LBB2_52-.Ltmp36, $4  }
0x42f: {  	_ = 	snop  }
0x430: {  	_ =	swait.ge [sflag:s24], $0x800  }
0x431: {  	[sflag:s24] =	ssyncset.done $0x0  }
0x432: {  	[sflag:s24] =	ssyncadd.s32 $0xFFFFF800  }
0x433: {  	s2 =	smin.u32 s19, $0x80  }
0x434: {  	s20 =	simm.s32 $0x18000;
	p2 =	sne.s32 s2, $0x1  }
.Ltmp37:
0x435: {  	v16 =	vld [tilespmem:s20+$0x0];
	(pc) =	sbr.rel @!p2 .LBB2_47-.Ltmp37, $2  }
0x436: {  	_ =	sdelay $0x2  }
0x437: {  	s19 =	simm.s32 $0x18800;
	p0 =	por $0x0, $0x0;
	s20 =	sadd.s32 $0xFFFFFFFF, s2  }
0x438: {  	vm0 =	vge.s32 v16, v2;
	vm1 =	vlt.s32 v16, v3;
	v17 =	vsub.s32 v16, v2  }
0x439: {  	v16 =	vand.u32 $0x7F, v16;
	vm0 =	vmand vm0, vm1;
	v17 =	vand.u32 $0xFFFFFF80, v17  }
0x43a: {  	v18 =	vld [tilespmem:s19+$0x0];
	v16 =	vor.u32 v16, v17;
	_ =	sdelay $0x4  }
0x43b: {  	p2 =	sne.s32 s20, $0x1;
	s21 =	simm.s32 $0x18010;
	[tilespmem:v16+s28+$0x0] =	vst.idx.msk vm0, v18  }
.Ltmp38:
0x43c: {  	v16 =	vld [tilespmem:s21+$0x0];
	(pc) =	sbr.rel @!p2 .LBB2_49-.Ltmp38, $2  }
0x43d: {  	_ =	sdelay $0x2  }
0x43e: {  	s25 =	sadd.s32 $0xFFFFFFFF, s20;
	p0 =	por $0x1, $0x1;
	s20 =	simm.s32 $0x18800  }
.LBB2_50:
0x43f: {  	p2 =	sne.s32 s25, $0x1;
	_ =	sdelay $0x3  }
0x440: {  	vm0 =	vge.s32 v16, v2;
	vm1 =	vlt.s32 v16, v3;
	v17 =	vsub.s32 v16, v2  }
0x441: {  	v16 =	vand.u32 $0x7F, v16;
	s20 =	sadd.s32 $0x10, s20;
	vm0 =	vmand vm0, vm1;
	v17 =	vand.u32 $0xFFFFFF80, v17  }
0x442: {  	v16 =	vor.u32 v16, v17;
	v18 =	vld [tilespmem:s20+$0x0];
	_ =	sdelay $0x1  }
.Ltmp39:
0x443: {  	(pc) =	sbr.rel @p2 .LBB2_50-.Ltmp39, $3  }
0x444: {  	_ =	sdelay $0x1  }
0x445: {  	s21 =	sadd.s32 $0x10, s21;
	[tilespmem:v16+s28+$0x0] =	vst.idx.msk vm0, v18  }
0x446: {  	s25 =	sadd.s32 $0xFFFFFFFF, s25;
	v16 =	vld [tilespmem:s21+$0x0]  }
.Ltmp40:
0x447: {  	_ = 	snop;
	(pc) =	sbr.rel .LBB2_51-.Ltmp40, $1  }
0x448: {  	_ =	sdelay $0x3  }
.LBB2_49:
.Ltmp41:
0x449: {  	(pc) =	sbr.rel .LBB2_51-.Ltmp41, $2  }
0x44a: {  	_ =	sdelay $0x2  }
0x44b: {  	s20 =	simm.s32 $0x18800  }
.LBB2_56:
0x44c: {  	s18 =	simm.s32 $0x18800  }
.LBB2_60:
0x44d: {  	vm0 =	vge.s32 v16, v4;
	vm1 =	vlt.s32 v16, v5;
	v17 =	vsub.s32 v16, v4;
	s2 =	sadd.s32 @p1 $0x10, s18  }
0x44e: {  	v16 =	vand.u32 $0x7F, v16;
	vm0 =	vmand vm0, vm1;
	v17 =	vand.u32 $0xFFFFFF80, v17;
	s17 =	smov.u32 @p1 s2  }
0x44f: {  	v18 =	vld [tilespmem:s17+$0x0];
	v16 =	vor.u32 v16, v17;
	_ =	sdelay $0x4  }
0x450: {  	[tilespmem:v16+s16+$0x0] =	vst.idx.msk vm0, v18  }
.LBB2_61:
0x451: {  	s15 =	sadd.s32 $0x1, s15  }
0x452: {  	p1 =	sne.s32 s15, s11  }
.Ltmp42:
0x453: {  	_ = 	snop;
	(pc) =	sbr.rel @!p1 .LBB2_62-.Ltmp42, $1  }
0x454: {  	_ =	sdelay $0x3  }
.LBB2_54:
0x455: {  	s2 =	sshll.u32 s15, $0xB  }
0x456: {  	s2 =	sadd.s32 s0, s2  }
0x457: {  	p1 =	slt.s32 s2, $0x7F800  }
0x458: {  	s2 =	simm.s32 @!p1 $0x7F800  }
0x459: {  	s17 =	sshrl.u32 s2, $0x3;
	s2 =	ssub.s32 s13, s2  }
0x45a: {  	s18 =	sadd.s32 s1, s17;
	s17 =	sadd.s32 s30, s17;
	s2 =	sadd.s32 $0xF, s2  }
0x45b: {  	[tilespmem:s26], [sflag:$0x8] =	stream.linear.gather [hbm4b:s18+s3], $0x800, $0x38;
	[tilespmem:$0x1B400] =	vst v63  }
0x45c: {  	s20 =	sand.u32 $0xF, s2;
	s21 =	sshra.s32 s2, $0x1F;
	_ =	swait.ge [sflag:s24], $0x800  }
0x45d: {  	p6 =	slt.s32 s2, $0x1;
	p2 =	sne.s32 s20, $0x0;
	[sflag:s24] =	ssyncset.done $0x0  }
0x45e: {  	s25 =	sshrl.u32 s21, $0x1C;
	p1 =	por !p6, !p2;
	[sflag:s24] =	ssyncadd.s32 $0xFFFFF800  }
0x45f: {  	[tilespmem:s29], [sflag:$0x8] =	stream.linear.gather [hbm4b:s17+s3], $0x800, $0x38;
	[tilespmem:$0x1B400] =	vst v63  }
0x460: {  	s2 =	sadd.s32 s25, s2;
	p1 =	por !p1, !p1;
	s17 =	simm.s32 $0x1  }
0x461: {  	s2 =	sshra.s32 s2, $0x4;
	s17 =	simm.s32 @!p1 $0x0  }
0x462: {  	s17 =	ssub.s32 s2, s17  }
0x463: {  	p1 =	slt.s32 s17, $0x1  }
.Ltmp43:
0x464: {  	_ = 	snop;
	(pc) =	sbr.rel @p1 .LBB2_61-.Ltmp43, $4  }
0x465: {  	_ = 	snop  }
0x466: {  	_ =	swait.ge [sflag:s24], $0x800  }
0x467: {  	[sflag:s24] =	ssyncset.done $0x0  }
0x468: {  	[sflag:s24] =	ssyncadd.s32 $0xFFFFF800  }
0x469: {  	s2 =	smin.u32 s17, $0x80  }
0x46a: {  	s18 =	simm.s32 $0x18000;
	p2 =	sne.s32 s2, $0x1  }
.Ltmp44:
0x46b: {  	v16 =	vld [tilespmem:s18+$0x0];
	(pc) =	sbr.rel @!p2 .LBB2_56-.Ltmp44, $2  }
0x46c: {  	_ =	sdelay $0x2  }
0x46d: {  	s17 =	simm.s32 $0x18800;
	p1 =	por $0x0, $0x0;
	s18 =	sadd.s32 $0xFFFFFFFF, s2  }
0x46e: {  	vm0 =	vge.s32 v16, v4;
	vm1 =	vlt.s32 v16, v5;
	v17 =	vsub.s32 v16, v4  }
0x46f: {  	v16 =	vand.u32 $0x7F, v16;
	vm0 =	vmand vm0, vm1;
	v17 =	vand.u32 $0xFFFFFF80, v17  }
0x470: {  	v18 =	vld [tilespmem:s17+$0x0];
	v16 =	vor.u32 v16, v17;
	_ =	sdelay $0x4  }
0x471: {  	p2 =	sne.s32 s18, $0x1;
	s19 =	simm.s32 $0x18010;
	[tilespmem:v16+s16+$0x0] =	vst.idx.msk vm0, v18  }
.Ltmp45:
0x472: {  	v16 =	vld [tilespmem:s19+$0x0];
	(pc) =	sbr.rel @!p2 .LBB2_58-.Ltmp45, $2  }
0x473: {  	_ =	sdelay $0x2  }
0x474: {  	s20 =	sadd.s32 $0xFFFFFFFF, s18;
	p1 =	por $0x1, $0x1;
	s18 =	simm.s32 $0x18800  }
.LBB2_59:
0x475: {  	p2 =	sne.s32 s20, $0x1;
	_ =	sdelay $0x3  }
0x476: {  	vm0 =	vge.s32 v16, v4;
	vm1 =	vlt.s32 v16, v5;
	v17 =	vsub.s32 v16, v4  }
0x477: {  	v16 =	vand.u32 $0x7F, v16;
	s18 =	sadd.s32 $0x10, s18;
	vm0 =	vmand vm0, vm1;
	v17 =	vand.u32 $0xFFFFFF80, v17  }
0x478: {  	v16 =	vor.u32 v16, v17;
	v18 =	vld [tilespmem:s18+$0x0];
	_ =	sdelay $0x1  }
.Ltmp46:
0x479: {  	(pc) =	sbr.rel @p2 .LBB2_59-.Ltmp46, $3  }
0x47a: {  	_ =	sdelay $0x1  }
0x47b: {  	s19 =	sadd.s32 $0x10, s19;
	[tilespmem:v16+s16+$0x0] =	vst.idx.msk vm0, v18  }
0x47c: {  	s20 =	sadd.s32 $0xFFFFFFFF, s20;
	v16 =	vld [tilespmem:s19+$0x0]  }
.Ltmp47:
0x47d: {  	_ = 	snop;
	(pc) =	sbr.rel .LBB2_60-.Ltmp47, $1  }
0x47e: {  	_ =	sdelay $0x3  }
.LBB2_58:
.Ltmp48:
0x47f: {  	(pc) =	sbr.rel .LBB2_60-.Ltmp48, $2  }
0x480: {  	_ =	sdelay $0x2  }
0x481: {  	s18 =	simm.s32 $0x18800  }
.LBB2_65:
0x482: {  	s15 =	simm.s32 $0x18800  }
.LBB2_69:
0x483: {  	vm0 =	vge.s32 v16, v6;
	vm1 =	vlt.s32 v16, v7;
	v17 =	vsub.s32 v16, v6;
	s2 =	sadd.s32 @p0 $0x10, s15  }
0x484: {  	v16 =	vand.u32 $0x7F, v16;
	vm0 =	vmand vm0, vm1;
	v17 =	vand.u32 $0xFFFFFF80, v17;
	s14 =	smov.u32 @p0 s2  }
0x485: {  	v18 =	vld [tilespmem:s14+$0x0];
	v16 =	vor.u32 v16, v17;
	_ =	sdelay $0x4  }
0x486: {  	[tilespmem:v16+s3+$0x0] =	vst.idx.msk vm0, v18  }
.LBB2_70:
0x487: {  	s13 =	sadd.s32 $0x1, s13  }
0x488: {  	p0 =	sne.s32 s13, s10  }
.Ltmp49:
0x489: {  	_ = 	snop;
	(pc) =	sbr.rel @!p0 .LBB2_71-.Ltmp49, $1  }
0x48a: {  	_ =	sdelay $0x3  }
.LBB2_63:
0x48b: {  	s2 =	sshll.u32 s13, $0xB  }
0x48c: {  	s2 =	sadd.s32 s6, s2  }
0x48d: {  	p0 =	slt.s32 s2, $0x7F800  }
0x48e: {  	s2 =	simm.s32 @!p0 $0x7F800  }
0x48f: {  	s14 =	sshrl.u32 s2, $0x3;
	s2 =	ssub.s32 s4, s2  }
0x490: {  	s15 =	sadd.s32 s1, s14;
	s14 =	sadd.s32 s30, s14;
	s2 =	sadd.s32 $0xF, s2  }
0x491: {  	[tilespmem:s26], [sflag:$0x8] =	stream.linear.gather [hbm4b:s15+s3], $0x800, $0x38;
	[tilespmem:$0x1B400] =	vst v63  }
0x492: {  	s20 =	sand.u32 $0xF, s2;
	s21 =	sshra.s32 s2, $0x1F;
	_ =	swait.ge [sflag:s24], $0x800  }
0x493: {  	p6 =	slt.s32 s2, $0x1;
	p2 =	sne.s32 s20, $0x0;
	[sflag:s24] =	ssyncset.done $0x0  }
0x494: {  	s25 =	sshrl.u32 s21, $0x1C;
	p0 =	por !p6, !p2;
	[sflag:s24] =	ssyncadd.s32 $0xFFFFF800  }
0x495: {  	[tilespmem:s29], [sflag:$0x8] =	stream.linear.gather [hbm4b:s14+s3], $0x800, $0x38;
	[tilespmem:$0x1B400] =	vst v63  }
0x496: {  	s2 =	sadd.s32 s25, s2;
	p0 =	por !p0, !p0;
	s14 =	simm.s32 $0x1  }
0x497: {  	s2 =	sshra.s32 s2, $0x4;
	s14 =	simm.s32 @!p0 $0x0  }
0x498: {  	s14 =	ssub.s32 s2, s14  }
0x499: {  	p0 =	slt.s32 s14, $0x1  }
.Ltmp50:
0x49a: {  	_ = 	snop;
	(pc) =	sbr.rel @p0 .LBB2_70-.Ltmp50, $4  }
0x49b: {  	_ = 	snop  }
0x49c: {  	_ =	swait.ge [sflag:s24], $0x800  }
0x49d: {  	[sflag:s24] =	ssyncset.done $0x0  }
0x49e: {  	[sflag:s24] =	ssyncadd.s32 $0xFFFFF800  }
0x49f: {  	s2 =	smin.u32 s14, $0x80  }
0x4a0: {  	s15 =	simm.s32 $0x18000;
	p2 =	sne.s32 s2, $0x1  }
.Ltmp51:
0x4a1: {  	v16 =	vld [tilespmem:s15+$0x0];
	(pc) =	sbr.rel @!p2 .LBB2_65-.Ltmp51, $2  }
0x4a2: {  	_ =	sdelay $0x2  }
0x4a3: {  	s14 =	simm.s32 $0x18800;
	p0 =	por $0x0, $0x0;
	s15 =	sadd.s32 $0xFFFFFFFF, s2  }
0x4a4: {  	vm0 =	vge.s32 v16, v6;
	vm1 =	vlt.s32 v16, v7;
	v17 =	vsub.s32 v16, v6  }
0x4a5: {  	v16 =	vand.u32 $0x7F, v16;
	vm0 =	vmand vm0, vm1;
	v17 =	vand.u32 $0xFFFFFF80, v17  }
0x4a6: {  	v18 =	vld [tilespmem:s14+$0x0];
	v16 =	vor.u32 v16, v17;
	_ =	sdelay $0x4  }
0x4a7: {  	p2 =	sne.s32 s15, $0x1;
	s17 =	simm.s32 $0x18010;
	[tilespmem:v16+s3+$0x0] =	vst.idx.msk vm0, v18  }
.Ltmp52:
0x4a8: {  	v16 =	vld [tilespmem:s17+$0x0];
	(pc) =	sbr.rel @!p2 .LBB2_67-.Ltmp52, $2  }
0x4a9: {  	_ =	sdelay $0x2  }
0x4aa: {  	s18 =	sadd.s32 $0xFFFFFFFF, s15;
	p0 =	por $0x1, $0x1;
	s15 =	simm.s32 $0x18800  }
.LBB2_68:
0x4ab: {  	p2 =	sne.s32 s18, $0x1;
	_ =	sdelay $0x3  }
0x4ac: {  	vm0 =	vge.s32 v16, v6;
	vm1 =	vlt.s32 v16, v7;
	v17 =	vsub.s32 v16, v6  }
0x4ad: {  	v16 =	vand.u32 $0x7F, v16;
	s15 =	sadd.s32 $0x10, s15;
	vm0 =	vmand vm0, vm1;
	v17 =	vand.u32 $0xFFFFFF80, v17  }
0x4ae: {  	v16 =	vor.u32 v16, v17;
	v18 =	vld [tilespmem:s15+$0x0];
	_ =	sdelay $0x1  }
.Ltmp53:
0x4af: {  	(pc) =	sbr.rel @p2 .LBB2_68-.Ltmp53, $3  }
0x4b0: {  	_ =	sdelay $0x1  }
0x4b1: {  	s17 =	sadd.s32 $0x10, s17;
	[tilespmem:v16+s3+$0x0] =	vst.idx.msk vm0, v18  }
0x4b2: {  	s18 =	sadd.s32 $0xFFFFFFFF, s18;
	v16 =	vld [tilespmem:s17+$0x0]  }
.Ltmp54:
0x4b3: {  	_ = 	snop;
	(pc) =	sbr.rel .LBB2_69-.Ltmp54, $1  }
0x4b4: {  	_ =	sdelay $0x3  }
.LBB2_67:
.Ltmp55:
0x4b5: {  	(pc) =	sbr.rel .LBB2_69-.Ltmp55, $2  }
0x4b6: {  	_ =	sdelay $0x2  }
0x4b7: {  	s15 =	simm.s32 $0x18800  }
.LBB2_74:
0x4b8: {  	s14 =	simm.s32 $0x18800  }
.LBB2_78:
0x4b9: {  	vm0 =	vge.s32 v16, v8;
	vm1 =	vlt.s32 v16, v9;
	v17 =	vsub.s32 v16, v8;
	s2 =	sadd.s32 @p1 $0x10, s14  }
0x4ba: {  	v16 =	vand.u32 $0x7F, v16;
	vm0 =	vmand vm0, vm1;
	v17 =	vand.u32 $0xFFFFFF80, v17;
	s13 =	smov.u32 @p1 s2  }
0x4bb: {  	v18 =	vld [tilespmem:s13+$0x0];
	v16 =	vor.u32 v16, v17;
	_ =	sdelay $0x4  }
0x4bc: {  	[tilespmem:v16+s28+$0x0] =	vst.idx.msk vm0, v18  }
.LBB2_79:
0x4bd: {  	s12 =	sadd.s32 $0x1, s12  }
0x4be: {  	p1 =	sne.s32 s12, s11  }
.Ltmp56:
0x4bf: {  	_ = 	snop;
	(pc) =	sbr.rel @!p1 .LBB2_80-.Ltmp56, $1  }
0x4c0: {  	_ =	sdelay $0x3  }
.LBB2_72:
0x4c1: {  	s2 =	sshll.u32 s12, $0xB  }
0x4c2: {  	s2 =	sadd.s32 s8, s2  }
0x4c3: {  	p1 =	slt.s32 s2, $0x7F800  }
0x4c4: {  	s2 =	simm.s32 @!p1 $0x7F800  }
0x4c5: {  	s13 =	sshrl.u32 s2, $0x3;
	s2 =	ssub.s32 s0, s2  }
0x4c6: {  	s14 =	sadd.s32 s1, s13;
	s13 =	sadd.s32 s30, s13;
	s2 =	sadd.s32 $0xF, s2  }
0x4c7: {  	[tilespmem:s26], [sflag:$0x8] =	stream.linear.gather [hbm4b:s14+s3], $0x800, $0x38;
	[tilespmem:$0x1B400] =	vst v63  }
0x4c8: {  	s21 =	sand.u32 $0xF, s2;
	s22 =	sshra.s32 s2, $0x1F;
	_ =	swait.ge [sflag:s24], $0x800  }
0x4c9: {  	p6 =	slt.s32 s2, $0x1;
	p2 =	sne.s32 s21, $0x0;
	[sflag:s24] =	ssyncset.done $0x0  }
0x4ca: {  	s25 =	sshrl.u32 s22, $0x1C;
	p1 =	por !p6, !p2;
	[sflag:s24] =	ssyncadd.s32 $0xFFFFF800  }
0x4cb: {  	[tilespmem:s29], [sflag:$0x8] =	stream.linear.gather [hbm4b:s13+s3], $0x800, $0x38;
	[tilespmem:$0x1B400] =	vst v63  }
0x4cc: {  	s2 =	sadd.s32 s25, s2;
	p1 =	por !p1, !p1;
	s13 =	simm.s32 $0x1  }
0x4cd: {  	s2 =	sshra.s32 s2, $0x4;
	s13 =	simm.s32 @!p1 $0x0  }
0x4ce: {  	s13 =	ssub.s32 s2, s13  }
0x4cf: {  	p1 =	slt.s32 s13, $0x1  }
.Ltmp57:
0x4d0: {  	_ = 	snop;
	(pc) =	sbr.rel @p1 .LBB2_79-.Ltmp57, $4  }
0x4d1: {  	_ = 	snop  }
0x4d2: {  	_ =	swait.ge [sflag:s24], $0x800  }
0x4d3: {  	[sflag:s24] =	ssyncset.done $0x0  }
0x4d4: {  	[sflag:s24] =	ssyncadd.s32 $0xFFFFF800  }
0x4d5: {  	s2 =	smin.u32 s13, $0x80  }
0x4d6: {  	s14 =	simm.s32 $0x18000;
	p2 =	sne.s32 s2, $0x1  }
.Ltmp58:
0x4d7: {  	v16 =	vld [tilespmem:s14+$0x0];
	(pc) =	sbr.rel @!p2 .LBB2_74-.Ltmp58, $2  }
0x4d8: {  	_ =	sdelay $0x2  }
0x4d9: {  	s13 =	simm.s32 $0x18800;
	p1 =	por $0x0, $0x0;
	s14 =	sadd.s32 $0xFFFFFFFF, s2  }
0x4da: {  	vm0 =	vge.s32 v16, v8;
	vm1 =	vlt.s32 v16, v9;
	v17 =	vsub.s32 v16, v8  }
0x4db: {  	v16 =	vand.u32 $0x7F, v16;
	vm0 =	vmand vm0, vm1;
	v17 =	vand.u32 $0xFFFFFF80, v17  }
0x4dc: {  	v18 =	vld [tilespmem:s13+$0x0];
	v16 =	vor.u32 v16, v17;
	_ =	sdelay $0x4  }
0x4dd: {  	p2 =	sne.s32 s14, $0x1;
	s15 =	simm.s32 $0x18010;
	[tilespmem:v16+s28+$0x0] =	vst.idx.msk vm0, v18  }
.Ltmp59:
0x4de: {  	v16 =	vld [tilespmem:s15+$0x0];
	(pc) =	sbr.rel @!p2 .LBB2_76-.Ltmp59, $2  }
0x4df: {  	_ =	sdelay $0x2  }
0x4e0: {  	s17 =	sadd.s32 $0xFFFFFFFF, s14;
	p1 =	por $0x1, $0x1;
	s14 =	simm.s32 $0x18800  }
.LBB2_77:
0x4e1: {  	p2 =	sne.s32 s17, $0x1;
	_ =	sdelay $0x3  }
0x4e2: {  	vm0 =	vge.s32 v16, v8;
	vm1 =	vlt.s32 v16, v9;
	v17 =	vsub.s32 v16, v8  }
0x4e3: {  	v16 =	vand.u32 $0x7F, v16;
	s14 =	sadd.s32 $0x10, s14;
	vm0 =	vmand vm0, vm1;
	v17 =	vand.u32 $0xFFFFFF80, v17  }
0x4e4: {  	v16 =	vor.u32 v16, v17;
	v18 =	vld [tilespmem:s14+$0x0];
	_ =	sdelay $0x1  }
.Ltmp60:
0x4e5: {  	(pc) =	sbr.rel @p2 .LBB2_77-.Ltmp60, $3  }
0x4e6: {  	_ =	sdelay $0x1  }
0x4e7: {  	s15 =	sadd.s32 $0x10, s15;
	[tilespmem:v16+s28+$0x0] =	vst.idx.msk vm0, v18  }
0x4e8: {  	s17 =	sadd.s32 $0xFFFFFFFF, s17;
	v16 =	vld [tilespmem:s15+$0x0]  }
.Ltmp61:
0x4e9: {  	_ = 	snop;
	(pc) =	sbr.rel .LBB2_78-.Ltmp61, $1  }
0x4ea: {  	_ =	sdelay $0x3  }
.LBB2_76:
.Ltmp62:
0x4eb: {  	(pc) =	sbr.rel .LBB2_78-.Ltmp62, $2  }
0x4ec: {  	_ =	sdelay $0x2  }
0x4ed: {  	s14 =	simm.s32 $0x18800  }
.LBB2_83:
0x4ee: {  	s13 =	simm.s32 $0x18800  }
.LBB2_87:
0x4ef: {  	vm0 =	vge.s32 v16, v10;
	vm1 =	vlt.s32 v16, v11;
	v17 =	vsub.s32 v16, v10;
	s2 =	sadd.s32 @p0 $0x10, s13  }
0x4f0: {  	v16 =	vand.u32 $0x7F, v16;
	vm0 =	vmand vm0, vm1;
	v17 =	vand.u32 $0xFFFFFF80, v17;
	s12 =	smov.u32 @p0 s2  }
0x4f1: {  	v18 =	vld [tilespmem:s12+$0x0];
	v16 =	vor.u32 v16, v17;
	_ =	sdelay $0x4  }
0x4f2: {  	[tilespmem:v16+s16+$0x0] =	vst.idx.msk vm0, v18  }
.LBB2_88:
0x4f3: {  	s10 =	sadd.s32 $0x1, s10  }
0x4f4: {  	p0 =	sne.s32 s10, s7  }
.Ltmp63:
0x4f5: {  	_ = 	snop;
	(pc) =	sbr.rel @!p0 .LBB2_89-.Ltmp63, $1  }
0x4f6: {  	_ =	sdelay $0x3  }
.LBB2_81:
0x4f7: {  	s2 =	sshll.u32 s10, $0xB  }
0x4f8: {  	s2 =	sadd.s32 s6, s2  }
0x4f9: {  	p0 =	slt.s32 s2, $0x7F800  }
0x4fa: {  	s2 =	simm.s32 @!p0 $0x7F800  }
0x4fb: {  	s12 =	sshrl.u32 s2, $0x3;
	s2 =	ssub.s32 s4, s2  }
0x4fc: {  	s13 =	sadd.s32 s1, s12;
	s12 =	sadd.s32 s30, s12;
	s2 =	sadd.s32 $0xF, s2  }
0x4fd: {  	[tilespmem:s26], [sflag:$0x8] =	stream.linear.gather [hbm4b:s13+s3], $0x800, $0x38;
	[tilespmem:$0x1B400] =	vst v63  }
0x4fe: {  	s22 =	sand.u32 $0xF, s2;
	s23 =	sshra.s32 s2, $0x1F;
	_ =	swait.ge [sflag:s24], $0x800  }
0x4ff: {  	p6 =	slt.s32 s2, $0x1;
	p2 =	sne.s32 s22, $0x0;
	[sflag:s24] =	ssyncset.done $0x0  }
0x500: {  	s25 =	sshrl.u32 s23, $0x1C;
	p0 =	por !p6, !p2;
	[sflag:s24] =	ssyncadd.s32 $0xFFFFF800  }
0x501: {  	[tilespmem:s29], [sflag:$0x8] =	stream.linear.gather [hbm4b:s12+s3], $0x800, $0x38;
	[tilespmem:$0x1B400] =	vst v63  }
0x502: {  	s2 =	sadd.s32 s25, s2;
	p0 =	por !p0, !p0;
	s12 =	simm.s32 $0x1  }
0x503: {  	s2 =	sshra.s32 s2, $0x4;
	s12 =	simm.s32 @!p0 $0x0  }
0x504: {  	s12 =	ssub.s32 s2, s12  }
0x505: {  	p0 =	slt.s32 s12, $0x1  }
.Ltmp64:
0x506: {  	_ = 	snop;
	(pc) =	sbr.rel @p0 .LBB2_88-.Ltmp64, $4  }
0x507: {  	_ = 	snop  }
0x508: {  	_ =	swait.ge [sflag:s24], $0x800  }
0x509: {  	[sflag:s24] =	ssyncset.done $0x0  }
0x50a: {  	[sflag:s24] =	ssyncadd.s32 $0xFFFFF800  }
0x50b: {  	s2 =	smin.u32 s12, $0x80  }
0x50c: {  	s13 =	simm.s32 $0x18000;
	p2 =	sne.s32 s2, $0x1  }
.Ltmp65:
0x50d: {  	v16 =	vld [tilespmem:s13+$0x0];
	(pc) =	sbr.rel @!p2 .LBB2_83-.Ltmp65, $2  }
0x50e: {  	_ =	sdelay $0x2  }
0x50f: {  	s12 =	simm.s32 $0x18800;
	p0 =	por $0x0, $0x0;
	s13 =	sadd.s32 $0xFFFFFFFF, s2  }
0x510: {  	vm0 =	vge.s32 v16, v10;
	vm1 =	vlt.s32 v16, v11;
	v17 =	vsub.s32 v16, v10  }
0x511: {  	v16 =	vand.u32 $0x7F, v16;
	vm0 =	vmand vm0, vm1;
	v17 =	vand.u32 $0xFFFFFF80, v17  }
0x512: {  	v18 =	vld [tilespmem:s12+$0x0];
	v16 =	vor.u32 v16, v17;
	_ =	sdelay $0x4  }
0x513: {  	p2 =	sne.s32 s13, $0x1;
	s14 =	simm.s32 $0x18010;
	[tilespmem:v16+s16+$0x0] =	vst.idx.msk vm0, v18  }
.Ltmp66:
0x514: {  	v16 =	vld [tilespmem:s14+$0x0];
	(pc) =	sbr.rel @!p2 .LBB2_85-.Ltmp66, $2  }
0x515: {  	_ =	sdelay $0x2  }
0x516: {  	s15 =	sadd.s32 $0xFFFFFFFF, s13;
	p0 =	por $0x1, $0x1;
	s13 =	simm.s32 $0x18800  }
.LBB2_86:
0x517: {  	p2 =	sne.s32 s15, $0x1;
	_ =	sdelay $0x3  }
0x518: {  	vm0 =	vge.s32 v16, v10;
	vm1 =	vlt.s32 v16, v11;
	v17 =	vsub.s32 v16, v10  }
0x519: {  	v16 =	vand.u32 $0x7F, v16;
	s13 =	sadd.s32 $0x10, s13;
	vm0 =	vmand vm0, vm1;
	v17 =	vand.u32 $0xFFFFFF80, v17  }
0x51a: {  	v16 =	vor.u32 v16, v17;
	v18 =	vld [tilespmem:s13+$0x0];
	_ =	sdelay $0x1  }
.Ltmp67:
0x51b: {  	(pc) =	sbr.rel @p2 .LBB2_86-.Ltmp67, $3  }
0x51c: {  	_ =	sdelay $0x1  }
0x51d: {  	s14 =	sadd.s32 $0x10, s14;
	[tilespmem:v16+s16+$0x0] =	vst.idx.msk vm0, v18  }
0x51e: {  	s15 =	sadd.s32 $0xFFFFFFFF, s15;
	v16 =	vld [tilespmem:s14+$0x0]  }
.Ltmp68:
0x51f: {  	_ = 	snop;
	(pc) =	sbr.rel .LBB2_87-.Ltmp68, $1  }
0x520: {  	_ =	sdelay $0x3  }
.LBB2_85:
.Ltmp69:
0x521: {  	(pc) =	sbr.rel .LBB2_87-.Ltmp69, $2  }
0x522: {  	_ =	sdelay $0x2  }
0x523: {  	s13 =	simm.s32 $0x18800  }
.LBB2_92:
0x524: {  	s11 =	simm.s32 $0x18800  }
.LBB2_96:
0x525: {  	vm0 =	vge.s32 v16, v12;
	vm1 =	vlt.s32 v16, v13;
	v17 =	vsub.s32 v16, v12;
	s2 =	sadd.s32 @p1 $0x10, s11  }
0x526: {  	v16 =	vand.u32 $0x7F, v16;
	vm0 =	vmand vm0, vm1;
	v17 =	vand.u32 $0xFFFFFF80, v17;
	s10 =	smov.u32 @p1 s2  }
0x527: {  	v18 =	vld [tilespmem:s10+$0x0];
	v16 =	vor.u32 v16, v17;
	_ =	sdelay $0x4  }
0x528: {  	[tilespmem:v16+s3+$0x0] =	vst.idx.msk vm0, v18  }
.LBB2_97:
0x529: {  	s9 =	sadd.s32 $0x1, s9  }
0x52a: {  	p1 =	sne.s32 s9, s8  }
.Ltmp70:
0x52b: {  	_ = 	snop;
	(pc) =	sbr.rel @!p1 .LBB2_98-.Ltmp70, $1  }
0x52c: {  	_ =	sdelay $0x3  }
.LBB2_90:
0x52d: {  	s2 =	sshll.u32 s9, $0xB  }
0x52e: {  	s2 =	sadd.s32 s5, s2  }
0x52f: {  	p1 =	slt.s32 s2, $0x7F800  }
0x530: {  	s2 =	simm.s32 @!p1 $0x7F800  }
0x531: {  	s10 =	sshrl.u32 s2, $0x3;
	s2 =	ssub.s32 s0, s2  }
0x532: {  	s11 =	sadd.s32 s1, s10;
	s10 =	sadd.s32 s30, s10;
	s2 =	sadd.s32 $0xF, s2  }
0x533: {  	[tilespmem:s26], [sflag:$0x8] =	stream.linear.gather [hbm4b:s11+s3], $0x800, $0x38;
	[tilespmem:$0x1B400] =	vst v63  }
0x534: {  	s23 =	sand.u32 $0xF, s2;
	s25 =	sshra.s32 s2, $0x1F;
	_ =	swait.ge [sflag:s24], $0x800  }
0x535: {  	p6 =	slt.s32 s2, $0x1;
	p2 =	sne.s32 s23, $0x0;
	[sflag:s24] =	ssyncset.done $0x0  }
0x536: {  	s31 =	sshrl.u32 s25, $0x1C;
	p1 =	por !p6, !p2;
	[sflag:s24] =	ssyncadd.s32 $0xFFFFF800  }
0x537: {  	[tilespmem:s29], [sflag:$0x8] =	stream.linear.gather [hbm4b:s10+s3], $0x800, $0x38;
	[tilespmem:$0x1B400] =	vst v63  }
0x538: {  	s2 =	sadd.s32 s31, s2;
	p1 =	por !p1, !p1;
	s10 =	simm.s32 $0x1  }
0x539: {  	s2 =	sshra.s32 s2, $0x4;
	s10 =	simm.s32 @!p1 $0x0  }
0x53a: {  	s10 =	ssub.s32 s2, s10  }
0x53b: {  	p1 =	slt.s32 s10, $0x1  }
.Ltmp71:
0x53c: {  	_ = 	snop;
	(pc) =	sbr.rel @p1 .LBB2_97-.Ltmp71, $4  }
0x53d: {  	_ = 	snop  }
0x53e: {  	_ =	swait.ge [sflag:s24], $0x800  }
0x53f: {  	[sflag:s24] =	ssyncset.done $0x0  }
0x540: {  	[sflag:s24] =	ssyncadd.s32 $0xFFFFF800  }
0x541: {  	s2 =	smin.u32 s10, $0x80  }
0x542: {  	s11 =	simm.s32 $0x18000;
	p2 =	sne.s32 s2, $0x1  }
.Ltmp72:
0x543: {  	v16 =	vld [tilespmem:s11+$0x0];
	(pc) =	sbr.rel @!p2 .LBB2_92-.Ltmp72, $2  }
0x544: {  	_ =	sdelay $0x2  }
0x545: {  	s10 =	simm.s32 $0x18800;
	p1 =	por $0x0, $0x0;
	s11 =	sadd.s32 $0xFFFFFFFF, s2  }
0x546: {  	vm0 =	vge.s32 v16, v12;
	vm1 =	vlt.s32 v16, v13;
	v17 =	vsub.s32 v16, v12  }
0x547: {  	v16 =	vand.u32 $0x7F, v16;
	vm0 =	vmand vm0, vm1;
	v17 =	vand.u32 $0xFFFFFF80, v17  }
0x548: {  	v18 =	vld [tilespmem:s10+$0x0];
	v16 =	vor.u32 v16, v17;
	_ =	sdelay $0x4  }
0x549: {  	p2 =	sne.s32 s11, $0x1;
	s12 =	simm.s32 $0x18010;
	[tilespmem:v16+s3+$0x0] =	vst.idx.msk vm0, v18  }
.Ltmp73:
0x54a: {  	v16 =	vld [tilespmem:s12+$0x0];
	(pc) =	sbr.rel @!p2 .LBB2_94-.Ltmp73, $2  }
0x54b: {  	_ =	sdelay $0x2  }
0x54c: {  	s13 =	sadd.s32 $0xFFFFFFFF, s11;
	p1 =	por $0x1, $0x1;
	s11 =	simm.s32 $0x18800  }
.LBB2_95:
0x54d: {  	p2 =	sne.s32 s13, $0x1;
	_ =	sdelay $0x3  }
0x54e: {  	vm0 =	vge.s32 v16, v12;
	vm1 =	vlt.s32 v16, v13;
	v17 =	vsub.s32 v16, v12  }
0x54f: {  	v16 =	vand.u32 $0x7F, v16;
	s11 =	sadd.s32 $0x10, s11;
	vm0 =	vmand vm0, vm1;
	v17 =	vand.u32 $0xFFFFFF80, v17  }
0x550: {  	v16 =	vor.u32 v16, v17;
	v18 =	vld [tilespmem:s11+$0x0];
	_ =	sdelay $0x1  }
.Ltmp74:
0x551: {  	(pc) =	sbr.rel @p2 .LBB2_95-.Ltmp74, $3  }
0x552: {  	_ =	sdelay $0x1  }
0x553: {  	s12 =	sadd.s32 $0x10, s12;
	[tilespmem:v16+s3+$0x0] =	vst.idx.msk vm0, v18  }
0x554: {  	s13 =	sadd.s32 $0xFFFFFFFF, s13;
	v16 =	vld [tilespmem:s12+$0x0]  }
.Ltmp75:
0x555: {  	_ = 	snop;
	(pc) =	sbr.rel .LBB2_96-.Ltmp75, $1  }
0x556: {  	_ =	sdelay $0x3  }
.LBB2_94:
.Ltmp76:
0x557: {  	(pc) =	sbr.rel .LBB2_96-.Ltmp76, $2  }
0x558: {  	_ =	sdelay $0x2  }
0x559: {  	s11 =	simm.s32 $0x18800  }
.LBB2_101:
0x55a: {  	s8 =	simm.s32 $0x18800  }
.LBB2_105:
0x55b: {  	vm0 =	vge.s32 v16, v14;
	vm1 =	vlt.s32 v16, v15;
	v17 =	vsub.s32 v16, v14;
	s2 =	sadd.s32 @p0 $0x10, s8  }
0x55c: {  	v16 =	vand.u32 $0x7F, v16;
	vm0 =	vmand vm0, vm1;
	v17 =	vand.u32 $0xFFFFFF80, v17;
	s7 =	smov.u32 @p0 s2  }
0x55d: {  	v18 =	vld [tilespmem:s7+$0x0];
	v16 =	vor.u32 v16, v17;
	_ =	sdelay $0x4  }
0x55e: {  	[tilespmem:v16+s28+$0x0] =	vst.idx.msk vm0, v18  }
.LBB2_106:
0x55f: {  	s6 =	sadd.s32 $0x1, s6  }
0x560: {  	p0 =	sne.s32 s6, s5  }
.Ltmp77:
0x561: {  	_ = 	snop;
	(pc) =	sbr.rel @!p0 .LBB2_107-.Ltmp77, $1  }
0x562: {  	_ =	sdelay $0x3  }
.LBB2_99:
0x563: {  	s2 =	sshll.u32 s6, $0xB  }
0x564: {  	s2 =	sadd.s32 s0, s2  }
0x565: {  	p0 =	slt.s32 s2, $0x7F800  }
0x566: {  	s2 =	simm.s32 @!p0 $0x7F800  }
0x567: {  	s7 =	sshrl.u32 s2, $0x3;
	s2 =	ssub.s32 s4, s2  }
0x568: {  	s8 =	sadd.s32 s1, s7;
	s7 =	sadd.s32 s30, s7;
	s2 =	sadd.s32 $0xF, s2  }
0x569: {  	[tilespmem:s26], [sflag:$0x8] =	stream.linear.gather [hbm4b:s8+s3], $0x800, $0x38;
	[tilespmem:$0x1B400] =	vst v63  }
0x56a: {  	s23 =	sand.u32 $0xF, s2;
	s25 =	sshra.s32 s2, $0x1F;
	_ =	swait.ge [sflag:s24], $0x800  }
0x56b: {  	p6 =	slt.s32 s2, $0x1;
	p1 =	sne.s32 s23, $0x0;
	[sflag:s24] =	ssyncset.done $0x0  }
0x56c: {  	s31 =	sshrl.u32 s25, $0x1C;
	p0 =	por !p6, !p1;
	[sflag:s24] =	ssyncadd.s32 $0xFFFFF800  }
0x56d: {  	[tilespmem:s29], [sflag:$0x8] =	stream.linear.gather [hbm4b:s7+s3], $0x800, $0x38;
	[tilespmem:$0x1B400] =	vst v63  }
0x56e: {  	s2 =	sadd.s32 s31, s2;
	p0 =	por !p0, !p0;
	s7 =	simm.s32 $0x1  }
0x56f: {  	s2 =	sshra.s32 s2, $0x4;
	s7 =	simm.s32 @!p0 $0x0  }
0x570: {  	s7 =	ssub.s32 s2, s7  }
0x571: {  	p0 =	slt.s32 s7, $0x1  }
.Ltmp78:
0x572: {  	_ = 	snop;
	(pc) =	sbr.rel @p0 .LBB2_106-.Ltmp78, $4  }
0x573: {  	_ = 	snop  }
0x574: {  	_ =	swait.ge [sflag:s24], $0x800  }
0x575: {  	[sflag:s24] =	ssyncset.done $0x0  }
0x576: {  	[sflag:s24] =	ssyncadd.s32 $0xFFFFF800  }
0x577: {  	s2 =	smin.u32 s7, $0x80  }
0x578: {  	s8 =	simm.s32 $0x18000;
	p1 =	sne.s32 s2, $0x1  }
.Ltmp79:
0x579: {  	v16 =	vld [tilespmem:s8+$0x0];
	(pc) =	sbr.rel @!p1 .LBB2_101-.Ltmp79, $2  }
0x57a: {  	_ =	sdelay $0x2  }
0x57b: {  	s7 =	simm.s32 $0x18800;
	p0 =	por $0x0, $0x0;
	s8 =	sadd.s32 $0xFFFFFFFF, s2  }
0x57c: {  	vm0 =	vge.s32 v16, v14;
	vm1 =	vlt.s32 v16, v15;
	v17 =	vsub.s32 v16, v14  }
0x57d: {  	v16 =	vand.u32 $0x7F, v16;
	vm0 =	vmand vm0, vm1;
	v17 =	vand.u32 $0xFFFFFF80, v17  }
0x57e: {  	v18 =	vld [tilespmem:s7+$0x0];
	v16 =	vor.u32 v16, v17;
	_ =	sdelay $0x4  }
0x57f: {  	p1 =	sne.s32 s8, $0x1;
	s9 =	simm.s32 $0x18010;
	[tilespmem:v16+s28+$0x0] =	vst.idx.msk vm0, v18  }
.Ltmp80:
0x580: {  	v16 =	vld [tilespmem:s9+$0x0];
	(pc) =	sbr.rel @!p1 .LBB2_103-.Ltmp80, $2  }
0x581: {  	_ =	sdelay $0x2  }
0x582: {  	s10 =	sadd.s32 $0xFFFFFFFF, s8;
	p0 =	por $0x1, $0x1;
	s8 =	simm.s32 $0x18800  }
.LBB2_104:
0x583: {  	p1 =	sne.s32 s10, $0x1;
	_ =	sdelay $0x3  }
0x584: {  	vm0 =	vge.s32 v16, v14;
	vm1 =	vlt.s32 v16, v15;
	v17 =	vsub.s32 v16, v14  }
0x585: {  	v16 =	vand.u32 $0x7F, v16;
	s8 =	sadd.s32 $0x10, s8;
	vm0 =	vmand vm0, vm1;
	v17 =	vand.u32 $0xFFFFFF80, v17  }
0x586: {  	v16 =	vor.u32 v16, v17;
	v18 =	vld [tilespmem:s8+$0x0];
	_ =	sdelay $0x1  }
.Ltmp81:
0x587: {  	(pc) =	sbr.rel @p1 .LBB2_104-.Ltmp81, $3  }
0x588: {  	_ =	sdelay $0x1  }
0x589: {  	s9 =	sadd.s32 $0x10, s9;
	[tilespmem:v16+s28+$0x0] =	vst.idx.msk vm0, v18  }
0x58a: {  	s10 =	sadd.s32 $0xFFFFFFFF, s10;
	v16 =	vld [tilespmem:s9+$0x0]  }
.Ltmp82:
0x58b: {  	_ = 	snop;
	(pc) =	sbr.rel .LBB2_105-.Ltmp82, $1  }
0x58c: {  	_ =	sdelay $0x3  }
.LBB2_103:
.Ltmp83:
0x58d: {  	(pc) =	sbr.rel .LBB2_105-.Ltmp83, $2  }
0x58e: {  	_ =	sdelay $0x2  }
0x58f: {  	s8 =	simm.s32 $0x18800  }
.LBB2_108:
0x590: {  	_ =	sfence.sel $0x180000  }
0x591: {  	[bflag:$0x0] =	sbarrier.arrive $0xFFFF  }
0x592: {  	_ =	strace $0x90000047  }
0x593: {  	s0 =	stileid.u32;
	[bflag:$0x2] =	sbarrier.arrive $0xFFFF  }
0x594: {  	p0 =	sne.s32 s0, $0x0;
	s0 =	rddreg [dreg:$0x5]  }
0x595: {  	s0 =	sadd.s32 @!p0 $0x100000, s0  }
0x596: {  	[sflag:s0] =	ssyncadd.tile.s32 @!p0 $0x1;
	_ =	shalt  }
.Lfunc_end2:
_tile_overlayer_lowered:
.L_overlay_start_2:
0x597: {  	(tag) =	ssettag $0x2  }
0x598: {  	s0 =	rddreg [dreg:$0x0];
	s2 =	stileid.u32  }
0x599: {  	s1 =	rddreg [dreg:$0x1];
	p0 =	sne.s32 s2, $0x0  }
0x59a: {  	s3 =	rddreg [dreg:$0x2];
	[bflag:$0x3] =	sbarrier.arrive $0xFFFF;
	s2 =	simm.s32 @!p0 $0x1C08  }
0x59b: {  	[timem:s3], [sflag:s2] =	dma.local @!p0 [hbm:s0], s1  }
0x59c: {  	s0 =	simm.s32 @!p0 $0x8  }
0x59d: {  	_ =	swait.ge @!p0 [sflag:s0], s1  }
0x59e: {  	s1 =	ssub.s32 @!p0 $0x0, s1;
	[sflag:s0] =	ssyncset.done @!p0 $0x0  }
0x59f: {  	[sflag:s0] =	ssyncadd.s32 @!p0 s1  }
0x5a0: {  	[bflag:$0x3] =	sbarrier.arrive $0xFFFF  }
0x5a1: {  	_ =	shalt  }

</sc_bundles>
